<compile_context>
chip_gen: v7x
topology: tpu7x:2x2x1
jax: 0.10.2.dev20260603
libtpu: 0.0.44.dev20260713+nightly
codegen_flags: <defaults>
</compile_context>

<pallas_src>
import functools

import jax
import jax.numpy as jnp
from jax import lax
from jax.experimental import pallas as pl
from jax.experimental.pallas import tpu as pltpu
from jax.experimental.pallas import tpu_sc as plsc

_R2 = 0.15 * 0.15
_MAXNBR = 32
_N = 10000
_NBATCH = 8
_NC = 2
_NS = 16
_NW = _NC * _NS
_WROWS = 320
_NPAD = _NW * _WROWS
_BUF = _N + 64

_INF = float("inf")
_IBIG = 2**31 - 1


def _lex_less(ka, va, kb, vb):
  return (ka < kb) | ((ka == kb) & (va < vb))


def _bitonic_split(ak, av, bk, bv):
  rbk = lax.rev(bk, (0,))
  rbv = lax.rev(bv, (0,))
  m = _lex_less(ak, av, rbk, rbv)
  lo_k = jnp.where(m, ak, rbk)
  lo_v = jnp.where(m, av, rbv)
  hi_k = jnp.where(m, rbk, ak)
  hi_v = jnp.where(m, rbv, av)
  return lo_k, lo_v, hi_k, hi_v


@functools.cache
def _build_radius_sc():
  mesh = plsc.VectorSubcoreMesh(core_axis_name="c", subcore_axis_name="s")

  @functools.partial(
      pl.kernel,
      out_type=(
          jax.ShapeDtypeStruct((_NPAD * _MAXNBR,), jnp.int32),
          jax.ShapeDtypeStruct((_NPAD * _MAXNBR,), jnp.int32),
          jax.ShapeDtypeStruct((_NPAD,), jnp.int32),
      ),
      mesh=mesh,
      scratch_types=[
          pltpu.VMEM((_N + 64,), jnp.float32),
          pltpu.VMEM((_N + 64,), jnp.float32),
          pltpu.VMEM((_N + 64,), jnp.float32),
          pltpu.VMEM((_NPAD,), jnp.int32),
          pltpu.VMEM((_WROWS + 16,), jnp.int32),
          pltpu.VMEM((_WROWS + 16,), jnp.int32),
          pltpu.VMEM((_BUF,), jnp.float32),
          pltpu.VMEM((_BUF,), jnp.int32),
          pltpu.VMEM((_WROWS * _MAXNBR,), jnp.int32),
          pltpu.VMEM((_WROWS * _MAXNBR,), jnp.int32),
          pltpu.VMEM((_WROWS,), jnp.int32),
      ],
      compiler_params=pltpu.CompilerParams(needs_layout_passes=False),
  )
  def _radius_sc(cx_h, cy_h, cz_h, b_h, src_h, dst_h, deg_h,
                 cxv, cyv, czv, bv, s_arr, e_arr, bufd, bufi,
                 srcb, dstb, degb):
    wid = lax.axis_index("s") * _NC + lax.axis_index("c")
    r0 = wid * _WROWS
    cnt = jnp.minimum(_WROWS, _N - r0)

    pltpu.sync_copy(cx_h, cxv.at[pl.ds(0, _N)])
    pltpu.sync_copy(cy_h, cyv.at[pl.ds(0, _N)])
    pltpu.sync_copy(cz_h, czv.at[pl.ds(0, _N)])
    pltpu.sync_copy(b_h, bv.at[pl.ds(0, _N)])

    iota = lax.iota(jnp.int32, 16)

    zf = jnp.zeros((16,), jnp.float32)
    bigb = jnp.full((16,), _NBATCH, jnp.int32)
    for q in range(_N, _N + 64, 16):
      cxv[pl.ds(q, 16)] = zf
      cyv[pl.ds(q, 16)] = zf
      czv[pl.ds(q, 16)] = zf
    for q in range(_N, _NPAD, 16):
      bv[pl.ds(q, 16)] = bigb

    def lower_bound(val):
      def bs(_, carry):
        lo, hi = carry
        mid = (lo + hi) // 2
        v = bv[pl.ds(mid, 16)][0]
        go = v < val
        lo2 = jnp.where(go, mid + 1, lo)
        hi2 = jnp.where(go, hi, mid)
        return lo2, hi2
      lo, _ = lax.fori_loop(0, 14, bs, (jnp.int32(0), jnp.int32(_N)))
      return lo

    lb = [jnp.int32(0)]
    for b in range(_NBATCH):
      lb.append(lower_bound(jnp.int32(b + 1)))

    for g in range(_WROWS // 16):
      bvec = bv[pl.ds(r0 + g * 16, 16)]
      svec = jnp.zeros((16,), jnp.int32)
      evec = jnp.zeros((16,), jnp.int32)
      for b in range(_NBATCH):
        svec = jnp.where(bvec == b, lb[b], svec)
        evec = jnp.where(bvec == b, lb[b + 1], evec)
      s_arr[pl.ds(g * 16, 16)] = svec
      e_arr[pl.ds(g * 16, 16)] = evec

    def row_body(r, carry):
      @pl.when(r < cnt)
      def _():
        i = r0 + r
        s = s_arr[pl.ds(r, 16)][0]
        e = e_arr[pl.ds(r, 16)][0]
        cxi = cxv[pl.ds(i, 16)][0]
        cyi = cyv[pl.ds(i, 16)][0]
        czi = czv[pl.ds(i, 16)][0]
        t0 = s // 16
        t1 = (e + 15) // 16
        seg_len = e - s

        def emit(j0, jv, d2, m, cvec):
          m32 = m.astype(jnp.int32)
          cums = plsc.cumsum(m32)
          pos = cvec + cums - m32
          plsc.store_scatter(bufd, [pos], d2, mask=m)
          plsc.store_scatter(bufi, [pos], jv, mask=m)
          return cvec + plsc.all_reduce_population_count(m)

        def dist2(j0):
          x = cxv[pl.ds(j0, 16)]
          y = cyv[pl.ds(j0, 16)]
          z = czv[pl.ds(j0, 16)]
          dx = x - cxi
          dy = y - cyi
          dz = z - czi
          return dx * dx + dy * dy + dz * dz

        def full_blk(t, cvec, valid):
          j0 = t * 16
          jv = j0 + iota
          d2 = dist2(j0)
          inseg = (jv - s).astype(jnp.uint32) < seg_len.astype(jnp.uint32)
          m = inseg & (jv != i) & (d2 < _R2) & valid
          return emit(j0, jv, d2, m, cvec)

        def scan_blk(t, cvec):
          j0 = t * 16
          jv = j0 + iota
          d2 = dist2(j0)
          inseg = (jv - s).astype(jnp.uint32) < seg_len.astype(jnp.uint32)
          m = inseg & (jv != i) & (d2 < _R2)
          return emit(j0, jv, d2, m, cvec)

        C = plsc.parallel_loop(
            t0, t1, 1, unroll=4,
            carry=jnp.zeros((16,), jnp.int32))(scan_blk)[0]
        kc = jnp.minimum(C, _MAXNBR)

        inf_v = jnp.full((16,), _INF, jnp.float32)
        big_v = jnp.full((16,), _IBIG, jnp.int32)
        for p in range(3):
          bufd[pl.ds(C + p * 16, 16)] = inf_v
          bufi[pl.ds(C + p * 16, 16)] = big_v

        k0, v0 = plsc.sort_key_val(bufd[pl.ds(0, 16)], bufi[pl.ds(0, 16)])
        k1, v1 = plsc.sort_key_val(bufd[pl.ds(16, 16)], bufi[pl.ds(16, 16)])
        lo_k, lo_v, hi_k, hi_v = _bitonic_split(k0, v0, k1, v1)
        k0, v0 = plsc.sort_key_val(lo_k, lo_v)
        k1, v1 = plsc.sort_key_val(hi_k, hi_v)

        nblk = (C + 15) // 16

        def sel_blk(t, sel):
          s0, w0, s1, w1 = sel
          sk, sv = plsc.sort_key_val(bufd[pl.ds(t * 16, 16)],
                                     bufi[pl.ds(t * 16, 16)])
          a_k, a_v, rest_k, rest_v = _bitonic_split(s0, w0, sk, sv)
          s0n, w0n = plsc.sort_key_val(a_k, a_v)
          rk, rv = plsc.sort_key_val(rest_k, rest_v)
          c_k, c_v, _, _ = _bitonic_split(s1, w1, rk, rv)
          s1n, w1n = plsc.sort_key_val(c_k, c_v)
          return s0n, w0n, s1n, w1n

        k0, v0, k1, v1 = lax.fori_loop(2, nblk, sel_blk, (k0, v0, k1, v1))

        srcb[pl.ds(r * 32, 16)] = jnp.where(iota < kc, v0, -1)
        srcb[pl.ds(r * 32 + 16, 16)] = jnp.where(iota + 16 < kc, v1, -1)
        dstb[pl.ds(r * 32, 16)] = jnp.where(iota < kc, i, -1)
        dstb[pl.ds(r * 32 + 16, 16)] = jnp.where(iota + 16 < kc, i, -1)
        plsc.store_scatter(degb, [jnp.broadcast_to(r, (16,))],
                           jnp.broadcast_to(kc, (16,)), mask=iota == 0)
      return carry

    lax.fori_loop(0, _WROWS, row_body, 0)

    pltpu.sync_copy(srcb, src_h.at[pl.ds(r0 * 32, _WROWS * 32)])
    pltpu.sync_copy(dstb, dst_h.at[pl.ds(r0 * 32, _WROWS * 32)])
    pltpu.sync_copy(degb, deg_h.at[pl.ds(r0, _WROWS)])

  return _radius_sc


def kernel(node_coord_src, node_feature_src, batch_src):
  cx = node_coord_src[:, 0]
  cy = node_coord_src[:, 1]
  cz = node_coord_src[:, 2]
  src_p, dst_p, deg_p = _build_radius_sc()(cx, cy, cz, batch_src)
  edge_src = src_p[: _N * _MAXNBR]
  edge_dst = dst_p[: _N * _MAXNBR]
  degree = deg_p[:_N]
  return (node_feature_src, node_coord_src, edge_src, edge_dst, degree,
          batch_src)

# --- scband reference (transcript-rebuilt; emitter-appended) ---
"""Pipeline reference for scband-radius-graph-33036888441073 (READ-ONLY COPY).

The authoritative reference and input builder live on the scoring server;
editing this copy changes nothing except your own understanding.
"""

import jax, jax.numpy as jnp
import numpy as np

R = 0.15
MAX_NBR = 32
N_NODES = 10000
D_FEAT = 256
N_BATCH = 8
CHUNK = 1000


def setup_inputs(seed: int = 0) -> dict:
    key = jax.random.key(seed)
    k1, k2, k3 = jax.random.split(key, 3)
    node_coord_src = jax.random.uniform(k1, (N_NODES, 3), dtype=jnp.float32)
    node_feature_src = jax.random.normal(k2, (N_NODES, D_FEAT), dtype=jnp.float32)
    batch_src = jnp.sort(jax.random.randint(k3, (N_NODES,), 0, N_BATCH, dtype=jnp.int32))
    return {
        "node_coord_src": node_coord_src,
        "node_feature_src": node_feature_src,
        "batch_src": batch_src,
    }


def _radius_neighbors(coord, batch):
    # Brute-force radius_graph: for each dst node, up to MAX_NBR neighbors
    # within radius R, same batch, no self loops. Chunked over dst rows to
    # bound peak memory of the pairwise distance matrix.
    N = coord.shape[0]
    all_idx = jnp.arange(N)
    coord_c = coord.reshape(N // CHUNK, CHUNK, 3)
    batch_c = batch.reshape(N // CHUNK, CHUNK)
    offsets = jnp.arange(N // CHUNK) * CHUNK

    def body(args):
        cc, bb, off = args
        diff = cc[:, None, :] - coord[None, :, :]
        d2 = jnp.sum(diff * diff, axis=-1)  # [CHUNK, N]
        rows = off + jnp.arange(CHUNK)
        ok = (bb[:, None] == batch[None, :]) & (rows[:, None] != all_idx[None, :]) & (d2 < R * R)
        masked = jnp.where(ok, d2, jnp.inf)
        vals, nbr = jax.lax.top_k(-masked, MAX_NBR)
        valid = jnp.isfinite(vals)
        return nbr, valid

    nbrs, valids = jax.lax.map(body, (coord_c, batch_c, offsets))
    return nbrs.reshape(N, MAX_NBR), valids.reshape(N, MAX_NBR)


def _forward(node_coord_src, node_feature_src, batch_src):
    N = node_coord_src.shape[0]
    nbr, valid = _radius_neighbors(node_coord_src, batch_src)
    edge_dst_full = jnp.repeat(jnp.arange(N), MAX_NBR)
    edge_src_full = nbr.reshape(-1)
    vflat = valid.reshape(-1)
    # Static-shape edge list: invalid (padded) edges marked with -1.
    edge_src = jnp.where(vflat, edge_src_full, -1)
    edge_dst = jnp.where(vflat, edge_dst_full, -1)
    # degree = scatter_add(ones, index=edge_dst, dim_size=N); padded edges add 0.
    degree = jnp.zeros((N,), dtype=jnp.int32).at[edge_dst_full].add(vflat.astype(jnp.int32))
    return node_feature_src, node_coord_src, edge_src, edge_dst, degree, batch_src


def reference(node_coord_src, node_feature_src, batch_src):
    return _forward(node_coord_src, node_feature_src, batch_src)

if __name__ == "__main__":
    import jax
    _d = setup_inputs()
    print(jax.jit(kernel)(*tuple(_d.values())))

</pallas_src>

<mosaic_0001>
#map = affine_map<(d0, d1) -> (0)>
module attributes {stable_mosaic.version = 14 : i64} {
  func.func @_radius_sc(%arg0: i32, %arg1: i32, %arg2: memref<10000xf32, #tpu.memory_space<hbm>>, %arg3: memref<10000xf32, #tpu.memory_space<hbm>>, %arg4: memref<10000xf32, #tpu.memory_space<hbm>>, %arg5: memref<10000xi32, #tpu.memory_space<hbm>>, %arg6: memref<327680xi32, #tpu.memory_space<hbm>>, %arg7: memref<327680xi32, #tpu.memory_space<hbm>>, %arg8: memref<10240xi32, #tpu.memory_space<hbm>>, %arg9: memref<10064xf32, #tpu.memory_space<vmem>>, %arg10: memref<10064xf32, #tpu.memory_space<vmem>>, %arg11: memref<10064xf32, #tpu.memory_space<vmem>>, %arg12: memref<10240xi32, #tpu.memory_space<vmem>>, %arg13: memref<336xi32, #tpu.memory_space<vmem>>, %arg14: memref<336xi32, #tpu.memory_space<vmem>>, %arg15: memref<10064xf32, #tpu.memory_space<vmem>>, %arg16: memref<10064xi32, #tpu.memory_space<vmem>>, %arg17: memref<10240xi32, #tpu.memory_space<vmem>>, %arg18: memref<10240xi32, #tpu.memory_space<vmem>>, %arg19: memref<320xi32, #tpu.memory_space<vmem>>) attributes {dimension_semantics = [#tpu.dimension_semantics<core_parallel>, #tpu.dimension_semantics<subcore_parallel>], iteration_bounds = array<i64: 2, 16>, scalar_prefetch = 0 : i64, scratch_operands = 11 : i64, tpu.core_type = #tpu.core_type<sc_vector_subcore>, window_params = [{transform_indices = #map}, {transform_indices = #map}, {transform_indices = #map}, {transform_indices = #map}, {transform_indices = #map}, {transform_indices = #map}, {transform_indices = #map}]} {
    %mul3A = arith.constant 2 : i32
    %mul3A_0 = arith.muli %arg1, %mul3A : i32
    %add3A = arith.addi %mul3A_0, %arg0 : i32
    %mul3A_1 = arith.constant 320 : i32
    %mul3A_2 = arith.muli %add3A, %mul3A_1 : i32
    %sub3A = arith.constant 10000 : i32
    %sub3A_3 = arith.subi %sub3A, %mul3A_2 : i32
    %min3A = arith.constant 320 : i32
    %min3A_4 = arith.minsi %min3A, %sub3A_3 : i32
    "tpu.region"() ({
      %run_scoped3A = tpu.sem_alloc : memref<!tpu.dma_semaphore, #tpu.memory_space<semaphore_mem>>
      %dma_start3A = arith.constant 0 : i32
      %dma_start3A_1998 = tpu.memref_slice %arg9[%dma_start3A] : memref<10064xf32, #tpu.memory_space<vmem>> -> memref<10000xf32, #tpu.memory_space<vmem>>
      %dma_start3A_1999 = arith.constant 0 : i32
      %dma_start3A_2000 = tpu.memref_slice %arg9[%dma_start3A_1999] : memref<10064xf32, #tpu.memory_space<vmem>> -> memref<10000xf32, #tpu.memory_space<vmem>>
      tpu.enqueue_dma source(%arg2 : memref<10000xf32, #tpu.memory_space<hbm>>) target(%dma_start3A_2000 : memref<10000xf32, #tpu.memory_space<vmem>>) target_semaphore(%run_scoped3A : memref<!tpu.dma_semaphore, #tpu.memory_space<semaphore_mem>>)
      %dma_wait3A = arith.constant 0 : i32
      %dma_wait3A_2001 = tpu.memref_slice %arg9[%dma_wait3A] : memref<10064xf32, #tpu.memory_space<vmem>> -> memref<10000xf32, #tpu.memory_space<vmem>>
      %dma_wait3A_2002 = arith.constant 0 : i32
      %dma_wait3A_2003 = tpu.memref_slice %arg9[%dma_wait3A_2002] : memref<10064xf32, #tpu.memory_space<vmem>> -> memref<10000xf32, #tpu.memory_space<vmem>>
      tpu.wait_dma2 semaphore(%run_scoped3A : memref<!tpu.dma_semaphore, #tpu.memory_space<semaphore_mem>>) src(%arg2 : memref<10000xf32, #tpu.memory_space<hbm>>) dst(%dma_wait3A_2003 : memref<10000xf32, #tpu.memory_space<vmem>>)
      tpu.yield
    }) : () -> ()
    "tpu.region"() ({
      %run_scoped3A = tpu.sem_alloc : memref<!tpu.dma_semaphore, #tpu.memory_space<semaphore_mem>>
      %dma_start3A = arith.constant 0 : i32
      %dma_start3A_1998 = tpu.memref_slice %arg10[%dma_start3A] : memref<10064xf32, #tpu.memory_space<vmem>> -> memref<10000xf32, #tpu.memory_space<vmem>>
      %dma_start3A_1999 = arith.constant 0 : i32
      %dma_start3A_2000 = tpu.memref_slice %arg10[%dma_start3A_1999] : memref<10064xf32, #tpu.memory_space<vmem>> -> memref<10000xf32, #tpu.memory_space<vmem>>
      tpu.enqueue_dma source(%arg3 : memref<10000xf32, #tpu.memory_space<hbm>>) target(%dma_start3A_2000 : memref<10000xf32, #tpu.memory_space<vmem>>) target_semaphore(%run_scoped3A : memref<!tpu.dma_semaphore, #tpu.memory_space<semaphore_mem>>)
      %dma_wait3A = arith.constant 0 : i32
      %dma_wait3A_2001 = tpu.memref_slice %arg10[%dma_wait3A] : memref<10064xf32, #tpu.memory_space<vmem>> -> memref<10000xf32, #tpu.memory_space<vmem>>
      %dma_wait3A_2002 = arith.constant 0 : i32
      %dma_wait3A_2003 = tpu.memref_slice %arg10[%dma_wait3A_2002] : memref<10064xf32, #tpu.memory_space<vmem>> -> memref<10000xf32, #tpu.memory_space<vmem>>
      tpu.wait_dma2 semaphore(%run_scoped3A : memref<!tpu.dma_semaphore, #tpu.memory_space<semaphore_mem>>) src(%arg3 : memref<10000xf32, #tpu.memory_space<hbm>>) dst(%dma_wait3A_2003 : memref<10000xf32, #tpu.memory_space<vmem>>)
      tpu.yield
    }) : () -> ()
    "tpu.region"() ({
      %run_scoped3A = tpu.sem_alloc : memref<!tpu.dma_semaphore, #tpu.memory_space<semaphore_mem>>
      %dma_start3A = arith.constant 0 : i32
      %dma_start3A_1998 = tpu.memref_slice %arg11[%dma_start3A] : memref<10064xf32, #tpu.memory_space<vmem>> -> memref<10000xf32, #tpu.memory_space<vmem>>
      %dma_start3A_1999 = arith.constant 0 : i32
      %dma_start3A_2000 = tpu.memref_slice %arg11[%dma_start3A_1999] : memref<10064xf32, #tpu.memory_space<vmem>> -> memref<10000xf32, #tpu.memory_space<vmem>>
      tpu.enqueue_dma source(%arg4 : memref<10000xf32, #tpu.memory_space<hbm>>) target(%dma_start3A_2000 : memref<10000xf32, #tpu.memory_space<vmem>>) target_semaphore(%run_scoped3A : memref<!tpu.dma_semaphore, #tpu.memory_space<semaphore_mem>>)
      %dma_wait3A = arith.constant 0 : i32
      %dma_wait3A_2001 = tpu.memref_slice %arg11[%dma_wait3A] : memref<10064xf32, #tpu.memory_space<vmem>> -> memref<10000xf32, #tpu.memory_space<vmem>>
      %dma_wait3A_2002 = arith.constant 0 : i32
      %dma_wait3A_2003 = tpu.memref_slice %arg11[%dma_wait3A_2002] : memref<10064xf32, #tpu.memory_space<vmem>> -> memref<10000xf32, #tpu.memory_space<vmem>>
      tpu.wait_dma2 semaphore(%run_scoped3A : memref<!tpu.dma_semaphore, #tpu.memory_space<semaphore_mem>>) src(%arg4 : memref<10000xf32, #tpu.memory_space<hbm>>) dst(%dma_wait3A_2003 : memref<10000xf32, #tpu.memory_space<vmem>>)
      tpu.yield
    }) : () -> ()
    "tpu.region"() ({
      %run_scoped3A = tpu.sem_alloc : memref<!tpu.dma_semaphore, #tpu.memory_space<semaphore_mem>>
      %dma_start3A = arith.constant 0 : i32
      %dma_start3A_1998 = tpu.memref_slice %arg12[%dma_start3A] : memref<10240xi32, #tpu.memory_space<vmem>> -> memref<10000xi32, #tpu.memory_space<vmem>>
      %dma_start3A_1999 = arith.constant 0 : i32
      %dma_start3A_2000 = tpu.memref_slice %arg12[%dma_start3A_1999] : memref<10240xi32, #tpu.memory_space<vmem>> -> memref<10000xi32, #tpu.memory_space<vmem>>
      tpu.enqueue_dma source(%arg5 : memref<10000xi32, #tpu.memory_space<hbm>>) target(%dma_start3A_2000 : memref<10000xi32, #tpu.memory_space<vmem>>) target_semaphore(%run_scoped3A : memref<!tpu.dma_semaphore, #tpu.memory_space<semaphore_mem>>)
      %dma_wait3A = arith.constant 0 : i32
      %dma_wait3A_2001 = tpu.memref_slice %arg12[%dma_wait3A] : memref<10240xi32, #tpu.memory_space<vmem>> -> memref<10000xi32, #tpu.memory_space<vmem>>
      %dma_wait3A_2002 = arith.constant 0 : i32
      %dma_wait3A_2003 = tpu.memref_slice %arg12[%dma_wait3A_2002] : memref<10240xi32, #tpu.memory_space<vmem>> -> memref<10000xi32, #tpu.memory_space<vmem>>
      tpu.wait_dma2 semaphore(%run_scoped3A : memref<!tpu.dma_semaphore, #tpu.memory_space<semaphore_mem>>) src(%arg5 : memref<10000xi32, #tpu.memory_space<hbm>>) dst(%dma_wait3A_2003 : memref<10000xi32, #tpu.memory_space<vmem>>)
      tpu.yield
    }) : () -> ()
    %iota3A = tpu.iota {dimensions = array<i32: 0>} : vector<16xi32>
    %broadcast_in_dim3A = arith.constant 0.000000e+00 : f32
    %broadcast_in_dim3A_5 = vector.broadcast %broadcast_in_dim3A : f32 to vector<16xf32>
    %broadcast_in_dim3A_6 = arith.constant 8 : i32
    %broadcast_in_dim3A_7 = vector.broadcast %broadcast_in_dim3A_6 : i32 to vector<16xi32>
    %swap3A = arith.constant 10000 : index
    %swap3A_8 = tpu.vector_load %arg9[%swap3A] {strides = array<i32>} : memref<10064xf32, #tpu.memory_space<vmem>>, vector<16xf32>,
    tpu.vector_store %arg9[%swap3A], %broadcast_in_dim3A_5 {strides = array<i32>} : memref<10064xf32, #tpu.memory_space<vmem>>, vector<16xf32>,
    %swap3A_9 = arith.constant 10000 : index
    %swap3A_10 = tpu.vector_load %arg10[%swap3A_9] {strides = array<i32>} : memref<10064xf32, #tpu.memory_space<vmem>>, vector<16xf32>,
    tpu.vector_store %arg10[%swap3A_9], %broadcast_in_dim3A_5 {strides = array<i32>} : memref<10064xf32, #tpu.memory_space<vmem>>, vector<16xf32>,
    %swap3A_11 = arith.constant 10000 : index
    %swap3A_12 = tpu.vector_load %arg11[%swap3A_11] {strides = array<i32>} : memref<10064xf32, #tpu.memory_space<vmem>>, vector<16xf32>,
    tpu.vector_store %arg11[%swap3A_11], %broadcast_in_dim3A_5 {strides = array<i32>} : memref<10064xf32, #tpu.memory_space<vmem>>, vector<16xf32>,
    %swap3A_13 = arith.constant 10016 : index
    %swap3A_14 = tpu.vector_load %arg9[%swap3A_13] {strides = array<i32>} : memref<10064xf32, #tpu.memory_space<vmem>>, vector<16xf32>,
    tpu.vector_store %arg9[%swap3A_13], %broadcast_in_dim3A_5 {strides = array<i32>} : memref<10064xf32, #tpu.memory_space<vmem>>, vector<16xf32>,
    %swap3A_15 = arith.constant 10016 : index
    %swap3A_16 = tpu.vector_load %arg10[%swap3A_15] {strides = array<i32>} : memref<10064xf32, #tpu.memory_space<vmem>>, vector<16xf32>,
    tpu.vector_store %arg10[%swap3A_15], %broadcast_in_dim3A_5 {strides = array<i32>} : memref<10064xf32, #tpu.memory_space<vmem>>, vector<16xf32>,
    %swap3A_17 = arith.constant 10016 : index
    %swap3A_18 = tpu.vector_load %arg11[%swap3A_17] {strides = array<i32>} : memref<10064xf32, #tpu.memory_space<vmem>>, vector<16xf32>,
    tpu.vector_store %arg11[%swap3A_17], %broadcast_in_dim3A_5 {strides = array<i32>} : memref<10064xf32, #tpu.memory_space<vmem>>, vector<16xf32>,
    %swap3A_19 = arith.constant 10032 : index
    %swap3A_20 = tpu.vector_load %arg9[%swap3A_19] {strides = array<i32>} : memref<10064xf32, #tpu.memory_space<vmem>>, vector<16xf32>,
    tpu.vector_store %arg9[%swap3A_19], %broadcast_in_dim3A_5 {strides = array<i32>} : memref<10064xf32, #tpu.memory_space<vmem>>, vector<16xf32>,
    %swap3A_21 = arith.constant 10032 : index
    %swap3A_22 = tpu.vector_load %arg10[%swap3A_21] {strides = array<i32>} : memref<10064xf32, #tpu.memory_space<vmem>>, vector<16xf32>,
    tpu.vector_store %arg10[%swap3A_21], %broadcast_in_dim3A_5 {strides = array<i32>} : memref<10064xf32, #tpu.memory_space<vmem>>, vector<16xf32>,
    %swap3A_23 = arith.constant 10032 : index
    %swap3A_24 = tpu.vector_load %arg11[%swap3A_23] {strides = array<i32>} : memref<10064xf32, #tpu.memory_space<vmem>>, vector<16xf32>,
    tpu.vector_store %arg11[%swap3A_23], %broadcast_in_dim3A_5 {strides = array<i32>} : memref<10064xf32, #tpu.memory_space<vmem>>, vector<16xf32>,
    %swap3A_25 = arith.constant 10048 : index
    %swap3A_26 = tpu.vector_load %arg9[%swap3A_25] {strides = array<i32>} : memref<10064xf32, #tpu.memory_space<vmem>>, vector<16xf32>,
    tpu.vector_store %arg9[%swap3A_25], %broadcast_in_dim3A_5 {strides = array<i32>} : memref<10064xf32, #tpu.memory_space<vmem>>, vector<16xf32>,
    %swap3A_27 = arith.constant 10048 : index
    %swap3A_28 = tpu.vector_load %arg10[%swap3A_27] {strides = array<i32>} : memref<10064xf32, #tpu.memory_space<vmem>>, vector<16xf32>,
    tpu.vector_store %arg10[%swap3A_27], %broadcast_in_dim3A_5 {strides = array<i32>} : memref<10064xf32, #tpu.memory_space<vmem>>, vector<16xf32>,
    %swap3A_29 = arith.constant 10048 : index
    %swap3A_30 = tpu.vector_load %arg11[%swap3A_29] {strides = array<i32>} : memref<10064xf32, #tpu.memory_space<vmem>>, vector<16xf32>,
    tpu.vector_store %arg11[%swap3A_29], %broadcast_in_dim3A_5 {strides = array<i32>} : memref<10064xf32, #tpu.memory_space<vmem>>, vector<16xf32>,
    %swap3A_31 = arith.constant 10000 : index
    %swap3A_32 = tpu.vector_load %arg12[%swap3A_31] {strides = array<i32>} : memref<10240xi32, #tpu.memory_space<vmem>>, vector<16xi32>,
    tpu.vector_store %arg12[%swap3A_31], %broadcast_in_dim3A_7 {strides = array<i32>} : memref<10240xi32, #tpu.memory_space<vmem>>, vector<16xi32>,
    %swap3A_33 = arith.constant 10016 : index
    %swap3A_34 = tpu.vector_load %arg12[%swap3A_33] {strides = array<i32>} : memref<10240xi32, #tpu.memory_space<vmem>>, vector<16xi32>,
    tpu.vector_store %arg12[%swap3A_33], %broadcast_in_dim3A_7 {strides = array<i32>} : memref<10240xi32, #tpu.memory_space<vmem>>, vector<16xi32>,
    %swap3A_35 = arith.constant 10032 : index
    %swap3A_36 = tpu.vector_load %arg12[%swap3A_35] {strides = array<i32>} : memref<10240xi32, #tpu.memory_space<vmem>>, vector<16xi32>,
    tpu.vector_store %arg12[%swap3A_35], %broadcast_in_dim3A_7 {strides = array<i32>} : memref<10240xi32, #tpu.memory_space<vmem>>, vector<16xi32>,
    %swap3A_37 = arith.constant 10048 : index
    %swap3A_38 = tpu.vector_load %arg12[%swap3A_37] {strides = array<i32>} : memref<10240xi32, #tpu.memory_space<vmem>>, vector<16xi32>,
    tpu.vector_store %arg12[%swap3A_37], %broadcast_in_dim3A_7 {strides = array<i32>} : memref<10240xi32, #tpu.memory_space<vmem>>, vector<16xi32>,
    %swap3A_39 = arith.constant 10064 : index
    %swap3A_40 = tpu.vector_load %arg12[%swap3A_39] {strides = array<i32>} : memref<10240xi32, #tpu.memory_space<vmem>>, vector<16xi32>,
    tpu.vector_store %arg12[%swap3A_39], %broadcast_in_dim3A_7 {strides = array<i32>} : memref<10240xi32, #tpu.memory_space<vmem>>, vector<16xi32>,
    %swap3A_41 = arith.constant 10080 : index
    %swap3A_42 = tpu.vector_load %arg12[%swap3A_41] {strides = array<i32>} : memref<10240xi32, #tpu.memory_space<vmem>>, vector<16xi32>,
    tpu.vector_store %arg12[%swap3A_41], %broadcast_in_dim3A_7 {strides = array<i32>} : memref<10240xi32, #tpu.memory_space<vmem>>, vector<16xi32>,
    %swap3A_43 = arith.constant 10096 : index
    %swap3A_44 = tpu.vector_load %arg12[%swap3A_43] {strides = array<i32>} : memref<10240xi32, #tpu.memory_space<vmem>>, vector<16xi32>,
    tpu.vector_store %arg12[%swap3A_43], %broadcast_in_dim3A_7 {strides = array<i32>} : memref<10240xi32, #tpu.memory_space<vmem>>, vector<16xi32>,
    %swap3A_45 = arith.constant 10112 : index
    %swap3A_46 = tpu.vector_load %arg12[%swap3A_45] {strides = array<i32>} : memref<10240xi32, #tpu.memory_space<vmem>>, vector<16xi32>,
    tpu.vector_store %arg12[%swap3A_45], %broadcast_in_dim3A_7 {strides = array<i32>} : memref<10240xi32, #tpu.memory_space<vmem>>, vector<16xi32>,
    %swap3A_47 = arith.constant 10128 : index
    %swap3A_48 = tpu.vector_load %arg12[%swap3A_47] {strides = array<i32>} : memref<10240xi32, #tpu.memory_space<vmem>>, vector<16xi32>,
    tpu.vector_store %arg12[%swap3A_47], %broadcast_in_dim3A_7 {strides = array<i32>} : memref<10240xi32, #tpu.memory_space<vmem>>, vector<16xi32>,
    %swap3A_49 = arith.constant 10144 : index
    %swap3A_50 = tpu.vector_load %arg12[%swap3A_49] {strides = array<i32>} : memref<10240xi32, #tpu.memory_space<vmem>>, vector<16xi32>,
    tpu.vector_store %arg12[%swap3A_49], %broadcast_in_dim3A_7 {strides = array<i32>} : memref<10240xi32, #tpu.memory_space<vmem>>, vector<16xi32>,
    %swap3A_51 = arith.constant 10160 : index
    %swap3A_52 = tpu.vector_load %arg12[%swap3A_51] {strides = array<i32>} : memref<10240xi32, #tpu.memory_space<vmem>>, vector<16xi32>,
    tpu.vector_store %arg12[%swap3A_51], %broadcast_in_dim3A_7 {strides = array<i32>} : memref<10240xi32, #tpu.memory_space<vmem>>, vector<16xi32>,
    %swap3A_53 = arith.constant 10176 : index
    %swap3A_54 = tpu.vector_load %arg12[%swap3A_53] {strides = array<i32>} : memref<10240xi32, #tpu.memory_space<vmem>>, vector<16xi32>,
    tpu.vector_store %arg12[%swap3A_53], %broadcast_in_dim3A_7 {strides = array<i32>} : memref<10240xi32, #tpu.memory_space<vmem>>, vector<16xi32>,
    %swap3A_55 = arith.constant 10192 : index
    %swap3A_56 = tpu.vector_load %arg12[%swap3A_55] {strides = array<i32>} : memref<10240xi32, #tpu.memory_space<vmem>>, vector<16xi32>,
    tpu.vector_store %arg12[%swap3A_55], %broadcast_in_dim3A_7 {strides = array<i32>} : memref<10240xi32, #tpu.memory_space<vmem>>, vector<16xi32>,
    %swap3A_57 = arith.constant 10208 : index
    %swap3A_58 = tpu.vector_load %arg12[%swap3A_57] {strides = array<i32>} : memref<10240xi32, #tpu.memory_space<vmem>>, vector<16xi32>,
    tpu.vector_store %arg12[%swap3A_57], %broadcast_in_dim3A_7 {strides = array<i32>} : memref<10240xi32, #tpu.memory_space<vmem>>, vector<16xi32>,
    %swap3A_59 = arith.constant 10224 : index
    %swap3A_60 = tpu.vector_load %arg12[%swap3A_59] {strides = array<i32>} : memref<10240xi32, #tpu.memory_space<vmem>>, vector<16xi32>,
    tpu.vector_store %arg12[%swap3A_59], %broadcast_in_dim3A_7 {strides = array<i32>} : memref<10240xi32, #tpu.memory_space<vmem>>, vector<16xi32>,
    %scan3A = arith.constant 1 : i32
    %scan3A_61 = arith.constant 0 : i32
    %scan3A_62 = arith.constant 10000 : i32
    %scan3A_63 = arith.constant 0 : i32
    %scan3A_64 = arith.constant 14 : i32
    %scan3A_65 = arith.addi %scan3A_63, %scan3A_64 : i32
    %scan3A_66 = arith.constant 1 : i32
    %scan3A_67:2 = scf.for %scan3A_1998 = %scan3A_63 to %scan3A_65 step %scan3A_66 iter_args(%scan3A_1999 = %scan3A_61, %scan3A_2000 = %scan3A_62) -> (i32, i32)  : i32 {
      %add3A_2001 = arith.addi %scan3A_1999, %scan3A_2000 : i32
      %jit3A_2002 = arith.constant 2 : i32
      %div3A = arith.divsi %add3A_2001, %jit3A_2002 : i32
      %sign3A = arith.constant 0 : i32
      %sign3A_2003 = arith.cmpi sgt, %add3A_2001, %sign3A : i32
      %sign3A_2004 = arith.extui %sign3A_2003 : i1 to i32
      %sign3A_2005 = arith.constant 0 : i32
      %sign3A_2006 = arith.cmpi slt, %add3A_2001, %sign3A_2005 : i32
      %sign3A_2007 = arith.extui %sign3A_2006 : i1 to i32
      %sign3A_2008 = arith.subi %sign3A_2004, %sign3A_2007 : i32
      %sign3A_2009 = arith.constant 0 : i32
      %sign3A_2010 = arith.cmpi sgt, %jit3A_2002, %sign3A_2009 : i32
      %sign3A_2011 = arith.extui %sign3A_2010 : i1 to i32
      %sign3A_2012 = arith.constant 0 : i32
      %sign3A_2013 = arith.cmpi slt, %jit3A_2002, %sign3A_2012 : i32
      %sign3A_2014 = arith.extui %sign3A_2013 : i1 to i32
      %sign3A_2015 = arith.subi %sign3A_2011, %sign3A_2014 : i32
      %ne3A = arith.cmpi ne, %sign3A_2008, %sign3A_2015 : i32
      %rem3A = arith.remsi %add3A_2001, %jit3A_2002 : i32
      %ne3A_2016 = arith.constant 0 : i32
      %ne3A_2017 = arith.cmpi ne, %rem3A, %ne3A_2016 : i32
      %and3A = arith.andi %ne3A, %ne3A_2017 : i1
      %sub3A_2018 = arith.constant 1 : i32
      %sub3A_2019 = arith.subi %div3A, %sub3A_2018 : i32
      %select_n3A_2020 = arith.select %and3A, %sub3A_2019, %div3A : i32
      %get3A_2021 = arith.index_cast %select_n3A_2020 : i32 to index
      %get3A_2022 = tpu.vector_load %arg12[%get3A_2021] {strides = array<i32>} : memref<10240xi32, #tpu.memory_space<vmem>>, vector<16xi32>,
      %slice3A = vector.extract_strided_slice %get3A_2022 {offsets = [0], sizes = [1], strides = [1]} : vector<16xi32> to vector<1xi32>
      %squeeze3A = vector.extract %slice3A[0] : i32 from vector<1xi32>
      %lt3A = arith.cmpi slt, %squeeze3A, %scan3A : i32
      %add3A_2023 = arith.constant 1 : i32
      %add3A_2024 = arith.addi %select_n3A_2020, %add3A_2023 : i32
      %select_n3A_2025 = arith.select %lt3A, %add3A_2024, %scan3A_1999 : i32
      %select_n3A_2026 = arith.select %lt3A, %scan3A_2000, %select_n3A_2020 : i32
      scf.yield %select_n3A_2025, %select_n3A_2026 : i32, i32
    }
    %scan3A_68 = arith.constant 14 : i32
    %scan3A_69 = arith.constant 2 : i32
    %scan3A_70 = arith.constant 0 : i32
    %scan3A_71 = arith.constant 10000 : i32
    %scan3A_72 = arith.constant 0 : i32
    %scan3A_73 = arith.constant 14 : i32
    %scan3A_74 = arith.addi %scan3A_72, %scan3A_73 : i32
    %scan3A_75 = arith.constant 1 : i32
    %scan3A_76:2 = scf.for %scan3A_1998 = %scan3A_72 to %scan3A_74 step %scan3A_75 iter_args(%scan3A_1999 = %scan3A_70, %scan3A_2000 = %scan3A_71) -> (i32, i32)  : i32 {
      %add3A_2001 = arith.addi %scan3A_1999, %scan3A_2000 : i32
      %jit3A_2002 = arith.constant 2 : i32
      %div3A = arith.divsi %add3A_2001, %jit3A_2002 : i32
      %sign3A = arith.constant 0 : i32
      %sign3A_2003 = arith.cmpi sgt, %add3A_2001, %sign3A : i32
      %sign3A_2004 = arith.extui %sign3A_2003 : i1 to i32
      %sign3A_2005 = arith.constant 0 : i32
      %sign3A_2006 = arith.cmpi slt, %add3A_2001, %sign3A_2005 : i32
      %sign3A_2007 = arith.extui %sign3A_2006 : i1 to i32
      %sign3A_2008 = arith.subi %sign3A_2004, %sign3A_2007 : i32
      %sign3A_2009 = arith.constant 0 : i32
      %sign3A_2010 = arith.cmpi sgt, %jit3A_2002, %sign3A_2009 : i32
      %sign3A_2011 = arith.extui %sign3A_2010 : i1 to i32
      %sign3A_2012 = arith.constant 0 : i32
      %sign3A_2013 = arith.cmpi slt, %jit3A_2002, %sign3A_2012 : i32
      %sign3A_2014 = arith.extui %sign3A_2013 : i1 to i32
      %sign3A_2015 = arith.subi %sign3A_2011, %sign3A_2014 : i32
      %ne3A = arith.cmpi ne, %sign3A_2008, %sign3A_2015 : i32
      %rem3A = arith.remsi %add3A_2001, %jit3A_2002 : i32
      %ne3A_2016 = arith.constant 0 : i32
      %ne3A_2017 = arith.cmpi ne, %rem3A, %ne3A_2016 : i32
      %and3A = arith.andi %ne3A, %ne3A_2017 : i1
      %sub3A_2018 = arith.constant 1 : i32
      %sub3A_2019 = arith.subi %div3A, %sub3A_2018 : i32
      %select_n3A_2020 = arith.select %and3A, %sub3A_2019, %div3A : i32
      %get3A_2021 = arith.index_cast %select_n3A_2020 : i32 to index
      %get3A_2022 = tpu.vector_load %arg12[%get3A_2021] {strides = array<i32>} : memref<10240xi32, #tpu.memory_space<vmem>>, vector<16xi32>,
      %slice3A = vector.extract_strided_slice %get3A_2022 {offsets = [0], sizes = [1], strides = [1]} : vector<16xi32> to vector<1xi32>
      %squeeze3A = vector.extract %slice3A[0] : i32 from vector<1xi32>
      %lt3A = arith.cmpi slt, %squeeze3A, %scan3A_69 : i32
      %add3A_2023 = arith.constant 1 : i32
      %add3A_2024 = arith.addi %select_n3A_2020, %add3A_2023 : i32
      %select_n3A_2025 = arith.select %lt3A, %add3A_2024, %scan3A_1999 : i32
      %select_n3A_2026 = arith.select %lt3A, %scan3A_2000, %select_n3A_2020 : i32
      scf.yield %select_n3A_2025, %select_n3A_2026 : i32, i32
    }
    %scan3A_77 = arith.constant 14 : i32
    %scan3A_78 = arith.constant 3 : i32
    %scan3A_79 = arith.constant 0 : i32
    %scan3A_80 = arith.constant 10000 : i32
    %scan3A_81 = arith.constant 0 : i32
    %scan3A_82 = arith.constant 14 : i32
    %scan3A_83 = arith.addi %scan3A_81, %scan3A_82 : i32
    %scan3A_84 = arith.constant 1 : i32
    %scan3A_85:2 = scf.for %scan3A_1998 = %scan3A_81 to %scan3A_83 step %scan3A_84 iter_args(%scan3A_1999 = %scan3A_79, %scan3A_2000 = %scan3A_80) -> (i32, i32)  : i32 {
      %add3A_2001 = arith.addi %scan3A_1999, %scan3A_2000 : i32
      %jit3A_2002 = arith.constant 2 : i32
      %div3A = arith.divsi %add3A_2001, %jit3A_2002 : i32
      %sign3A = arith.constant 0 : i32
      %sign3A_2003 = arith.cmpi sgt, %add3A_2001, %sign3A : i32
      %sign3A_2004 = arith.extui %sign3A_2003 : i1 to i32
      %sign3A_2005 = arith.constant 0 : i32
      %sign3A_2006 = arith.cmpi slt, %add3A_2001, %sign3A_2005 : i32
      %sign3A_2007 = arith.extui %sign3A_2006 : i1 to i32
      %sign3A_2008 = arith.subi %sign3A_2004, %sign3A_2007 : i32
      %sign3A_2009 = arith.constant 0 : i32
      %sign3A_2010 = arith.cmpi sgt, %jit3A_2002, %sign3A_2009 : i32
      %sign3A_2011 = arith.extui %sign3A_2010 : i1 to i32
      %sign3A_2012 = arith.constant 0 : i32
      %sign3A_2013 = arith.cmpi slt, %jit3A_2002, %sign3A_2012 : i32
      %sign3A_2014 = arith.extui %sign3A_2013 : i1 to i32
      %sign3A_2015 = arith.subi %sign3A_2011, %sign3A_2014 : i32
      %ne3A = arith.cmpi ne, %sign3A_2008, %sign3A_2015 : i32
      %rem3A = arith.remsi %add3A_2001, %jit3A_2002 : i32
      %ne3A_2016 = arith.constant 0 : i32
      %ne3A_2017 = arith.cmpi ne, %rem3A, %ne3A_2016 : i32
      %and3A = arith.andi %ne3A, %ne3A_2017 : i1
      %sub3A_2018 = arith.constant 1 : i32
      %sub3A_2019 = arith.subi %div3A, %sub3A_2018 : i32
      %select_n3A_2020 = arith.select %and3A, %sub3A_2019, %div3A : i32
      %get3A_2021 = arith.index_cast %select_n3A_2020 : i32 to index
      %get3A_2022 = tpu.vector_load %arg12[%get3A_2021] {strides = array<i32>} : memref<10240xi32, #tpu.memory_space<vmem>>, vector<16xi32>,
      %slice3A = vector.extract_strided_slice %get3A_2022 {offsets = [0], sizes = [1], strides = [1]} : vector<16xi32> to vector<1xi32>
      %squeeze3A = vector.extract %slice3A[0] : i32 from vector<1xi32>
      %lt3A = arith.cmpi slt, %squeeze3A, %scan3A_78 : i32
      %add3A_2023 = arith.constant 1 : i32
      %add3A_2024 = arith.addi %select_n3A_2020, %add3A_2023 : i32
      %select_n3A_2025 = arith.select %lt3A, %add3A_2024, %scan3A_1999 : i32
      %select_n3A_2026 = arith.select %lt3A, %scan3A_2000, %select_n3A_2020 : i32
      scf.yield %select_n3A_2025, %select_n3A_2026 : i32, i32
    }
    %scan3A_86 = arith.constant 14 : i32
    %scan3A_87 = arith.constant 4 : i32
    %scan3A_88 = arith.constant 0 : i32
    %scan3A_89 = arith.constant 10000 : i32
    %scan3A_90 = arith.constant 0 : i32
    %scan3A_91 = arith.constant 14 : i32
    %scan3A_92 = arith.addi %scan3A_90, %scan3A_91 : i32
    %scan3A_93 = arith.constant 1 : i32
    %scan3A_94:2 = scf.for %scan3A_1998 = %scan3A_90 to %scan3A_92 step %scan3A_93 iter_args(%scan3A_1999 = %scan3A_88, %scan3A_2000 = %scan3A_89) -> (i32, i32)  : i32 {
      %add3A_2001 = arith.addi %scan3A_1999, %scan3A_2000 : i32
      %jit3A_2002 = arith.constant 2 : i32
      %div3A = arith.divsi %add3A_2001, %jit3A_2002 : i32
      %sign3A = arith.constant 0 : i32
      %sign3A_2003 = arith.cmpi sgt, %add3A_2001, %sign3A : i32
      %sign3A_2004 = arith.extui %sign3A_2003 : i1 to i32
      %sign3A_2005 = arith.constant 0 : i32
      %sign3A_2006 = arith.cmpi slt, %add3A_2001, %sign3A_2005 : i32
      %sign3A_2007 = arith.extui %sign3A_2006 : i1 to i32
      %sign3A_2008 = arith.subi %sign3A_2004, %sign3A_2007 : i32
      %sign3A_2009 = arith.constant 0 : i32
      %sign3A_2010 = arith.cmpi sgt, %jit3A_2002, %sign3A_2009 : i32
      %sign3A_2011 = arith.extui %sign3A_2010 : i1 to i32
      %sign3A_2012 = arith.constant 0 : i32
      %sign3A_2013 = arith.cmpi slt, %jit3A_2002, %sign3A_2012 : i32
      %sign3A_2014 = arith.extui %sign3A_2013 : i1 to i32
      %sign3A_2015 = arith.subi %sign3A_2011, %sign3A_2014 : i32
      %ne3A = arith.cmpi ne, %sign3A_2008, %sign3A_2015 : i32
      %rem3A = arith.remsi %add3A_2001, %jit3A_2002 : i32
      %ne3A_2016 = arith.constant 0 : i32
      %ne3A_2017 = arith.cmpi ne, %rem3A, %ne3A_2016 : i32
      %and3A = arith.andi %ne3A, %ne3A_2017 : i1
      %sub3A_2018 = arith.constant 1 : i32
      %sub3A_2019 = arith.subi %div3A, %sub3A_2018 : i32
      %select_n3A_2020 = arith.select %and3A, %sub3A_2019, %div3A : i32
      %get3A_2021 = arith.index_cast %select_n3A_2020 : i32 to index
      %get3A_2022 = tpu.vector_load %arg12[%get3A_2021] {strides = array<i32>} : memref<10240xi32, #tpu.memory_space<vmem>>, vector<16xi32>,
      %slice3A = vector.extract_strided_slice %get3A_2022 {offsets = [0], sizes = [1], strides = [1]} : vector<16xi32> to vector<1xi32>
      %squeeze3A = vector.extract %slice3A[0] : i32 from vector<1xi32>
      %lt3A = arith.cmpi slt, %squeeze3A, %scan3A_87 : i32
      %add3A_2023 = arith.constant 1 : i32
      %add3A_2024 = arith.addi %select_n3A_2020, %add3A_2023 : i32
      %select_n3A_2025 = arith.select %lt3A, %add3A_2024, %scan3A_1999 : i32
      %select_n3A_2026 = arith.select %lt3A, %scan3A_2000, %select_n3A_2020 : i32
      scf.yield %select_n3A_2025, %select_n3A_2026 : i32, i32
    }
    %scan3A_95 = arith.constant 14 : i32
    %scan3A_96 = arith.constant 5 : i32
    %scan3A_97 = arith.constant 0 : i32
    %scan3A_98 = arith.constant 10000 : i32
    %scan3A_99 = arith.constant 0 : i32
    %scan3A_100 = arith.constant 14 : i32
    %scan3A_101 = arith.addi %scan3A_99, %scan3A_100 : i32
    %scan3A_102 = arith.constant 1 : i32
    %scan3A_103:2 = scf.for %scan3A_1998 = %scan3A_99 to %scan3A_101 step %scan3A_102 iter_args(%scan3A_1999 = %scan3A_97, %scan3A_2000 = %scan3A_98) -> (i32, i32)  : i32 {
      %add3A_2001 = arith.addi %scan3A_1999, %scan3A_2000 : i32
      %jit3A_2002 = arith.constant 2 : i32
      %div3A = arith.divsi %add3A_2001, %jit3A_2002 : i32
      %sign3A = arith.constant 0 : i32
      %sign3A_2003 = arith.cmpi sgt, %add3A_2001, %sign3A : i32
      %sign3A_2004 = arith.extui %sign3A_2003 : i1 to i32
      %sign3A_2005 = arith.constant 0 : i32
      %sign3A_2006 = arith.cmpi slt, %add3A_2001, %sign3A_2005 : i32
      %sign3A_2007 = arith.extui %sign3A_2006 : i1 to i32
      %sign3A_2008 = arith.subi %sign3A_2004, %sign3A_2007 : i32
      %sign3A_2009 = arith.constant 0 : i32
      %sign3A_2010 = arith.cmpi sgt, %jit3A_2002, %sign3A_2009 : i32
      %sign3A_2011 = arith.extui %sign3A_2010 : i1 to i32
      %sign3A_2012 = arith.constant 0 : i32
      %sign3A_2013 = arith.cmpi slt, %jit3A_2002, %sign3A_2012 : i32
      %sign3A_2014 = arith.extui %sign3A_2013 : i1 to i32
      %sign3A_2015 = arith.subi %sign3A_2011, %sign3A_2014 : i32
      %ne3A = arith.cmpi ne, %sign3A_2008, %sign3A_2015 : i32
      %rem3A = arith.remsi %add3A_2001, %jit3A_2002 : i32
      %ne3A_2016 = arith.constant 0 : i32
      %ne3A_2017 = arith.cmpi ne, %rem3A, %ne3A_2016 : i32
      %and3A = arith.andi %ne3A, %ne3A_2017 : i1
      %sub3A_2018 = arith.constant 1 : i32
      %sub3A_2019 = arith.subi %div3A, %sub3A_2018 : i32
      %select_n3A_2020 = arith.select %and3A, %sub3A_2019, %div3A : i32
      %get3A_2021 = arith.index_cast %select_n3A_2020 : i32 to index
      %get3A_2022 = tpu.vector_load %arg12[%get3A_2021] {strides = array<i32>} : memref<10240xi32, #tpu.memory_space<vmem>>, vector<16xi32>,
      %slice3A = vector.extract_strided_slice %get3A_2022 {offsets = [0], sizes = [1], strides = [1]} : vector<16xi32> to vector<1xi32>
      %squeeze3A = vector.extract %slice3A[0] : i32 from vector<1xi32>
      %lt3A = arith.cmpi slt, %squeeze3A, %scan3A_96 : i32
      %add3A_2023 = arith.constant 1 : i32
      %add3A_2024 = arith.addi %select_n3A_2020, %add3A_2023 : i32
      %select_n3A_2025 = arith.select %lt3A, %add3A_2024, %scan3A_1999 : i32
      %select_n3A_2026 = arith.select %lt3A, %scan3A_2000, %select_n3A_2020 : i32
      scf.yield %select_n3A_2025, %select_n3A_2026 : i32, i32
    }
    %scan3A_104 = arith.constant 14 : i32
    %scan3A_105 = arith.constant 6 : i32
    %scan3A_106 = arith.constant 0 : i32
    %scan3A_107 = arith.constant 10000 : i32
    %scan3A_108 = arith.constant 0 : i32
    %scan3A_109 = arith.constant 14 : i32
    %scan3A_110 = arith.addi %scan3A_108, %scan3A_109 : i32
    %scan3A_111 = arith.constant 1 : i32
    %scan3A_112:2 = scf.for %scan3A_1998 = %scan3A_108 to %scan3A_110 step %scan3A_111 iter_args(%scan3A_1999 = %scan3A_106, %scan3A_2000 = %scan3A_107) -> (i32, i32)  : i32 {
      %add3A_2001 = arith.addi %scan3A_1999, %scan3A_2000 : i32
      %jit3A_2002 = arith.constant 2 : i32
      %div3A = arith.divsi %add3A_2001, %jit3A_2002 : i32
      %sign3A = arith.constant 0 : i32
      %sign3A_2003 = arith.cmpi sgt, %add3A_2001, %sign3A : i32
      %sign3A_2004 = arith.extui %sign3A_2003 : i1 to i32
      %sign3A_2005 = arith.constant 0 : i32
      %sign3A_2006 = arith.cmpi slt, %add3A_2001, %sign3A_2005 : i32
      %sign3A_2007 = arith.extui %sign3A_2006 : i1 to i32
      %sign3A_2008 = arith.subi %sign3A_2004, %sign3A_2007 : i32
      %sign3A_2009 = arith.constant 0 : i32
      %sign3A_2010 = arith.cmpi sgt, %jit3A_2002, %sign3A_2009 : i32
      %sign3A_2011 = arith.extui %sign3A_2010 : i1 to i32
      %sign3A_2012 = arith.constant 0 : i32
      %sign3A_2013 = arith.cmpi slt, %jit3A_2002, %sign3A_2012 : i32
      %sign3A_2014 = arith.extui %sign3A_2013 : i1 to i32
      %sign3A_2015 = arith.subi %sign3A_2011, %sign3A_2014 : i32
      %ne3A = arith.cmpi ne, %sign3A_2008, %sign3A_2015 : i32
      %rem3A = arith.remsi %add3A_2001, %jit3A_2002 : i32
      %ne3A_2016 = arith.constant 0 : i32
      %ne3A_2017 = arith.cmpi ne, %rem3A, %ne3A_2016 : i32
      %and3A = arith.andi %ne3A, %ne3A_2017 : i1
      %sub3A_2018 = arith.constant 1 : i32
      %sub3A_2019 = arith.subi %div3A, %sub3A_2018 : i32
      %select_n3A_2020 = arith.select %and3A, %sub3A_2019, %div3A : i32
      %get3A_2021 = arith.index_cast %select_n3A_2020 : i32 to index
      %get3A_2022 = tpu.vector_load %arg12[%get3A_2021] {strides = array<i32>} : memref<10240xi32, #tpu.memory_space<vmem>>, vector<16xi32>,
      %slice3A = vector.extract_strided_slice %get3A_2022 {offsets = [0], sizes = [1], strides = [1]} : vector<16xi32> to vector<1xi32>
      %squeeze3A = vector.extract %slice3A[0] : i32 from vector<1xi32>
      %lt3A = arith.cmpi slt, %squeeze3A, %scan3A_105 : i32
      %add3A_2023 = arith.constant 1 : i32
      %add3A_2024 = arith.addi %select_n3A_2020, %add3A_2023 : i32
      %select_n3A_2025 = arith.select %lt3A, %add3A_2024, %scan3A_1999 : i32
      %select_n3A_2026 = arith.select %lt3A, %scan3A_2000, %select_n3A_2020 : i32
      scf.yield %select_n3A_2025, %select_n3A_2026 : i32, i32
    }
    %scan3A_113 = arith.constant 14 : i32
    %scan3A_114 = arith.constant 7 : i32
    %scan3A_115 = arith.constant 0 : i32
    %scan3A_116 = arith.constant 10000 : i32
    %scan3A_117 = arith.constant 0 : i32
    %scan3A_118 = arith.constant 14 : i32
    %scan3A_119 = arith.addi %scan3A_117, %scan3A_118 : i32
    %scan3A_120 = arith.constant 1 : i32
    %scan3A_121:2 = scf.for %scan3A_1998 = %scan3A_117 to %scan3A_119 step %scan3A_120 iter_args(%scan3A_1999 = %scan3A_115, %scan3A_2000 = %scan3A_116) -> (i32, i32)  : i32 {
      %add3A_2001 = arith.addi %scan3A_1999, %scan3A_2000 : i32
      %jit3A_2002 = arith.constant 2 : i32
      %div3A = arith.divsi %add3A_2001, %jit3A_2002 : i32
      %sign3A = arith.constant 0 : i32
      %sign3A_2003 = arith.cmpi sgt, %add3A_2001, %sign3A : i32
      %sign3A_2004 = arith.extui %sign3A_2003 : i1 to i32
      %sign3A_2005 = arith.constant 0 : i32
      %sign3A_2006 = arith.cmpi slt, %add3A_2001, %sign3A_2005 : i32
      %sign3A_2007 = arith.extui %sign3A_2006 : i1 to i32
      %sign3A_2008 = arith.subi %sign3A_2004, %sign3A_2007 : i32
      %sign3A_2009 = arith.constant 0 : i32
      %sign3A_2010 = arith.cmpi sgt, %jit3A_2002, %sign3A_2009 : i32
      %sign3A_2011 = arith.extui %sign3A_2010 : i1 to i32
      %sign3A_2012 = arith.constant 0 : i32
      %sign3A_2013 = arith.cmpi slt, %jit3A_2002, %sign3A_2012 : i32
      %sign3A_2014 = arith.extui %sign3A_2013 : i1 to i32
      %sign3A_2015 = arith.subi %sign3A_2011, %sign3A_2014 : i32
      %ne3A = arith.cmpi ne, %sign3A_2008, %sign3A_2015 : i32
      %rem3A = arith.remsi %add3A_2001, %jit3A_2002 : i32
      %ne3A_2016 = arith.constant 0 : i32
      %ne3A_2017 = arith.cmpi ne, %rem3A, %ne3A_2016 : i32
      %and3A = arith.andi %ne3A, %ne3A_2017 : i1
      %sub3A_2018 = arith.constant 1 : i32
      %sub3A_2019 = arith.subi %div3A, %sub3A_2018 : i32
      %select_n3A_2020 = arith.select %and3A, %sub3A_2019, %div3A : i32
      %get3A_2021 = arith.index_cast %select_n3A_2020 : i32 to index
      %get3A_2022 = tpu.vector_load %arg12[%get3A_2021] {strides = array<i32>} : memref<10240xi32, #tpu.memory_space<vmem>>, vector<16xi32>,
      %slice3A = vector.extract_strided_slice %get3A_2022 {offsets = [0], sizes = [1], strides = [1]} : vector<16xi32> to vector<1xi32>
      %squeeze3A = vector.extract %slice3A[0] : i32 from vector<1xi32>
      %lt3A = arith.cmpi slt, %squeeze3A, %scan3A_114 : i32
      %add3A_2023 = arith.constant 1 : i32
      %add3A_2024 = arith.addi %select_n3A_2020, %add3A_2023 : i32
      %select_n3A_2025 = arith.select %lt3A, %add3A_2024, %scan3A_1999 : i32
      %select_n3A_2026 = arith.select %lt3A, %scan3A_2000, %select_n3A_2020 : i32
      scf.yield %select_n3A_2025, %select_n3A_2026 : i32, i32
    }
    %scan3A_122 = arith.constant 14 : i32
    %scan3A_123 = arith.constant 8 : i32
    %scan3A_124 = arith.constant 0 : i32
    %scan3A_125 = arith.constant 10000 : i32
    %scan3A_126 = arith.constant 0 : i32
    %scan3A_127 = arith.constant 14 : i32
    %scan3A_128 = arith.addi %scan3A_126, %scan3A_127 : i32
    %scan3A_129 = arith.constant 1 : i32
    %scan3A_130:2 = scf.for %scan3A_1998 = %scan3A_126 to %scan3A_128 step %scan3A_129 iter_args(%scan3A_1999 = %scan3A_124, %scan3A_2000 = %scan3A_125) -> (i32, i32)  : i32 {
      %add3A_2001 = arith.addi %scan3A_1999, %scan3A_2000 : i32
      %jit3A_2002 = arith.constant 2 : i32
      %div3A = arith.divsi %add3A_2001, %jit3A_2002 : i32
      %sign3A = arith.constant 0 : i32
      %sign3A_2003 = arith.cmpi sgt, %add3A_2001, %sign3A : i32
      %sign3A_2004 = arith.extui %sign3A_2003 : i1 to i32
      %sign3A_2005 = arith.constant 0 : i32
      %sign3A_2006 = arith.cmpi slt, %add3A_2001, %sign3A_2005 : i32
      %sign3A_2007 = arith.extui %sign3A_2006 : i1 to i32
      %sign3A_2008 = arith.subi %sign3A_2004, %sign3A_2007 : i32
      %sign3A_2009 = arith.constant 0 : i32
      %sign3A_2010 = arith.cmpi sgt, %jit3A_2002, %sign3A_2009 : i32
      %sign3A_2011 = arith.extui %sign3A_2010 : i1 to i32
      %sign3A_2012 = arith.constant 0 : i32
      %sign3A_2013 = arith.cmpi slt, %jit3A_2002, %sign3A_2012 : i32
      %sign3A_2014 = arith.extui %sign3A_2013 : i1 to i32
      %sign3A_2015 = arith.subi %sign3A_2011, %sign3A_2014 : i32
      %ne3A = arith.cmpi ne, %sign3A_2008, %sign3A_2015 : i32
      %rem3A = arith.remsi %add3A_2001, %jit3A_2002 : i32
      %ne3A_2016 = arith.constant 0 : i32
      %ne3A_2017 = arith.cmpi ne, %rem3A, %ne3A_2016 : i32
      %and3A = arith.andi %ne3A, %ne3A_2017 : i1
      %sub3A_2018 = arith.constant 1 : i32
      %sub3A_2019 = arith.subi %div3A, %sub3A_2018 : i32
      %select_n3A_2020 = arith.select %and3A, %sub3A_2019, %div3A : i32
      %get3A_2021 = arith.index_cast %select_n3A_2020 : i32 to index
      %get3A_2022 = tpu.vector_load %arg12[%get3A_2021] {strides = array<i32>} : memref<10240xi32, #tpu.memory_space<vmem>>, vector<16xi32>,
      %slice3A = vector.extract_strided_slice %get3A_2022 {offsets = [0], sizes = [1], strides = [1]} : vector<16xi32> to vector<1xi32>
      %squeeze3A = vector.extract %slice3A[0] : i32 from vector<1xi32>
      %lt3A = arith.cmpi slt, %squeeze3A, %scan3A_123 : i32
      %add3A_2023 = arith.constant 1 : i32
      %add3A_2024 = arith.addi %select_n3A_2020, %add3A_2023 : i32
      %select_n3A_2025 = arith.select %lt3A, %add3A_2024, %scan3A_1999 : i32
      %select_n3A_2026 = arith.select %lt3A, %scan3A_2000, %select_n3A_2020 : i32
      scf.yield %select_n3A_2025, %select_n3A_2026 : i32, i32
    }
    %scan3A_131 = arith.constant 14 : i32
    %add3A_132 = arith.constant 0 : i32
    %add3A_133 = arith.addi %mul3A_2, %add3A_132 : i32
    %get3A = arith.index_cast %add3A_133 : i32 to index
    %get3A_134 = tpu.vector_load %arg12[%get3A] {strides = array<i32>} : memref<10240xi32, #tpu.memory_space<vmem>>, vector<16xi32>,
    %broadcast_in_dim3A_135 = arith.constant 0 : i32
    %broadcast_in_dim3A_136 = vector.broadcast %broadcast_in_dim3A_135 : i32 to vector<16xi32>
    %broadcast_in_dim3A_137 = arith.constant 0 : i32
    %broadcast_in_dim3A_138 = vector.broadcast %broadcast_in_dim3A_137 : i32 to vector<16xi32>
    %eq3A = arith.constant 0 : i32
    %eq3A_139 = vector.broadcast %eq3A : i32 to vector<16xi32>
    %eq3A_140 = arith.cmpi eq, %get3A_134, %eq3A_139 : vector<16xi32>
    %jit3A = arith.constant 0 : i32
    %broadcast_in_dim3A_141 = vector.broadcast %jit3A : i32 to vector<16xi32>
    %select_n3A = arith.select %eq3A_140, %broadcast_in_dim3A_141, %broadcast_in_dim3A_136 : vector<16xi1>, vector<16xi32>
    %eq3A_142 = arith.constant 0 : i32
    %eq3A_143 = vector.broadcast %eq3A_142 : i32 to vector<16xi32>
    %eq3A_144 = arith.cmpi eq, %get3A_134, %eq3A_143 : vector<16xi32>
    %broadcast_in_dim3A_145 = vector.broadcast %scan3A_67#0 : i32 to vector<16xi32>
    %select_n3A_146 = arith.select %eq3A_144, %broadcast_in_dim3A_145, %broadcast_in_dim3A_138 : vector<16xi1>, vector<16xi32>
    %eq3A_147 = arith.constant 1 : i32
    %eq3A_148 = vector.broadcast %eq3A_147 : i32 to vector<16xi32>
    %eq3A_149 = arith.cmpi eq, %get3A_134, %eq3A_148 : vector<16xi32>
    %broadcast_in_dim3A_150 = vector.broadcast %scan3A_67#0 : i32 to vector<16xi32>
    %select_n3A_151 = arith.select %eq3A_149, %broadcast_in_dim3A_150, %select_n3A : vector<16xi1>, vector<16xi32>
    %eq3A_152 = arith.constant 1 : i32
    %eq3A_153 = vector.broadcast %eq3A_152 : i32 to vector<16xi32>
    %eq3A_154 = arith.cmpi eq, %get3A_134, %eq3A_153 : vector<16xi32>
    %broadcast_in_dim3A_155 = vector.broadcast %scan3A_76#0 : i32 to vector<16xi32>
    %select_n3A_156 = arith.select %eq3A_154, %broadcast_in_dim3A_155, %select_n3A_146 : vector<16xi1>, vector<16xi32>
    %eq3A_157 = arith.constant 2 : i32
    %eq3A_158 = vector.broadcast %eq3A_157 : i32 to vector<16xi32>
    %eq3A_159 = arith.cmpi eq, %get3A_134, %eq3A_158 : vector<16xi32>
    %broadcast_in_dim3A_160 = vector.broadcast %scan3A_76#0 : i32 to vector<16xi32>
    %select_n3A_161 = arith.select %eq3A_159, %broadcast_in_dim3A_160, %select_n3A_151 : vector<16xi1>, vector<16xi32>
    %eq3A_162 = arith.constant 2 : i32
    %eq3A_163 = vector.broadcast %eq3A_162 : i32 to vector<16xi32>
    %eq3A_164 = arith.cmpi eq, %get3A_134, %eq3A_163 : vector<16xi32>
    %broadcast_in_dim3A_165 = vector.broadcast %scan3A_85#0 : i32 to vector<16xi32>
    %select_n3A_166 = arith.select %eq3A_164, %broadcast_in_dim3A_165, %select_n3A_156 : vector<16xi1>, vector<16xi32>
    %eq3A_167 = arith.constant 3 : i32
    %eq3A_168 = vector.broadcast %eq3A_167 : i32 to vector<16xi32>
    %eq3A_169 = arith.cmpi eq, %get3A_134, %eq3A_168 : vector<16xi32>
    %broadcast_in_dim3A_170 = vector.broadcast %scan3A_85#0 : i32 to vector<16xi32>
    %select_n3A_171 = arith.select %eq3A_169, %broadcast_in_dim3A_170, %select_n3A_161 : vector<16xi1>, vector<16xi32>
    %eq3A_172 = arith.constant 3 : i32
    %eq3A_173 = vector.broadcast %eq3A_172 : i32 to vector<16xi32>
    %eq3A_174 = arith.cmpi eq, %get3A_134, %eq3A_173 : vector<16xi32>
    %broadcast_in_dim3A_175 = vector.broadcast %scan3A_94#0 : i32 to vector<16xi32>
    %select_n3A_176 = arith.select %eq3A_174, %broadcast_in_dim3A_175, %select_n3A_166 : vector<16xi1>, vector<16xi32>
    %eq3A_177 = arith.constant 4 : i32
    %eq3A_178 = vector.broadcast %eq3A_177 : i32 to vector<16xi32>
    %eq3A_179 = arith.cmpi eq, %get3A_134, %eq3A_178 : vector<16xi32>
    %broadcast_in_dim3A_180 = vector.broadcast %scan3A_94#0 : i32 to vector<16xi32>
    %select_n3A_181 = arith.select %eq3A_179, %broadcast_in_dim3A_180, %select_n3A_171 : vector<16xi1>, vector<16xi32>
    %eq3A_182 = arith.constant 4 : i32
    %eq3A_183 = vector.broadcast %eq3A_182 : i32 to vector<16xi32>
    %eq3A_184 = arith.cmpi eq, %get3A_134, %eq3A_183 : vector<16xi32>
    %broadcast_in_dim3A_185 = vector.broadcast %scan3A_103#0 : i32 to vector<16xi32>
    %select_n3A_186 = arith.select %eq3A_184, %broadcast_in_dim3A_185, %select_n3A_176 : vector<16xi1>, vector<16xi32>
    %eq3A_187 = arith.constant 5 : i32
    %eq3A_188 = vector.broadcast %eq3A_187 : i32 to vector<16xi32>
    %eq3A_189 = arith.cmpi eq, %get3A_134, %eq3A_188 : vector<16xi32>
    %broadcast_in_dim3A_190 = vector.broadcast %scan3A_103#0 : i32 to vector<16xi32>
    %select_n3A_191 = arith.select %eq3A_189, %broadcast_in_dim3A_190, %select_n3A_181 : vector<16xi1>, vector<16xi32>
    %eq3A_192 = arith.constant 5 : i32
    %eq3A_193 = vector.broadcast %eq3A_192 : i32 to vector<16xi32>
    %eq3A_194 = arith.cmpi eq, %get3A_134, %eq3A_193 : vector<16xi32>
    %broadcast_in_dim3A_195 = vector.broadcast %scan3A_112#0 : i32 to vector<16xi32>
    %select_n3A_196 = arith.select %eq3A_194, %broadcast_in_dim3A_195, %select_n3A_186 : vector<16xi1>, vector<16xi32>
    %eq3A_197 = arith.constant 6 : i32
    %eq3A_198 = vector.broadcast %eq3A_197 : i32 to vector<16xi32>
    %eq3A_199 = arith.cmpi eq, %get3A_134, %eq3A_198 : vector<16xi32>
    %broadcast_in_dim3A_200 = vector.broadcast %scan3A_112#0 : i32 to vector<16xi32>
    %select_n3A_201 = arith.select %eq3A_199, %broadcast_in_dim3A_200, %select_n3A_191 : vector<16xi1>, vector<16xi32>
    %eq3A_202 = arith.constant 6 : i32
    %eq3A_203 = vector.broadcast %eq3A_202 : i32 to vector<16xi32>
    %eq3A_204 = arith.cmpi eq, %get3A_134, %eq3A_203 : vector<16xi32>
    %broadcast_in_dim3A_205 = vector.broadcast %scan3A_121#0 : i32 to vector<16xi32>
    %select_n3A_206 = arith.select %eq3A_204, %broadcast_in_dim3A_205, %select_n3A_196 : vector<16xi1>, vector<16xi32>
    %eq3A_207 = arith.constant 7 : i32
    %eq3A_208 = vector.broadcast %eq3A_207 : i32 to vector<16xi32>
    %eq3A_209 = arith.cmpi eq, %get3A_134, %eq3A_208 : vector<16xi32>
    %broadcast_in_dim3A_210 = vector.broadcast %scan3A_121#0 : i32 to vector<16xi32>
    %select_n3A_211 = arith.select %eq3A_209, %broadcast_in_dim3A_210, %select_n3A_201 : vector<16xi1>, vector<16xi32>
    %eq3A_212 = arith.constant 7 : i32
    %eq3A_213 = vector.broadcast %eq3A_212 : i32 to vector<16xi32>
    %eq3A_214 = arith.cmpi eq, %get3A_134, %eq3A_213 : vector<16xi32>
    %broadcast_in_dim3A_215 = vector.broadcast %scan3A_130#0 : i32 to vector<16xi32>
    %select_n3A_216 = arith.select %eq3A_214, %broadcast_in_dim3A_215, %select_n3A_206 : vector<16xi1>, vector<16xi32>
    %swap3A_217 = arith.constant 0 : index
    %swap3A_218 = tpu.vector_load %arg13[%swap3A_217] {strides = array<i32>} : memref<336xi32, #tpu.memory_space<vmem>>, vector<16xi32>,
    tpu.vector_store %arg13[%swap3A_217], %select_n3A_211 {strides = array<i32>} : memref<336xi32, #tpu.memory_space<vmem>>, vector<16xi32>,
    %swap3A_219 = arith.constant 0 : index
    %swap3A_220 = tpu.vector_load %arg14[%swap3A_219] {strides = array<i32>} : memref<336xi32, #tpu.memory_space<vmem>>, vector<16xi32>,
    tpu.vector_store %arg14[%swap3A_219], %select_n3A_216 {strides = array<i32>} : memref<336xi32, #tpu.memory_space<vmem>>, vector<16xi32>,
    %add3A_221 = arith.constant 16 : i32
    %add3A_222 = arith.addi %mul3A_2, %add3A_221 : i32
    %get3A_223 = arith.index_cast %add3A_222 : i32 to index
    %get3A_224 = tpu.vector_load %arg12[%get3A_223] {strides = array<i32>} : memref<10240xi32, #tpu.memory_space<vmem>>, vector<16xi32>,
    %broadcast_in_dim3A_225 = arith.constant 0 : i32
    %broadcast_in_dim3A_226 = vector.broadcast %broadcast_in_dim3A_225 : i32 to vector<16xi32>
    %broadcast_in_dim3A_227 = arith.constant 0 : i32
    %broadcast_in_dim3A_228 = vector.broadcast %broadcast_in_dim3A_227 : i32 to vector<16xi32>
    %eq3A_229 = arith.constant 0 : i32
    %eq3A_230 = vector.broadcast %eq3A_229 : i32 to vector<16xi32>
    %eq3A_231 = arith.cmpi eq, %get3A_224, %eq3A_230 : vector<16xi32>
    %jit3A_232 = arith.constant 0 : i32
    %broadcast_in_dim3A_233 = vector.broadcast %jit3A_232 : i32 to vector<16xi32>
    %select_n3A_234 = arith.select %eq3A_231, %broadcast_in_dim3A_233, %broadcast_in_dim3A_226 : vector<16xi1>, vector<16xi32>
    %eq3A_235 = arith.constant 0 : i32
    %eq3A_236 = vector.broadcast %eq3A_235 : i32 to vector<16xi32>
    %eq3A_237 = arith.cmpi eq, %get3A_224, %eq3A_236 : vector<16xi32>
    %broadcast_in_dim3A_238 = vector.broadcast %scan3A_67#0 : i32 to vector<16xi32>
    %select_n3A_239 = arith.select %eq3A_237, %broadcast_in_dim3A_238, %broadcast_in_dim3A_228 : vector<16xi1>, vector<16xi32>
    %eq3A_240 = arith.constant 1 : i32
    %eq3A_241 = vector.broadcast %eq3A_240 : i32 to vector<16xi32>
    %eq3A_242 = arith.cmpi eq, %get3A_224, %eq3A_241 : vector<16xi32>
    %broadcast_in_dim3A_243 = vector.broadcast %scan3A_67#0 : i32 to vector<16xi32>
    %select_n3A_244 = arith.select %eq3A_242, %broadcast_in_dim3A_243, %select_n3A_234 : vector<16xi1>, vector<16xi32>
    %eq3A_245 = arith.constant 1 : i32
    %eq3A_246 = vector.broadcast %eq3A_245 : i32 to vector<16xi32>
    %eq3A_247 = arith.cmpi eq, %get3A_224, %eq3A_246 : vector<16xi32>
    %broadcast_in_dim3A_248 = vector.broadcast %scan3A_76#0 : i32 to vector<16xi32>
    %select_n3A_249 = arith.select %eq3A_247, %broadcast_in_dim3A_248, %select_n3A_239 : vector<16xi1>, vector<16xi32>
    %eq3A_250 = arith.constant 2 : i32
    %eq3A_251 = vector.broadcast %eq3A_250 : i32 to vector<16xi32>
    %eq3A_252 = arith.cmpi eq, %get3A_224, %eq3A_251 : vector<16xi32>
    %broadcast_in_dim3A_253 = vector.broadcast %scan3A_76#0 : i32 to vector<16xi32>
    %select_n3A_254 = arith.select %eq3A_252, %broadcast_in_dim3A_253, %select_n3A_244 : vector<16xi1>, vector<16xi32>
    %eq3A_255 = arith.constant 2 : i32
    %eq3A_256 = vector.broadcast %eq3A_255 : i32 to vector<16xi32>
    %eq3A_257 = arith.cmpi eq, %get3A_224, %eq3A_256 : vector<16xi32>
    %broadcast_in_dim3A_258 = vector.broadcast %scan3A_85#0 : i32 to vector<16xi32>
    %select_n3A_259 = arith.select %eq3A_257, %broadcast_in_dim3A_258, %select_n3A_249 : vector<16xi1>, vector<16xi32>
    %eq3A_260 = arith.constant 3 : i32
    %eq3A_261 = vector.broadcast %eq3A_260 : i32 to vector<16xi32>
    %eq3A_262 = arith.cmpi eq, %get3A_224, %eq3A_261 : vector<16xi32>
    %broadcast_in_dim3A_263 = vector.broadcast %scan3A_85#0 : i32 to vector<16xi32>
    %select_n3A_264 = arith.select %eq3A_262, %broadcast_in_dim3A_263, %select_n3A_254 : vector<16xi1>, vector<16xi32>
    %eq3A_265 = arith.constant 3 : i32
    %eq3A_266 = vector.broadcast %eq3A_265 : i32 to vector<16xi32>
    %eq3A_267 = arith.cmpi eq, %get3A_224, %eq3A_266 : vector<16xi32>
    %broadcast_in_dim3A_268 = vector.broadcast %scan3A_94#0 : i32 to vector<16xi32>
    %select_n3A_269 = arith.select %eq3A_267, %broadcast_in_dim3A_268, %select_n3A_259 : vector<16xi1>, vector<16xi32>
    %eq3A_270 = arith.constant 4 : i32
    %eq3A_271 = vector.broadcast %eq3A_270 : i32 to vector<16xi32>
    %eq3A_272 = arith.cmpi eq, %get3A_224, %eq3A_271 : vector<16xi32>
    %broadcast_in_dim3A_273 = vector.broadcast %scan3A_94#0 : i32 to vector<16xi32>
    %select_n3A_274 = arith.select %eq3A_272, %broadcast_in_dim3A_273, %select_n3A_264 : vector<16xi1>, vector<16xi32>
    %eq3A_275 = arith.constant 4 : i32
    %eq3A_276 = vector.broadcast %eq3A_275 : i32 to vector<16xi32>
    %eq3A_277 = arith.cmpi eq, %get3A_224, %eq3A_276 : vector<16xi32>
    %broadcast_in_dim3A_278 = vector.broadcast %scan3A_103#0 : i32 to vector<16xi32>
    %select_n3A_279 = arith.select %eq3A_277, %broadcast_in_dim3A_278, %select_n3A_269 : vector<16xi1>, vector<16xi32>
    %eq3A_280 = arith.constant 5 : i32
    %eq3A_281 = vector.broadcast %eq3A_280 : i32 to vector<16xi32>
    %eq3A_282 = arith.cmpi eq, %get3A_224, %eq3A_281 : vector<16xi32>
    %broadcast_in_dim3A_283 = vector.broadcast %scan3A_103#0 : i32 to vector<16xi32>
    %select_n3A_284 = arith.select %eq3A_282, %broadcast_in_dim3A_283, %select_n3A_274 : vector<16xi1>, vector<16xi32>
    %eq3A_285 = arith.constant 5 : i32
    %eq3A_286 = vector.broadcast %eq3A_285 : i32 to vector<16xi32>
    %eq3A_287 = arith.cmpi eq, %get3A_224, %eq3A_286 : vector<16xi32>
    %broadcast_in_dim3A_288 = vector.broadcast %scan3A_112#0 : i32 to vector<16xi32>
    %select_n3A_289 = arith.select %eq3A_287, %broadcast_in_dim3A_288, %select_n3A_279 : vector<16xi1>, vector<16xi32>
    %eq3A_290 = arith.constant 6 : i32
    %eq3A_291 = vector.broadcast %eq3A_290 : i32 to vector<16xi32>
    %eq3A_292 = arith.cmpi eq, %get3A_224, %eq3A_291 : vector<16xi32>
    %broadcast_in_dim3A_293 = vector.broadcast %scan3A_112#0 : i32 to vector<16xi32>
    %select_n3A_294 = arith.select %eq3A_292, %broadcast_in_dim3A_293, %select_n3A_284 : vector<16xi1>, vector<16xi32>
    %eq3A_295 = arith.constant 6 : i32
    %eq3A_296 = vector.broadcast %eq3A_295 : i32 to vector<16xi32>
    %eq3A_297 = arith.cmpi eq, %get3A_224, %eq3A_296 : vector<16xi32>
    %broadcast_in_dim3A_298 = vector.broadcast %scan3A_121#0 : i32 to vector<16xi32>
    %select_n3A_299 = arith.select %eq3A_297, %broadcast_in_dim3A_298, %select_n3A_289 : vector<16xi1>, vector<16xi32>
    %eq3A_300 = arith.constant 7 : i32
    %eq3A_301 = vector.broadcast %eq3A_300 : i32 to vector<16xi32>
    %eq3A_302 = arith.cmpi eq, %get3A_224, %eq3A_301 : vector<16xi32>
    %broadcast_in_dim3A_303 = vector.broadcast %scan3A_121#0 : i32 to vector<16xi32>
    %select_n3A_304 = arith.select %eq3A_302, %broadcast_in_dim3A_303, %select_n3A_294 : vector<16xi1>, vector<16xi32>
    %eq3A_305 = arith.constant 7 : i32
    %eq3A_306 = vector.broadcast %eq3A_305 : i32 to vector<16xi32>
    %eq3A_307 = arith.cmpi eq, %get3A_224, %eq3A_306 : vector<16xi32>
    %broadcast_in_dim3A_308 = vector.broadcast %scan3A_130#0 : i32 to vector<16xi32>
    %select_n3A_309 = arith.select %eq3A_307, %broadcast_in_dim3A_308, %select_n3A_299 : vector<16xi1>, vector<16xi32>
    %swap3A_310 = arith.constant 16 : index
    %swap3A_311 = tpu.vector_load %arg13[%swap3A_310] {strides = array<i32>} : memref<336xi32, #tpu.memory_space<vmem>>, vector<16xi32>,
    tpu.vector_store %arg13[%swap3A_310], %select_n3A_304 {strides = array<i32>} : memref<336xi32, #tpu.memory_space<vmem>>, vector<16xi32>,
    %swap3A_312 = arith.constant 16 : index
    %swap3A_313 = tpu.vector_load %arg14[%swap3A_312] {strides = array<i32>} : memref<336xi32, #tpu.memory_space<vmem>>, vector<16xi32>,
    tpu.vector_store %arg14[%swap3A_312], %select_n3A_309 {strides = array<i32>} : memref<336xi32, #tpu.memory_space<vmem>>, vector<16xi32>,
    %add3A_314 = arith.constant 32 : i32
    %add3A_315 = arith.addi %mul3A_2, %add3A_314 : i32
    %get3A_316 = arith.index_cast %add3A_315 : i32 to index
    %get3A_317 = tpu.vector_load %arg12[%get3A_316] {strides = array<i32>} : memref<10240xi32, #tpu.memory_space<vmem>>, vector<16xi32>,
    %broadcast_in_dim3A_318 = arith.constant 0 : i32
    %broadcast_in_dim3A_319 = vector.broadcast %broadcast_in_dim3A_318 : i32 to vector<16xi32>
    %broadcast_in_dim3A_320 = arith.constant 0 : i32
    %broadcast_in_dim3A_321 = vector.broadcast %broadcast_in_dim3A_320 : i32 to vector<16xi32>
    %eq3A_322 = arith.constant 0 : i32
    %eq3A_323 = vector.broadcast %eq3A_322 : i32 to vector<16xi32>
    %eq3A_324 = arith.cmpi eq, %get3A_317, %eq3A_323 : vector<16xi32>
    %jit3A_325 = arith.constant 0 : i32
    %broadcast_in_dim3A_326 = vector.broadcast %jit3A_325 : i32 to vector<16xi32>
    %select_n3A_327 = arith.select %eq3A_324, %broadcast_in_dim3A_326, %broadcast_in_dim3A_319 : vector<16xi1>, vector<16xi32>
    %eq3A_328 = arith.constant 0 : i32
    %eq3A_329 = vector.broadcast %eq3A_328 : i32 to vector<16xi32>
    %eq3A_330 = arith.cmpi eq, %get3A_317, %eq3A_329 : vector<16xi32>
    %broadcast_in_dim3A_331 = vector.broadcast %scan3A_67#0 : i32 to vector<16xi32>
    %select_n3A_332 = arith.select %eq3A_330, %broadcast_in_dim3A_331, %broadcast_in_dim3A_321 : vector<16xi1>, vector<16xi32>
    %eq3A_333 = arith.constant 1 : i32
    %eq3A_334 = vector.broadcast %eq3A_333 : i32 to vector<16xi32>
    %eq3A_335 = arith.cmpi eq, %get3A_317, %eq3A_334 : vector<16xi32>
    %broadcast_in_dim3A_336 = vector.broadcast %scan3A_67#0 : i32 to vector<16xi32>
    %select_n3A_337 = arith.select %eq3A_335, %broadcast_in_dim3A_336, %select_n3A_327 : vector<16xi1>, vector<16xi32>
    %eq3A_338 = arith.constant 1 : i32
    %eq3A_339 = vector.broadcast %eq3A_338 : i32 to vector<16xi32>
    %eq3A_340 = arith.cmpi eq, %get3A_317, %eq3A_339 : vector<16xi32>
    %broadcast_in_dim3A_341 = vector.broadcast %scan3A_76#0 : i32 to vector<16xi32>
    %select_n3A_342 = arith.select %eq3A_340, %broadcast_in_dim3A_341, %select_n3A_332 : vector<16xi1>, vector<16xi32>
    %eq3A_343 = arith.constant 2 : i32
    %eq3A_344 = vector.broadcast %eq3A_343 : i32 to vector<16xi32>
    %eq3A_345 = arith.cmpi eq, %get3A_317, %eq3A_344 : vector<16xi32>
    %broadcast_in_dim3A_346 = vector.broadcast %scan3A_76#0 : i32 to vector<16xi32>
    %select_n3A_347 = arith.select %eq3A_345, %broadcast_in_dim3A_346, %select_n3A_337 : vector<16xi1>, vector<16xi32>
    %eq3A_348 = arith.constant 2 : i32
    %eq3A_349 = vector.broadcast %eq3A_348 : i32 to vector<16xi32>
    %eq3A_350 = arith.cmpi eq, %get3A_317, %eq3A_349 : vector<16xi32>
    %broadcast_in_dim3A_351 = vector.broadcast %scan3A_85#0 : i32 to vector<16xi32>
    %select_n3A_352 = arith.select %eq3A_350, %broadcast_in_dim3A_351, %select_n3A_342 : vector<16xi1>, vector<16xi32>
    %eq3A_353 = arith.constant 3 : i32
    %eq3A_354 = vector.broadcast %eq3A_353 : i32 to vector<16xi32>
    %eq3A_355 = arith.cmpi eq, %get3A_317, %eq3A_354 : vector<16xi32>
    %broadcast_in_dim3A_356 = vector.broadcast %scan3A_85#0 : i32 to vector<16xi32>
    %select_n3A_357 = arith.select %eq3A_355, %broadcast_in_dim3A_356, %select_n3A_347 : vector<16xi1>, vector<16xi32>
    %eq3A_358 = arith.constant 3 : i32
    %eq3A_359 = vector.broadcast %eq3A_358 : i32 to vector<16xi32>
    %eq3A_360 = arith.cmpi eq, %get3A_317, %eq3A_359 : vector<16xi32>
    %broadcast_in_dim3A_361 = vector.broadcast %scan3A_94#0 : i32 to vector<16xi32>
    %select_n3A_362 = arith.select %eq3A_360, %broadcast_in_dim3A_361, %select_n3A_352 : vector<16xi1>, vector<16xi32>
    %eq3A_363 = arith.constant 4 : i32
    %eq3A_364 = vector.broadcast %eq3A_363 : i32 to vector<16xi32>
    %eq3A_365 = arith.cmpi eq, %get3A_317, %eq3A_364 : vector<16xi32>
    %broadcast_in_dim3A_366 = vector.broadcast %scan3A_94#0 : i32 to vector<16xi32>
    %select_n3A_367 = arith.select %eq3A_365, %broadcast_in_dim3A_366, %select_n3A_357 : vector<16xi1>, vector<16xi32>
    %eq3A_368 = arith.constant 4 : i32
    %eq3A_369 = vector.broadcast %eq3A_368 : i32 to vector<16xi32>
    %eq3A_370 = arith.cmpi eq, %get3A_317, %eq3A_369 : vector<16xi32>
    %broadcast_in_dim3A_371 = vector.broadcast %scan3A_103#0 : i32 to vector<16xi32>
    %select_n3A_372 = arith.select %eq3A_370, %broadcast_in_dim3A_371, %select_n3A_362 : vector<16xi1>, vector<16xi32>
    %eq3A_373 = arith.constant 5 : i32
    %eq3A_374 = vector.broadcast %eq3A_373 : i32 to vector<16xi32>
    %eq3A_375 = arith.cmpi eq, %get3A_317, %eq3A_374 : vector<16xi32>
    %broadcast_in_dim3A_376 = vector.broadcast %scan3A_103#0 : i32 to vector<16xi32>
    %select_n3A_377 = arith.select %eq3A_375, %broadcast_in_dim3A_376, %select_n3A_367 : vector<16xi1>, vector<16xi32>
    %eq3A_378 = arith.constant 5 : i32
    %eq3A_379 = vector.broadcast %eq3A_378 : i32 to vector<16xi32>
    %eq3A_380 = arith.cmpi eq, %get3A_317, %eq3A_379 : vector<16xi32>
    %broadcast_in_dim3A_381 = vector.broadcast %scan3A_112#0 : i32 to vector<16xi32>
    %select_n3A_382 = arith.select %eq3A_380, %broadcast_in_dim3A_381, %select_n3A_372 : vector<16xi1>, vector<16xi32>
    %eq3A_383 = arith.constant 6 : i32
    %eq3A_384 = vector.broadcast %eq3A_383 : i32 to vector<16xi32>
    %eq3A_385 = arith.cmpi eq, %get3A_317, %eq3A_384 : vector<16xi32>
    %broadcast_in_dim3A_386 = vector.broadcast %scan3A_112#0 : i32 to vector<16xi32>
    %select_n3A_387 = arith.select %eq3A_385, %broadcast_in_dim3A_386, %select_n3A_377 : vector<16xi1>, vector<16xi32>
    %eq3A_388 = arith.constant 6 : i32
    %eq3A_389 = vector.broadcast %eq3A_388 : i32 to vector<16xi32>
    %eq3A_390 = arith.cmpi eq, %get3A_317, %eq3A_389 : vector<16xi32>
    %broadcast_in_dim3A_391 = vector.broadcast %scan3A_121#0 : i32 to vector<16xi32>
    %select_n3A_392 = arith.select %eq3A_390, %broadcast_in_dim3A_391, %select_n3A_382 : vector<16xi1>, vector<16xi32>
    %eq3A_393 = arith.constant 7 : i32
    %eq3A_394 = vector.broadcast %eq3A_393 : i32 to vector<16xi32>
    %eq3A_395 = arith.cmpi eq, %get3A_317, %eq3A_394 : vector<16xi32>
    %broadcast_in_dim3A_396 = vector.broadcast %scan3A_121#0 : i32 to vector<16xi32>
    %select_n3A_397 = arith.select %eq3A_395, %broadcast_in_dim3A_396, %select_n3A_387 : vector<16xi1>, vector<16xi32>
    %eq3A_398 = arith.constant 7 : i32
    %eq3A_399 = vector.broadcast %eq3A_398 : i32 to vector<16xi32>
    %eq3A_400 = arith.cmpi eq, %get3A_317, %eq3A_399 : vector<16xi32>
    %broadcast_in_dim3A_401 = vector.broadcast %scan3A_130#0 : i32 to vector<16xi32>
    %select_n3A_402 = arith.select %eq3A_400, %broadcast_in_dim3A_401, %select_n3A_392 : vector<16xi1>, vector<16xi32>
    %swap3A_403 = arith.constant 32 : index
    %swap3A_404 = tpu.vector_load %arg13[%swap3A_403] {strides = array<i32>} : memref<336xi32, #tpu.memory_space<vmem>>, vector<16xi32>,
    tpu.vector_store %arg13[%swap3A_403], %select_n3A_397 {strides = array<i32>} : memref<336xi32, #tpu.memory_space<vmem>>, vector<16xi32>,
    %swap3A_405 = arith.constant 32 : index
    %swap3A_406 = tpu.vector_load %arg14[%swap3A_405] {strides = array<i32>} : memref<336xi32, #tpu.memory_space<vmem>>, vector<16xi32>,
    tpu.vector_store %arg14[%swap3A_405], %select_n3A_402 {strides = array<i32>} : memref<336xi32, #tpu.memory_space<vmem>>, vector<16xi32>,
    %add3A_407 = arith.constant 48 : i32
    %add3A_408 = arith.addi %mul3A_2, %add3A_407 : i32
    %get3A_409 = arith.index_cast %add3A_408 : i32 to index
    %get3A_410 = tpu.vector_load %arg12[%get3A_409] {strides = array<i32>} : memref<10240xi32, #tpu.memory_space<vmem>>, vector<16xi32>,
    %broadcast_in_dim3A_411 = arith.constant 0 : i32
    %broadcast_in_dim3A_412 = vector.broadcast %broadcast_in_dim3A_411 : i32 to vector<16xi32>
    %broadcast_in_dim3A_413 = arith.constant 0 : i32
    %broadcast_in_dim3A_414 = vector.broadcast %broadcast_in_dim3A_413 : i32 to vector<16xi32>
    %eq3A_415 = arith.constant 0 : i32
    %eq3A_416 = vector.broadcast %eq3A_415 : i32 to vector<16xi32>
    %eq3A_417 = arith.cmpi eq, %get3A_410, %eq3A_416 : vector<16xi32>
    %jit3A_418 = arith.constant 0 : i32
    %broadcast_in_dim3A_419 = vector.broadcast %jit3A_418 : i32 to vector<16xi32>
    %select_n3A_420 = arith.select %eq3A_417, %broadcast_in_dim3A_419, %broadcast_in_dim3A_412 : vector<16xi1>, vector<16xi32>
    %eq3A_421 = arith.constant 0 : i32
    %eq3A_422 = vector.broadcast %eq3A_421 : i32 to vector<16xi32>
    %eq3A_423 = arith.cmpi eq, %get3A_410, %eq3A_422 : vector<16xi32>
    %broadcast_in_dim3A_424 = vector.broadcast %scan3A_67#0 : i32 to vector<16xi32>
    %select_n3A_425 = arith.select %eq3A_423, %broadcast_in_dim3A_424, %broadcast_in_dim3A_414 : vector<16xi1>, vector<16xi32>
    %eq3A_426 = arith.constant 1 : i32
    %eq3A_427 = vector.broadcast %eq3A_426 : i32 to vector<16xi32>
    %eq3A_428 = arith.cmpi eq, %get3A_410, %eq3A_427 : vector<16xi32>
    %broadcast_in_dim3A_429 = vector.broadcast %scan3A_67#0 : i32 to vector<16xi32>
    %select_n3A_430 = arith.select %eq3A_428, %broadcast_in_dim3A_429, %select_n3A_420 : vector<16xi1>, vector<16xi32>
    %eq3A_431 = arith.constant 1 : i32
    %eq3A_432 = vector.broadcast %eq3A_431 : i32 to vector<16xi32>
    %eq3A_433 = arith.cmpi eq, %get3A_410, %eq3A_432 : vector<16xi32>
    %broadcast_in_dim3A_434 = vector.broadcast %scan3A_76#0 : i32 to vector<16xi32>
    %select_n3A_435 = arith.select %eq3A_433, %broadcast_in_dim3A_434, %select_n3A_425 : vector<16xi1>, vector<16xi32>
    %eq3A_436 = arith.constant 2 : i32
    %eq3A_437 = vector.broadcast %eq3A_436 : i32 to vector<16xi32>
    %eq3A_438 = arith.cmpi eq, %get3A_410, %eq3A_437 : vector<16xi32>
    %broadcast_in_dim3A_439 = vector.broadcast %scan3A_76#0 : i32 to vector<16xi32>
    %select_n3A_440 = arith.select %eq3A_438, %broadcast_in_dim3A_439, %select_n3A_430 : vector<16xi1>, vector<16xi32>
    %eq3A_441 = arith.constant 2 : i32
    %eq3A_442 = vector.broadcast %eq3A_441 : i32 to vector<16xi32>
    %eq3A_443 = arith.cmpi eq, %get3A_410, %eq3A_442 : vector<16xi32>
    %broadcast_in_dim3A_444 = vector.broadcast %scan3A_85#0 : i32 to vector<16xi32>
    %select_n3A_445 = arith.select %eq3A_443, %broadcast_in_dim3A_444, %select_n3A_435 : vector<16xi1>, vector<16xi32>
    %eq3A_446 = arith.constant 3 : i32
    %eq3A_447 = vector.broadcast %eq3A_446 : i32 to vector<16xi32>
    %eq3A_448 = arith.cmpi eq, %get3A_410, %eq3A_447 : vector<16xi32>
    %broadcast_in_dim3A_449 = vector.broadcast %scan3A_85#0 : i32 to vector<16xi32>
    %select_n3A_450 = arith.select %eq3A_448, %broadcast_in_dim3A_449, %select_n3A_440 : vector<16xi1>, vector<16xi32>
    %eq3A_451 = arith.constant 3 : i32
    %eq3A_452 = vector.broadcast %eq3A_451 : i32 to vector<16xi32>
    %eq3A_453 = arith.cmpi eq, %get3A_410, %eq3A_452 : vector<16xi32>
    %broadcast_in_dim3A_454 = vector.broadcast %scan3A_94#0 : i32 to vector<16xi32>
    %select_n3A_455 = arith.select %eq3A_453, %broadcast_in_dim3A_454, %select_n3A_445 : vector<16xi1>, vector<16xi32>
    %eq3A_456 = arith.constant 4 : i32
    %eq3A_457 = vector.broadcast %eq3A_456 : i32 to vector<16xi32>
    %eq3A_458 = arith.cmpi eq, %get3A_410, %eq3A_457 : vector<16xi32>
    %broadcast_in_dim3A_459 = vector.broadcast %scan3A_94#0 : i32 to vector<16xi32>
    %select_n3A_460 = arith.select %eq3A_458, %broadcast_in_dim3A_459, %select_n3A_450 : vector<16xi1>, vector<16xi32>
    %eq3A_461 = arith.constant 4 : i32
    %eq3A_462 = vector.broadcast %eq3A_461 : i32 to vector<16xi32>
    %eq3A_463 = arith.cmpi eq, %get3A_410, %eq3A_462 : vector<16xi32>
    %broadcast_in_dim3A_464 = vector.broadcast %scan3A_103#0 : i32 to vector<16xi32>
    %select_n3A_465 = arith.select %eq3A_463, %broadcast_in_dim3A_464, %select_n3A_455 : vector<16xi1>, vector<16xi32>
    %eq3A_466 = arith.constant 5 : i32
    %eq3A_467 = vector.broadcast %eq3A_466 : i32 to vector<16xi32>
    %eq3A_468 = arith.cmpi eq, %get3A_410, %eq3A_467 : vector<16xi32>
    %broadcast_in_dim3A_469 = vector.broadcast %scan3A_103#0 : i32 to vector<16xi32>
    %select_n3A_470 = arith.select %eq3A_468, %broadcast_in_dim3A_469, %select_n3A_460 : vector<16xi1>, vector<16xi32>
    %eq3A_471 = arith.constant 5 : i32
    %eq3A_472 = vector.broadcast %eq3A_471 : i32 to vector<16xi32>
    %eq3A_473 = arith.cmpi eq, %get3A_410, %eq3A_472 : vector<16xi32>
    %broadcast_in_dim3A_474 = vector.broadcast %scan3A_112#0 : i32 to vector<16xi32>
    %select_n3A_475 = arith.select %eq3A_473, %broadcast_in_dim3A_474, %select_n3A_465 : vector<16xi1>, vector<16xi32>
    %eq3A_476 = arith.constant 6 : i32
    %eq3A_477 = vector.broadcast %eq3A_476 : i32 to vector<16xi32>
    %eq3A_478 = arith.cmpi eq, %get3A_410, %eq3A_477 : vector<16xi32>
    %broadcast_in_dim3A_479 = vector.broadcast %scan3A_112#0 : i32 to vector<16xi32>
    %select_n3A_480 = arith.select %eq3A_478, %broadcast_in_dim3A_479, %select_n3A_470 : vector<16xi1>, vector<16xi32>
    %eq3A_481 = arith.constant 6 : i32
    %eq3A_482 = vector.broadcast %eq3A_481 : i32 to vector<16xi32>
    %eq3A_483 = arith.cmpi eq, %get3A_410, %eq3A_482 : vector<16xi32>
    %broadcast_in_dim3A_484 = vector.broadcast %scan3A_121#0 : i32 to vector<16xi32>
    %select_n3A_485 = arith.select %eq3A_483, %broadcast_in_dim3A_484, %select_n3A_475 : vector<16xi1>, vector<16xi32>
    %eq3A_486 = arith.constant 7 : i32
    %eq3A_487 = vector.broadcast %eq3A_486 : i32 to vector<16xi32>
    %eq3A_488 = arith.cmpi eq, %get3A_410, %eq3A_487 : vector<16xi32>
    %broadcast_in_dim3A_489 = vector.broadcast %scan3A_121#0 : i32 to vector<16xi32>
    %select_n3A_490 = arith.select %eq3A_488, %broadcast_in_dim3A_489, %select_n3A_480 : vector<16xi1>, vector<16xi32>
    %eq3A_491 = arith.constant 7 : i32
    %eq3A_492 = vector.broadcast %eq3A_491 : i32 to vector<16xi32>
    %eq3A_493 = arith.cmpi eq, %get3A_410, %eq3A_492 : vector<16xi32>
    %broadcast_in_dim3A_494 = vector.broadcast %scan3A_130#0 : i32 to vector<16xi32>
    %select_n3A_495 = arith.select %eq3A_493, %broadcast_in_dim3A_494, %select_n3A_485 : vector<16xi1>, vector<16xi32>
    %swap3A_496 = arith.constant 48 : index
    %swap3A_497 = tpu.vector_load %arg13[%swap3A_496] {strides = array<i32>} : memref<336xi32, #tpu.memory_space<vmem>>, vector<16xi32>,
    tpu.vector_store %arg13[%swap3A_496], %select_n3A_490 {strides = array<i32>} : memref<336xi32, #tpu.memory_space<vmem>>, vector<16xi32>,
    %swap3A_498 = arith.constant 48 : index
    %swap3A_499 = tpu.vector_load %arg14[%swap3A_498] {strides = array<i32>} : memref<336xi32, #tpu.memory_space<vmem>>, vector<16xi32>,
    tpu.vector_store %arg14[%swap3A_498], %select_n3A_495 {strides = array<i32>} : memref<336xi32, #tpu.memory_space<vmem>>, vector<16xi32>,
    %add3A_500 = arith.constant 64 : i32
    %add3A_501 = arith.addi %mul3A_2, %add3A_500 : i32
    %get3A_502 = arith.index_cast %add3A_501 : i32 to index
    %get3A_503 = tpu.vector_load %arg12[%get3A_502] {strides = array<i32>} : memref<10240xi32, #tpu.memory_space<vmem>>, vector<16xi32>,
    %broadcast_in_dim3A_504 = arith.constant 0 : i32
    %broadcast_in_dim3A_505 = vector.broadcast %broadcast_in_dim3A_504 : i32 to vector<16xi32>
    %broadcast_in_dim3A_506 = arith.constant 0 : i32
    %broadcast_in_dim3A_507 = vector.broadcast %broadcast_in_dim3A_506 : i32 to vector<16xi32>
    %eq3A_508 = arith.constant 0 : i32
    %eq3A_509 = vector.broadcast %eq3A_508 : i32 to vector<16xi32>
    %eq3A_510 = arith.cmpi eq, %get3A_503, %eq3A_509 : vector<16xi32>
    %jit3A_511 = arith.constant 0 : i32
    %broadcast_in_dim3A_512 = vector.broadcast %jit3A_511 : i32 to vector<16xi32>
    %select_n3A_513 = arith.select %eq3A_510, %broadcast_in_dim3A_512, %broadcast_in_dim3A_505 : vector<16xi1>, vector<16xi32>
    %eq3A_514 = arith.constant 0 : i32
    %eq3A_515 = vector.broadcast %eq3A_514 : i32 to vector<16xi32>
    %eq3A_516 = arith.cmpi eq, %get3A_503, %eq3A_515 : vector<16xi32>
    %broadcast_in_dim3A_517 = vector.broadcast %scan3A_67#0 : i32 to vector<16xi32>
    %select_n3A_518 = arith.select %eq3A_516, %broadcast_in_dim3A_517, %broadcast_in_dim3A_507 : vector<16xi1>, vector<16xi32>
    %eq3A_519 = arith.constant 1 : i32
    %eq3A_520 = vector.broadcast %eq3A_519 : i32 to vector<16xi32>
    %eq3A_521 = arith.cmpi eq, %get3A_503, %eq3A_520 : vector<16xi32>
    %broadcast_in_dim3A_522 = vector.broadcast %scan3A_67#0 : i32 to vector<16xi32>
    %select_n3A_523 = arith.select %eq3A_521, %broadcast_in_dim3A_522, %select_n3A_513 : vector<16xi1>, vector<16xi32>
    %eq3A_524 = arith.constant 1 : i32
    %eq3A_525 = vector.broadcast %eq3A_524 : i32 to vector<16xi32>
    %eq3A_526 = arith.cmpi eq, %get3A_503, %eq3A_525 : vector<16xi32>
    %broadcast_in_dim3A_527 = vector.broadcast %scan3A_76#0 : i32 to vector<16xi32>
    %select_n3A_528 = arith.select %eq3A_526, %broadcast_in_dim3A_527, %select_n3A_518 : vector<16xi1>, vector<16xi32>
    %eq3A_529 = arith.constant 2 : i32
    %eq3A_530 = vector.broadcast %eq3A_529 : i32 to vector<16xi32>
    %eq3A_531 = arith.cmpi eq, %get3A_503, %eq3A_530 : vector<16xi32>
    %broadcast_in_dim3A_532 = vector.broadcast %scan3A_76#0 : i32 to vector<16xi32>
    %select_n3A_533 = arith.select %eq3A_531, %broadcast_in_dim3A_532, %select_n3A_523 : vector<16xi1>, vector<16xi32>
    %eq3A_534 = arith.constant 2 : i32
    %eq3A_535 = vector.broadcast %eq3A_534 : i32 to vector<16xi32>
    %eq3A_536 = arith.cmpi eq, %get3A_503, %eq3A_535 : vector<16xi32>
    %broadcast_in_dim3A_537 = vector.broadcast %scan3A_85#0 : i32 to vector<16xi32>
    %select_n3A_538 = arith.select %eq3A_536, %broadcast_in_dim3A_537, %select_n3A_528 : vector<16xi1>, vector<16xi32>
    %eq3A_539 = arith.constant 3 : i32
    %eq3A_540 = vector.broadcast %eq3A_539 : i32 to vector<16xi32>
    %eq3A_541 = arith.cmpi eq, %get3A_503, %eq3A_540 : vector<16xi32>
    %broadcast_in_dim3A_542 = vector.broadcast %scan3A_85#0 : i32 to vector<16xi32>
    %select_n3A_543 = arith.select %eq3A_541, %broadcast_in_dim3A_542, %select_n3A_533 : vector<16xi1>, vector<16xi32>
    %eq3A_544 = arith.constant 3 : i32
    %eq3A_545 = vector.broadcast %eq3A_544 : i32 to vector<16xi32>
    %eq3A_546 = arith.cmpi eq, %get3A_503, %eq3A_545 : vector<16xi32>
    %broadcast_in_dim3A_547 = vector.broadcast %scan3A_94#0 : i32 to vector<16xi32>
    %select_n3A_548 = arith.select %eq3A_546, %broadcast_in_dim3A_547, %select_n3A_538 : vector<16xi1>, vector<16xi32>
    %eq3A_549 = arith.constant 4 : i32
    %eq3A_550 = vector.broadcast %eq3A_549 : i32 to vector<16xi32>
    %eq3A_551 = arith.cmpi eq, %get3A_503, %eq3A_550 : vector<16xi32>
    %broadcast_in_dim3A_552 = vector.broadcast %scan3A_94#0 : i32 to vector<16xi32>
    %select_n3A_553 = arith.select %eq3A_551, %broadcast_in_dim3A_552, %select_n3A_543 : vector<16xi1>, vector<16xi32>
    %eq3A_554 = arith.constant 4 : i32
    %eq3A_555 = vector.broadcast %eq3A_554 : i32 to vector<16xi32>
    %eq3A_556 = arith.cmpi eq, %get3A_503, %eq3A_555 : vector<16xi32>
    %broadcast_in_dim3A_557 = vector.broadcast %scan3A_103#0 : i32 to vector<16xi32>
    %select_n3A_558 = arith.select %eq3A_556, %broadcast_in_dim3A_557, %select_n3A_548 : vector<16xi1>, vector<16xi32>
    %eq3A_559 = arith.constant 5 : i32
    %eq3A_560 = vector.broadcast %eq3A_559 : i32 to vector<16xi32>
    %eq3A_561 = arith.cmpi eq, %get3A_503, %eq3A_560 : vector<16xi32>
    %broadcast_in_dim3A_562 = vector.broadcast %scan3A_103#0 : i32 to vector<16xi32>
    %select_n3A_563 = arith.select %eq3A_561, %broadcast_in_dim3A_562, %select_n3A_553 : vector<16xi1>, vector<16xi32>
    %eq3A_564 = arith.constant 5 : i32
    %eq3A_565 = vector.broadcast %eq3A_564 : i32 to vector<16xi32>
    %eq3A_566 = arith.cmpi eq, %get3A_503, %eq3A_565 : vector<16xi32>
    %broadcast_in_dim3A_567 = vector.broadcast %scan3A_112#0 : i32 to vector<16xi32>
    %select_n3A_568 = arith.select %eq3A_566, %broadcast_in_dim3A_567, %select_n3A_558 : vector<16xi1>, vector<16xi32>
    %eq3A_569 = arith.constant 6 : i32
    %eq3A_570 = vector.broadcast %eq3A_569 : i32 to vector<16xi32>
    %eq3A_571 = arith.cmpi eq, %get3A_503, %eq3A_570 : vector<16xi32>
    %broadcast_in_dim3A_572 = vector.broadcast %scan3A_112#0 : i32 to vector<16xi32>
    %select_n3A_573 = arith.select %eq3A_571, %broadcast_in_dim3A_572, %select_n3A_563 : vector<16xi1>, vector<16xi32>
    %eq3A_574 = arith.constant 6 : i32
    %eq3A_575 = vector.broadcast %eq3A_574 : i32 to vector<16xi32>
    %eq3A_576 = arith.cmpi eq, %get3A_503, %eq3A_575 : vector<16xi32>
    %broadcast_in_dim3A_577 = vector.broadcast %scan3A_121#0 : i32 to vector<16xi32>
    %select_n3A_578 = arith.select %eq3A_576, %broadcast_in_dim3A_577, %select_n3A_568 : vector<16xi1>, vector<16xi32>
    %eq3A_579 = arith.constant 7 : i32
    %eq3A_580 = vector.broadcast %eq3A_579 : i32 to vector<16xi32>
    %eq3A_581 = arith.cmpi eq, %get3A_503, %eq3A_580 : vector<16xi32>
    %broadcast_in_dim3A_582 = vector.broadcast %scan3A_121#0 : i32 to vector<16xi32>
    %select_n3A_583 = arith.select %eq3A_581, %broadcast_in_dim3A_582, %select_n3A_573 : vector<16xi1>, vector<16xi32>
    %eq3A_584 = arith.constant 7 : i32
    %eq3A_585 = vector.broadcast %eq3A_584 : i32 to vector<16xi32>
    %eq3A_586 = arith.cmpi eq, %get3A_503, %eq3A_585 : vector<16xi32>
    %broadcast_in_dim3A_587 = vector.broadcast %scan3A_130#0 : i32 to vector<16xi32>
    %select_n3A_588 = arith.select %eq3A_586, %broadcast_in_dim3A_587, %select_n3A_578 : vector<16xi1>, vector<16xi32>
    %swap3A_589 = arith.constant 64 : index
    %swap3A_590 = tpu.vector_load %arg13[%swap3A_589] {strides = array<i32>} : memref<336xi32, #tpu.memory_space<vmem>>, vector<16xi32>,
    tpu.vector_store %arg13[%swap3A_589], %select_n3A_583 {strides = array<i32>} : memref<336xi32, #tpu.memory_space<vmem>>, vector<16xi32>,
    %swap3A_591 = arith.constant 64 : index
    %swap3A_592 = tpu.vector_load %arg14[%swap3A_591] {strides = array<i32>} : memref<336xi32, #tpu.memory_space<vmem>>, vector<16xi32>,
    tpu.vector_store %arg14[%swap3A_591], %select_n3A_588 {strides = array<i32>} : memref<336xi32, #tpu.memory_space<vmem>>, vector<16xi32>,
    %add3A_593 = arith.constant 80 : i32
    %add3A_594 = arith.addi %mul3A_2, %add3A_593 : i32
    %get3A_595 = arith.index_cast %add3A_594 : i32 to index
    %get3A_596 = tpu.vector_load %arg12[%get3A_595] {strides = array<i32>} : memref<10240xi32, #tpu.memory_space<vmem>>, vector<16xi32>,
    %broadcast_in_dim3A_597 = arith.constant 0 : i32
    %broadcast_in_dim3A_598 = vector.broadcast %broadcast_in_dim3A_597 : i32 to vector<16xi32>
    %broadcast_in_dim3A_599 = arith.constant 0 : i32
    %broadcast_in_dim3A_600 = vector.broadcast %broadcast_in_dim3A_599 : i32 to vector<16xi32>
    %eq3A_601 = arith.constant 0 : i32
    %eq3A_602 = vector.broadcast %eq3A_601 : i32 to vector<16xi32>
    %eq3A_603 = arith.cmpi eq, %get3A_596, %eq3A_602 : vector<16xi32>
    %jit3A_604 = arith.constant 0 : i32
    %broadcast_in_dim3A_605 = vector.broadcast %jit3A_604 : i32 to vector<16xi32>
    %select_n3A_606 = arith.select %eq3A_603, %broadcast_in_dim3A_605, %broadcast_in_dim3A_598 : vector<16xi1>, vector<16xi32>
    %eq3A_607 = arith.constant 0 : i32
    %eq3A_608 = vector.broadcast %eq3A_607 : i32 to vector<16xi32>
    %eq3A_609 = arith.cmpi eq, %get3A_596, %eq3A_608 : vector<16xi32>
    %broadcast_in_dim3A_610 = vector.broadcast %scan3A_67#0 : i32 to vector<16xi32>
    %select_n3A_611 = arith.select %eq3A_609, %broadcast_in_dim3A_610, %broadcast_in_dim3A_600 : vector<16xi1>, vector<16xi32>
    %eq3A_612 = arith.constant 1 : i32
    %eq3A_613 = vector.broadcast %eq3A_612 : i32 to vector<16xi32>
    %eq3A_614 = arith.cmpi eq, %get3A_596, %eq3A_613 : vector<16xi32>
    %broadcast_in_dim3A_615 = vector.broadcast %scan3A_67#0 : i32 to vector<16xi32>
    %select_n3A_616 = arith.select %eq3A_614, %broadcast_in_dim3A_615, %select_n3A_606 : vector<16xi1>, vector<16xi32>
    %eq3A_617 = arith.constant 1 : i32
    %eq3A_618 = vector.broadcast %eq3A_617 : i32 to vector<16xi32>
    %eq3A_619 = arith.cmpi eq, %get3A_596, %eq3A_618 : vector<16xi32>
    %broadcast_in_dim3A_620 = vector.broadcast %scan3A_76#0 : i32 to vector<16xi32>
    %select_n3A_621 = arith.select %eq3A_619, %broadcast_in_dim3A_620, %select_n3A_611 : vector<16xi1>, vector<16xi32>
    %eq3A_622 = arith.constant 2 : i32
    %eq3A_623 = vector.broadcast %eq3A_622 : i32 to vector<16xi32>
    %eq3A_624 = arith.cmpi eq, %get3A_596, %eq3A_623 : vector<16xi32>
    %broadcast_in_dim3A_625 = vector.broadcast %scan3A_76#0 : i32 to vector<16xi32>
    %select_n3A_626 = arith.select %eq3A_624, %broadcast_in_dim3A_625, %select_n3A_616 : vector<16xi1>, vector<16xi32>
    %eq3A_627 = arith.constant 2 : i32
    %eq3A_628 = vector.broadcast %eq3A_627 : i32 to vector<16xi32>
    %eq3A_629 = arith.cmpi eq, %get3A_596, %eq3A_628 : vector<16xi32>
    %broadcast_in_dim3A_630 = vector.broadcast %scan3A_85#0 : i32 to vector<16xi32>
    %select_n3A_631 = arith.select %eq3A_629, %broadcast_in_dim3A_630, %select_n3A_621 : vector<16xi1>, vector<16xi32>
    %eq3A_632 = arith.constant 3 : i32
    %eq3A_633 = vector.broadcast %eq3A_632 : i32 to vector<16xi32>
    %eq3A_634 = arith.cmpi eq, %get3A_596, %eq3A_633 : vector<16xi32>
    %broadcast_in_dim3A_635 = vector.broadcast %scan3A_85#0 : i32 to vector<16xi32>
    %select_n3A_636 = arith.select %eq3A_634, %broadcast_in_dim3A_635, %select_n3A_626 : vector<16xi1>, vector<16xi32>
    %eq3A_637 = arith.constant 3 : i32
    %eq3A_638 = vector.broadcast %eq3A_637 : i32 to vector<16xi32>
    %eq3A_639 = arith.cmpi eq, %get3A_596, %eq3A_638 : vector<16xi32>
    %broadcast_in_dim3A_640 = vector.broadcast %scan3A_94#0 : i32 to vector<16xi32>
    %select_n3A_641 = arith.select %eq3A_639, %broadcast_in_dim3A_640, %select_n3A_631 : vector<16xi1>, vector<16xi32>
    %eq3A_642 = arith.constant 4 : i32
    %eq3A_643 = vector.broadcast %eq3A_642 : i32 to vector<16xi32>
    %eq3A_644 = arith.cmpi eq, %get3A_596, %eq3A_643 : vector<16xi32>
    %broadcast_in_dim3A_645 = vector.broadcast %scan3A_94#0 : i32 to vector<16xi32>
    %select_n3A_646 = arith.select %eq3A_644, %broadcast_in_dim3A_645, %select_n3A_636 : vector<16xi1>, vector<16xi32>
    %eq3A_647 = arith.constant 4 : i32
    %eq3A_648 = vector.broadcast %eq3A_647 : i32 to vector<16xi32>
    %eq3A_649 = arith.cmpi eq, %get3A_596, %eq3A_648 : vector<16xi32>
    %broadcast_in_dim3A_650 = vector.broadcast %scan3A_103#0 : i32 to vector<16xi32>
    %select_n3A_651 = arith.select %eq3A_649, %broadcast_in_dim3A_650, %select_n3A_641 : vector<16xi1>, vector<16xi32>
    %eq3A_652 = arith.constant 5 : i32
    %eq3A_653 = vector.broadcast %eq3A_652 : i32 to vector<16xi32>
    %eq3A_654 = arith.cmpi eq, %get3A_596, %eq3A_653 : vector<16xi32>
    %broadcast_in_dim3A_655 = vector.broadcast %scan3A_103#0 : i32 to vector<16xi32>
    %select_n3A_656 = arith.select %eq3A_654, %broadcast_in_dim3A_655, %select_n3A_646 : vector<16xi1>, vector<16xi32>
    %eq3A_657 = arith.constant 5 : i32
    %eq3A_658 = vector.broadcast %eq3A_657 : i32 to vector<16xi32>
    %eq3A_659 = arith.cmpi eq, %get3A_596, %eq3A_658 : vector<16xi32>
    %broadcast_in_dim3A_660 = vector.broadcast %scan3A_112#0 : i32 to vector<16xi32>
    %select_n3A_661 = arith.select %eq3A_659, %broadcast_in_dim3A_660, %select_n3A_651 : vector<16xi1>, vector<16xi32>
    %eq3A_662 = arith.constant 6 : i32
    %eq3A_663 = vector.broadcast %eq3A_662 : i32 to vector<16xi32>
    %eq3A_664 = arith.cmpi eq, %get3A_596, %eq3A_663 : vector<16xi32>
    %broadcast_in_dim3A_665 = vector.broadcast %scan3A_112#0 : i32 to vector<16xi32>
    %select_n3A_666 = arith.select %eq3A_664, %broadcast_in_dim3A_665, %select_n3A_656 : vector<16xi1>, vector<16xi32>
    %eq3A_667 = arith.constant 6 : i32
    %eq3A_668 = vector.broadcast %eq3A_667 : i32 to vector<16xi32>
    %eq3A_669 = arith.cmpi eq, %get3A_596, %eq3A_668 : vector<16xi32>
    %broadcast_in_dim3A_670 = vector.broadcast %scan3A_121#0 : i32 to vector<16xi32>
    %select_n3A_671 = arith.select %eq3A_669, %broadcast_in_dim3A_670, %select_n3A_661 : vector<16xi1>, vector<16xi32>
    %eq3A_672 = arith.constant 7 : i32
    %eq3A_673 = vector.broadcast %eq3A_672 : i32 to vector<16xi32>
    %eq3A_674 = arith.cmpi eq, %get3A_596, %eq3A_673 : vector<16xi32>
    %broadcast_in_dim3A_675 = vector.broadcast %scan3A_121#0 : i32 to vector<16xi32>
    %select_n3A_676 = arith.select %eq3A_674, %broadcast_in_dim3A_675, %select_n3A_666 : vector<16xi1>, vector<16xi32>
    %eq3A_677 = arith.constant 7 : i32
    %eq3A_678 = vector.broadcast %eq3A_677 : i32 to vector<16xi32>
    %eq3A_679 = arith.cmpi eq, %get3A_596, %eq3A_678 : vector<16xi32>
    %broadcast_in_dim3A_680 = vector.broadcast %scan3A_130#0 : i32 to vector<16xi32>
    %select_n3A_681 = arith.select %eq3A_679, %broadcast_in_dim3A_680, %select_n3A_671 : vector<16xi1>, vector<16xi32>
    %swap3A_682 = arith.constant 80 : index
    %swap3A_683 = tpu.vector_load %arg13[%swap3A_682] {strides = array<i32>} : memref<336xi32, #tpu.memory_space<vmem>>, vector<16xi32>,
    tpu.vector_store %arg13[%swap3A_682], %select_n3A_676 {strides = array<i32>} : memref<336xi32, #tpu.memory_space<vmem>>, vector<16xi32>,
    %swap3A_684 = arith.constant 80 : index
    %swap3A_685 = tpu.vector_load %arg14[%swap3A_684] {strides = array<i32>} : memref<336xi32, #tpu.memory_space<vmem>>, vector<16xi32>,
    tpu.vector_store %arg14[%swap3A_684], %select_n3A_681 {strides = array<i32>} : memref<336xi32, #tpu.memory_space<vmem>>, vector<16xi32>,
    %add3A_686 = arith.constant 96 : i32
    %add3A_687 = arith.addi %mul3A_2, %add3A_686 : i32
    %get3A_688 = arith.index_cast %add3A_687 : i32 to index
    %get3A_689 = tpu.vector_load %arg12[%get3A_688] {strides = array<i32>} : memref<10240xi32, #tpu.memory_space<vmem>>, vector<16xi32>,
    %broadcast_in_dim3A_690 = arith.constant 0 : i32
    %broadcast_in_dim3A_691 = vector.broadcast %broadcast_in_dim3A_690 : i32 to vector<16xi32>
    %broadcast_in_dim3A_692 = arith.constant 0 : i32
    %broadcast_in_dim3A_693 = vector.broadcast %broadcast_in_dim3A_692 : i32 to vector<16xi32>
    %eq3A_694 = arith.constant 0 : i32
    %eq3A_695 = vector.broadcast %eq3A_694 : i32 to vector<16xi32>
    %eq3A_696 = arith.cmpi eq, %get3A_689, %eq3A_695 : vector<16xi32>
    %jit3A_697 = arith.constant 0 : i32
    %broadcast_in_dim3A_698 = vector.broadcast %jit3A_697 : i32 to vector<16xi32>
    %select_n3A_699 = arith.select %eq3A_696, %broadcast_in_dim3A_698, %broadcast_in_dim3A_691 : vector<16xi1>, vector<16xi32>
    %eq3A_700 = arith.constant 0 : i32
    %eq3A_701 = vector.broadcast %eq3A_700 : i32 to vector<16xi32>
    %eq3A_702 = arith.cmpi eq, %get3A_689, %eq3A_701 : vector<16xi32>
    %broadcast_in_dim3A_703 = vector.broadcast %scan3A_67#0 : i32 to vector<16xi32>
    %select_n3A_704 = arith.select %eq3A_702, %broadcast_in_dim3A_703, %broadcast_in_dim3A_693 : vector<16xi1>, vector<16xi32>
    %eq3A_705 = arith.constant 1 : i32
    %eq3A_706 = vector.broadcast %eq3A_705 : i32 to vector<16xi32>
    %eq3A_707 = arith.cmpi eq, %get3A_689, %eq3A_706 : vector<16xi32>
    %broadcast_in_dim3A_708 = vector.broadcast %scan3A_67#0 : i32 to vector<16xi32>
    %select_n3A_709 = arith.select %eq3A_707, %broadcast_in_dim3A_708, %select_n3A_699 : vector<16xi1>, vector<16xi32>
    %eq3A_710 = arith.constant 1 : i32
    %eq3A_711 = vector.broadcast %eq3A_710 : i32 to vector<16xi32>
    %eq3A_712 = arith.cmpi eq, %get3A_689, %eq3A_711 : vector<16xi32>
    %broadcast_in_dim3A_713 = vector.broadcast %scan3A_76#0 : i32 to vector<16xi32>
    %select_n3A_714 = arith.select %eq3A_712, %broadcast_in_dim3A_713, %select_n3A_704 : vector<16xi1>, vector<16xi32>
    %eq3A_715 = arith.constant 2 : i32
    %eq3A_716 = vector.broadcast %eq3A_715 : i32 to vector<16xi32>
    %eq3A_717 = arith.cmpi eq, %get3A_689, %eq3A_716 : vector<16xi32>
    %broadcast_in_dim3A_718 = vector.broadcast %scan3A_76#0 : i32 to vector<16xi32>
    %select_n3A_719 = arith.select %eq3A_717, %broadcast_in_dim3A_718, %select_n3A_709 : vector<16xi1>, vector<16xi32>
    %eq3A_720 = arith.constant 2 : i32
    %eq3A_721 = vector.broadcast %eq3A_720 : i32 to vector<16xi32>
    %eq3A_722 = arith.cmpi eq, %get3A_689, %eq3A_721 : vector<16xi32>
    %broadcast_in_dim3A_723 = vector.broadcast %scan3A_85#0 : i32 to vector<16xi32>
    %select_n3A_724 = arith.select %eq3A_722, %broadcast_in_dim3A_723, %select_n3A_714 : vector<16xi1>, vector<16xi32>
    %eq3A_725 = arith.constant 3 : i32
    %eq3A_726 = vector.broadcast %eq3A_725 : i32 to vector<16xi32>
    %eq3A_727 = arith.cmpi eq, %get3A_689, %eq3A_726 : vector<16xi32>
    %broadcast_in_dim3A_728 = vector.broadcast %scan3A_85#0 : i32 to vector<16xi32>
    %select_n3A_729 = arith.select %eq3A_727, %broadcast_in_dim3A_728, %select_n3A_719 : vector<16xi1>, vector<16xi32>
    %eq3A_730 = arith.constant 3 : i32
    %eq3A_731 = vector.broadcast %eq3A_730 : i32 to vector<16xi32>
    %eq3A_732 = arith.cmpi eq, %get3A_689, %eq3A_731 : vector<16xi32>
    %broadcast_in_dim3A_733 = vector.broadcast %scan3A_94#0 : i32 to vector<16xi32>
    %select_n3A_734 = arith.select %eq3A_732, %broadcast_in_dim3A_733, %select_n3A_724 : vector<16xi1>, vector<16xi32>
    %eq3A_735 = arith.constant 4 : i32
    %eq3A_736 = vector.broadcast %eq3A_735 : i32 to vector<16xi32>
    %eq3A_737 = arith.cmpi eq, %get3A_689, %eq3A_736 : vector<16xi32>
    %broadcast_in_dim3A_738 = vector.broadcast %scan3A_94#0 : i32 to vector<16xi32>
    %select_n3A_739 = arith.select %eq3A_737, %broadcast_in_dim3A_738, %select_n3A_729 : vector<16xi1>, vector<16xi32>
    %eq3A_740 = arith.constant 4 : i32
    %eq3A_741 = vector.broadcast %eq3A_740 : i32 to vector<16xi32>
    %eq3A_742 = arith.cmpi eq, %get3A_689, %eq3A_741 : vector<16xi32>
    %broadcast_in_dim3A_743 = vector.broadcast %scan3A_103#0 : i32 to vector<16xi32>
    %select_n3A_744 = arith.select %eq3A_742, %broadcast_in_dim3A_743, %select_n3A_734 : vector<16xi1>, vector<16xi32>
    %eq3A_745 = arith.constant 5 : i32
    %eq3A_746 = vector.broadcast %eq3A_745 : i32 to vector<16xi32>
    %eq3A_747 = arith.cmpi eq, %get3A_689, %eq3A_746 : vector<16xi32>
    %broadcast_in_dim3A_748 = vector.broadcast %scan3A_103#0 : i32 to vector<16xi32>
    %select_n3A_749 = arith.select %eq3A_747, %broadcast_in_dim3A_748, %select_n3A_739 : vector<16xi1>, vector<16xi32>
    %eq3A_750 = arith.constant 5 : i32
    %eq3A_751 = vector.broadcast %eq3A_750 : i32 to vector<16xi32>
    %eq3A_752 = arith.cmpi eq, %get3A_689, %eq3A_751 : vector<16xi32>
    %broadcast_in_dim3A_753 = vector.broadcast %scan3A_112#0 : i32 to vector<16xi32>
    %select_n3A_754 = arith.select %eq3A_752, %broadcast_in_dim3A_753, %select_n3A_744 : vector<16xi1>, vector<16xi32>
    %eq3A_755 = arith.constant 6 : i32
    %eq3A_756 = vector.broadcast %eq3A_755 : i32 to vector<16xi32>
    %eq3A_757 = arith.cmpi eq, %get3A_689, %eq3A_756 : vector<16xi32>
    %broadcast_in_dim3A_758 = vector.broadcast %scan3A_112#0 : i32 to vector<16xi32>
    %select_n3A_759 = arith.select %eq3A_757, %broadcast_in_dim3A_758, %select_n3A_749 : vector<16xi1>, vector<16xi32>
    %eq3A_760 = arith.constant 6 : i32
    %eq3A_761 = vector.broadcast %eq3A_760 : i32 to vector<16xi32>
    %eq3A_762 = arith.cmpi eq, %get3A_689, %eq3A_761 : vector<16xi32>
    %broadcast_in_dim3A_763 = vector.broadcast %scan3A_121#0 : i32 to vector<16xi32>
    %select_n3A_764 = arith.select %eq3A_762, %broadcast_in_dim3A_763, %select_n3A_754 : vector<16xi1>, vector<16xi32>
    %eq3A_765 = arith.constant 7 : i32
    %eq3A_766 = vector.broadcast %eq3A_765 : i32 to vector<16xi32>
    %eq3A_767 = arith.cmpi eq, %get3A_689, %eq3A_766 : vector<16xi32>
    %broadcast_in_dim3A_768 = vector.broadcast %scan3A_121#0 : i32 to vector<16xi32>
    %select_n3A_769 = arith.select %eq3A_767, %broadcast_in_dim3A_768, %select_n3A_759 : vector<16xi1>, vector<16xi32>
    %eq3A_770 = arith.constant 7 : i32
    %eq3A_771 = vector.broadcast %eq3A_770 : i32 to vector<16xi32>
    %eq3A_772 = arith.cmpi eq, %get3A_689, %eq3A_771 : vector<16xi32>
    %broadcast_in_dim3A_773 = vector.broadcast %scan3A_130#0 : i32 to vector<16xi32>
    %select_n3A_774 = arith.select %eq3A_772, %broadcast_in_dim3A_773, %select_n3A_764 : vector<16xi1>, vector<16xi32>
    %swap3A_775 = arith.constant 96 : index
    %swap3A_776 = tpu.vector_load %arg13[%swap3A_775] {strides = array<i32>} : memref<336xi32, #tpu.memory_space<vmem>>, vector<16xi32>,
    tpu.vector_store %arg13[%swap3A_775], %select_n3A_769 {strides = array<i32>} : memref<336xi32, #tpu.memory_space<vmem>>, vector<16xi32>,
    %swap3A_777 = arith.constant 96 : index
    %swap3A_778 = tpu.vector_load %arg14[%swap3A_777] {strides = array<i32>} : memref<336xi32, #tpu.memory_space<vmem>>, vector<16xi32>,
    tpu.vector_store %arg14[%swap3A_777], %select_n3A_774 {strides = array<i32>} : memref<336xi32, #tpu.memory_space<vmem>>, vector<16xi32>,
    %add3A_779 = arith.constant 112 : i32
    %add3A_780 = arith.addi %mul3A_2, %add3A_779 : i32
    %get3A_781 = arith.index_cast %add3A_780 : i32 to index
    %get3A_782 = tpu.vector_load %arg12[%get3A_781] {strides = array<i32>} : memref<10240xi32, #tpu.memory_space<vmem>>, vector<16xi32>,
    %broadcast_in_dim3A_783 = arith.constant 0 : i32
    %broadcast_in_dim3A_784 = vector.broadcast %broadcast_in_dim3A_783 : i32 to vector<16xi32>
    %broadcast_in_dim3A_785 = arith.constant 0 : i32
    %broadcast_in_dim3A_786 = vector.broadcast %broadcast_in_dim3A_785 : i32 to vector<16xi32>
    %eq3A_787 = arith.constant 0 : i32
    %eq3A_788 = vector.broadcast %eq3A_787 : i32 to vector<16xi32>
    %eq3A_789 = arith.cmpi eq, %get3A_782, %eq3A_788 : vector<16xi32>
    %jit3A_790 = arith.constant 0 : i32
    %broadcast_in_dim3A_791 = vector.broadcast %jit3A_790 : i32 to vector<16xi32>
    %select_n3A_792 = arith.select %eq3A_789, %broadcast_in_dim3A_791, %broadcast_in_dim3A_784 : vector<16xi1>, vector<16xi32>
    %eq3A_793 = arith.constant 0 : i32
    %eq3A_794 = vector.broadcast %eq3A_793 : i32 to vector<16xi32>
    %eq3A_795 = arith.cmpi eq, %get3A_782, %eq3A_794 : vector<16xi32>
    %broadcast_in_dim3A_796 = vector.broadcast %scan3A_67#0 : i32 to vector<16xi32>
    %select_n3A_797 = arith.select %eq3A_795, %broadcast_in_dim3A_796, %broadcast_in_dim3A_786 : vector<16xi1>, vector<16xi32>
    %eq3A_798 = arith.constant 1 : i32
    %eq3A_799 = vector.broadcast %eq3A_798 : i32 to vector<16xi32>
    %eq3A_800 = arith.cmpi eq, %get3A_782, %eq3A_799 : vector<16xi32>
    %broadcast_in_dim3A_801 = vector.broadcast %scan3A_67#0 : i32 to vector<16xi32>
    %select_n3A_802 = arith.select %eq3A_800, %broadcast_in_dim3A_801, %select_n3A_792 : vector<16xi1>, vector<16xi32>
    %eq3A_803 = arith.constant 1 : i32
    %eq3A_804 = vector.broadcast %eq3A_803 : i32 to vector<16xi32>
    %eq3A_805 = arith.cmpi eq, %get3A_782, %eq3A_804 : vector<16xi32>
    %broadcast_in_dim3A_806 = vector.broadcast %scan3A_76#0 : i32 to vector<16xi32>
    %select_n3A_807 = arith.select %eq3A_805, %broadcast_in_dim3A_806, %select_n3A_797 : vector<16xi1>, vector<16xi32>
    %eq3A_808 = arith.constant 2 : i32
    %eq3A_809 = vector.broadcast %eq3A_808 : i32 to vector<16xi32>
    %eq3A_810 = arith.cmpi eq, %get3A_782, %eq3A_809 : vector<16xi32>
    %broadcast_in_dim3A_811 = vector.broadcast %scan3A_76#0 : i32 to vector<16xi32>
    %select_n3A_812 = arith.select %eq3A_810, %broadcast_in_dim3A_811, %select_n3A_802 : vector<16xi1>, vector<16xi32>
    %eq3A_813 = arith.constant 2 : i32
    %eq3A_814 = vector.broadcast %eq3A_813 : i32 to vector<16xi32>
    %eq3A_815 = arith.cmpi eq, %get3A_782, %eq3A_814 : vector<16xi32>
    %broadcast_in_dim3A_816 = vector.broadcast %scan3A_85#0 : i32 to vector<16xi32>
    %select_n3A_817 = arith.select %eq3A_815, %broadcast_in_dim3A_816, %select_n3A_807 : vector<16xi1>, vector<16xi32>
    %eq3A_818 = arith.constant 3 : i32
    %eq3A_819 = vector.broadcast %eq3A_818 : i32 to vector<16xi32>
    %eq3A_820 = arith.cmpi eq, %get3A_782, %eq3A_819 : vector<16xi32>
    %broadcast_in_dim3A_821 = vector.broadcast %scan3A_85#0 : i32 to vector<16xi32>
    %select_n3A_822 = arith.select %eq3A_820, %broadcast_in_dim3A_821, %select_n3A_812 : vector<16xi1>, vector<16xi32>
    %eq3A_823 = arith.constant 3 : i32
    %eq3A_824 = vector.broadcast %eq3A_823 : i32 to vector<16xi32>
    %eq3A_825 = arith.cmpi eq, %get3A_782, %eq3A_824 : vector<16xi32>
    %broadcast_in_dim3A_826 = vector.broadcast %scan3A_94#0 : i32 to vector<16xi32>
    %select_n3A_827 = arith.select %eq3A_825, %broadcast_in_dim3A_826, %select_n3A_817 : vector<16xi1>, vector<16xi32>
    %eq3A_828 = arith.constant 4 : i32
    %eq3A_829 = vector.broadcast %eq3A_828 : i32 to vector<16xi32>
    %eq3A_830 = arith.cmpi eq, %get3A_782, %eq3A_829 : vector<16xi32>
    %broadcast_in_dim3A_831 = vector.broadcast %scan3A_94#0 : i32 to vector<16xi32>
    %select_n3A_832 = arith.select %eq3A_830, %broadcast_in_dim3A_831, %select_n3A_822 : vector<16xi1>, vector<16xi32>
    %eq3A_833 = arith.constant 4 : i32
    %eq3A_834 = vector.broadcast %eq3A_833 : i32 to vector<16xi32>
    %eq3A_835 = arith.cmpi eq, %get3A_782, %eq3A_834 : vector<16xi32>
    %broadcast_in_dim3A_836 = vector.broadcast %scan3A_103#0 : i32 to vector<16xi32>
    %select_n3A_837 = arith.select %eq3A_835, %broadcast_in_dim3A_836, %select_n3A_827 : vector<16xi1>, vector<16xi32>
    %eq3A_838 = arith.constant 5 : i32
    %eq3A_839 = vector.broadcast %eq3A_838 : i32 to vector<16xi32>
    %eq3A_840 = arith.cmpi eq, %get3A_782, %eq3A_839 : vector<16xi32>
    %broadcast_in_dim3A_841 = vector.broadcast %scan3A_103#0 : i32 to vector<16xi32>
    %select_n3A_842 = arith.select %eq3A_840, %broadcast_in_dim3A_841, %select_n3A_832 : vector<16xi1>, vector<16xi32>
    %eq3A_843 = arith.constant 5 : i32
    %eq3A_844 = vector.broadcast %eq3A_843 : i32 to vector<16xi32>
    %eq3A_845 = arith.cmpi eq, %get3A_782, %eq3A_844 : vector<16xi32>
    %broadcast_in_dim3A_846 = vector.broadcast %scan3A_112#0 : i32 to vector<16xi32>
    %select_n3A_847 = arith.select %eq3A_845, %broadcast_in_dim3A_846, %select_n3A_837 : vector<16xi1>, vector<16xi32>
    %eq3A_848 = arith.constant 6 : i32
    %eq3A_849 = vector.broadcast %eq3A_848 : i32 to vector<16xi32>
    %eq3A_850 = arith.cmpi eq, %get3A_782, %eq3A_849 : vector<16xi32>
    %broadcast_in_dim3A_851 = vector.broadcast %scan3A_112#0 : i32 to vector<16xi32>
    %select_n3A_852 = arith.select %eq3A_850, %broadcast_in_dim3A_851, %select_n3A_842 : vector<16xi1>, vector<16xi32>
    %eq3A_853 = arith.constant 6 : i32
    %eq3A_854 = vector.broadcast %eq3A_853 : i32 to vector<16xi32>
    %eq3A_855 = arith.cmpi eq, %get3A_782, %eq3A_854 : vector<16xi32>
    %broadcast_in_dim3A_856 = vector.broadcast %scan3A_121#0 : i32 to vector<16xi32>
    %select_n3A_857 = arith.select %eq3A_855, %broadcast_in_dim3A_856, %select_n3A_847 : vector<16xi1>, vector<16xi32>
    %eq3A_858 = arith.constant 7 : i32
    %eq3A_859 = vector.broadcast %eq3A_858 : i32 to vector<16xi32>
    %eq3A_860 = arith.cmpi eq, %get3A_782, %eq3A_859 : vector<16xi32>
    %broadcast_in_dim3A_861 = vector.broadcast %scan3A_121#0 : i32 to vector<16xi32>
    %select_n3A_862 = arith.select %eq3A_860, %broadcast_in_dim3A_861, %select_n3A_852 : vector<16xi1>, vector<16xi32>
    %eq3A_863 = arith.constant 7 : i32
    %eq3A_864 = vector.broadcast %eq3A_863 : i32 to vector<16xi32>
    %eq3A_865 = arith.cmpi eq, %get3A_782, %eq3A_864 : vector<16xi32>
    %broadcast_in_dim3A_866 = vector.broadcast %scan3A_130#0 : i32 to vector<16xi32>
    %select_n3A_867 = arith.select %eq3A_865, %broadcast_in_dim3A_866, %select_n3A_857 : vector<16xi1>, vector<16xi32>
    %swap3A_868 = arith.constant 112 : index
    %swap3A_869 = tpu.vector_load %arg13[%swap3A_868] {strides = array<i32>} : memref<336xi32, #tpu.memory_space<vmem>>, vector<16xi32>,
    tpu.vector_store %arg13[%swap3A_868], %select_n3A_862 {strides = array<i32>} : memref<336xi32, #tpu.memory_space<vmem>>, vector<16xi32>,
    %swap3A_870 = arith.constant 112 : index
    %swap3A_871 = tpu.vector_load %arg14[%swap3A_870] {strides = array<i32>} : memref<336xi32, #tpu.memory_space<vmem>>, vector<16xi32>,
    tpu.vector_store %arg14[%swap3A_870], %select_n3A_867 {strides = array<i32>} : memref<336xi32, #tpu.memory_space<vmem>>, vector<16xi32>,
    %add3A_872 = arith.constant 128 : i32
    %add3A_873 = arith.addi %mul3A_2, %add3A_872 : i32
    %get3A_874 = arith.index_cast %add3A_873 : i32 to index
    %get3A_875 = tpu.vector_load %arg12[%get3A_874] {strides = array<i32>} : memref<10240xi32, #tpu.memory_space<vmem>>, vector<16xi32>,
    %broadcast_in_dim3A_876 = arith.constant 0 : i32
    %broadcast_in_dim3A_877 = vector.broadcast %broadcast_in_dim3A_876 : i32 to vector<16xi32>
    %broadcast_in_dim3A_878 = arith.constant 0 : i32
    %broadcast_in_dim3A_879 = vector.broadcast %broadcast_in_dim3A_878 : i32 to vector<16xi32>
    %eq3A_880 = arith.constant 0 : i32
    %eq3A_881 = vector.broadcast %eq3A_880 : i32 to vector<16xi32>
    %eq3A_882 = arith.cmpi eq, %get3A_875, %eq3A_881 : vector<16xi32>
    %jit3A_883 = arith.constant 0 : i32
    %broadcast_in_dim3A_884 = vector.broadcast %jit3A_883 : i32 to vector<16xi32>
    %select_n3A_885 = arith.select %eq3A_882, %broadcast_in_dim3A_884, %broadcast_in_dim3A_877 : vector<16xi1>, vector<16xi32>
    %eq3A_886 = arith.constant 0 : i32
    %eq3A_887 = vector.broadcast %eq3A_886 : i32 to vector<16xi32>
    %eq3A_888 = arith.cmpi eq, %get3A_875, %eq3A_887 : vector<16xi32>
    %broadcast_in_dim3A_889 = vector.broadcast %scan3A_67#0 : i32 to vector<16xi32>
    %select_n3A_890 = arith.select %eq3A_888, %broadcast_in_dim3A_889, %broadcast_in_dim3A_879 : vector<16xi1>, vector<16xi32>
    %eq3A_891 = arith.constant 1 : i32
    %eq3A_892 = vector.broadcast %eq3A_891 : i32 to vector<16xi32>
    %eq3A_893 = arith.cmpi eq, %get3A_875, %eq3A_892 : vector<16xi32>
    %broadcast_in_dim3A_894 = vector.broadcast %scan3A_67#0 : i32 to vector<16xi32>
    %select_n3A_895 = arith.select %eq3A_893, %broadcast_in_dim3A_894, %select_n3A_885 : vector<16xi1>, vector<16xi32>
    %eq3A_896 = arith.constant 1 : i32
    %eq3A_897 = vector.broadcast %eq3A_896 : i32 to vector<16xi32>
    %eq3A_898 = arith.cmpi eq, %get3A_875, %eq3A_897 : vector<16xi32>
    %broadcast_in_dim3A_899 = vector.broadcast %scan3A_76#0 : i32 to vector<16xi32>
    %select_n3A_900 = arith.select %eq3A_898, %broadcast_in_dim3A_899, %select_n3A_890 : vector<16xi1>, vector<16xi32>
    %eq3A_901 = arith.constant 2 : i32
    %eq3A_902 = vector.broadcast %eq3A_901 : i32 to vector<16xi32>
    %eq3A_903 = arith.cmpi eq, %get3A_875, %eq3A_902 : vector<16xi32>
    %broadcast_in_dim3A_904 = vector.broadcast %scan3A_76#0 : i32 to vector<16xi32>
    %select_n3A_905 = arith.select %eq3A_903, %broadcast_in_dim3A_904, %select_n3A_895 : vector<16xi1>, vector<16xi32>
    %eq3A_906 = arith.constant 2 : i32
    %eq3A_907 = vector.broadcast %eq3A_906 : i32 to vector<16xi32>
    %eq3A_908 = arith.cmpi eq, %get3A_875, %eq3A_907 : vector<16xi32>
    %broadcast_in_dim3A_909 = vector.broadcast %scan3A_85#0 : i32 to vector<16xi32>
    %select_n3A_910 = arith.select %eq3A_908, %broadcast_in_dim3A_909, %select_n3A_900 : vector<16xi1>, vector<16xi32>
    %eq3A_911 = arith.constant 3 : i32
    %eq3A_912 = vector.broadcast %eq3A_911 : i32 to vector<16xi32>
    %eq3A_913 = arith.cmpi eq, %get3A_875, %eq3A_912 : vector<16xi32>
    %broadcast_in_dim3A_914 = vector.broadcast %scan3A_85#0 : i32 to vector<16xi32>
    %select_n3A_915 = arith.select %eq3A_913, %broadcast_in_dim3A_914, %select_n3A_905 : vector<16xi1>, vector<16xi32>
    %eq3A_916 = arith.constant 3 : i32
    %eq3A_917 = vector.broadcast %eq3A_916 : i32 to vector<16xi32>
    %eq3A_918 = arith.cmpi eq, %get3A_875, %eq3A_917 : vector<16xi32>
    %broadcast_in_dim3A_919 = vector.broadcast %scan3A_94#0 : i32 to vector<16xi32>
    %select_n3A_920 = arith.select %eq3A_918, %broadcast_in_dim3A_919, %select_n3A_910 : vector<16xi1>, vector<16xi32>
    %eq3A_921 = arith.constant 4 : i32
    %eq3A_922 = vector.broadcast %eq3A_921 : i32 to vector<16xi32>
    %eq3A_923 = arith.cmpi eq, %get3A_875, %eq3A_922 : vector<16xi32>
    %broadcast_in_dim3A_924 = vector.broadcast %scan3A_94#0 : i32 to vector<16xi32>
    %select_n3A_925 = arith.select %eq3A_923, %broadcast_in_dim3A_924, %select_n3A_915 : vector<16xi1>, vector<16xi32>
    %eq3A_926 = arith.constant 4 : i32
    %eq3A_927 = vector.broadcast %eq3A_926 : i32 to vector<16xi32>
    %eq3A_928 = arith.cmpi eq, %get3A_875, %eq3A_927 : vector<16xi32>
    %broadcast_in_dim3A_929 = vector.broadcast %scan3A_103#0 : i32 to vector<16xi32>
    %select_n3A_930 = arith.select %eq3A_928, %broadcast_in_dim3A_929, %select_n3A_920 : vector<16xi1>, vector<16xi32>
    %eq3A_931 = arith.constant 5 : i32
    %eq3A_932 = vector.broadcast %eq3A_931 : i32 to vector<16xi32>
    %eq3A_933 = arith.cmpi eq, %get3A_875, %eq3A_932 : vector<16xi32>
    %broadcast_in_dim3A_934 = vector.broadcast %scan3A_103#0 : i32 to vector<16xi32>
    %select_n3A_935 = arith.select %eq3A_933, %broadcast_in_dim3A_934, %select_n3A_925 : vector<16xi1>, vector<16xi32>
    %eq3A_936 = arith.constant 5 : i32
    %eq3A_937 = vector.broadcast %eq3A_936 : i32 to vector<16xi32>
    %eq3A_938 = arith.cmpi eq, %get3A_875, %eq3A_937 : vector<16xi32>
    %broadcast_in_dim3A_939 = vector.broadcast %scan3A_112#0 : i32 to vector<16xi32>
    %select_n3A_940 = arith.select %eq3A_938, %broadcast_in_dim3A_939, %select_n3A_930 : vector<16xi1>, vector<16xi32>
    %eq3A_941 = arith.constant 6 : i32
    %eq3A_942 = vector.broadcast %eq3A_941 : i32 to vector<16xi32>
    %eq3A_943 = arith.cmpi eq, %get3A_875, %eq3A_942 : vector<16xi32>
    %broadcast_in_dim3A_944 = vector.broadcast %scan3A_112#0 : i32 to vector<16xi32>
    %select_n3A_945 = arith.select %eq3A_943, %broadcast_in_dim3A_944, %select_n3A_935 : vector<16xi1>, vector<16xi32>
    %eq3A_946 = arith.constant 6 : i32
    %eq3A_947 = vector.broadcast %eq3A_946 : i32 to vector<16xi32>
    %eq3A_948 = arith.cmpi eq, %get3A_875, %eq3A_947 : vector<16xi32>
    %broadcast_in_dim3A_949 = vector.broadcast %scan3A_121#0 : i32 to vector<16xi32>
    %select_n3A_950 = arith.select %eq3A_948, %broadcast_in_dim3A_949, %select_n3A_940 : vector<16xi1>, vector<16xi32>
    %eq3A_951 = arith.constant 7 : i32
    %eq3A_952 = vector.broadcast %eq3A_951 : i32 to vector<16xi32>
    %eq3A_953 = arith.cmpi eq, %get3A_875, %eq3A_952 : vector<16xi32>
    %broadcast_in_dim3A_954 = vector.broadcast %scan3A_121#0 : i32 to vector<16xi32>
    %select_n3A_955 = arith.select %eq3A_953, %broadcast_in_dim3A_954, %select_n3A_945 : vector<16xi1>, vector<16xi32>
    %eq3A_956 = arith.constant 7 : i32
    %eq3A_957 = vector.broadcast %eq3A_956 : i32 to vector<16xi32>
    %eq3A_958 = arith.cmpi eq, %get3A_875, %eq3A_957 : vector<16xi32>
    %broadcast_in_dim3A_959 = vector.broadcast %scan3A_130#0 : i32 to vector<16xi32>
    %select_n3A_960 = arith.select %eq3A_958, %broadcast_in_dim3A_959, %select_n3A_950 : vector<16xi1>, vector<16xi32>
    %swap3A_961 = arith.constant 128 : index
    %swap3A_962 = tpu.vector_load %arg13[%swap3A_961] {strides = array<i32>} : memref<336xi32, #tpu.memory_space<vmem>>, vector<16xi32>,
    tpu.vector_store %arg13[%swap3A_961], %select_n3A_955 {strides = array<i32>} : memref<336xi32, #tpu.memory_space<vmem>>, vector<16xi32>,
    %swap3A_963 = arith.constant 128 : index
    %swap3A_964 = tpu.vector_load %arg14[%swap3A_963] {strides = array<i32>} : memref<336xi32, #tpu.memory_space<vmem>>, vector<16xi32>,
    tpu.vector_store %arg14[%swap3A_963], %select_n3A_960 {strides = array<i32>} : memref<336xi32, #tpu.memory_space<vmem>>, vector<16xi32>,
    %add3A_965 = arith.constant 144 : i32
    %add3A_966 = arith.addi %mul3A_2, %add3A_965 : i32
    %get3A_967 = arith.index_cast %add3A_966 : i32 to index
    %get3A_968 = tpu.vector_load %arg12[%get3A_967] {strides = array<i32>} : memref<10240xi32, #tpu.memory_space<vmem>>, vector<16xi32>,
    %broadcast_in_dim3A_969 = arith.constant 0 : i32
    %broadcast_in_dim3A_970 = vector.broadcast %broadcast_in_dim3A_969 : i32 to vector<16xi32>
    %broadcast_in_dim3A_971 = arith.constant 0 : i32
    %broadcast_in_dim3A_972 = vector.broadcast %broadcast_in_dim3A_971 : i32 to vector<16xi32>
    %eq3A_973 = arith.constant 0 : i32
    %eq3A_974 = vector.broadcast %eq3A_973 : i32 to vector<16xi32>
    %eq3A_975 = arith.cmpi eq, %get3A_968, %eq3A_974 : vector<16xi32>
    %jit3A_976 = arith.constant 0 : i32
    %broadcast_in_dim3A_977 = vector.broadcast %jit3A_976 : i32 to vector<16xi32>
    %select_n3A_978 = arith.select %eq3A_975, %broadcast_in_dim3A_977, %broadcast_in_dim3A_970 : vector<16xi1>, vector<16xi32>
    %eq3A_979 = arith.constant 0 : i32
    %eq3A_980 = vector.broadcast %eq3A_979 : i32 to vector<16xi32>
    %eq3A_981 = arith.cmpi eq, %get3A_968, %eq3A_980 : vector<16xi32>
    %broadcast_in_dim3A_982 = vector.broadcast %scan3A_67#0 : i32 to vector<16xi32>
    %select_n3A_983 = arith.select %eq3A_981, %broadcast_in_dim3A_982, %broadcast_in_dim3A_972 : vector<16xi1>, vector<16xi32>
    %eq3A_984 = arith.constant 1 : i32
    %eq3A_985 = vector.broadcast %eq3A_984 : i32 to vector<16xi32>
    %eq3A_986 = arith.cmpi eq, %get3A_968, %eq3A_985 : vector<16xi32>
    %broadcast_in_dim3A_987 = vector.broadcast %scan3A_67#0 : i32 to vector<16xi32>
    %select_n3A_988 = arith.select %eq3A_986, %broadcast_in_dim3A_987, %select_n3A_978 : vector<16xi1>, vector<16xi32>
    %eq3A_989 = arith.constant 1 : i32
    %eq3A_990 = vector.broadcast %eq3A_989 : i32 to vector<16xi32>
    %eq3A_991 = arith.cmpi eq, %get3A_968, %eq3A_990 : vector<16xi32>
    %broadcast_in_dim3A_992 = vector.broadcast %scan3A_76#0 : i32 to vector<16xi32>
    %select_n3A_993 = arith.select %eq3A_991, %broadcast_in_dim3A_992, %select_n3A_983 : vector<16xi1>, vector<16xi32>
    %eq3A_994 = arith.constant 2 : i32
    %eq3A_995 = vector.broadcast %eq3A_994 : i32 to vector<16xi32>
    %eq3A_996 = arith.cmpi eq, %get3A_968, %eq3A_995 : vector<16xi32>
    %broadcast_in_dim3A_997 = vector.broadcast %scan3A_76#0 : i32 to vector<16xi32>
    %select_n3A_998 = arith.select %eq3A_996, %broadcast_in_dim3A_997, %select_n3A_988 : vector<16xi1>, vector<16xi32>
    %eq3A_999 = arith.constant 2 : i32
    %eq3A_1000 = vector.broadcast %eq3A_999 : i32 to vector<16xi32>
    %eq3A_1001 = arith.cmpi eq, %get3A_968, %eq3A_1000 : vector<16xi32>
    %broadcast_in_dim3A_1002 = vector.broadcast %scan3A_85#0 : i32 to vector<16xi32>
    %select_n3A_1003 = arith.select %eq3A_1001, %broadcast_in_dim3A_1002, %select_n3A_993 : vector<16xi1>, vector<16xi32>
    %eq3A_1004 = arith.constant 3 : i32
    %eq3A_1005 = vector.broadcast %eq3A_1004 : i32 to vector<16xi32>
    %eq3A_1006 = arith.cmpi eq, %get3A_968, %eq3A_1005 : vector<16xi32>
    %broadcast_in_dim3A_1007 = vector.broadcast %scan3A_85#0 : i32 to vector<16xi32>
    %select_n3A_1008 = arith.select %eq3A_1006, %broadcast_in_dim3A_1007, %select_n3A_998 : vector<16xi1>, vector<16xi32>
    %eq3A_1009 = arith.constant 3 : i32
    %eq3A_1010 = vector.broadcast %eq3A_1009 : i32 to vector<16xi32>
    %eq3A_1011 = arith.cmpi eq, %get3A_968, %eq3A_1010 : vector<16xi32>
    %broadcast_in_dim3A_1012 = vector.broadcast %scan3A_94#0 : i32 to vector<16xi32>
    %select_n3A_1013 = arith.select %eq3A_1011, %broadcast_in_dim3A_1012, %select_n3A_1003 : vector<16xi1>, vector<16xi32>
    %eq3A_1014 = arith.constant 4 : i32
    %eq3A_1015 = vector.broadcast %eq3A_1014 : i32 to vector<16xi32>
    %eq3A_1016 = arith.cmpi eq, %get3A_968, %eq3A_1015 : vector<16xi32>
    %broadcast_in_dim3A_1017 = vector.broadcast %scan3A_94#0 : i32 to vector<16xi32>
    %select_n3A_1018 = arith.select %eq3A_1016, %broadcast_in_dim3A_1017, %select_n3A_1008 : vector<16xi1>, vector<16xi32>
    %eq3A_1019 = arith.constant 4 : i32
    %eq3A_1020 = vector.broadcast %eq3A_1019 : i32 to vector<16xi32>
    %eq3A_1021 = arith.cmpi eq, %get3A_968, %eq3A_1020 : vector<16xi32>
    %broadcast_in_dim3A_1022 = vector.broadcast %scan3A_103#0 : i32 to vector<16xi32>
    %select_n3A_1023 = arith.select %eq3A_1021, %broadcast_in_dim3A_1022, %select_n3A_1013 : vector<16xi1>, vector<16xi32>
    %eq3A_1024 = arith.constant 5 : i32
    %eq3A_1025 = vector.broadcast %eq3A_1024 : i32 to vector<16xi32>
    %eq3A_1026 = arith.cmpi eq, %get3A_968, %eq3A_1025 : vector<16xi32>
    %broadcast_in_dim3A_1027 = vector.broadcast %scan3A_103#0 : i32 to vector<16xi32>
    %select_n3A_1028 = arith.select %eq3A_1026, %broadcast_in_dim3A_1027, %select_n3A_1018 : vector<16xi1>, vector<16xi32>
    %eq3A_1029 = arith.constant 5 : i32
    %eq3A_1030 = vector.broadcast %eq3A_1029 : i32 to vector<16xi32>
    %eq3A_1031 = arith.cmpi eq, %get3A_968, %eq3A_1030 : vector<16xi32>
    %broadcast_in_dim3A_1032 = vector.broadcast %scan3A_112#0 : i32 to vector<16xi32>
    %select_n3A_1033 = arith.select %eq3A_1031, %broadcast_in_dim3A_1032, %select_n3A_1023 : vector<16xi1>, vector<16xi32>
    %eq3A_1034 = arith.constant 6 : i32
    %eq3A_1035 = vector.broadcast %eq3A_1034 : i32 to vector<16xi32>
    %eq3A_1036 = arith.cmpi eq, %get3A_968, %eq3A_1035 : vector<16xi32>
    %broadcast_in_dim3A_1037 = vector.broadcast %scan3A_112#0 : i32 to vector<16xi32>
    %select_n3A_1038 = arith.select %eq3A_1036, %broadcast_in_dim3A_1037, %select_n3A_1028 : vector<16xi1>, vector<16xi32>
    %eq3A_1039 = arith.constant 6 : i32
    %eq3A_1040 = vector.broadcast %eq3A_1039 : i32 to vector<16xi32>
    %eq3A_1041 = arith.cmpi eq, %get3A_968, %eq3A_1040 : vector<16xi32>
    %broadcast_in_dim3A_1042 = vector.broadcast %scan3A_121#0 : i32 to vector<16xi32>
    %select_n3A_1043 = arith.select %eq3A_1041, %broadcast_in_dim3A_1042, %select_n3A_1033 : vector<16xi1>, vector<16xi32>
    %eq3A_1044 = arith.constant 7 : i32
    %eq3A_1045 = vector.broadcast %eq3A_1044 : i32 to vector<16xi32>
    %eq3A_1046 = arith.cmpi eq, %get3A_968, %eq3A_1045 : vector<16xi32>
    %broadcast_in_dim3A_1047 = vector.broadcast %scan3A_121#0 : i32 to vector<16xi32>
    %select_n3A_1048 = arith.select %eq3A_1046, %broadcast_in_dim3A_1047, %select_n3A_1038 : vector<16xi1>, vector<16xi32>
    %eq3A_1049 = arith.constant 7 : i32
    %eq3A_1050 = vector.broadcast %eq3A_1049 : i32 to vector<16xi32>
    %eq3A_1051 = arith.cmpi eq, %get3A_968, %eq3A_1050 : vector<16xi32>
    %broadcast_in_dim3A_1052 = vector.broadcast %scan3A_130#0 : i32 to vector<16xi32>
    %select_n3A_1053 = arith.select %eq3A_1051, %broadcast_in_dim3A_1052, %select_n3A_1043 : vector<16xi1>, vector<16xi32>
    %swap3A_1054 = arith.constant 144 : index
    %swap3A_1055 = tpu.vector_load %arg13[%swap3A_1054] {strides = array<i32>} : memref<336xi32, #tpu.memory_space<vmem>>, vector<16xi32>,
    tpu.vector_store %arg13[%swap3A_1054], %select_n3A_1048 {strides = array<i32>} : memref<336xi32, #tpu.memory_space<vmem>>, vector<16xi32>,
    %swap3A_1056 = arith.constant 144 : index
    %swap3A_1057 = tpu.vector_load %arg14[%swap3A_1056] {strides = array<i32>} : memref<336xi32, #tpu.memory_space<vmem>>, vector<16xi32>,
    tpu.vector_store %arg14[%swap3A_1056], %select_n3A_1053 {strides = array<i32>} : memref<336xi32, #tpu.memory_space<vmem>>, vector<16xi32>,
    %add3A_1058 = arith.constant 160 : i32
    %add3A_1059 = arith.addi %mul3A_2, %add3A_1058 : i32
    %get3A_1060 = arith.index_cast %add3A_1059 : i32 to index
    %get3A_1061 = tpu.vector_load %arg12[%get3A_1060] {strides = array<i32>} : memref<10240xi32, #tpu.memory_space<vmem>>, vector<16xi32>,
    %broadcast_in_dim3A_1062 = arith.constant 0 : i32
    %broadcast_in_dim3A_1063 = vector.broadcast %broadcast_in_dim3A_1062 : i32 to vector<16xi32>
    %broadcast_in_dim3A_1064 = arith.constant 0 : i32
    %broadcast_in_dim3A_1065 = vector.broadcast %broadcast_in_dim3A_1064 : i32 to vector<16xi32>
    %eq3A_1066 = arith.constant 0 : i32
    %eq3A_1067 = vector.broadcast %eq3A_1066 : i32 to vector<16xi32>
    %eq3A_1068 = arith.cmpi eq, %get3A_1061, %eq3A_1067 : vector<16xi32>
    %jit3A_1069 = arith.constant 0 : i32
    %broadcast_in_dim3A_1070 = vector.broadcast %jit3A_1069 : i32 to vector<16xi32>
    %select_n3A_1071 = arith.select %eq3A_1068, %broadcast_in_dim3A_1070, %broadcast_in_dim3A_1063 : vector<16xi1>, vector<16xi32>
    %eq3A_1072 = arith.constant 0 : i32
    %eq3A_1073 = vector.broadcast %eq3A_1072 : i32 to vector<16xi32>
    %eq3A_1074 = arith.cmpi eq, %get3A_1061, %eq3A_1073 : vector<16xi32>
    %broadcast_in_dim3A_1075 = vector.broadcast %scan3A_67#0 : i32 to vector<16xi32>
    %select_n3A_1076 = arith.select %eq3A_1074, %broadcast_in_dim3A_1075, %broadcast_in_dim3A_1065 : vector<16xi1>, vector<16xi32>
    %eq3A_1077 = arith.constant 1 : i32
    %eq3A_1078 = vector.broadcast %eq3A_1077 : i32 to vector<16xi32>
    %eq3A_1079 = arith.cmpi eq, %get3A_1061, %eq3A_1078 : vector<16xi32>
    %broadcast_in_dim3A_1080 = vector.broadcast %scan3A_67#0 : i32 to vector<16xi32>
    %select_n3A_1081 = arith.select %eq3A_1079, %broadcast_in_dim3A_1080, %select_n3A_1071 : vector<16xi1>, vector<16xi32>
    %eq3A_1082 = arith.constant 1 : i32
    %eq3A_1083 = vector.broadcast %eq3A_1082 : i32 to vector<16xi32>
    %eq3A_1084 = arith.cmpi eq, %get3A_1061, %eq3A_1083 : vector<16xi32>
    %broadcast_in_dim3A_1085 = vector.broadcast %scan3A_76#0 : i32 to vector<16xi32>
    %select_n3A_1086 = arith.select %eq3A_1084, %broadcast_in_dim3A_1085, %select_n3A_1076 : vector<16xi1>, vector<16xi32>
    %eq3A_1087 = arith.constant 2 : i32
    %eq3A_1088 = vector.broadcast %eq3A_1087 : i32 to vector<16xi32>
    %eq3A_1089 = arith.cmpi eq, %get3A_1061, %eq3A_1088 : vector<16xi32>
    %broadcast_in_dim3A_1090 = vector.broadcast %scan3A_76#0 : i32 to vector<16xi32>
    %select_n3A_1091 = arith.select %eq3A_1089, %broadcast_in_dim3A_1090, %select_n3A_1081 : vector<16xi1>, vector<16xi32>
    %eq3A_1092 = arith.constant 2 : i32
    %eq3A_1093 = vector.broadcast %eq3A_1092 : i32 to vector<16xi32>
    %eq3A_1094 = arith.cmpi eq, %get3A_1061, %eq3A_1093 : vector<16xi32>
    %broadcast_in_dim3A_1095 = vector.broadcast %scan3A_85#0 : i32 to vector<16xi32>
    %select_n3A_1096 = arith.select %eq3A_1094, %broadcast_in_dim3A_1095, %select_n3A_1086 : vector<16xi1>, vector<16xi32>
    %eq3A_1097 = arith.constant 3 : i32
    %eq3A_1098 = vector.broadcast %eq3A_1097 : i32 to vector<16xi32>
    %eq3A_1099 = arith.cmpi eq, %get3A_1061, %eq3A_1098 : vector<16xi32>
    %broadcast_in_dim3A_1100 = vector.broadcast %scan3A_85#0 : i32 to vector<16xi32>
    %select_n3A_1101 = arith.select %eq3A_1099, %broadcast_in_dim3A_1100, %select_n3A_1091 : vector<16xi1>, vector<16xi32>
    %eq3A_1102 = arith.constant 3 : i32
    %eq3A_1103 = vector.broadcast %eq3A_1102 : i32 to vector<16xi32>
    %eq3A_1104 = arith.cmpi eq, %get3A_1061, %eq3A_1103 : vector<16xi32>
    %broadcast_in_dim3A_1105 = vector.broadcast %scan3A_94#0 : i32 to vector<16xi32>
    %select_n3A_1106 = arith.select %eq3A_1104, %broadcast_in_dim3A_1105, %select_n3A_1096 : vector<16xi1>, vector<16xi32>
    %eq3A_1107 = arith.constant 4 : i32
    %eq3A_1108 = vector.broadcast %eq3A_1107 : i32 to vector<16xi32>
    %eq3A_1109 = arith.cmpi eq, %get3A_1061, %eq3A_1108 : vector<16xi32>
    %broadcast_in_dim3A_1110 = vector.broadcast %scan3A_94#0 : i32 to vector<16xi32>
    %select_n3A_1111 = arith.select %eq3A_1109, %broadcast_in_dim3A_1110, %select_n3A_1101 : vector<16xi1>, vector<16xi32>
    %eq3A_1112 = arith.constant 4 : i32
    %eq3A_1113 = vector.broadcast %eq3A_1112 : i32 to vector<16xi32>
    %eq3A_1114 = arith.cmpi eq, %get3A_1061, %eq3A_1113 : vector<16xi32>
    %broadcast_in_dim3A_1115 = vector.broadcast %scan3A_103#0 : i32 to vector<16xi32>
    %select_n3A_1116 = arith.select %eq3A_1114, %broadcast_in_dim3A_1115, %select_n3A_1106 : vector<16xi1>, vector<16xi32>
    %eq3A_1117 = arith.constant 5 : i32
    %eq3A_1118 = vector.broadcast %eq3A_1117 : i32 to vector<16xi32>
    %eq3A_1119 = arith.cmpi eq, %get3A_1061, %eq3A_1118 : vector<16xi32>
    %broadcast_in_dim3A_1120 = vector.broadcast %scan3A_103#0 : i32 to vector<16xi32>
    %select_n3A_1121 = arith.select %eq3A_1119, %broadcast_in_dim3A_1120, %select_n3A_1111 : vector<16xi1>, vector<16xi32>
    %eq3A_1122 = arith.constant 5 : i32
    %eq3A_1123 = vector.broadcast %eq3A_1122 : i32 to vector<16xi32>
    %eq3A_1124 = arith.cmpi eq, %get3A_1061, %eq3A_1123 : vector<16xi32>
    %broadcast_in_dim3A_1125 = vector.broadcast %scan3A_112#0 : i32 to vector<16xi32>
    %select_n3A_1126 = arith.select %eq3A_1124, %broadcast_in_dim3A_1125, %select_n3A_1116 : vector<16xi1>, vector<16xi32>
    %eq3A_1127 = arith.constant 6 : i32
    %eq3A_1128 = vector.broadcast %eq3A_1127 : i32 to vector<16xi32>
    %eq3A_1129 = arith.cmpi eq, %get3A_1061, %eq3A_1128 : vector<16xi32>
    %broadcast_in_dim3A_1130 = vector.broadcast %scan3A_112#0 : i32 to vector<16xi32>
    %select_n3A_1131 = arith.select %eq3A_1129, %broadcast_in_dim3A_1130, %select_n3A_1121 : vector<16xi1>, vector<16xi32>
    %eq3A_1132 = arith.constant 6 : i32
    %eq3A_1133 = vector.broadcast %eq3A_1132 : i32 to vector<16xi32>
    %eq3A_1134 = arith.cmpi eq, %get3A_1061, %eq3A_1133 : vector<16xi32>
    %broadcast_in_dim3A_1135 = vector.broadcast %scan3A_121#0 : i32 to vector<16xi32>
    %select_n3A_1136 = arith.select %eq3A_1134, %broadcast_in_dim3A_1135, %select_n3A_1126 : vector<16xi1>, vector<16xi32>
    %eq3A_1137 = arith.constant 7 : i32
    %eq3A_1138 = vector.broadcast %eq3A_1137 : i32 to vector<16xi32>
    %eq3A_1139 = arith.cmpi eq, %get3A_1061, %eq3A_1138 : vector<16xi32>
    %broadcast_in_dim3A_1140 = vector.broadcast %scan3A_121#0 : i32 to vector<16xi32>
    %select_n3A_1141 = arith.select %eq3A_1139, %broadcast_in_dim3A_1140, %select_n3A_1131 : vector<16xi1>, vector<16xi32>
    %eq3A_1142 = arith.constant 7 : i32
    %eq3A_1143 = vector.broadcast %eq3A_1142 : i32 to vector<16xi32>
    %eq3A_1144 = arith.cmpi eq, %get3A_1061, %eq3A_1143 : vector<16xi32>
    %broadcast_in_dim3A_1145 = vector.broadcast %scan3A_130#0 : i32 to vector<16xi32>
    %select_n3A_1146 = arith.select %eq3A_1144, %broadcast_in_dim3A_1145, %select_n3A_1136 : vector<16xi1>, vector<16xi32>
    %swap3A_1147 = arith.constant 160 : index
    %swap3A_1148 = tpu.vector_load %arg13[%swap3A_1147] {strides = array<i32>} : memref<336xi32, #tpu.memory_space<vmem>>, vector<16xi32>,
    tpu.vector_store %arg13[%swap3A_1147], %select_n3A_1141 {strides = array<i32>} : memref<336xi32, #tpu.memory_space<vmem>>, vector<16xi32>,
    %swap3A_1149 = arith.constant 160 : index
    %swap3A_1150 = tpu.vector_load %arg14[%swap3A_1149] {strides = array<i32>} : memref<336xi32, #tpu.memory_space<vmem>>, vector<16xi32>,
    tpu.vector_store %arg14[%swap3A_1149], %select_n3A_1146 {strides = array<i32>} : memref<336xi32, #tpu.memory_space<vmem>>, vector<16xi32>,
    %add3A_1151 = arith.constant 176 : i32
    %add3A_1152 = arith.addi %mul3A_2, %add3A_1151 : i32
    %get3A_1153 = arith.index_cast %add3A_1152 : i32 to index
    %get3A_1154 = tpu.vector_load %arg12[%get3A_1153] {strides = array<i32>} : memref<10240xi32, #tpu.memory_space<vmem>>, vector<16xi32>,
    %broadcast_in_dim3A_1155 = arith.constant 0 : i32
    %broadcast_in_dim3A_1156 = vector.broadcast %broadcast_in_dim3A_1155 : i32 to vector<16xi32>
    %broadcast_in_dim3A_1157 = arith.constant 0 : i32
    %broadcast_in_dim3A_1158 = vector.broadcast %broadcast_in_dim3A_1157 : i32 to vector<16xi32>
    %eq3A_1159 = arith.constant 0 : i32
    %eq3A_1160 = vector.broadcast %eq3A_1159 : i32 to vector<16xi32>
    %eq3A_1161 = arith.cmpi eq, %get3A_1154, %eq3A_1160 : vector<16xi32>
    %jit3A_1162 = arith.constant 0 : i32
    %broadcast_in_dim3A_1163 = vector.broadcast %jit3A_1162 : i32 to vector<16xi32>
    %select_n3A_1164 = arith.select %eq3A_1161, %broadcast_in_dim3A_1163, %broadcast_in_dim3A_1156 : vector<16xi1>, vector<16xi32>
    %eq3A_1165 = arith.constant 0 : i32
    %eq3A_1166 = vector.broadcast %eq3A_1165 : i32 to vector<16xi32>
    %eq3A_1167 = arith.cmpi eq, %get3A_1154, %eq3A_1166 : vector<16xi32>
    %broadcast_in_dim3A_1168 = vector.broadcast %scan3A_67#0 : i32 to vector<16xi32>
    %select_n3A_1169 = arith.select %eq3A_1167, %broadcast_in_dim3A_1168, %broadcast_in_dim3A_1158 : vector<16xi1>, vector<16xi32>
    %eq3A_1170 = arith.constant 1 : i32
    %eq3A_1171 = vector.broadcast %eq3A_1170 : i32 to vector<16xi32>
    %eq3A_1172 = arith.cmpi eq, %get3A_1154, %eq3A_1171 : vector<16xi32>
    %broadcast_in_dim3A_1173 = vector.broadcast %scan3A_67#0 : i32 to vector<16xi32>
    %select_n3A_1174 = arith.select %eq3A_1172, %broadcast_in_dim3A_1173, %select_n3A_1164 : vector<16xi1>, vector<16xi32>
    %eq3A_1175 = arith.constant 1 : i32
    %eq3A_1176 = vector.broadcast %eq3A_1175 : i32 to vector<16xi32>
    %eq3A_1177 = arith.cmpi eq, %get3A_1154, %eq3A_1176 : vector<16xi32>
    %broadcast_in_dim3A_1178 = vector.broadcast %scan3A_76#0 : i32 to vector<16xi32>
    %select_n3A_1179 = arith.select %eq3A_1177, %broadcast_in_dim3A_1178, %select_n3A_1169 : vector<16xi1>, vector<16xi32>
    %eq3A_1180 = arith.constant 2 : i32
    %eq3A_1181 = vector.broadcast %eq3A_1180 : i32 to vector<16xi32>
    %eq3A_1182 = arith.cmpi eq, %get3A_1154, %eq3A_1181 : vector<16xi32>
    %broadcast_in_dim3A_1183 = vector.broadcast %scan3A_76#0 : i32 to vector<16xi32>
    %select_n3A_1184 = arith.select %eq3A_1182, %broadcast_in_dim3A_1183, %select_n3A_1174 : vector<16xi1>, vector<16xi32>
    %eq3A_1185 = arith.constant 2 : i32
    %eq3A_1186 = vector.broadcast %eq3A_1185 : i32 to vector<16xi32>
    %eq3A_1187 = arith.cmpi eq, %get3A_1154, %eq3A_1186 : vector<16xi32>
    %broadcast_in_dim3A_1188 = vector.broadcast %scan3A_85#0 : i32 to vector<16xi32>
    %select_n3A_1189 = arith.select %eq3A_1187, %broadcast_in_dim3A_1188, %select_n3A_1179 : vector<16xi1>, vector<16xi32>
    %eq3A_1190 = arith.constant 3 : i32
    %eq3A_1191 = vector.broadcast %eq3A_1190 : i32 to vector<16xi32>
    %eq3A_1192 = arith.cmpi eq, %get3A_1154, %eq3A_1191 : vector<16xi32>
    %broadcast_in_dim3A_1193 = vector.broadcast %scan3A_85#0 : i32 to vector<16xi32>
    %select_n3A_1194 = arith.select %eq3A_1192, %broadcast_in_dim3A_1193, %select_n3A_1184 : vector<16xi1>, vector<16xi32>
    %eq3A_1195 = arith.constant 3 : i32
    %eq3A_1196 = vector.broadcast %eq3A_1195 : i32 to vector<16xi32>
    %eq3A_1197 = arith.cmpi eq, %get3A_1154, %eq3A_1196 : vector<16xi32>
    %broadcast_in_dim3A_1198 = vector.broadcast %scan3A_94#0 : i32 to vector<16xi32>
    %select_n3A_1199 = arith.select %eq3A_1197, %broadcast_in_dim3A_1198, %select_n3A_1189 : vector<16xi1>, vector<16xi32>
    %eq3A_1200 = arith.constant 4 : i32
    %eq3A_1201 = vector.broadcast %eq3A_1200 : i32 to vector<16xi32>
    %eq3A_1202 = arith.cmpi eq, %get3A_1154, %eq3A_1201 : vector<16xi32>
    %broadcast_in_dim3A_1203 = vector.broadcast %scan3A_94#0 : i32 to vector<16xi32>
    %select_n3A_1204 = arith.select %eq3A_1202, %broadcast_in_dim3A_1203, %select_n3A_1194 : vector<16xi1>, vector<16xi32>
    %eq3A_1205 = arith.constant 4 : i32
    %eq3A_1206 = vector.broadcast %eq3A_1205 : i32 to vector<16xi32>
    %eq3A_1207 = arith.cmpi eq, %get3A_1154, %eq3A_1206 : vector<16xi32>
    %broadcast_in_dim3A_1208 = vector.broadcast %scan3A_103#0 : i32 to vector<16xi32>
    %select_n3A_1209 = arith.select %eq3A_1207, %broadcast_in_dim3A_1208, %select_n3A_1199 : vector<16xi1>, vector<16xi32>
    %eq3A_1210 = arith.constant 5 : i32
    %eq3A_1211 = vector.broadcast %eq3A_1210 : i32 to vector<16xi32>
    %eq3A_1212 = arith.cmpi eq, %get3A_1154, %eq3A_1211 : vector<16xi32>
    %broadcast_in_dim3A_1213 = vector.broadcast %scan3A_103#0 : i32 to vector<16xi32>
    %select_n3A_1214 = arith.select %eq3A_1212, %broadcast_in_dim3A_1213, %select_n3A_1204 : vector<16xi1>, vector<16xi32>
    %eq3A_1215 = arith.constant 5 : i32
    %eq3A_1216 = vector.broadcast %eq3A_1215 : i32 to vector<16xi32>
    %eq3A_1217 = arith.cmpi eq, %get3A_1154, %eq3A_1216 : vector<16xi32>
    %broadcast_in_dim3A_1218 = vector.broadcast %scan3A_112#0 : i32 to vector<16xi32>
    %select_n3A_1219 = arith.select %eq3A_1217, %broadcast_in_dim3A_1218, %select_n3A_1209 : vector<16xi1>, vector<16xi32>
    %eq3A_1220 = arith.constant 6 : i32
    %eq3A_1221 = vector.broadcast %eq3A_1220 : i32 to vector<16xi32>
    %eq3A_1222 = arith.cmpi eq, %get3A_1154, %eq3A_1221 : vector<16xi32>
    %broadcast_in_dim3A_1223 = vector.broadcast %scan3A_112#0 : i32 to vector<16xi32>
    %select_n3A_1224 = arith.select %eq3A_1222, %broadcast_in_dim3A_1223, %select_n3A_1214 : vector<16xi1>, vector<16xi32>
    %eq3A_1225 = arith.constant 6 : i32
    %eq3A_1226 = vector.broadcast %eq3A_1225 : i32 to vector<16xi32>
    %eq3A_1227 = arith.cmpi eq, %get3A_1154, %eq3A_1226 : vector<16xi32>
    %broadcast_in_dim3A_1228 = vector.broadcast %scan3A_121#0 : i32 to vector<16xi32>
    %select_n3A_1229 = arith.select %eq3A_1227, %broadcast_in_dim3A_1228, %select_n3A_1219 : vector<16xi1>, vector<16xi32>
    %eq3A_1230 = arith.constant 7 : i32
    %eq3A_1231 = vector.broadcast %eq3A_1230 : i32 to vector<16xi32>
    %eq3A_1232 = arith.cmpi eq, %get3A_1154, %eq3A_1231 : vector<16xi32>
    %broadcast_in_dim3A_1233 = vector.broadcast %scan3A_121#0 : i32 to vector<16xi32>
    %select_n3A_1234 = arith.select %eq3A_1232, %broadcast_in_dim3A_1233, %select_n3A_1224 : vector<16xi1>, vector<16xi32>
    %eq3A_1235 = arith.constant 7 : i32
    %eq3A_1236 = vector.broadcast %eq3A_1235 : i32 to vector<16xi32>
    %eq3A_1237 = arith.cmpi eq, %get3A_1154, %eq3A_1236 : vector<16xi32>
    %broadcast_in_dim3A_1238 = vector.broadcast %scan3A_130#0 : i32 to vector<16xi32>
    %select_n3A_1239 = arith.select %eq3A_1237, %broadcast_in_dim3A_1238, %select_n3A_1229 : vector<16xi1>, vector<16xi32>
    %swap3A_1240 = arith.constant 176 : index
    %swap3A_1241 = tpu.vector_load %arg13[%swap3A_1240] {strides = array<i32>} : memref<336xi32, #tpu.memory_space<vmem>>, vector<16xi32>,
    tpu.vector_store %arg13[%swap3A_1240], %select_n3A_1234 {strides = array<i32>} : memref<336xi32, #tpu.memory_space<vmem>>, vector<16xi32>,
    %swap3A_1242 = arith.constant 176 : index
    %swap3A_1243 = tpu.vector_load %arg14[%swap3A_1242] {strides = array<i32>} : memref<336xi32, #tpu.memory_space<vmem>>, vector<16xi32>,
    tpu.vector_store %arg14[%swap3A_1242], %select_n3A_1239 {strides = array<i32>} : memref<336xi32, #tpu.memory_space<vmem>>, vector<16xi32>,
    %add3A_1244 = arith.constant 192 : i32
    %add3A_1245 = arith.addi %mul3A_2, %add3A_1244 : i32
    %get3A_1246 = arith.index_cast %add3A_1245 : i32 to index
    %get3A_1247 = tpu.vector_load %arg12[%get3A_1246] {strides = array<i32>} : memref<10240xi32, #tpu.memory_space<vmem>>, vector<16xi32>,
    %broadcast_in_dim3A_1248 = arith.constant 0 : i32
    %broadcast_in_dim3A_1249 = vector.broadcast %broadcast_in_dim3A_1248 : i32 to vector<16xi32>
    %broadcast_in_dim3A_1250 = arith.constant 0 : i32
    %broadcast_in_dim3A_1251 = vector.broadcast %broadcast_in_dim3A_1250 : i32 to vector<16xi32>
    %eq3A_1252 = arith.constant 0 : i32
    %eq3A_1253 = vector.broadcast %eq3A_1252 : i32 to vector<16xi32>
    %eq3A_1254 = arith.cmpi eq, %get3A_1247, %eq3A_1253 : vector<16xi32>
    %jit3A_1255 = arith.constant 0 : i32
    %broadcast_in_dim3A_1256 = vector.broadcast %jit3A_1255 : i32 to vector<16xi32>
    %select_n3A_1257 = arith.select %eq3A_1254, %broadcast_in_dim3A_1256, %broadcast_in_dim3A_1249 : vector<16xi1>, vector<16xi32>
    %eq3A_1258 = arith.constant 0 : i32
    %eq3A_1259 = vector.broadcast %eq3A_1258 : i32 to vector<16xi32>
    %eq3A_1260 = arith.cmpi eq, %get3A_1247, %eq3A_1259 : vector<16xi32>
    %broadcast_in_dim3A_1261 = vector.broadcast %scan3A_67#0 : i32 to vector<16xi32>
    %select_n3A_1262 = arith.select %eq3A_1260, %broadcast_in_dim3A_1261, %broadcast_in_dim3A_1251 : vector<16xi1>, vector<16xi32>
    %eq3A_1263 = arith.constant 1 : i32
    %eq3A_1264 = vector.broadcast %eq3A_1263 : i32 to vector<16xi32>
    %eq3A_1265 = arith.cmpi eq, %get3A_1247, %eq3A_1264 : vector<16xi32>
    %broadcast_in_dim3A_1266 = vector.broadcast %scan3A_67#0 : i32 to vector<16xi32>
    %select_n3A_1267 = arith.select %eq3A_1265, %broadcast_in_dim3A_1266, %select_n3A_1257 : vector<16xi1>, vector<16xi32>
    %eq3A_1268 = arith.constant 1 : i32
    %eq3A_1269 = vector.broadcast %eq3A_1268 : i32 to vector<16xi32>
    %eq3A_1270 = arith.cmpi eq, %get3A_1247, %eq3A_1269 : vector<16xi32>
    %broadcast_in_dim3A_1271 = vector.broadcast %scan3A_76#0 : i32 to vector<16xi32>
    %select_n3A_1272 = arith.select %eq3A_1270, %broadcast_in_dim3A_1271, %select_n3A_1262 : vector<16xi1>, vector<16xi32>
    %eq3A_1273 = arith.constant 2 : i32
    %eq3A_1274 = vector.broadcast %eq3A_1273 : i32 to vector<16xi32>
    %eq3A_1275 = arith.cmpi eq, %get3A_1247, %eq3A_1274 : vector<16xi32>
    %broadcast_in_dim3A_1276 = vector.broadcast %scan3A_76#0 : i32 to vector<16xi32>
    %select_n3A_1277 = arith.select %eq3A_1275, %broadcast_in_dim3A_1276, %select_n3A_1267 : vector<16xi1>, vector<16xi32>
    %eq3A_1278 = arith.constant 2 : i32
    %eq3A_1279 = vector.broadcast %eq3A_1278 : i32 to vector<16xi32>
    %eq3A_1280 = arith.cmpi eq, %get3A_1247, %eq3A_1279 : vector<16xi32>
    %broadcast_in_dim3A_1281 = vector.broadcast %scan3A_85#0 : i32 to vector<16xi32>
    %select_n3A_1282 = arith.select %eq3A_1280, %broadcast_in_dim3A_1281, %select_n3A_1272 : vector<16xi1>, vector<16xi32>
    %eq3A_1283 = arith.constant 3 : i32
    %eq3A_1284 = vector.broadcast %eq3A_1283 : i32 to vector<16xi32>
    %eq3A_1285 = arith.cmpi eq, %get3A_1247, %eq3A_1284 : vector<16xi32>
    %broadcast_in_dim3A_1286 = vector.broadcast %scan3A_85#0 : i32 to vector<16xi32>
    %select_n3A_1287 = arith.select %eq3A_1285, %broadcast_in_dim3A_1286, %select_n3A_1277 : vector<16xi1>, vector<16xi32>
    %eq3A_1288 = arith.constant 3 : i32
    %eq3A_1289 = vector.broadcast %eq3A_1288 : i32 to vector<16xi32>
    %eq3A_1290 = arith.cmpi eq, %get3A_1247, %eq3A_1289 : vector<16xi32>
    %broadcast_in_dim3A_1291 = vector.broadcast %scan3A_94#0 : i32 to vector<16xi32>
    %select_n3A_1292 = arith.select %eq3A_1290, %broadcast_in_dim3A_1291, %select_n3A_1282 : vector<16xi1>, vector<16xi32>
    %eq3A_1293 = arith.constant 4 : i32
    %eq3A_1294 = vector.broadcast %eq3A_1293 : i32 to vector<16xi32>
    %eq3A_1295 = arith.cmpi eq, %get3A_1247, %eq3A_1294 : vector<16xi32>
    %broadcast_in_dim3A_1296 = vector.broadcast %scan3A_94#0 : i32 to vector<16xi32>
    %select_n3A_1297 = arith.select %eq3A_1295, %broadcast_in_dim3A_1296, %select_n3A_1287 : vector<16xi1>, vector<16xi32>
    %eq3A_1298 = arith.constant 4 : i32
    %eq3A_1299 = vector.broadcast %eq3A_1298 : i32 to vector<16xi32>
    %eq3A_1300 = arith.cmpi eq, %get3A_1247, %eq3A_1299 : vector<16xi32>
    %broadcast_in_dim3A_1301 = vector.broadcast %scan3A_103#0 : i32 to vector<16xi32>
    %select_n3A_1302 = arith.select %eq3A_1300, %broadcast_in_dim3A_1301, %select_n3A_1292 : vector<16xi1>, vector<16xi32>
    %eq3A_1303 = arith.constant 5 : i32
    %eq3A_1304 = vector.broadcast %eq3A_1303 : i32 to vector<16xi32>
    %eq3A_1305 = arith.cmpi eq, %get3A_1247, %eq3A_1304 : vector<16xi32>
    %broadcast_in_dim3A_1306 = vector.broadcast %scan3A_103#0 : i32 to vector<16xi32>
    %select_n3A_1307 = arith.select %eq3A_1305, %broadcast_in_dim3A_1306, %select_n3A_1297 : vector<16xi1>, vector<16xi32>
    %eq3A_1308 = arith.constant 5 : i32
    %eq3A_1309 = vector.broadcast %eq3A_1308 : i32 to vector<16xi32>
    %eq3A_1310 = arith.cmpi eq, %get3A_1247, %eq3A_1309 : vector<16xi32>
    %broadcast_in_dim3A_1311 = vector.broadcast %scan3A_112#0 : i32 to vector<16xi32>
    %select_n3A_1312 = arith.select %eq3A_1310, %broadcast_in_dim3A_1311, %select_n3A_1302 : vector<16xi1>, vector<16xi32>
    %eq3A_1313 = arith.constant 6 : i32
    %eq3A_1314 = vector.broadcast %eq3A_1313 : i32 to vector<16xi32>
    %eq3A_1315 = arith.cmpi eq, %get3A_1247, %eq3A_1314 : vector<16xi32>
    %broadcast_in_dim3A_1316 = vector.broadcast %scan3A_112#0 : i32 to vector<16xi32>
    %select_n3A_1317 = arith.select %eq3A_1315, %broadcast_in_dim3A_1316, %select_n3A_1307 : vector<16xi1>, vector<16xi32>
    %eq3A_1318 = arith.constant 6 : i32
    %eq3A_1319 = vector.broadcast %eq3A_1318 : i32 to vector<16xi32>
    %eq3A_1320 = arith.cmpi eq, %get3A_1247, %eq3A_1319 : vector<16xi32>
    %broadcast_in_dim3A_1321 = vector.broadcast %scan3A_121#0 : i32 to vector<16xi32>
    %select_n3A_1322 = arith.select %eq3A_1320, %broadcast_in_dim3A_1321, %select_n3A_1312 : vector<16xi1>, vector<16xi32>
    %eq3A_1323 = arith.constant 7 : i32
    %eq3A_1324 = vector.broadcast %eq3A_1323 : i32 to vector<16xi32>
    %eq3A_1325 = arith.cmpi eq, %get3A_1247, %eq3A_1324 : vector<16xi32>
    %broadcast_in_dim3A_1326 = vector.broadcast %scan3A_121#0 : i32 to vector<16xi32>
    %select_n3A_1327 = arith.select %eq3A_1325, %broadcast_in_dim3A_1326, %select_n3A_1317 : vector<16xi1>, vector<16xi32>
    %eq3A_1328 = arith.constant 7 : i32
    %eq3A_1329 = vector.broadcast %eq3A_1328 : i32 to vector<16xi32>
    %eq3A_1330 = arith.cmpi eq, %get3A_1247, %eq3A_1329 : vector<16xi32>
    %broadcast_in_dim3A_1331 = vector.broadcast %scan3A_130#0 : i32 to vector<16xi32>
    %select_n3A_1332 = arith.select %eq3A_1330, %broadcast_in_dim3A_1331, %select_n3A_1322 : vector<16xi1>, vector<16xi32>
    %swap3A_1333 = arith.constant 192 : index
    %swap3A_1334 = tpu.vector_load %arg13[%swap3A_1333] {strides = array<i32>} : memref<336xi32, #tpu.memory_space<vmem>>, vector<16xi32>,
    tpu.vector_store %arg13[%swap3A_1333], %select_n3A_1327 {strides = array<i32>} : memref<336xi32, #tpu.memory_space<vmem>>, vector<16xi32>,
    %swap3A_1335 = arith.constant 192 : index
    %swap3A_1336 = tpu.vector_load %arg14[%swap3A_1335] {strides = array<i32>} : memref<336xi32, #tpu.memory_space<vmem>>, vector<16xi32>,
    tpu.vector_store %arg14[%swap3A_1335], %select_n3A_1332 {strides = array<i32>} : memref<336xi32, #tpu.memory_space<vmem>>, vector<16xi32>,
    %add3A_1337 = arith.constant 208 : i32
    %add3A_1338 = arith.addi %mul3A_2, %add3A_1337 : i32
    %get3A_1339 = arith.index_cast %add3A_1338 : i32 to index
    %get3A_1340 = tpu.vector_load %arg12[%get3A_1339] {strides = array<i32>} : memref<10240xi32, #tpu.memory_space<vmem>>, vector<16xi32>,
    %broadcast_in_dim3A_1341 = arith.constant 0 : i32
    %broadcast_in_dim3A_1342 = vector.broadcast %broadcast_in_dim3A_1341 : i32 to vector<16xi32>
    %broadcast_in_dim3A_1343 = arith.constant 0 : i32
    %broadcast_in_dim3A_1344 = vector.broadcast %broadcast_in_dim3A_1343 : i32 to vector<16xi32>
    %eq3A_1345 = arith.constant 0 : i32
    %eq3A_1346 = vector.broadcast %eq3A_1345 : i32 to vector<16xi32>
    %eq3A_1347 = arith.cmpi eq, %get3A_1340, %eq3A_1346 : vector<16xi32>
    %jit3A_1348 = arith.constant 0 : i32
    %broadcast_in_dim3A_1349 = vector.broadcast %jit3A_1348 : i32 to vector<16xi32>
    %select_n3A_1350 = arith.select %eq3A_1347, %broadcast_in_dim3A_1349, %broadcast_in_dim3A_1342 : vector<16xi1>, vector<16xi32>
    %eq3A_1351 = arith.constant 0 : i32
    %eq3A_1352 = vector.broadcast %eq3A_1351 : i32 to vector<16xi32>
    %eq3A_1353 = arith.cmpi eq, %get3A_1340, %eq3A_1352 : vector<16xi32>
    %broadcast_in_dim3A_1354 = vector.broadcast %scan3A_67#0 : i32 to vector<16xi32>
    %select_n3A_1355 = arith.select %eq3A_1353, %broadcast_in_dim3A_1354, %broadcast_in_dim3A_1344 : vector<16xi1>, vector<16xi32>
    %eq3A_1356 = arith.constant 1 : i32
    %eq3A_1357 = vector.broadcast %eq3A_1356 : i32 to vector<16xi32>
    %eq3A_1358 = arith.cmpi eq, %get3A_1340, %eq3A_1357 : vector<16xi32>
    %broadcast_in_dim3A_1359 = vector.broadcast %scan3A_67#0 : i32 to vector<16xi32>
    %select_n3A_1360 = arith.select %eq3A_1358, %broadcast_in_dim3A_1359, %select_n3A_1350 : vector<16xi1>, vector<16xi32>
    %eq3A_1361 = arith.constant 1 : i32
    %eq3A_1362 = vector.broadcast %eq3A_1361 : i32 to vector<16xi32>
    %eq3A_1363 = arith.cmpi eq, %get3A_1340, %eq3A_1362 : vector<16xi32>
    %broadcast_in_dim3A_1364 = vector.broadcast %scan3A_76#0 : i32 to vector<16xi32>
    %select_n3A_1365 = arith.select %eq3A_1363, %broadcast_in_dim3A_1364, %select_n3A_1355 : vector<16xi1>, vector<16xi32>
    %eq3A_1366 = arith.constant 2 : i32
    %eq3A_1367 = vector.broadcast %eq3A_1366 : i32 to vector<16xi32>
    %eq3A_1368 = arith.cmpi eq, %get3A_1340, %eq3A_1367 : vector<16xi32>
    %broadcast_in_dim3A_1369 = vector.broadcast %scan3A_76#0 : i32 to vector<16xi32>
    %select_n3A_1370 = arith.select %eq3A_1368, %broadcast_in_dim3A_1369, %select_n3A_1360 : vector<16xi1>, vector<16xi32>
    %eq3A_1371 = arith.constant 2 : i32
    %eq3A_1372 = vector.broadcast %eq3A_1371 : i32 to vector<16xi32>
    %eq3A_1373 = arith.cmpi eq, %get3A_1340, %eq3A_1372 : vector<16xi32>
    %broadcast_in_dim3A_1374 = vector.broadcast %scan3A_85#0 : i32 to vector<16xi32>
    %select_n3A_1375 = arith.select %eq3A_1373, %broadcast_in_dim3A_1374, %select_n3A_1365 : vector<16xi1>, vector<16xi32>
    %eq3A_1376 = arith.constant 3 : i32
    %eq3A_1377 = vector.broadcast %eq3A_1376 : i32 to vector<16xi32>
    %eq3A_1378 = arith.cmpi eq, %get3A_1340, %eq3A_1377 : vector<16xi32>
    %broadcast_in_dim3A_1379 = vector.broadcast %scan3A_85#0 : i32 to vector<16xi32>
    %select_n3A_1380 = arith.select %eq3A_1378, %broadcast_in_dim3A_1379, %select_n3A_1370 : vector<16xi1>, vector<16xi32>
    %eq3A_1381 = arith.constant 3 : i32
    %eq3A_1382 = vector.broadcast %eq3A_1381 : i32 to vector<16xi32>
    %eq3A_1383 = arith.cmpi eq, %get3A_1340, %eq3A_1382 : vector<16xi32>
    %broadcast_in_dim3A_1384 = vector.broadcast %scan3A_94#0 : i32 to vector<16xi32>
    %select_n3A_1385 = arith.select %eq3A_1383, %broadcast_in_dim3A_1384, %select_n3A_1375 : vector<16xi1>, vector<16xi32>
    %eq3A_1386 = arith.constant 4 : i32
    %eq3A_1387 = vector.broadcast %eq3A_1386 : i32 to vector<16xi32>
    %eq3A_1388 = arith.cmpi eq, %get3A_1340, %eq3A_1387 : vector<16xi32>
    %broadcast_in_dim3A_1389 = vector.broadcast %scan3A_94#0 : i32 to vector<16xi32>
    %select_n3A_1390 = arith.select %eq3A_1388, %broadcast_in_dim3A_1389, %select_n3A_1380 : vector<16xi1>, vector<16xi32>
    %eq3A_1391 = arith.constant 4 : i32
    %eq3A_1392 = vector.broadcast %eq3A_1391 : i32 to vector<16xi32>
    %eq3A_1393 = arith.cmpi eq, %get3A_1340, %eq3A_1392 : vector<16xi32>
    %broadcast_in_dim3A_1394 = vector.broadcast %scan3A_103#0 : i32 to vector<16xi32>
    %select_n3A_1395 = arith.select %eq3A_1393, %broadcast_in_dim3A_1394, %select_n3A_1385 : vector<16xi1>, vector<16xi32>
    %eq3A_1396 = arith.constant 5 : i32
    %eq3A_1397 = vector.broadcast %eq3A_1396 : i32 to vector<16xi32>
    %eq3A_1398 = arith.cmpi eq, %get3A_1340, %eq3A_1397 : vector<16xi32>
    %broadcast_in_dim3A_1399 = vector.broadcast %scan3A_103#0 : i32 to vector<16xi32>
    %select_n3A_1400 = arith.select %eq3A_1398, %broadcast_in_dim3A_1399, %select_n3A_1390 : vector<16xi1>, vector<16xi32>
    %eq3A_1401 = arith.constant 5 : i32
    %eq3A_1402 = vector.broadcast %eq3A_1401 : i32 to vector<16xi32>
    %eq3A_1403 = arith.cmpi eq, %get3A_1340, %eq3A_1402 : vector<16xi32>
    %broadcast_in_dim3A_1404 = vector.broadcast %scan3A_112#0 : i32 to vector<16xi32>
    %select_n3A_1405 = arith.select %eq3A_1403, %broadcast_in_dim3A_1404, %select_n3A_1395 : vector<16xi1>, vector<16xi32>
    %eq3A_1406 = arith.constant 6 : i32
    %eq3A_1407 = vector.broadcast %eq3A_1406 : i32 to vector<16xi32>
    %eq3A_1408 = arith.cmpi eq, %get3A_1340, %eq3A_1407 : vector<16xi32>
    %broadcast_in_dim3A_1409 = vector.broadcast %scan3A_112#0 : i32 to vector<16xi32>
    %select_n3A_1410 = arith.select %eq3A_1408, %broadcast_in_dim3A_1409, %select_n3A_1400 : vector<16xi1>, vector<16xi32>
    %eq3A_1411 = arith.constant 6 : i32
    %eq3A_1412 = vector.broadcast %eq3A_1411 : i32 to vector<16xi32>
    %eq3A_1413 = arith.cmpi eq, %get3A_1340, %eq3A_1412 : vector<16xi32>
    %broadcast_in_dim3A_1414 = vector.broadcast %scan3A_121#0 : i32 to vector<16xi32>
    %select_n3A_1415 = arith.select %eq3A_1413, %broadcast_in_dim3A_1414, %select_n3A_1405 : vector<16xi1>, vector<16xi32>
    %eq3A_1416 = arith.constant 7 : i32
    %eq3A_1417 = vector.broadcast %eq3A_1416 : i32 to vector<16xi32>
    %eq3A_1418 = arith.cmpi eq, %get3A_1340, %eq3A_1417 : vector<16xi32>
    %broadcast_in_dim3A_1419 = vector.broadcast %scan3A_121#0 : i32 to vector<16xi32>
    %select_n3A_1420 = arith.select %eq3A_1418, %broadcast_in_dim3A_1419, %select_n3A_1410 : vector<16xi1>, vector<16xi32>
    %eq3A_1421 = arith.constant 7 : i32
    %eq3A_1422 = vector.broadcast %eq3A_1421 : i32 to vector<16xi32>
    %eq3A_1423 = arith.cmpi eq, %get3A_1340, %eq3A_1422 : vector<16xi32>
    %broadcast_in_dim3A_1424 = vector.broadcast %scan3A_130#0 : i32 to vector<16xi32>
    %select_n3A_1425 = arith.select %eq3A_1423, %broadcast_in_dim3A_1424, %select_n3A_1415 : vector<16xi1>, vector<16xi32>
    %swap3A_1426 = arith.constant 208 : index
    %swap3A_1427 = tpu.vector_load %arg13[%swap3A_1426] {strides = array<i32>} : memref<336xi32, #tpu.memory_space<vmem>>, vector<16xi32>,
    tpu.vector_store %arg13[%swap3A_1426], %select_n3A_1420 {strides = array<i32>} : memref<336xi32, #tpu.memory_space<vmem>>, vector<16xi32>,
    %swap3A_1428 = arith.constant 208 : index
    %swap3A_1429 = tpu.vector_load %arg14[%swap3A_1428] {strides = array<i32>} : memref<336xi32, #tpu.memory_space<vmem>>, vector<16xi32>,
    tpu.vector_store %arg14[%swap3A_1428], %select_n3A_1425 {strides = array<i32>} : memref<336xi32, #tpu.memory_space<vmem>>, vector<16xi32>,
    %add3A_1430 = arith.constant 224 : i32
    %add3A_1431 = arith.addi %mul3A_2, %add3A_1430 : i32
    %get3A_1432 = arith.index_cast %add3A_1431 : i32 to index
    %get3A_1433 = tpu.vector_load %arg12[%get3A_1432] {strides = array<i32>} : memref<10240xi32, #tpu.memory_space<vmem>>, vector<16xi32>,
    %broadcast_in_dim3A_1434 = arith.constant 0 : i32
    %broadcast_in_dim3A_1435 = vector.broadcast %broadcast_in_dim3A_1434 : i32 to vector<16xi32>
    %broadcast_in_dim3A_1436 = arith.constant 0 : i32
    %broadcast_in_dim3A_1437 = vector.broadcast %broadcast_in_dim3A_1436 : i32 to vector<16xi32>
    %eq3A_1438 = arith.constant 0 : i32
    %eq3A_1439 = vector.broadcast %eq3A_1438 : i32 to vector<16xi32>
    %eq3A_1440 = arith.cmpi eq, %get3A_1433, %eq3A_1439 : vector<16xi32>
    %jit3A_1441 = arith.constant 0 : i32
    %broadcast_in_dim3A_1442 = vector.broadcast %jit3A_1441 : i32 to vector<16xi32>
    %select_n3A_1443 = arith.select %eq3A_1440, %broadcast_in_dim3A_1442, %broadcast_in_dim3A_1435 : vector<16xi1>, vector<16xi32>
    %eq3A_1444 = arith.constant 0 : i32
    %eq3A_1445 = vector.broadcast %eq3A_1444 : i32 to vector<16xi32>
    %eq3A_1446 = arith.cmpi eq, %get3A_1433, %eq3A_1445 : vector<16xi32>
    %broadcast_in_dim3A_1447 = vector.broadcast %scan3A_67#0 : i32 to vector<16xi32>
    %select_n3A_1448 = arith.select %eq3A_1446, %broadcast_in_dim3A_1447, %broadcast_in_dim3A_1437 : vector<16xi1>, vector<16xi32>
    %eq3A_1449 = arith.constant 1 : i32
    %eq3A_1450 = vector.broadcast %eq3A_1449 : i32 to vector<16xi32>
    %eq3A_1451 = arith.cmpi eq, %get3A_1433, %eq3A_1450 : vector<16xi32>
    %broadcast_in_dim3A_1452 = vector.broadcast %scan3A_67#0 : i32 to vector<16xi32>
    %select_n3A_1453 = arith.select %eq3A_1451, %broadcast_in_dim3A_1452, %select_n3A_1443 : vector<16xi1>, vector<16xi32>
    %eq3A_1454 = arith.constant 1 : i32
    %eq3A_1455 = vector.broadcast %eq3A_1454 : i32 to vector<16xi32>
    %eq3A_1456 = arith.cmpi eq, %get3A_1433, %eq3A_1455 : vector<16xi32>
    %broadcast_in_dim3A_1457 = vector.broadcast %scan3A_76#0 : i32 to vector<16xi32>
    %select_n3A_1458 = arith.select %eq3A_1456, %broadcast_in_dim3A_1457, %select_n3A_1448 : vector<16xi1>, vector<16xi32>
    %eq3A_1459 = arith.constant 2 : i32
    %eq3A_1460 = vector.broadcast %eq3A_1459 : i32 to vector<16xi32>
    %eq3A_1461 = arith.cmpi eq, %get3A_1433, %eq3A_1460 : vector<16xi32>
    %broadcast_in_dim3A_1462 = vector.broadcast %scan3A_76#0 : i32 to vector<16xi32>
    %select_n3A_1463 = arith.select %eq3A_1461, %broadcast_in_dim3A_1462, %select_n3A_1453 : vector<16xi1>, vector<16xi32>
    %eq3A_1464 = arith.constant 2 : i32
    %eq3A_1465 = vector.broadcast %eq3A_1464 : i32 to vector<16xi32>
    %eq3A_1466 = arith.cmpi eq, %get3A_1433, %eq3A_1465 : vector<16xi32>
    %broadcast_in_dim3A_1467 = vector.broadcast %scan3A_85#0 : i32 to vector<16xi32>
    %select_n3A_1468 = arith.select %eq3A_1466, %broadcast_in_dim3A_1467, %select_n3A_1458 : vector<16xi1>, vector<16xi32>
    %eq3A_1469 = arith.constant 3 : i32
    %eq3A_1470 = vector.broadcast %eq3A_1469 : i32 to vector<16xi32>
    %eq3A_1471 = arith.cmpi eq, %get3A_1433, %eq3A_1470 : vector<16xi32>
    %broadcast_in_dim3A_1472 = vector.broadcast %scan3A_85#0 : i32 to vector<16xi32>
    %select_n3A_1473 = arith.select %eq3A_1471, %broadcast_in_dim3A_1472, %select_n3A_1463 : vector<16xi1>, vector<16xi32>
    %eq3A_1474 = arith.constant 3 : i32
    %eq3A_1475 = vector.broadcast %eq3A_1474 : i32 to vector<16xi32>
    %eq3A_1476 = arith.cmpi eq, %get3A_1433, %eq3A_1475 : vector<16xi32>
    %broadcast_in_dim3A_1477 = vector.broadcast %scan3A_94#0 : i32 to vector<16xi32>
    %select_n3A_1478 = arith.select %eq3A_1476, %broadcast_in_dim3A_1477, %select_n3A_1468 : vector<16xi1>, vector<16xi32>
    %eq3A_1479 = arith.constant 4 : i32
    %eq3A_1480 = vector.broadcast %eq3A_1479 : i32 to vector<16xi32>
    %eq3A_1481 = arith.cmpi eq, %get3A_1433, %eq3A_1480 : vector<16xi32>
    %broadcast_in_dim3A_1482 = vector.broadcast %scan3A_94#0 : i32 to vector<16xi32>
    %select_n3A_1483 = arith.select %eq3A_1481, %broadcast_in_dim3A_1482, %select_n3A_1473 : vector<16xi1>, vector<16xi32>
    %eq3A_1484 = arith.constant 4 : i32
    %eq3A_1485 = vector.broadcast %eq3A_1484 : i32 to vector<16xi32>
    %eq3A_1486 = arith.cmpi eq, %get3A_1433, %eq3A_1485 : vector<16xi32>
    %broadcast_in_dim3A_1487 = vector.broadcast %scan3A_103#0 : i32 to vector<16xi32>
    %select_n3A_1488 = arith.select %eq3A_1486, %broadcast_in_dim3A_1487, %select_n3A_1478 : vector<16xi1>, vector<16xi32>
    %eq3A_1489 = arith.constant 5 : i32
    %eq3A_1490 = vector.broadcast %eq3A_1489 : i32 to vector<16xi32>
    %eq3A_1491 = arith.cmpi eq, %get3A_1433, %eq3A_1490 : vector<16xi32>
    %broadcast_in_dim3A_1492 = vector.broadcast %scan3A_103#0 : i32 to vector<16xi32>
    %select_n3A_1493 = arith.select %eq3A_1491, %broadcast_in_dim3A_1492, %select_n3A_1483 : vector<16xi1>, vector<16xi32>
    %eq3A_1494 = arith.constant 5 : i32
    %eq3A_1495 = vector.broadcast %eq3A_1494 : i32 to vector<16xi32>
    %eq3A_1496 = arith.cmpi eq, %get3A_1433, %eq3A_1495 : vector<16xi32>
    %broadcast_in_dim3A_1497 = vector.broadcast %scan3A_112#0 : i32 to vector<16xi32>
    %select_n3A_1498 = arith.select %eq3A_1496, %broadcast_in_dim3A_1497, %select_n3A_1488 : vector<16xi1>, vector<16xi32>
    %eq3A_1499 = arith.constant 6 : i32
    %eq3A_1500 = vector.broadcast %eq3A_1499 : i32 to vector<16xi32>
    %eq3A_1501 = arith.cmpi eq, %get3A_1433, %eq3A_1500 : vector<16xi32>
    %broadcast_in_dim3A_1502 = vector.broadcast %scan3A_112#0 : i32 to vector<16xi32>
    %select_n3A_1503 = arith.select %eq3A_1501, %broadcast_in_dim3A_1502, %select_n3A_1493 : vector<16xi1>, vector<16xi32>
    %eq3A_1504 = arith.constant 6 : i32
    %eq3A_1505 = vector.broadcast %eq3A_1504 : i32 to vector<16xi32>
    %eq3A_1506 = arith.cmpi eq, %get3A_1433, %eq3A_1505 : vector<16xi32>
    %broadcast_in_dim3A_1507 = vector.broadcast %scan3A_121#0 : i32 to vector<16xi32>
    %select_n3A_1508 = arith.select %eq3A_1506, %broadcast_in_dim3A_1507, %select_n3A_1498 : vector<16xi1>, vector<16xi32>
    %eq3A_1509 = arith.constant 7 : i32
    %eq3A_1510 = vector.broadcast %eq3A_1509 : i32 to vector<16xi32>
    %eq3A_1511 = arith.cmpi eq, %get3A_1433, %eq3A_1510 : vector<16xi32>
    %broadcast_in_dim3A_1512 = vector.broadcast %scan3A_121#0 : i32 to vector<16xi32>
    %select_n3A_1513 = arith.select %eq3A_1511, %broadcast_in_dim3A_1512, %select_n3A_1503 : vector<16xi1>, vector<16xi32>
    %eq3A_1514 = arith.constant 7 : i32
    %eq3A_1515 = vector.broadcast %eq3A_1514 : i32 to vector<16xi32>
    %eq3A_1516 = arith.cmpi eq, %get3A_1433, %eq3A_1515 : vector<16xi32>
    %broadcast_in_dim3A_1517 = vector.broadcast %scan3A_130#0 : i32 to vector<16xi32>
    %select_n3A_1518 = arith.select %eq3A_1516, %broadcast_in_dim3A_1517, %select_n3A_1508 : vector<16xi1>, vector<16xi32>
    %swap3A_1519 = arith.constant 224 : index
    %swap3A_1520 = tpu.vector_load %arg13[%swap3A_1519] {strides = array<i32>} : memref<336xi32, #tpu.memory_space<vmem>>, vector<16xi32>,
    tpu.vector_store %arg13[%swap3A_1519], %select_n3A_1513 {strides = array<i32>} : memref<336xi32, #tpu.memory_space<vmem>>, vector<16xi32>,
    %swap3A_1521 = arith.constant 224 : index
    %swap3A_1522 = tpu.vector_load %arg14[%swap3A_1521] {strides = array<i32>} : memref<336xi32, #tpu.memory_space<vmem>>, vector<16xi32>,
    tpu.vector_store %arg14[%swap3A_1521], %select_n3A_1518 {strides = array<i32>} : memref<336xi32, #tpu.memory_space<vmem>>, vector<16xi32>,
    %add3A_1523 = arith.constant 240 : i32
    %add3A_1524 = arith.addi %mul3A_2, %add3A_1523 : i32
    %get3A_1525 = arith.index_cast %add3A_1524 : i32 to index
    %get3A_1526 = tpu.vector_load %arg12[%get3A_1525] {strides = array<i32>} : memref<10240xi32, #tpu.memory_space<vmem>>, vector<16xi32>,
    %broadcast_in_dim3A_1527 = arith.constant 0 : i32
    %broadcast_in_dim3A_1528 = vector.broadcast %broadcast_in_dim3A_1527 : i32 to vector<16xi32>
    %broadcast_in_dim3A_1529 = arith.constant 0 : i32
    %broadcast_in_dim3A_1530 = vector.broadcast %broadcast_in_dim3A_1529 : i32 to vector<16xi32>
    %eq3A_1531 = arith.constant 0 : i32
    %eq3A_1532 = vector.broadcast %eq3A_1531 : i32 to vector<16xi32>
    %eq3A_1533 = arith.cmpi eq, %get3A_1526, %eq3A_1532 : vector<16xi32>
    %jit3A_1534 = arith.constant 0 : i32
    %broadcast_in_dim3A_1535 = vector.broadcast %jit3A_1534 : i32 to vector<16xi32>
    %select_n3A_1536 = arith.select %eq3A_1533, %broadcast_in_dim3A_1535, %broadcast_in_dim3A_1528 : vector<16xi1>, vector<16xi32>
    %eq3A_1537 = arith.constant 0 : i32
    %eq3A_1538 = vector.broadcast %eq3A_1537 : i32 to vector<16xi32>
    %eq3A_1539 = arith.cmpi eq, %get3A_1526, %eq3A_1538 : vector<16xi32>
    %broadcast_in_dim3A_1540 = vector.broadcast %scan3A_67#0 : i32 to vector<16xi32>
    %select_n3A_1541 = arith.select %eq3A_1539, %broadcast_in_dim3A_1540, %broadcast_in_dim3A_1530 : vector<16xi1>, vector<16xi32>
    %eq3A_1542 = arith.constant 1 : i32
    %eq3A_1543 = vector.broadcast %eq3A_1542 : i32 to vector<16xi32>
    %eq3A_1544 = arith.cmpi eq, %get3A_1526, %eq3A_1543 : vector<16xi32>
    %broadcast_in_dim3A_1545 = vector.broadcast %scan3A_67#0 : i32 to vector<16xi32>
    %select_n3A_1546 = arith.select %eq3A_1544, %broadcast_in_dim3A_1545, %select_n3A_1536 : vector<16xi1>, vector<16xi32>
    %eq3A_1547 = arith.constant 1 : i32
    %eq3A_1548 = vector.broadcast %eq3A_1547 : i32 to vector<16xi32>
    %eq3A_1549 = arith.cmpi eq, %get3A_1526, %eq3A_1548 : vector<16xi32>
    %broadcast_in_dim3A_1550 = vector.broadcast %scan3A_76#0 : i32 to vector<16xi32>
    %select_n3A_1551 = arith.select %eq3A_1549, %broadcast_in_dim3A_1550, %select_n3A_1541 : vector<16xi1>, vector<16xi32>
    %eq3A_1552 = arith.constant 2 : i32
    %eq3A_1553 = vector.broadcast %eq3A_1552 : i32 to vector<16xi32>
    %eq3A_1554 = arith.cmpi eq, %get3A_1526, %eq3A_1553 : vector<16xi32>
    %broadcast_in_dim3A_1555 = vector.broadcast %scan3A_76#0 : i32 to vector<16xi32>
    %select_n3A_1556 = arith.select %eq3A_1554, %broadcast_in_dim3A_1555, %select_n3A_1546 : vector<16xi1>, vector<16xi32>
    %eq3A_1557 = arith.constant 2 : i32
    %eq3A_1558 = vector.broadcast %eq3A_1557 : i32 to vector<16xi32>
    %eq3A_1559 = arith.cmpi eq, %get3A_1526, %eq3A_1558 : vector<16xi32>
    %broadcast_in_dim3A_1560 = vector.broadcast %scan3A_85#0 : i32 to vector<16xi32>
    %select_n3A_1561 = arith.select %eq3A_1559, %broadcast_in_dim3A_1560, %select_n3A_1551 : vector<16xi1>, vector<16xi32>
    %eq3A_1562 = arith.constant 3 : i32
    %eq3A_1563 = vector.broadcast %eq3A_1562 : i32 to vector<16xi32>
    %eq3A_1564 = arith.cmpi eq, %get3A_1526, %eq3A_1563 : vector<16xi32>
    %broadcast_in_dim3A_1565 = vector.broadcast %scan3A_85#0 : i32 to vector<16xi32>
    %select_n3A_1566 = arith.select %eq3A_1564, %broadcast_in_dim3A_1565, %select_n3A_1556 : vector<16xi1>, vector<16xi32>
    %eq3A_1567 = arith.constant 3 : i32
    %eq3A_1568 = vector.broadcast %eq3A_1567 : i32 to vector<16xi32>
    %eq3A_1569 = arith.cmpi eq, %get3A_1526, %eq3A_1568 : vector<16xi32>
    %broadcast_in_dim3A_1570 = vector.broadcast %scan3A_94#0 : i32 to vector<16xi32>
    %select_n3A_1571 = arith.select %eq3A_1569, %broadcast_in_dim3A_1570, %select_n3A_1561 : vector<16xi1>, vector<16xi32>
    %eq3A_1572 = arith.constant 4 : i32
    %eq3A_1573 = vector.broadcast %eq3A_1572 : i32 to vector<16xi32>
    %eq3A_1574 = arith.cmpi eq, %get3A_1526, %eq3A_1573 : vector<16xi32>
    %broadcast_in_dim3A_1575 = vector.broadcast %scan3A_94#0 : i32 to vector<16xi32>
    %select_n3A_1576 = arith.select %eq3A_1574, %broadcast_in_dim3A_1575, %select_n3A_1566 : vector<16xi1>, vector<16xi32>
    %eq3A_1577 = arith.constant 4 : i32
    %eq3A_1578 = vector.broadcast %eq3A_1577 : i32 to vector<16xi32>
    %eq3A_1579 = arith.cmpi eq, %get3A_1526, %eq3A_1578 : vector<16xi32>
    %broadcast_in_dim3A_1580 = vector.broadcast %scan3A_103#0 : i32 to vector<16xi32>
    %select_n3A_1581 = arith.select %eq3A_1579, %broadcast_in_dim3A_1580, %select_n3A_1571 : vector<16xi1>, vector<16xi32>
    %eq3A_1582 = arith.constant 5 : i32
    %eq3A_1583 = vector.broadcast %eq3A_1582 : i32 to vector<16xi32>
    %eq3A_1584 = arith.cmpi eq, %get3A_1526, %eq3A_1583 : vector<16xi32>
    %broadcast_in_dim3A_1585 = vector.broadcast %scan3A_103#0 : i32 to vector<16xi32>
    %select_n3A_1586 = arith.select %eq3A_1584, %broadcast_in_dim3A_1585, %select_n3A_1576 : vector<16xi1>, vector<16xi32>
    %eq3A_1587 = arith.constant 5 : i32
    %eq3A_1588 = vector.broadcast %eq3A_1587 : i32 to vector<16xi32>
    %eq3A_1589 = arith.cmpi eq, %get3A_1526, %eq3A_1588 : vector<16xi32>
    %broadcast_in_dim3A_1590 = vector.broadcast %scan3A_112#0 : i32 to vector<16xi32>
    %select_n3A_1591 = arith.select %eq3A_1589, %broadcast_in_dim3A_1590, %select_n3A_1581 : vector<16xi1>, vector<16xi32>
    %eq3A_1592 = arith.constant 6 : i32
    %eq3A_1593 = vector.broadcast %eq3A_1592 : i32 to vector<16xi32>
    %eq3A_1594 = arith.cmpi eq, %get3A_1526, %eq3A_1593 : vector<16xi32>
    %broadcast_in_dim3A_1595 = vector.broadcast %scan3A_112#0 : i32 to vector<16xi32>
    %select_n3A_1596 = arith.select %eq3A_1594, %broadcast_in_dim3A_1595, %select_n3A_1586 : vector<16xi1>, vector<16xi32>
    %eq3A_1597 = arith.constant 6 : i32
    %eq3A_1598 = vector.broadcast %eq3A_1597 : i32 to vector<16xi32>
    %eq3A_1599 = arith.cmpi eq, %get3A_1526, %eq3A_1598 : vector<16xi32>
    %broadcast_in_dim3A_1600 = vector.broadcast %scan3A_121#0 : i32 to vector<16xi32>
    %select_n3A_1601 = arith.select %eq3A_1599, %broadcast_in_dim3A_1600, %select_n3A_1591 : vector<16xi1>, vector<16xi32>
    %eq3A_1602 = arith.constant 7 : i32
    %eq3A_1603 = vector.broadcast %eq3A_1602 : i32 to vector<16xi32>
    %eq3A_1604 = arith.cmpi eq, %get3A_1526, %eq3A_1603 : vector<16xi32>
    %broadcast_in_dim3A_1605 = vector.broadcast %scan3A_121#0 : i32 to vector<16xi32>
    %select_n3A_1606 = arith.select %eq3A_1604, %broadcast_in_dim3A_1605, %select_n3A_1596 : vector<16xi1>, vector<16xi32>
    %eq3A_1607 = arith.constant 7 : i32
    %eq3A_1608 = vector.broadcast %eq3A_1607 : i32 to vector<16xi32>
    %eq3A_1609 = arith.cmpi eq, %get3A_1526, %eq3A_1608 : vector<16xi32>
    %broadcast_in_dim3A_1610 = vector.broadcast %scan3A_130#0 : i32 to vector<16xi32>
    %select_n3A_1611 = arith.select %eq3A_1609, %broadcast_in_dim3A_1610, %select_n3A_1601 : vector<16xi1>, vector<16xi32>
    %swap3A_1612 = arith.constant 240 : index
    %swap3A_1613 = tpu.vector_load %arg13[%swap3A_1612] {strides = array<i32>} : memref<336xi32, #tpu.memory_space<vmem>>, vector<16xi32>,
    tpu.vector_store %arg13[%swap3A_1612], %select_n3A_1606 {strides = array<i32>} : memref<336xi32, #tpu.memory_space<vmem>>, vector<16xi32>,
    %swap3A_1614 = arith.constant 240 : index
    %swap3A_1615 = tpu.vector_load %arg14[%swap3A_1614] {strides = array<i32>} : memref<336xi32, #tpu.memory_space<vmem>>, vector<16xi32>,
    tpu.vector_store %arg14[%swap3A_1614], %select_n3A_1611 {strides = array<i32>} : memref<336xi32, #tpu.memory_space<vmem>>, vector<16xi32>,
    %add3A_1616 = arith.constant 256 : i32
    %add3A_1617 = arith.addi %mul3A_2, %add3A_1616 : i32
    %get3A_1618 = arith.index_cast %add3A_1617 : i32 to index
    %get3A_1619 = tpu.vector_load %arg12[%get3A_1618] {strides = array<i32>} : memref<10240xi32, #tpu.memory_space<vmem>>, vector<16xi32>,
    %broadcast_in_dim3A_1620 = arith.constant 0 : i32
    %broadcast_in_dim3A_1621 = vector.broadcast %broadcast_in_dim3A_1620 : i32 to vector<16xi32>
    %broadcast_in_dim3A_1622 = arith.constant 0 : i32
    %broadcast_in_dim3A_1623 = vector.broadcast %broadcast_in_dim3A_1622 : i32 to vector<16xi32>
    %eq3A_1624 = arith.constant 0 : i32
    %eq3A_1625 = vector.broadcast %eq3A_1624 : i32 to vector<16xi32>
    %eq3A_1626 = arith.cmpi eq, %get3A_1619, %eq3A_1625 : vector<16xi32>
    %jit3A_1627 = arith.constant 0 : i32
    %broadcast_in_dim3A_1628 = vector.broadcast %jit3A_1627 : i32 to vector<16xi32>
    %select_n3A_1629 = arith.select %eq3A_1626, %broadcast_in_dim3A_1628, %broadcast_in_dim3A_1621 : vector<16xi1>, vector<16xi32>
    %eq3A_1630 = arith.constant 0 : i32
    %eq3A_1631 = vector.broadcast %eq3A_1630 : i32 to vector<16xi32>
    %eq3A_1632 = arith.cmpi eq, %get3A_1619, %eq3A_1631 : vector<16xi32>
    %broadcast_in_dim3A_1633 = vector.broadcast %scan3A_67#0 : i32 to vector<16xi32>
    %select_n3A_1634 = arith.select %eq3A_1632, %broadcast_in_dim3A_1633, %broadcast_in_dim3A_1623 : vector<16xi1>, vector<16xi32>
    %eq3A_1635 = arith.constant 1 : i32
    %eq3A_1636 = vector.broadcast %eq3A_1635 : i32 to vector<16xi32>
    %eq3A_1637 = arith.cmpi eq, %get3A_1619, %eq3A_1636 : vector<16xi32>
    %broadcast_in_dim3A_1638 = vector.broadcast %scan3A_67#0 : i32 to vector<16xi32>
    %select_n3A_1639 = arith.select %eq3A_1637, %broadcast_in_dim3A_1638, %select_n3A_1629 : vector<16xi1>, vector<16xi32>
    %eq3A_1640 = arith.constant 1 : i32
    %eq3A_1641 = vector.broadcast %eq3A_1640 : i32 to vector<16xi32>
    %eq3A_1642 = arith.cmpi eq, %get3A_1619, %eq3A_1641 : vector<16xi32>
    %broadcast_in_dim3A_1643 = vector.broadcast %scan3A_76#0 : i32 to vector<16xi32>
    %select_n3A_1644 = arith.select %eq3A_1642, %broadcast_in_dim3A_1643, %select_n3A_1634 : vector<16xi1>, vector<16xi32>
    %eq3A_1645 = arith.constant 2 : i32
    %eq3A_1646 = vector.broadcast %eq3A_1645 : i32 to vector<16xi32>
    %eq3A_1647 = arith.cmpi eq, %get3A_1619, %eq3A_1646 : vector<16xi32>
    %broadcast_in_dim3A_1648 = vector.broadcast %scan3A_76#0 : i32 to vector<16xi32>
    %select_n3A_1649 = arith.select %eq3A_1647, %broadcast_in_dim3A_1648, %select_n3A_1639 : vector<16xi1>, vector<16xi32>
    %eq3A_1650 = arith.constant 2 : i32
    %eq3A_1651 = vector.broadcast %eq3A_1650 : i32 to vector<16xi32>
    %eq3A_1652 = arith.cmpi eq, %get3A_1619, %eq3A_1651 : vector<16xi32>
    %broadcast_in_dim3A_1653 = vector.broadcast %scan3A_85#0 : i32 to vector<16xi32>
    %select_n3A_1654 = arith.select %eq3A_1652, %broadcast_in_dim3A_1653, %select_n3A_1644 : vector<16xi1>, vector<16xi32>
    %eq3A_1655 = arith.constant 3 : i32
    %eq3A_1656 = vector.broadcast %eq3A_1655 : i32 to vector<16xi32>
    %eq3A_1657 = arith.cmpi eq, %get3A_1619, %eq3A_1656 : vector<16xi32>
    %broadcast_in_dim3A_1658 = vector.broadcast %scan3A_85#0 : i32 to vector<16xi32>
    %select_n3A_1659 = arith.select %eq3A_1657, %broadcast_in_dim3A_1658, %select_n3A_1649 : vector<16xi1>, vector<16xi32>
    %eq3A_1660 = arith.constant 3 : i32
    %eq3A_1661 = vector.broadcast %eq3A_1660 : i32 to vector<16xi32>
    %eq3A_1662 = arith.cmpi eq, %get3A_1619, %eq3A_1661 : vector<16xi32>
    %broadcast_in_dim3A_1663 = vector.broadcast %scan3A_94#0 : i32 to vector<16xi32>
    %select_n3A_1664 = arith.select %eq3A_1662, %broadcast_in_dim3A_1663, %select_n3A_1654 : vector<16xi1>, vector<16xi32>
    %eq3A_1665 = arith.constant 4 : i32
    %eq3A_1666 = vector.broadcast %eq3A_1665 : i32 to vector<16xi32>
    %eq3A_1667 = arith.cmpi eq, %get3A_1619, %eq3A_1666 : vector<16xi32>
    %broadcast_in_dim3A_1668 = vector.broadcast %scan3A_94#0 : i32 to vector<16xi32>
    %select_n3A_1669 = arith.select %eq3A_1667, %broadcast_in_dim3A_1668, %select_n3A_1659 : vector<16xi1>, vector<16xi32>
    %eq3A_1670 = arith.constant 4 : i32
    %eq3A_1671 = vector.broadcast %eq3A_1670 : i32 to vector<16xi32>
    %eq3A_1672 = arith.cmpi eq, %get3A_1619, %eq3A_1671 : vector<16xi32>
    %broadcast_in_dim3A_1673 = vector.broadcast %scan3A_103#0 : i32 to vector<16xi32>
    %select_n3A_1674 = arith.select %eq3A_1672, %broadcast_in_dim3A_1673, %select_n3A_1664 : vector<16xi1>, vector<16xi32>
    %eq3A_1675 = arith.constant 5 : i32
    %eq3A_1676 = vector.broadcast %eq3A_1675 : i32 to vector<16xi32>
    %eq3A_1677 = arith.cmpi eq, %get3A_1619, %eq3A_1676 : vector<16xi32>
    %broadcast_in_dim3A_1678 = vector.broadcast %scan3A_103#0 : i32 to vector<16xi32>
    %select_n3A_1679 = arith.select %eq3A_1677, %broadcast_in_dim3A_1678, %select_n3A_1669 : vector<16xi1>, vector<16xi32>
    %eq3A_1680 = arith.constant 5 : i32
    %eq3A_1681 = vector.broadcast %eq3A_1680 : i32 to vector<16xi32>
    %eq3A_1682 = arith.cmpi eq, %get3A_1619, %eq3A_1681 : vector<16xi32>
    %broadcast_in_dim3A_1683 = vector.broadcast %scan3A_112#0 : i32 to vector<16xi32>
    %select_n3A_1684 = arith.select %eq3A_1682, %broadcast_in_dim3A_1683, %select_n3A_1674 : vector<16xi1>, vector<16xi32>
    %eq3A_1685 = arith.constant 6 : i32
    %eq3A_1686 = vector.broadcast %eq3A_1685 : i32 to vector<16xi32>
    %eq3A_1687 = arith.cmpi eq, %get3A_1619, %eq3A_1686 : vector<16xi32>
    %broadcast_in_dim3A_1688 = vector.broadcast %scan3A_112#0 : i32 to vector<16xi32>
    %select_n3A_1689 = arith.select %eq3A_1687, %broadcast_in_dim3A_1688, %select_n3A_1679 : vector<16xi1>, vector<16xi32>
    %eq3A_1690 = arith.constant 6 : i32
    %eq3A_1691 = vector.broadcast %eq3A_1690 : i32 to vector<16xi32>
    %eq3A_1692 = arith.cmpi eq, %get3A_1619, %eq3A_1691 : vector<16xi32>
    %broadcast_in_dim3A_1693 = vector.broadcast %scan3A_121#0 : i32 to vector<16xi32>
    %select_n3A_1694 = arith.select %eq3A_1692, %broadcast_in_dim3A_1693, %select_n3A_1684 : vector<16xi1>, vector<16xi32>
    %eq3A_1695 = arith.constant 7 : i32
    %eq3A_1696 = vector.broadcast %eq3A_1695 : i32 to vector<16xi32>
    %eq3A_1697 = arith.cmpi eq, %get3A_1619, %eq3A_1696 : vector<16xi32>
    %broadcast_in_dim3A_1698 = vector.broadcast %scan3A_121#0 : i32 to vector<16xi32>
    %select_n3A_1699 = arith.select %eq3A_1697, %broadcast_in_dim3A_1698, %select_n3A_1689 : vector<16xi1>, vector<16xi32>
    %eq3A_1700 = arith.constant 7 : i32
    %eq3A_1701 = vector.broadcast %eq3A_1700 : i32 to vector<16xi32>
    %eq3A_1702 = arith.cmpi eq, %get3A_1619, %eq3A_1701 : vector<16xi32>
    %broadcast_in_dim3A_1703 = vector.broadcast %scan3A_130#0 : i32 to vector<16xi32>
    %select_n3A_1704 = arith.select %eq3A_1702, %broadcast_in_dim3A_1703, %select_n3A_1694 : vector<16xi1>, vector<16xi32>
    %swap3A_1705 = arith.constant 256 : index
    %swap3A_1706 = tpu.vector_load %arg13[%swap3A_1705] {strides = array<i32>} : memref<336xi32, #tpu.memory_space<vmem>>, vector<16xi32>,
    tpu.vector_store %arg13[%swap3A_1705], %select_n3A_1699 {strides = array<i32>} : memref<336xi32, #tpu.memory_space<vmem>>, vector<16xi32>,
    %swap3A_1707 = arith.constant 256 : index
    %swap3A_1708 = tpu.vector_load %arg14[%swap3A_1707] {strides = array<i32>} : memref<336xi32, #tpu.memory_space<vmem>>, vector<16xi32>,
    tpu.vector_store %arg14[%swap3A_1707], %select_n3A_1704 {strides = array<i32>} : memref<336xi32, #tpu.memory_space<vmem>>, vector<16xi32>,
    %add3A_1709 = arith.constant 272 : i32
    %add3A_1710 = arith.addi %mul3A_2, %add3A_1709 : i32
    %get3A_1711 = arith.index_cast %add3A_1710 : i32 to index
    %get3A_1712 = tpu.vector_load %arg12[%get3A_1711] {strides = array<i32>} : memref<10240xi32, #tpu.memory_space<vmem>>, vector<16xi32>,
    %broadcast_in_dim3A_1713 = arith.constant 0 : i32
    %broadcast_in_dim3A_1714 = vector.broadcast %broadcast_in_dim3A_1713 : i32 to vector<16xi32>
    %broadcast_in_dim3A_1715 = arith.constant 0 : i32
    %broadcast_in_dim3A_1716 = vector.broadcast %broadcast_in_dim3A_1715 : i32 to vector<16xi32>
    %eq3A_1717 = arith.constant 0 : i32
    %eq3A_1718 = vector.broadcast %eq3A_1717 : i32 to vector<16xi32>
    %eq3A_1719 = arith.cmpi eq, %get3A_1712, %eq3A_1718 : vector<16xi32>
    %jit3A_1720 = arith.constant 0 : i32
    %broadcast_in_dim3A_1721 = vector.broadcast %jit3A_1720 : i32 to vector<16xi32>
    %select_n3A_1722 = arith.select %eq3A_1719, %broadcast_in_dim3A_1721, %broadcast_in_dim3A_1714 : vector<16xi1>, vector<16xi32>
    %eq3A_1723 = arith.constant 0 : i32
    %eq3A_1724 = vector.broadcast %eq3A_1723 : i32 to vector<16xi32>
    %eq3A_1725 = arith.cmpi eq, %get3A_1712, %eq3A_1724 : vector<16xi32>
    %broadcast_in_dim3A_1726 = vector.broadcast %scan3A_67#0 : i32 to vector<16xi32>
    %select_n3A_1727 = arith.select %eq3A_1725, %broadcast_in_dim3A_1726, %broadcast_in_dim3A_1716 : vector<16xi1>, vector<16xi32>
    %eq3A_1728 = arith.constant 1 : i32
    %eq3A_1729 = vector.broadcast %eq3A_1728 : i32 to vector<16xi32>
    %eq3A_1730 = arith.cmpi eq, %get3A_1712, %eq3A_1729 : vector<16xi32>
    %broadcast_in_dim3A_1731 = vector.broadcast %scan3A_67#0 : i32 to vector<16xi32>
    %select_n3A_1732 = arith.select %eq3A_1730, %broadcast_in_dim3A_1731, %select_n3A_1722 : vector<16xi1>, vector<16xi32>
    %eq3A_1733 = arith.constant 1 : i32
    %eq3A_1734 = vector.broadcast %eq3A_1733 : i32 to vector<16xi32>
    %eq3A_1735 = arith.cmpi eq, %get3A_1712, %eq3A_1734 : vector<16xi32>
    %broadcast_in_dim3A_1736 = vector.broadcast %scan3A_76#0 : i32 to vector<16xi32>
    %select_n3A_1737 = arith.select %eq3A_1735, %broadcast_in_dim3A_1736, %select_n3A_1727 : vector<16xi1>, vector<16xi32>
    %eq3A_1738 = arith.constant 2 : i32
    %eq3A_1739 = vector.broadcast %eq3A_1738 : i32 to vector<16xi32>
    %eq3A_1740 = arith.cmpi eq, %get3A_1712, %eq3A_1739 : vector<16xi32>
    %broadcast_in_dim3A_1741 = vector.broadcast %scan3A_76#0 : i32 to vector<16xi32>
    %select_n3A_1742 = arith.select %eq3A_1740, %broadcast_in_dim3A_1741, %select_n3A_1732 : vector<16xi1>, vector<16xi32>
    %eq3A_1743 = arith.constant 2 : i32
    %eq3A_1744 = vector.broadcast %eq3A_1743 : i32 to vector<16xi32>
    %eq3A_1745 = arith.cmpi eq, %get3A_1712, %eq3A_1744 : vector<16xi32>
    %broadcast_in_dim3A_1746 = vector.broadcast %scan3A_85#0 : i32 to vector<16xi32>
    %select_n3A_1747 = arith.select %eq3A_1745, %broadcast_in_dim3A_1746, %select_n3A_1737 : vector<16xi1>, vector<16xi32>
    %eq3A_1748 = arith.constant 3 : i32
    %eq3A_1749 = vector.broadcast %eq3A_1748 : i32 to vector<16xi32>
    %eq3A_1750 = arith.cmpi eq, %get3A_1712, %eq3A_1749 : vector<16xi32>
    %broadcast_in_dim3A_1751 = vector.broadcast %scan3A_85#0 : i32 to vector<16xi32>
    %select_n3A_1752 = arith.select %eq3A_1750, %broadcast_in_dim3A_1751, %select_n3A_1742 : vector<16xi1>, vector<16xi32>
    %eq3A_1753 = arith.constant 3 : i32
    %eq3A_1754 = vector.broadcast %eq3A_1753 : i32 to vector<16xi32>
    %eq3A_1755 = arith.cmpi eq, %get3A_1712, %eq3A_1754 : vector<16xi32>
    %broadcast_in_dim3A_1756 = vector.broadcast %scan3A_94#0 : i32 to vector<16xi32>
    %select_n3A_1757 = arith.select %eq3A_1755, %broadcast_in_dim3A_1756, %select_n3A_1747 : vector<16xi1>, vector<16xi32>
    %eq3A_1758 = arith.constant 4 : i32
    %eq3A_1759 = vector.broadcast %eq3A_1758 : i32 to vector<16xi32>
    %eq3A_1760 = arith.cmpi eq, %get3A_1712, %eq3A_1759 : vector<16xi32>
    %broadcast_in_dim3A_1761 = vector.broadcast %scan3A_94#0 : i32 to vector<16xi32>
    %select_n3A_1762 = arith.select %eq3A_1760, %broadcast_in_dim3A_1761, %select_n3A_1752 : vector<16xi1>, vector<16xi32>
    %eq3A_1763 = arith.constant 4 : i32
    %eq3A_1764 = vector.broadcast %eq3A_1763 : i32 to vector<16xi32>
    %eq3A_1765 = arith.cmpi eq, %get3A_1712, %eq3A_1764 : vector<16xi32>
    %broadcast_in_dim3A_1766 = vector.broadcast %scan3A_103#0 : i32 to vector<16xi32>
    %select_n3A_1767 = arith.select %eq3A_1765, %broadcast_in_dim3A_1766, %select_n3A_1757 : vector<16xi1>, vector<16xi32>
    %eq3A_1768 = arith.constant 5 : i32
    %eq3A_1769 = vector.broadcast %eq3A_1768 : i32 to vector<16xi32>
    %eq3A_1770 = arith.cmpi eq, %get3A_1712, %eq3A_1769 : vector<16xi32>
    %broadcast_in_dim3A_1771 = vector.broadcast %scan3A_103#0 : i32 to vector<16xi32>
    %select_n3A_1772 = arith.select %eq3A_1770, %broadcast_in_dim3A_1771, %select_n3A_1762 : vector<16xi1>, vector<16xi32>
    %eq3A_1773 = arith.constant 5 : i32
    %eq3A_1774 = vector.broadcast %eq3A_1773 : i32 to vector<16xi32>
    %eq3A_1775 = arith.cmpi eq, %get3A_1712, %eq3A_1774 : vector<16xi32>
    %broadcast_in_dim3A_1776 = vector.broadcast %scan3A_112#0 : i32 to vector<16xi32>
    %select_n3A_1777 = arith.select %eq3A_1775, %broadcast_in_dim3A_1776, %select_n3A_1767 : vector<16xi1>, vector<16xi32>
    %eq3A_1778 = arith.constant 6 : i32
    %eq3A_1779 = vector.broadcast %eq3A_1778 : i32 to vector<16xi32>
    %eq3A_1780 = arith.cmpi eq, %get3A_1712, %eq3A_1779 : vector<16xi32>
    %broadcast_in_dim3A_1781 = vector.broadcast %scan3A_112#0 : i32 to vector<16xi32>
    %select_n3A_1782 = arith.select %eq3A_1780, %broadcast_in_dim3A_1781, %select_n3A_1772 : vector<16xi1>, vector<16xi32>
    %eq3A_1783 = arith.constant 6 : i32
    %eq3A_1784 = vector.broadcast %eq3A_1783 : i32 to vector<16xi32>
    %eq3A_1785 = arith.cmpi eq, %get3A_1712, %eq3A_1784 : vector<16xi32>
    %broadcast_in_dim3A_1786 = vector.broadcast %scan3A_121#0 : i32 to vector<16xi32>
    %select_n3A_1787 = arith.select %eq3A_1785, %broadcast_in_dim3A_1786, %select_n3A_1777 : vector<16xi1>, vector<16xi32>
    %eq3A_1788 = arith.constant 7 : i32
    %eq3A_1789 = vector.broadcast %eq3A_1788 : i32 to vector<16xi32>
    %eq3A_1790 = arith.cmpi eq, %get3A_1712, %eq3A_1789 : vector<16xi32>
    %broadcast_in_dim3A_1791 = vector.broadcast %scan3A_121#0 : i32 to vector<16xi32>
    %select_n3A_1792 = arith.select %eq3A_1790, %broadcast_in_dim3A_1791, %select_n3A_1782 : vector<16xi1>, vector<16xi32>
    %eq3A_1793 = arith.constant 7 : i32
    %eq3A_1794 = vector.broadcast %eq3A_1793 : i32 to vector<16xi32>
    %eq3A_1795 = arith.cmpi eq, %get3A_1712, %eq3A_1794 : vector<16xi32>
    %broadcast_in_dim3A_1796 = vector.broadcast %scan3A_130#0 : i32 to vector<16xi32>
    %select_n3A_1797 = arith.select %eq3A_1795, %broadcast_in_dim3A_1796, %select_n3A_1787 : vector<16xi1>, vector<16xi32>
    %swap3A_1798 = arith.constant 272 : index
    %swap3A_1799 = tpu.vector_load %arg13[%swap3A_1798] {strides = array<i32>} : memref<336xi32, #tpu.memory_space<vmem>>, vector<16xi32>,
    tpu.vector_store %arg13[%swap3A_1798], %select_n3A_1792 {strides = array<i32>} : memref<336xi32, #tpu.memory_space<vmem>>, vector<16xi32>,
    %swap3A_1800 = arith.constant 272 : index
    %swap3A_1801 = tpu.vector_load %arg14[%swap3A_1800] {strides = array<i32>} : memref<336xi32, #tpu.memory_space<vmem>>, vector<16xi32>,
    tpu.vector_store %arg14[%swap3A_1800], %select_n3A_1797 {strides = array<i32>} : memref<336xi32, #tpu.memory_space<vmem>>, vector<16xi32>,
    %add3A_1802 = arith.constant 288 : i32
    %add3A_1803 = arith.addi %mul3A_2, %add3A_1802 : i32
    %get3A_1804 = arith.index_cast %add3A_1803 : i32 to index
    %get3A_1805 = tpu.vector_load %arg12[%get3A_1804] {strides = array<i32>} : memref<10240xi32, #tpu.memory_space<vmem>>, vector<16xi32>,
    %broadcast_in_dim3A_1806 = arith.constant 0 : i32
    %broadcast_in_dim3A_1807 = vector.broadcast %broadcast_in_dim3A_1806 : i32 to vector<16xi32>
    %broadcast_in_dim3A_1808 = arith.constant 0 : i32
    %broadcast_in_dim3A_1809 = vector.broadcast %broadcast_in_dim3A_1808 : i32 to vector<16xi32>
    %eq3A_1810 = arith.constant 0 : i32
    %eq3A_1811 = vector.broadcast %eq3A_1810 : i32 to vector<16xi32>
    %eq3A_1812 = arith.cmpi eq, %get3A_1805, %eq3A_1811 : vector<16xi32>
    %jit3A_1813 = arith.constant 0 : i32
    %broadcast_in_dim3A_1814 = vector.broadcast %jit3A_1813 : i32 to vector<16xi32>
    %select_n3A_1815 = arith.select %eq3A_1812, %broadcast_in_dim3A_1814, %broadcast_in_dim3A_1807 : vector<16xi1>, vector<16xi32>
    %eq3A_1816 = arith.constant 0 : i32
    %eq3A_1817 = vector.broadcast %eq3A_1816 : i32 to vector<16xi32>
    %eq3A_1818 = arith.cmpi eq, %get3A_1805, %eq3A_1817 : vector<16xi32>
    %broadcast_in_dim3A_1819 = vector.broadcast %scan3A_67#0 : i32 to vector<16xi32>
    %select_n3A_1820 = arith.select %eq3A_1818, %broadcast_in_dim3A_1819, %broadcast_in_dim3A_1809 : vector<16xi1>, vector<16xi32>
    %eq3A_1821 = arith.constant 1 : i32
    %eq3A_1822 = vector.broadcast %eq3A_1821 : i32 to vector<16xi32>
    %eq3A_1823 = arith.cmpi eq, %get3A_1805, %eq3A_1822 : vector<16xi32>
    %broadcast_in_dim3A_1824 = vector.broadcast %scan3A_67#0 : i32 to vector<16xi32>
    %select_n3A_1825 = arith.select %eq3A_1823, %broadcast_in_dim3A_1824, %select_n3A_1815 : vector<16xi1>, vector<16xi32>
    %eq3A_1826 = arith.constant 1 : i32
    %eq3A_1827 = vector.broadcast %eq3A_1826 : i32 to vector<16xi32>
    %eq3A_1828 = arith.cmpi eq, %get3A_1805, %eq3A_1827 : vector<16xi32>
    %broadcast_in_dim3A_1829 = vector.broadcast %scan3A_76#0 : i32 to vector<16xi32>
    %select_n3A_1830 = arith.select %eq3A_1828, %broadcast_in_dim3A_1829, %select_n3A_1820 : vector<16xi1>, vector<16xi32>
    %eq3A_1831 = arith.constant 2 : i32
    %eq3A_1832 = vector.broadcast %eq3A_1831 : i32 to vector<16xi32>
    %eq3A_1833 = arith.cmpi eq, %get3A_1805, %eq3A_1832 : vector<16xi32>
    %broadcast_in_dim3A_1834 = vector.broadcast %scan3A_76#0 : i32 to vector<16xi32>
    %select_n3A_1835 = arith.select %eq3A_1833, %broadcast_in_dim3A_1834, %select_n3A_1825 : vector<16xi1>, vector<16xi32>
    %eq3A_1836 = arith.constant 2 : i32
    %eq3A_1837 = vector.broadcast %eq3A_1836 : i32 to vector<16xi32>
    %eq3A_1838 = arith.cmpi eq, %get3A_1805, %eq3A_1837 : vector<16xi32>
    %broadcast_in_dim3A_1839 = vector.broadcast %scan3A_85#0 : i32 to vector<16xi32>
    %select_n3A_1840 = arith.select %eq3A_1838, %broadcast_in_dim3A_1839, %select_n3A_1830 : vector<16xi1>, vector<16xi32>
    %eq3A_1841 = arith.constant 3 : i32
    %eq3A_1842 = vector.broadcast %eq3A_1841 : i32 to vector<16xi32>
    %eq3A_1843 = arith.cmpi eq, %get3A_1805, %eq3A_1842 : vector<16xi32>
    %broadcast_in_dim3A_1844 = vector.broadcast %scan3A_85#0 : i32 to vector<16xi32>
    %select_n3A_1845 = arith.select %eq3A_1843, %broadcast_in_dim3A_1844, %select_n3A_1835 : vector<16xi1>, vector<16xi32>
    %eq3A_1846 = arith.constant 3 : i32
    %eq3A_1847 = vector.broadcast %eq3A_1846 : i32 to vector<16xi32>
    %eq3A_1848 = arith.cmpi eq, %get3A_1805, %eq3A_1847 : vector<16xi32>
    %broadcast_in_dim3A_1849 = vector.broadcast %scan3A_94#0 : i32 to vector<16xi32>
    %select_n3A_1850 = arith.select %eq3A_1848, %broadcast_in_dim3A_1849, %select_n3A_1840 : vector<16xi1>, vector<16xi32>
    %eq3A_1851 = arith.constant 4 : i32
    %eq3A_1852 = vector.broadcast %eq3A_1851 : i32 to vector<16xi32>
    %eq3A_1853 = arith.cmpi eq, %get3A_1805, %eq3A_1852 : vector<16xi32>
    %broadcast_in_dim3A_1854 = vector.broadcast %scan3A_94#0 : i32 to vector<16xi32>
    %select_n3A_1855 = arith.select %eq3A_1853, %broadcast_in_dim3A_1854, %select_n3A_1845 : vector<16xi1>, vector<16xi32>
    %eq3A_1856 = arith.constant 4 : i32
    %eq3A_1857 = vector.broadcast %eq3A_1856 : i32 to vector<16xi32>
    %eq3A_1858 = arith.cmpi eq, %get3A_1805, %eq3A_1857 : vector<16xi32>
    %broadcast_in_dim3A_1859 = vector.broadcast %scan3A_103#0 : i32 to vector<16xi32>
    %select_n3A_1860 = arith.select %eq3A_1858, %broadcast_in_dim3A_1859, %select_n3A_1850 : vector<16xi1>, vector<16xi32>
    %eq3A_1861 = arith.constant 5 : i32
    %eq3A_1862 = vector.broadcast %eq3A_1861 : i32 to vector<16xi32>
    %eq3A_1863 = arith.cmpi eq, %get3A_1805, %eq3A_1862 : vector<16xi32>
    %broadcast_in_dim3A_1864 = vector.broadcast %scan3A_103#0 : i32 to vector<16xi32>
    %select_n3A_1865 = arith.select %eq3A_1863, %broadcast_in_dim3A_1864, %select_n3A_1855 : vector<16xi1>, vector<16xi32>
    %eq3A_1866 = arith.constant 5 : i32
    %eq3A_1867 = vector.broadcast %eq3A_1866 : i32 to vector<16xi32>
    %eq3A_1868 = arith.cmpi eq, %get3A_1805, %eq3A_1867 : vector<16xi32>
    %broadcast_in_dim3A_1869 = vector.broadcast %scan3A_112#0 : i32 to vector<16xi32>
    %select_n3A_1870 = arith.select %eq3A_1868, %broadcast_in_dim3A_1869, %select_n3A_1860 : vector<16xi1>, vector<16xi32>
    %eq3A_1871 = arith.constant 6 : i32
    %eq3A_1872 = vector.broadcast %eq3A_1871 : i32 to vector<16xi32>
    %eq3A_1873 = arith.cmpi eq, %get3A_1805, %eq3A_1872 : vector<16xi32>
    %broadcast_in_dim3A_1874 = vector.broadcast %scan3A_112#0 : i32 to vector<16xi32>
    %select_n3A_1875 = arith.select %eq3A_1873, %broadcast_in_dim3A_1874, %select_n3A_1865 : vector<16xi1>, vector<16xi32>
    %eq3A_1876 = arith.constant 6 : i32
    %eq3A_1877 = vector.broadcast %eq3A_1876 : i32 to vector<16xi32>
    %eq3A_1878 = arith.cmpi eq, %get3A_1805, %eq3A_1877 : vector<16xi32>
    %broadcast_in_dim3A_1879 = vector.broadcast %scan3A_121#0 : i32 to vector<16xi32>
    %select_n3A_1880 = arith.select %eq3A_1878, %broadcast_in_dim3A_1879, %select_n3A_1870 : vector<16xi1>, vector<16xi32>
    %eq3A_1881 = arith.constant 7 : i32
    %eq3A_1882 = vector.broadcast %eq3A_1881 : i32 to vector<16xi32>
    %eq3A_1883 = arith.cmpi eq, %get3A_1805, %eq3A_1882 : vector<16xi32>
    %broadcast_in_dim3A_1884 = vector.broadcast %scan3A_121#0 : i32 to vector<16xi32>
    %select_n3A_1885 = arith.select %eq3A_1883, %broadcast_in_dim3A_1884, %select_n3A_1875 : vector<16xi1>, vector<16xi32>
    %eq3A_1886 = arith.constant 7 : i32
    %eq3A_1887 = vector.broadcast %eq3A_1886 : i32 to vector<16xi32>
    %eq3A_1888 = arith.cmpi eq, %get3A_1805, %eq3A_1887 : vector<16xi32>
    %broadcast_in_dim3A_1889 = vector.broadcast %scan3A_130#0 : i32 to vector<16xi32>
    %select_n3A_1890 = arith.select %eq3A_1888, %broadcast_in_dim3A_1889, %select_n3A_1880 : vector<16xi1>, vector<16xi32>
    %swap3A_1891 = arith.constant 288 : index
    %swap3A_1892 = tpu.vector_load %arg13[%swap3A_1891] {strides = array<i32>} : memref<336xi32, #tpu.memory_space<vmem>>, vector<16xi32>,
    tpu.vector_store %arg13[%swap3A_1891], %select_n3A_1885 {strides = array<i32>} : memref<336xi32, #tpu.memory_space<vmem>>, vector<16xi32>,
    %swap3A_1893 = arith.constant 288 : index
    %swap3A_1894 = tpu.vector_load %arg14[%swap3A_1893] {strides = array<i32>} : memref<336xi32, #tpu.memory_space<vmem>>, vector<16xi32>,
    tpu.vector_store %arg14[%swap3A_1893], %select_n3A_1890 {strides = array<i32>} : memref<336xi32, #tpu.memory_space<vmem>>, vector<16xi32>,
    %add3A_1895 = arith.constant 304 : i32
    %add3A_1896 = arith.addi %mul3A_2, %add3A_1895 : i32
    %get3A_1897 = arith.index_cast %add3A_1896 : i32 to index
    %get3A_1898 = tpu.vector_load %arg12[%get3A_1897] {strides = array<i32>} : memref<10240xi32, #tpu.memory_space<vmem>>, vector<16xi32>,
    %broadcast_in_dim3A_1899 = arith.constant 0 : i32
    %broadcast_in_dim3A_1900 = vector.broadcast %broadcast_in_dim3A_1899 : i32 to vector<16xi32>
    %broadcast_in_dim3A_1901 = arith.constant 0 : i32
    %broadcast_in_dim3A_1902 = vector.broadcast %broadcast_in_dim3A_1901 : i32 to vector<16xi32>
    %eq3A_1903 = arith.constant 0 : i32
    %eq3A_1904 = vector.broadcast %eq3A_1903 : i32 to vector<16xi32>
    %eq3A_1905 = arith.cmpi eq, %get3A_1898, %eq3A_1904 : vector<16xi32>
    %jit3A_1906 = arith.constant 0 : i32
    %broadcast_in_dim3A_1907 = vector.broadcast %jit3A_1906 : i32 to vector<16xi32>
    %select_n3A_1908 = arith.select %eq3A_1905, %broadcast_in_dim3A_1907, %broadcast_in_dim3A_1900 : vector<16xi1>, vector<16xi32>
    %eq3A_1909 = arith.constant 0 : i32
    %eq3A_1910 = vector.broadcast %eq3A_1909 : i32 to vector<16xi32>
    %eq3A_1911 = arith.cmpi eq, %get3A_1898, %eq3A_1910 : vector<16xi32>
    %broadcast_in_dim3A_1912 = vector.broadcast %scan3A_67#0 : i32 to vector<16xi32>
    %select_n3A_1913 = arith.select %eq3A_1911, %broadcast_in_dim3A_1912, %broadcast_in_dim3A_1902 : vector<16xi1>, vector<16xi32>
    %eq3A_1914 = arith.constant 1 : i32
    %eq3A_1915 = vector.broadcast %eq3A_1914 : i32 to vector<16xi32>
    %eq3A_1916 = arith.cmpi eq, %get3A_1898, %eq3A_1915 : vector<16xi32>
    %broadcast_in_dim3A_1917 = vector.broadcast %scan3A_67#0 : i32 to vector<16xi32>
    %select_n3A_1918 = arith.select %eq3A_1916, %broadcast_in_dim3A_1917, %select_n3A_1908 : vector<16xi1>, vector<16xi32>
    %eq3A_1919 = arith.constant 1 : i32
    %eq3A_1920 = vector.broadcast %eq3A_1919 : i32 to vector<16xi32>
    %eq3A_1921 = arith.cmpi eq, %get3A_1898, %eq3A_1920 : vector<16xi32>
    %broadcast_in_dim3A_1922 = vector.broadcast %scan3A_76#0 : i32 to vector<16xi32>
    %select_n3A_1923 = arith.select %eq3A_1921, %broadcast_in_dim3A_1922, %select_n3A_1913 : vector<16xi1>, vector<16xi32>
    %eq3A_1924 = arith.constant 2 : i32
    %eq3A_1925 = vector.broadcast %eq3A_1924 : i32 to vector<16xi32>
    %eq3A_1926 = arith.cmpi eq, %get3A_1898, %eq3A_1925 : vector<16xi32>
    %broadcast_in_dim3A_1927 = vector.broadcast %scan3A_76#0 : i32 to vector<16xi32>
    %select_n3A_1928 = arith.select %eq3A_1926, %broadcast_in_dim3A_1927, %select_n3A_1918 : vector<16xi1>, vector<16xi32>
    %eq3A_1929 = arith.constant 2 : i32
    %eq3A_1930 = vector.broadcast %eq3A_1929 : i32 to vector<16xi32>
    %eq3A_1931 = arith.cmpi eq, %get3A_1898, %eq3A_1930 : vector<16xi32>
    %broadcast_in_dim3A_1932 = vector.broadcast %scan3A_85#0 : i32 to vector<16xi32>
    %select_n3A_1933 = arith.select %eq3A_1931, %broadcast_in_dim3A_1932, %select_n3A_1923 : vector<16xi1>, vector<16xi32>
    %eq3A_1934 = arith.constant 3 : i32
    %eq3A_1935 = vector.broadcast %eq3A_1934 : i32 to vector<16xi32>
    %eq3A_1936 = arith.cmpi eq, %get3A_1898, %eq3A_1935 : vector<16xi32>
    %broadcast_in_dim3A_1937 = vector.broadcast %scan3A_85#0 : i32 to vector<16xi32>
    %select_n3A_1938 = arith.select %eq3A_1936, %broadcast_in_dim3A_1937, %select_n3A_1928 : vector<16xi1>, vector<16xi32>
    %eq3A_1939 = arith.constant 3 : i32
    %eq3A_1940 = vector.broadcast %eq3A_1939 : i32 to vector<16xi32>
    %eq3A_1941 = arith.cmpi eq, %get3A_1898, %eq3A_1940 : vector<16xi32>
    %broadcast_in_dim3A_1942 = vector.broadcast %scan3A_94#0 : i32 to vector<16xi32>
    %select_n3A_1943 = arith.select %eq3A_1941, %broadcast_in_dim3A_1942, %select_n3A_1933 : vector<16xi1>, vector<16xi32>
    %eq3A_1944 = arith.constant 4 : i32
    %eq3A_1945 = vector.broadcast %eq3A_1944 : i32 to vector<16xi32>
    %eq3A_1946 = arith.cmpi eq, %get3A_1898, %eq3A_1945 : vector<16xi32>
    %broadcast_in_dim3A_1947 = vector.broadcast %scan3A_94#0 : i32 to vector<16xi32>
    %select_n3A_1948 = arith.select %eq3A_1946, %broadcast_in_dim3A_1947, %select_n3A_1938 : vector<16xi1>, vector<16xi32>
    %eq3A_1949 = arith.constant 4 : i32
    %eq3A_1950 = vector.broadcast %eq3A_1949 : i32 to vector<16xi32>
    %eq3A_1951 = arith.cmpi eq, %get3A_1898, %eq3A_1950 : vector<16xi32>
    %broadcast_in_dim3A_1952 = vector.broadcast %scan3A_103#0 : i32 to vector<16xi32>
    %select_n3A_1953 = arith.select %eq3A_1951, %broadcast_in_dim3A_1952, %select_n3A_1943 : vector<16xi1>, vector<16xi32>
    %eq3A_1954 = arith.constant 5 : i32
    %eq3A_1955 = vector.broadcast %eq3A_1954 : i32 to vector<16xi32>
    %eq3A_1956 = arith.cmpi eq, %get3A_1898, %eq3A_1955 : vector<16xi32>
    %broadcast_in_dim3A_1957 = vector.broadcast %scan3A_103#0 : i32 to vector<16xi32>
    %select_n3A_1958 = arith.select %eq3A_1956, %broadcast_in_dim3A_1957, %select_n3A_1948 : vector<16xi1>, vector<16xi32>
    %eq3A_1959 = arith.constant 5 : i32
    %eq3A_1960 = vector.broadcast %eq3A_1959 : i32 to vector<16xi32>
    %eq3A_1961 = arith.cmpi eq, %get3A_1898, %eq3A_1960 : vector<16xi32>
    %broadcast_in_dim3A_1962 = vector.broadcast %scan3A_112#0 : i32 to vector<16xi32>
    %select_n3A_1963 = arith.select %eq3A_1961, %broadcast_in_dim3A_1962, %select_n3A_1953 : vector<16xi1>, vector<16xi32>
    %eq3A_1964 = arith.constant 6 : i32
    %eq3A_1965 = vector.broadcast %eq3A_1964 : i32 to vector<16xi32>
    %eq3A_1966 = arith.cmpi eq, %get3A_1898, %eq3A_1965 : vector<16xi32>
    %broadcast_in_dim3A_1967 = vector.broadcast %scan3A_112#0 : i32 to vector<16xi32>
    %select_n3A_1968 = arith.select %eq3A_1966, %broadcast_in_dim3A_1967, %select_n3A_1958 : vector<16xi1>, vector<16xi32>
    %eq3A_1969 = arith.constant 6 : i32
    %eq3A_1970 = vector.broadcast %eq3A_1969 : i32 to vector<16xi32>
    %eq3A_1971 = arith.cmpi eq, %get3A_1898, %eq3A_1970 : vector<16xi32>
    %broadcast_in_dim3A_1972 = vector.broadcast %scan3A_121#0 : i32 to vector<16xi32>
    %select_n3A_1973 = arith.select %eq3A_1971, %broadcast_in_dim3A_1972, %select_n3A_1963 : vector<16xi1>, vector<16xi32>
    %eq3A_1974 = arith.constant 7 : i32
    %eq3A_1975 = vector.broadcast %eq3A_1974 : i32 to vector<16xi32>
    %eq3A_1976 = arith.cmpi eq, %get3A_1898, %eq3A_1975 : vector<16xi32>
    %broadcast_in_dim3A_1977 = vector.broadcast %scan3A_121#0 : i32 to vector<16xi32>
    %select_n3A_1978 = arith.select %eq3A_1976, %broadcast_in_dim3A_1977, %select_n3A_1968 : vector<16xi1>, vector<16xi32>
    %eq3A_1979 = arith.constant 7 : i32
    %eq3A_1980 = vector.broadcast %eq3A_1979 : i32 to vector<16xi32>
    %eq3A_1981 = arith.cmpi eq, %get3A_1898, %eq3A_1980 : vector<16xi32>
    %broadcast_in_dim3A_1982 = vector.broadcast %scan3A_130#0 : i32 to vector<16xi32>
    %select_n3A_1983 = arith.select %eq3A_1981, %broadcast_in_dim3A_1982, %select_n3A_1973 : vector<16xi1>, vector<16xi32>
    %swap3A_1984 = arith.constant 304 : index
    %swap3A_1985 = tpu.vector_load %arg13[%swap3A_1984] {strides = array<i32>} : memref<336xi32, #tpu.memory_space<vmem>>, vector<16xi32>,
    tpu.vector_store %arg13[%swap3A_1984], %select_n3A_1978 {strides = array<i32>} : memref<336xi32, #tpu.memory_space<vmem>>, vector<16xi32>,
    %swap3A_1986 = arith.constant 304 : index
    %swap3A_1987 = tpu.vector_load %arg14[%swap3A_1986] {strides = array<i32>} : memref<336xi32, #tpu.memory_space<vmem>>, vector<16xi32>,
    tpu.vector_store %arg14[%swap3A_1986], %select_n3A_1983 {strides = array<i32>} : memref<336xi32, #tpu.memory_space<vmem>>, vector<16xi32>,
    %scan3A_1988 = arith.constant 0 : i32
    %scan3A_1989 = arith.constant 0 : i32
    %scan3A_1990 = arith.constant 320 : i32
    %scan3A_1991 = arith.addi %scan3A_1989, %scan3A_1990 : i32
    %scan3A_1992 = arith.constant 1 : i32
    scf.for %scan3A_1998 = %scan3A_1989 to %scan3A_1991 step %scan3A_1992  : i32 {
      %lt3A = arith.cmpi slt, %scan3A_1998, %min3A_4 : i32
      %convert_element_type3A = arith.extui %lt3A : i1 to i32
      %cond3A = arith.constant 0 : i32
      %cond3A_1999 = arith.cmpi ne, %convert_element_type3A, %cond3A : i32
      scf.if %cond3A_1999 {
        %add3A_2000 = arith.addi %mul3A_2, %scan3A_1998 : i32
        %get3A_2001 = arith.index_cast %scan3A_1998 : i32 to index
        %get3A_2002 = tpu.vector_load %arg13[%get3A_2001] {strides = array<i32>} : memref<336xi32, #tpu.memory_space<vmem>>, vector<16xi32>,
        %slice3A = vector.extract_strided_slice %get3A_2002 {offsets = [0], sizes = [1], strides = [1]} : vector<16xi32> to vector<1xi32>
        %squeeze3A = vector.extract %slice3A[0] : i32 from vector<1xi32>
        %get3A_2003 = arith.index_cast %scan3A_1998 : i32 to index
        %get3A_2004 = tpu.vector_load %arg14[%get3A_2003] {strides = array<i32>} : memref<336xi32, #tpu.memory_space<vmem>>, vector<16xi32>,
        %slice3A_2005 = vector.extract_strided_slice %get3A_2004 {offsets = [0], sizes = [1], strides = [1]} : vector<16xi32> to vector<1xi32>
        %squeeze3A_2006 = vector.extract %slice3A_2005[0] : i32 from vector<1xi32>
        %get3A_2007 = arith.index_cast %add3A_2000 : i32 to index
        %get3A_2008 = tpu.vector_load %arg9[%get3A_2007] {strides = array<i32>} : memref<10064xf32, #tpu.memory_space<vmem>>, vector<16xf32>,
        %slice3A_2009 = vector.extract_strided_slice %get3A_2008 {offsets = [0], sizes = [1], strides = [1]} : vector<16xf32> to vector<1xf32>
        %squeeze3A_2010 = vector.extract %slice3A_2009[0] : f32 from vector<1xf32>
        %get3A_2011 = arith.index_cast %add3A_2000 : i32 to index
        %get3A_2012 = tpu.vector_load %arg10[%get3A_2011] {strides = array<i32>} : memref<10064xf32, #tpu.memory_space<vmem>>, vector<16xf32>,
        %slice3A_2013 = vector.extract_strided_slice %get3A_2012 {offsets = [0], sizes = [1], strides = [1]} : vector<16xf32> to vector<1xf32>
        %squeeze3A_2014 = vector.extract %slice3A_2013[0] : f32 from vector<1xf32>
        %get3A_2015 = arith.index_cast %add3A_2000 : i32 to index
        %get3A_2016 = tpu.vector_load %arg11[%get3A_2015] {strides = array<i32>} : memref<10064xf32, #tpu.memory_space<vmem>>, vector<16xf32>,
        %slice3A_2017 = vector.extract_strided_slice %get3A_2016 {offsets = [0], sizes = [1], strides = [1]} : vector<16xf32> to vector<1xf32>
        %squeeze3A_2018 = vector.extract %slice3A_2017[0] : f32 from vector<1xf32>
        %jit3A_2019 = arith.constant 16 : i32
        %div3A = arith.divsi %squeeze3A, %jit3A_2019 : i32
        %sign3A = arith.constant 0 : i32
        %sign3A_2020 = arith.cmpi sgt, %squeeze3A, %sign3A : i32
        %sign3A_2021 = arith.extui %sign3A_2020 : i1 to i32
        %sign3A_2022 = arith.constant 0 : i32
        %sign3A_2023 = arith.cmpi slt, %squeeze3A, %sign3A_2022 : i32
        %sign3A_2024 = arith.extui %sign3A_2023 : i1 to i32
        %sign3A_2025 = arith.subi %sign3A_2021, %sign3A_2024 : i32
        %sign3A_2026 = arith.constant 0 : i32
        %sign3A_2027 = arith.cmpi sgt, %jit3A_2019, %sign3A_2026 : i32
        %sign3A_2028 = arith.extui %sign3A_2027 : i1 to i32
        %sign3A_2029 = arith.constant 0 : i32
        %sign3A_2030 = arith.cmpi slt, %jit3A_2019, %sign3A_2029 : i32
        %sign3A_2031 = arith.extui %sign3A_2030 : i1 to i32
        %sign3A_2032 = arith.subi %sign3A_2028, %sign3A_2031 : i32
        %ne3A = arith.cmpi ne, %sign3A_2025, %sign3A_2032 : i32
        %rem3A = arith.remsi %squeeze3A, %jit3A_2019 : i32
        %ne3A_2033 = arith.constant 0 : i32
        %ne3A_2034 = arith.cmpi ne, %rem3A, %ne3A_2033 : i32
        %and3A = arith.andi %ne3A, %ne3A_2034 : i1
        %sub3A_2035 = arith.constant 1 : i32
        %sub3A_2036 = arith.subi %div3A, %sub3A_2035 : i32
        %select_n3A_2037 = arith.select %and3A, %sub3A_2036, %div3A : i32
        %add3A_2038 = arith.constant 15 : i32
        %add3A_2039 = arith.addi %squeeze3A_2006, %add3A_2038 : i32
        %jit3A_2040 = arith.constant 16 : i32
        %div3A_2041 = arith.divsi %add3A_2039, %jit3A_2040 : i32
        %sign3A_2042 = arith.constant 0 : i32
        %sign3A_2043 = arith.cmpi sgt, %add3A_2039, %sign3A_2042 : i32
        %sign3A_2044 = arith.extui %sign3A_2043 : i1 to i32
        %sign3A_2045 = arith.constant 0 : i32
        %sign3A_2046 = arith.cmpi slt, %add3A_2039, %sign3A_2045 : i32
        %sign3A_2047 = arith.extui %sign3A_2046 : i1 to i32
        %sign3A_2048 = arith.subi %sign3A_2044, %sign3A_2047 : i32
        %sign3A_2049 = arith.constant 0 : i32
        %sign3A_2050 = arith.cmpi sgt, %jit3A_2040, %sign3A_2049 : i32
        %sign3A_2051 = arith.extui %sign3A_2050 : i1 to i32
        %sign3A_2052 = arith.constant 0 : i32
        %sign3A_2053 = arith.cmpi slt, %jit3A_2040, %sign3A_2052 : i32
        %sign3A_2054 = arith.extui %sign3A_2053 : i1 to i32
        %sign3A_2055 = arith.subi %sign3A_2051, %sign3A_2054 : i32
        %ne3A_2056 = arith.cmpi ne, %sign3A_2048, %sign3A_2055 : i32
        %rem3A_2057 = arith.remsi %add3A_2039, %jit3A_2040 : i32
        %ne3A_2058 = arith.constant 0 : i32
        %ne3A_2059 = arith.cmpi ne, %rem3A_2057, %ne3A_2058 : i32
        %and3A_2060 = arith.andi %ne3A_2056, %ne3A_2059 : i1
        %sub3A_2061 = arith.constant 1 : i32
        %sub3A_2062 = arith.subi %div3A_2041, %sub3A_2061 : i32
        %select_n3A_2063 = arith.select %and3A_2060, %sub3A_2062, %div3A_2041 : i32
        %sub3A_2064 = arith.subi %squeeze3A_2006, %squeeze3A : i32
        %broadcast_in_dim3A_2065 = arith.constant 0 : i32
        %broadcast_in_dim3A_2066 = vector.broadcast %broadcast_in_dim3A_2065 : i32 to vector<16xi32>
        %parallel_loop3A = arith.constant 1 : i32
        %parallel_loop3A_2067 = scf.for %parallel_loop3A_2229 = %select_n3A_2037 to %select_n3A_2063 step %parallel_loop3A iter_args(%parallel_loop3A_2230 = %broadcast_in_dim3A_2066) -> (vector<16xi32>)  : i32 {
          %parallel_loop3A_2231 = arith.constant 16 : i32
          %parallel_loop3A_2232 = arith.muli %parallel_loop3A_2229, %parallel_loop3A_2231 : i32
          %parallel_loop3A_2233 = vector.broadcast %parallel_loop3A_2232 : i32 to vector<16xi32>
          %parallel_loop3A_2234 = arith.addi %parallel_loop3A_2233, %iota3A : vector<16xi32>
          %parallel_loop3A_2235 = arith.index_cast %parallel_loop3A_2232 : i32 to index
          %parallel_loop3A_2236 = tpu.vector_load %arg9[%parallel_loop3A_2235] {strides = array<i32>} : memref<10064xf32, #tpu.memory_space<vmem>>, vector<16xf32>,
          %parallel_loop3A_2237 = arith.index_cast %parallel_loop3A_2232 : i32 to index
          %parallel_loop3A_2238 = tpu.vector_load %arg10[%parallel_loop3A_2237] {strides = array<i32>} : memref<10064xf32, #tpu.memory_space<vmem>>, vector<16xf32>,
          %parallel_loop3A_2239 = arith.index_cast %parallel_loop3A_2232 : i32 to index
          %parallel_loop3A_2240 = tpu.vector_load %arg11[%parallel_loop3A_2239] {strides = array<i32>} : memref<10064xf32, #tpu.memory_space<vmem>>, vector<16xf32>,
          %parallel_loop3A_2241 = vector.broadcast %squeeze3A_2010 : f32 to vector<16xf32>
          %parallel_loop3A_2242 = arith.subf %parallel_loop3A_2236, %parallel_loop3A_2241 : vector<16xf32>
          %parallel_loop3A_2243 = vector.broadcast %squeeze3A_2014 : f32 to vector<16xf32>
          %parallel_loop3A_2244 = arith.subf %parallel_loop3A_2238, %parallel_loop3A_2243 : vector<16xf32>
          %parallel_loop3A_2245 = vector.broadcast %squeeze3A_2018 : f32 to vector<16xf32>
          %parallel_loop3A_2246 = arith.subf %parallel_loop3A_2240, %parallel_loop3A_2245 : vector<16xf32>
          %parallel_loop3A_2247 = arith.mulf %parallel_loop3A_2242, %parallel_loop3A_2242 : vector<16xf32>
          %parallel_loop3A_2248 = arith.mulf %parallel_loop3A_2244, %parallel_loop3A_2244 : vector<16xf32>
          %parallel_loop3A_2249 = arith.addf %parallel_loop3A_2247, %parallel_loop3A_2248 : vector<16xf32>
          %parallel_loop3A_2250 = arith.mulf %parallel_loop3A_2246, %parallel_loop3A_2246 : vector<16xf32>
          %parallel_loop3A_2251 = arith.addf %parallel_loop3A_2249, %parallel_loop3A_2250 : vector<16xf32>
          %parallel_loop3A_2252 = vector.broadcast %squeeze3A : i32 to vector<16xi32>
          %parallel_loop3A_2253 = arith.subi %parallel_loop3A_2234, %parallel_loop3A_2252 : vector<16xi32>
          %parallel_loop3A_2254 = vector.broadcast %sub3A_2064 : i32 to vector<16xi32>
          %parallel_loop3A_2255 = arith.cmpi ult, %parallel_loop3A_2253, %parallel_loop3A_2254 : vector<16xi32>
          %parallel_loop3A_2256 = vector.broadcast %add3A_2000 : i32 to vector<16xi32>
          %parallel_loop3A_2257 = arith.cmpi ne, %parallel_loop3A_2234, %parallel_loop3A_2256 : vector<16xi32>
          %parallel_loop3A_2258 = arith.andi %parallel_loop3A_2255, %parallel_loop3A_2257 : vector<16xi1>
          %parallel_loop3A_2259 = arith.constant 2.250000e-02 : f32
          %parallel_loop3A_2260 = vector.broadcast %parallel_loop3A_2259 : f32 to vector<16xf32>
          %parallel_loop3A_2261 = arith.cmpf olt, %parallel_loop3A_2251, %parallel_loop3A_2260 : vector<16xf32>
          %parallel_loop3A_2262 = arith.andi %parallel_loop3A_2258, %parallel_loop3A_2261 : vector<16xi1>
          %parallel_loop3A_2263 = arith.extui %parallel_loop3A_2262 : vector<16xi1> to vector<16xi32>
          %parallel_loop3A_2264 = arith.constant true
          %parallel_loop3A_2265 = vector.broadcast %parallel_loop3A_2264 : i1 to vector<16xi1>
          %parallel_loop3A_2266 = tpu.scan <sum>, %parallel_loop3A_2263 masked %parallel_loop3A_2265 : vector<16xi32>, vector<16xi1> -> vector<16xi32>
          %parallel_loop3A_2267 = arith.addi %parallel_loop3A_2230, %parallel_loop3A_2266 : vector<16xi32>
          %parallel_loop3A_2268 = arith.subi %parallel_loop3A_2267, %parallel_loop3A_2263 : vector<16xi32>
          tpu.vector_store_idx %arg15[%parallel_loop3A_2268], %parallel_loop3A_2251 masked %parallel_loop3A_2262 : memref<10064xf32, #tpu.memory_space<vmem>>[vector<16xi32>], vector<16xf32>, vector<16xi1>
          tpu.vector_store_idx %arg16[%parallel_loop3A_2268], %parallel_loop3A_2234 masked %parallel_loop3A_2262 : memref<10064xi32, #tpu.memory_space<vmem>>[vector<16xi32>], vector<16xi32>, vector<16xi1>
          %parallel_loop3A_2269 = tpu.all_reduce %parallel_loop3A_2262 {dim = 0 : i64, kind = #tpu.reduction_kind<sum>} : vector<16xi1> -> vector<16xi32>
          %parallel_loop3A_2270 = arith.addi %parallel_loop3A_2230, %parallel_loop3A_2269 : vector<16xi32>
          scf.yield %parallel_loop3A_2270 : vector<16xi32>
        } {sc.loop_unroll_factor = 4 : i64, sc.parallel_access}
        %slice3A_2068 = vector.extract_strided_slice %parallel_loop3A_2067 {offsets = [0], sizes = [1], strides = [1]} : vector<16xi32> to vector<1xi32>
        %squeeze3A_2069 = vector.extract %slice3A_2068[0] : i32 from vector<1xi32>
        %min3A_2070 = arith.constant 32 : i32
        %min3A_2071 = arith.minsi %squeeze3A_2069, %min3A_2070 : i32
        %broadcast_in_dim3A_2072 = arith.constant 0x7F800000 : f32
        %broadcast_in_dim3A_2073 = vector.broadcast %broadcast_in_dim3A_2072 : f32 to vector<16xf32>
        %broadcast_in_dim3A_2074 = arith.constant 2147483647 : i32
        %broadcast_in_dim3A_2075 = vector.broadcast %broadcast_in_dim3A_2074 : i32 to vector<16xi32>
        %add3A_2076 = arith.constant 0 : i32
        %add3A_2077 = arith.addi %squeeze3A_2069, %add3A_2076 : i32
        %swap3A_2078 = arith.index_cast %add3A_2077 : i32 to index
        %swap3A_2079 = tpu.vector_load %arg15[%swap3A_2078] {strides = array<i32>} : memref<10064xf32, #tpu.memory_space<vmem>>, vector<16xf32>,
        tpu.vector_store %arg15[%swap3A_2078], %broadcast_in_dim3A_2073 {strides = array<i32>} : memref<10064xf32, #tpu.memory_space<vmem>>, vector<16xf32>,
        %add3A_2080 = arith.constant 0 : i32
        %add3A_2081 = arith.addi %squeeze3A_2069, %add3A_2080 : i32
        %swap3A_2082 = arith.index_cast %add3A_2081 : i32 to index
        %swap3A_2083 = tpu.vector_load %arg16[%swap3A_2082] {strides = array<i32>} : memref<10064xi32, #tpu.memory_space<vmem>>, vector<16xi32>,
        tpu.vector_store %arg16[%swap3A_2082], %broadcast_in_dim3A_2075 {strides = array<i32>} : memref<10064xi32, #tpu.memory_space<vmem>>, vector<16xi32>,
        %add3A_2084 = arith.constant 16 : i32
        %add3A_2085 = arith.addi %squeeze3A_2069, %add3A_2084 : i32
        %swap3A_2086 = arith.index_cast %add3A_2085 : i32 to index
        %swap3A_2087 = tpu.vector_load %arg15[%swap3A_2086] {strides = array<i32>} : memref<10064xf32, #tpu.memory_space<vmem>>, vector<16xf32>,
        tpu.vector_store %arg15[%swap3A_2086], %broadcast_in_dim3A_2073 {strides = array<i32>} : memref<10064xf32, #tpu.memory_space<vmem>>, vector<16xf32>,
        %add3A_2088 = arith.constant 16 : i32
        %add3A_2089 = arith.addi %squeeze3A_2069, %add3A_2088 : i32
        %swap3A_2090 = arith.index_cast %add3A_2089 : i32 to index
        %swap3A_2091 = tpu.vector_load %arg16[%swap3A_2090] {strides = array<i32>} : memref<10064xi32, #tpu.memory_space<vmem>>, vector<16xi32>,
        tpu.vector_store %arg16[%swap3A_2090], %broadcast_in_dim3A_2075 {strides = array<i32>} : memref<10064xi32, #tpu.memory_space<vmem>>, vector<16xi32>,
        %add3A_2092 = arith.constant 32 : i32
        %add3A_2093 = arith.addi %squeeze3A_2069, %add3A_2092 : i32
        %swap3A_2094 = arith.index_cast %add3A_2093 : i32 to index
        %swap3A_2095 = tpu.vector_load %arg15[%swap3A_2094] {strides = array<i32>} : memref<10064xf32, #tpu.memory_space<vmem>>, vector<16xf32>,
        tpu.vector_store %arg15[%swap3A_2094], %broadcast_in_dim3A_2073 {strides = array<i32>} : memref<10064xf32, #tpu.memory_space<vmem>>, vector<16xf32>,
        %add3A_2096 = arith.constant 32 : i32
        %add3A_2097 = arith.addi %squeeze3A_2069, %add3A_2096 : i32
        %swap3A_2098 = arith.index_cast %add3A_2097 : i32 to index
        %swap3A_2099 = tpu.vector_load %arg16[%swap3A_2098] {strides = array<i32>} : memref<10064xi32, #tpu.memory_space<vmem>>, vector<16xi32>,
        tpu.vector_store %arg16[%swap3A_2098], %broadcast_in_dim3A_2075 {strides = array<i32>} : memref<10064xi32, #tpu.memory_space<vmem>>, vector<16xi32>,
        %get3A_2100 = arith.constant 0 : index
        %get3A_2101 = tpu.vector_load %arg15[%get3A_2100] {strides = array<i32>} : memref<10064xf32, #tpu.memory_space<vmem>>, vector<16xf32>,
        %get3A_2102 = arith.constant 0 : index
        %get3A_2103 = tpu.vector_load %arg16[%get3A_2102] {strides = array<i32>} : memref<10064xi32, #tpu.memory_space<vmem>>, vector<16xi32>,
        %masked_sort3A = arith.constant dense<true> : vector<16xi1>
        %masked_sort3A_2104, %masked_sort3A_2105, %masked_sort3A_2106 = tpu.sort %get3A_2101, %get3A_2103 masked %masked_sort3A : (vector<16xf32>, vector<16xi32>, vector<16xi1>) -> (vector<16xi1>, vector<16xf32>, vector<16xi32>)
        %get3A_2107 = arith.constant 16 : index
        %get3A_2108 = tpu.vector_load %arg15[%get3A_2107] {strides = array<i32>} : memref<10064xf32, #tpu.memory_space<vmem>>, vector<16xf32>,
        %get3A_2109 = arith.constant 16 : index
        %get3A_2110 = tpu.vector_load %arg16[%get3A_2109] {strides = array<i32>} : memref<10064xi32, #tpu.memory_space<vmem>>, vector<16xi32>,
        %masked_sort3A_2111 = arith.constant dense<true> : vector<16xi1>
        %masked_sort3A_2112, %masked_sort3A_2113, %masked_sort3A_2114 = tpu.sort %get3A_2108, %get3A_2110 masked %masked_sort3A_2111 : (vector<16xf32>, vector<16xi32>, vector<16xi1>) -> (vector<16xi1>, vector<16xf32>, vector<16xi32>)
        %rev3A = arith.constant 15 : i32
        %rev3A_2115 = vector.broadcast %rev3A : i32 to vector<16xi32>
        %rev3A_2116 = tpu.iota {dimensions = array<i32: 0>} : vector<16xi32>
        %rev3A_2117 = arith.subi %rev3A_2115, %rev3A_2116 : vector<16xi32>
        %rev3A_2118 = tpu.dynamic_gather %masked_sort3A_2113[%rev3A_2117] in [0] : vector<16xf32>, vector<16xi32> -> vector<16xf32>
        %rev3A_2119 = arith.constant 15 : i32
        %rev3A_2120 = vector.broadcast %rev3A_2119 : i32 to vector<16xi32>
        %rev3A_2121 = tpu.iota {dimensions = array<i32: 0>} : vector<16xi32>
        %rev3A_2122 = arith.subi %rev3A_2120, %rev3A_2121 : vector<16xi32>
        %rev3A_2123 = tpu.dynamic_gather %masked_sort3A_2114[%rev3A_2122] in [0] : vector<16xi32>, vector<16xi32> -> vector<16xi32>
        %lt3A_2124 = arith.cmpf olt, %masked_sort3A_2105, %rev3A_2118 : vector<16xf32>
        %eq3A_2125 = arith.cmpf oeq, %masked_sort3A_2105, %rev3A_2118 : vector<16xf32>
        %lt3A_2126 = arith.cmpi slt, %masked_sort3A_2106, %rev3A_2123 : vector<16xi32>
        %and3A_2127 = arith.andi %eq3A_2125, %lt3A_2126 : vector<16xi1>
        %or3A = arith.ori %lt3A_2124, %and3A_2127 : vector<16xi1>
        %select_n3A_2128 = arith.select %or3A, %masked_sort3A_2105, %rev3A_2118 : vector<16xi1>, vector<16xf32>
        %select_n3A_2129 = arith.select %or3A, %masked_sort3A_2106, %rev3A_2123 : vector<16xi1>, vector<16xi32>
        %select_n3A_2130 = arith.select %or3A, %rev3A_2118, %masked_sort3A_2105 : vector<16xi1>, vector<16xf32>
        %select_n3A_2131 = arith.select %or3A, %rev3A_2123, %masked_sort3A_2106 : vector<16xi1>, vector<16xi32>
        %masked_sort3A_2132 = arith.constant dense<true> : vector<16xi1>
        %masked_sort3A_2133, %masked_sort3A_2134, %masked_sort3A_2135 = tpu.sort %select_n3A_2128, %select_n3A_2129 masked %masked_sort3A_2132 : (vector<16xf32>, vector<16xi32>, vector<16xi1>) -> (vector<16xi1>, vector<16xf32>, vector<16xi32>)
        %masked_sort3A_2136 = arith.constant dense<true> : vector<16xi1>
        %masked_sort3A_2137, %masked_sort3A_2138, %masked_sort3A_2139 = tpu.sort %select_n3A_2130, %select_n3A_2131 masked %masked_sort3A_2136 : (vector<16xf32>, vector<16xi32>, vector<16xi1>) -> (vector<16xi1>, vector<16xf32>, vector<16xi32>)
        %add3A_2140 = arith.constant 15 : i32
        %add3A_2141 = arith.addi %squeeze3A_2069, %add3A_2140 : i32
        %jit3A_2142 = arith.constant 16 : i32
        %div3A_2143 = arith.divsi %add3A_2141, %jit3A_2142 : i32
        %sign3A_2144 = arith.constant 0 : i32
        %sign3A_2145 = arith.cmpi sgt, %add3A_2141, %sign3A_2144 : i32
        %sign3A_2146 = arith.extui %sign3A_2145 : i1 to i32
        %sign3A_2147 = arith.constant 0 : i32
        %sign3A_2148 = arith.cmpi slt, %add3A_2141, %sign3A_2147 : i32
        %sign3A_2149 = arith.extui %sign3A_2148 : i1 to i32
        %sign3A_2150 = arith.subi %sign3A_2146, %sign3A_2149 : i32
        %sign3A_2151 = arith.constant 0 : i32
        %sign3A_2152 = arith.cmpi sgt, %jit3A_2142, %sign3A_2151 : i32
        %sign3A_2153 = arith.extui %sign3A_2152 : i1 to i32
        %sign3A_2154 = arith.constant 0 : i32
        %sign3A_2155 = arith.cmpi slt, %jit3A_2142, %sign3A_2154 : i32
        %sign3A_2156 = arith.extui %sign3A_2155 : i1 to i32
        %sign3A_2157 = arith.subi %sign3A_2153, %sign3A_2156 : i32
        %ne3A_2158 = arith.cmpi ne, %sign3A_2150, %sign3A_2157 : i32
        %rem3A_2159 = arith.remsi %add3A_2141, %jit3A_2142 : i32
        %ne3A_2160 = arith.constant 0 : i32
        %ne3A_2161 = arith.cmpi ne, %rem3A_2159, %ne3A_2160 : i32
        %and3A_2162 = arith.andi %ne3A_2158, %ne3A_2161 : i1
        %sub3A_2163 = arith.constant 1 : i32
        %sub3A_2164 = arith.subi %div3A_2143, %sub3A_2163 : i32
        %select_n3A_2165 = arith.select %and3A_2162, %sub3A_2164, %div3A_2143 : i32
        %while3A = arith.constant 2 : i32
        %while3A_2166 = arith.subi %select_n3A_2165, %while3A : i32
        %while3A_2167 = arith.addi %while3A, %while3A_2166 : i32
        %while3A_2168 = arith.constant 1 : i32
        %while3A_2169 = arith.divsi %while3A_2166, %while3A_2168 : i32
        %while3A_2170 = arith.muli %while3A_2169, %while3A_2168 : i32
        %while3A_2171 = arith.addi %while3A, %while3A_2170 : i32
        %while3A_2172 = arith.constant 1 : i32
        %while3A_2173:4 = scf.for %while3A_2229 = %while3A to %while3A_2171 step %while3A_2172 iter_args(%while3A_2230 = %masked_sort3A_2134, %while3A_2231 = %masked_sort3A_2135, %while3A_2232 = %masked_sort3A_2138, %while3A_2233 = %masked_sort3A_2139) -> (vector<16xf32>, vector<16xi32>, vector<16xf32>, vector<16xi32>)  : i32 {
          %mul3A_2234 = arith.constant 16 : i32
          %mul3A_2235 = arith.muli %while3A_2229, %mul3A_2234 : i32
          %get3A_2236 = arith.index_cast %mul3A_2235 : i32 to index
          %get3A_2237 = tpu.vector_load %arg15[%get3A_2236] {strides = array<i32>} : memref<10064xf32, #tpu.memory_space<vmem>>, vector<16xf32>,
          %mul3A_2238 = arith.constant 16 : i32
          %mul3A_2239 = arith.muli %while3A_2229, %mul3A_2238 : i32
          %get3A_2240 = arith.index_cast %mul3A_2239 : i32 to index
          %get3A_2241 = tpu.vector_load %arg16[%get3A_2240] {strides = array<i32>} : memref<10064xi32, #tpu.memory_space<vmem>>, vector<16xi32>,
          %masked_sort3A_2242 = arith.constant dense<true> : vector<16xi1>
          %masked_sort3A_2243, %masked_sort3A_2244, %masked_sort3A_2245 = tpu.sort %get3A_2237, %get3A_2241 masked %masked_sort3A_2242 : (vector<16xf32>, vector<16xi32>, vector<16xi1>) -> (vector<16xi1>, vector<16xf32>, vector<16xi32>)
          %rev3A_2246 = arith.constant 15 : i32
          %rev3A_2247 = vector.broadcast %rev3A_2246 : i32 to vector<16xi32>
          %rev3A_2248 = tpu.iota {dimensions = array<i32: 0>} : vector<16xi32>
          %rev3A_2249 = arith.subi %rev3A_2247, %rev3A_2248 : vector<16xi32>
          %rev3A_2250 = tpu.dynamic_gather %masked_sort3A_2244[%rev3A_2249] in [0] : vector<16xf32>, vector<16xi32> -> vector<16xf32>
          %rev3A_2251 = arith.constant 15 : i32
          %rev3A_2252 = vector.broadcast %rev3A_2251 : i32 to vector<16xi32>
          %rev3A_2253 = tpu.iota {dimensions = array<i32: 0>} : vector<16xi32>
          %rev3A_2254 = arith.subi %rev3A_2252, %rev3A_2253 : vector<16xi32>
          %rev3A_2255 = tpu.dynamic_gather %masked_sort3A_2245[%rev3A_2254] in [0] : vector<16xi32>, vector<16xi32> -> vector<16xi32>
          %lt3A_2256 = arith.cmpf olt, %while3A_2230, %rev3A_2250 : vector<16xf32>
          %eq3A_2257 = arith.cmpf oeq, %while3A_2230, %rev3A_2250 : vector<16xf32>
          %lt3A_2258 = arith.cmpi slt, %while3A_2231, %rev3A_2255 : vector<16xi32>
          %and3A_2259 = arith.andi %eq3A_2257, %lt3A_2258 : vector<16xi1>
          %or3A_2260 = arith.ori %lt3A_2256, %and3A_2259 : vector<16xi1>
          %select_n3A_2261 = arith.select %or3A_2260, %while3A_2230, %rev3A_2250 : vector<16xi1>, vector<16xf32>
          %select_n3A_2262 = arith.select %or3A_2260, %while3A_2231, %rev3A_2255 : vector<16xi1>, vector<16xi32>
          %select_n3A_2263 = arith.select %or3A_2260, %rev3A_2250, %while3A_2230 : vector<16xi1>, vector<16xf32>
          %select_n3A_2264 = arith.select %or3A_2260, %rev3A_2255, %while3A_2231 : vector<16xi1>, vector<16xi32>
          %masked_sort3A_2265 = arith.constant dense<true> : vector<16xi1>
          %masked_sort3A_2266, %masked_sort3A_2267, %masked_sort3A_2268 = tpu.sort %select_n3A_2261, %select_n3A_2262 masked %masked_sort3A_2265 : (vector<16xf32>, vector<16xi32>, vector<16xi1>) -> (vector<16xi1>, vector<16xf32>, vector<16xi32>)
          %masked_sort3A_2269 = arith.constant dense<true> : vector<16xi1>
          %masked_sort3A_2270, %masked_sort3A_2271, %masked_sort3A_2272 = tpu.sort %select_n3A_2263, %select_n3A_2264 masked %masked_sort3A_2269 : (vector<16xf32>, vector<16xi32>, vector<16xi1>) -> (vector<16xi1>, vector<16xf32>, vector<16xi32>)
          %rev3A_2273 = arith.constant 15 : i32
          %rev3A_2274 = vector.broadcast %rev3A_2273 : i32 to vector<16xi32>
          %rev3A_2275 = tpu.iota {dimensions = array<i32: 0>} : vector<16xi32>
          %rev3A_2276 = arith.subi %rev3A_2274, %rev3A_2275 : vector<16xi32>
          %rev3A_2277 = tpu.dynamic_gather %masked_sort3A_2271[%rev3A_2276] in [0] : vector<16xf32>, vector<16xi32> -> vector<16xf32>
          %rev3A_2278 = arith.constant 15 : i32
          %rev3A_2279 = vector.broadcast %rev3A_2278 : i32 to vector<16xi32>
          %rev3A_2280 = tpu.iota {dimensions = array<i32: 0>} : vector<16xi32>
          %rev3A_2281 = arith.subi %rev3A_2279, %rev3A_2280 : vector<16xi32>
          %rev3A_2282 = tpu.dynamic_gather %masked_sort3A_2272[%rev3A_2281] in [0] : vector<16xi32>, vector<16xi32> -> vector<16xi32>
          %lt3A_2283 = arith.cmpf olt, %while3A_2232, %rev3A_2277 : vector<16xf32>
          %eq3A_2284 = arith.cmpf oeq, %while3A_2232, %rev3A_2277 : vector<16xf32>
          %lt3A_2285 = arith.cmpi slt, %while3A_2233, %rev3A_2282 : vector<16xi32>
          %and3A_2286 = arith.andi %eq3A_2284, %lt3A_2285 : vector<16xi1>
          %or3A_2287 = arith.ori %lt3A_2283, %and3A_2286 : vector<16xi1>
          %select_n3A_2288 = arith.select %or3A_2287, %while3A_2232, %rev3A_2277 : vector<16xi1>, vector<16xf32>
          %select_n3A_2289 = arith.select %or3A_2287, %while3A_2233, %rev3A_2282 : vector<16xi1>, vector<16xi32>
          %select_n3A_2290 = arith.select %or3A_2287, %rev3A_2277, %while3A_2232 : vector<16xi1>, vector<16xf32>
          %select_n3A_2291 = arith.select %or3A_2287, %rev3A_2282, %while3A_2233 : vector<16xi1>, vector<16xi32>
          %masked_sort3A_2292 = arith.constant dense<true> : vector<16xi1>
          %masked_sort3A_2293, %masked_sort3A_2294, %masked_sort3A_2295 = tpu.sort %select_n3A_2288, %select_n3A_2289 masked %masked_sort3A_2292 : (vector<16xf32>, vector<16xi32>, vector<16xi1>) -> (vector<16xi1>, vector<16xf32>, vector<16xi32>)
          scf.yield %masked_sort3A_2267, %masked_sort3A_2268, %masked_sort3A_2294, %masked_sort3A_2295 : vector<16xf32>, vector<16xi32>, vector<16xf32>, vector<16xi32>
        }
        %while3A_2174 = arith.constant 1 : i32
        %while3A_2175:4 = scf.for %while3A_2229 = %while3A_2171 to %while3A_2167 step %while3A_2174 iter_args(%while3A_2230 = %while3A_2173#0, %while3A_2231 = %while3A_2173#1, %while3A_2232 = %while3A_2173#2, %while3A_2233 = %while3A_2173#3) -> (vector<16xf32>, vector<16xi32>, vector<16xf32>, vector<16xi32>)  : i32 {
          %mul3A_2234 = arith.constant 16 : i32
          %mul3A_2235 = arith.muli %while3A_2229, %mul3A_2234 : i32
          %get3A_2236 = arith.index_cast %mul3A_2235 : i32 to index
          %get3A_2237 = tpu.vector_load %arg15[%get3A_2236] {strides = array<i32>} : memref<10064xf32, #tpu.memory_space<vmem>>, vector<16xf32>,
          %mul3A_2238 = arith.constant 16 : i32
          %mul3A_2239 = arith.muli %while3A_2229, %mul3A_2238 : i32
          %get3A_2240 = arith.index_cast %mul3A_2239 : i32 to index
          %get3A_2241 = tpu.vector_load %arg16[%get3A_2240] {strides = array<i32>} : memref<10064xi32, #tpu.memory_space<vmem>>, vector<16xi32>,
          %masked_sort3A_2242 = arith.constant dense<true> : vector<16xi1>
          %masked_sort3A_2243, %masked_sort3A_2244, %masked_sort3A_2245 = tpu.sort %get3A_2237, %get3A_2241 masked %masked_sort3A_2242 : (vector<16xf32>, vector<16xi32>, vector<16xi1>) -> (vector<16xi1>, vector<16xf32>, vector<16xi32>)
          %rev3A_2246 = arith.constant 15 : i32
          %rev3A_2247 = vector.broadcast %rev3A_2246 : i32 to vector<16xi32>
          %rev3A_2248 = tpu.iota {dimensions = array<i32: 0>} : vector<16xi32>
          %rev3A_2249 = arith.subi %rev3A_2247, %rev3A_2248 : vector<16xi32>
          %rev3A_2250 = tpu.dynamic_gather %masked_sort3A_2244[%rev3A_2249] in [0] : vector<16xf32>, vector<16xi32> -> vector<16xf32>
          %rev3A_2251 = arith.constant 15 : i32
          %rev3A_2252 = vector.broadcast %rev3A_2251 : i32 to vector<16xi32>
          %rev3A_2253 = tpu.iota {dimensions = array<i32: 0>} : vector<16xi32>
          %rev3A_2254 = arith.subi %rev3A_2252, %rev3A_2253 : vector<16xi32>
          %rev3A_2255 = tpu.dynamic_gather %masked_sort3A_2245[%rev3A_2254] in [0] : vector<16xi32>, vector<16xi32> -> vector<16xi32>
          %lt3A_2256 = arith.cmpf olt, %while3A_2230, %rev3A_2250 : vector<16xf32>
          %eq3A_2257 = arith.cmpf oeq, %while3A_2230, %rev3A_2250 : vector<16xf32>
          %lt3A_2258 = arith.cmpi slt, %while3A_2231, %rev3A_2255 : vector<16xi32>
          %and3A_2259 = arith.andi %eq3A_2257, %lt3A_2258 : vector<16xi1>
          %or3A_2260 = arith.ori %lt3A_2256, %and3A_2259 : vector<16xi1>
          %select_n3A_2261 = arith.select %or3A_2260, %while3A_2230, %rev3A_2250 : vector<16xi1>, vector<16xf32>
          %select_n3A_2262 = arith.select %or3A_2260, %while3A_2231, %rev3A_2255 : vector<16xi1>, vector<16xi32>
          %select_n3A_2263 = arith.select %or3A_2260, %rev3A_2250, %while3A_2230 : vector<16xi1>, vector<16xf32>
          %select_n3A_2264 = arith.select %or3A_2260, %rev3A_2255, %while3A_2231 : vector<16xi1>, vector<16xi32>
          %masked_sort3A_2265 = arith.constant dense<true> : vector<16xi1>
          %masked_sort3A_2266, %masked_sort3A_2267, %masked_sort3A_2268 = tpu.sort %select_n3A_2261, %select_n3A_2262 masked %masked_sort3A_2265 : (vector<16xf32>, vector<16xi32>, vector<16xi1>) -> (vector<16xi1>, vector<16xf32>, vector<16xi32>)
          %masked_sort3A_2269 = arith.constant dense<true> : vector<16xi1>
          %masked_sort3A_2270, %masked_sort3A_2271, %masked_sort3A_2272 = tpu.sort %select_n3A_2263, %select_n3A_2264 masked %masked_sort3A_2269 : (vector<16xf32>, vector<16xi32>, vector<16xi1>) -> (vector<16xi1>, vector<16xf32>, vector<16xi32>)
          %rev3A_2273 = arith.constant 15 : i32
          %rev3A_2274 = vector.broadcast %rev3A_2273 : i32 to vector<16xi32>
          %rev3A_2275 = tpu.iota {dimensions = array<i32: 0>} : vector<16xi32>
          %rev3A_2276 = arith.subi %rev3A_2274, %rev3A_2275 : vector<16xi32>
          %rev3A_2277 = tpu.dynamic_gather %masked_sort3A_2271[%rev3A_2276] in [0] : vector<16xf32>, vector<16xi32> -> vector<16xf32>
          %rev3A_2278 = arith.constant 15 : i32
          %rev3A_2279 = vector.broadcast %rev3A_2278 : i32 to vector<16xi32>
          %rev3A_2280 = tpu.iota {dimensions = array<i32: 0>} : vector<16xi32>
          %rev3A_2281 = arith.subi %rev3A_2279, %rev3A_2280 : vector<16xi32>
          %rev3A_2282 = tpu.dynamic_gather %masked_sort3A_2272[%rev3A_2281] in [0] : vector<16xi32>, vector<16xi32> -> vector<16xi32>
          %lt3A_2283 = arith.cmpf olt, %while3A_2232, %rev3A_2277 : vector<16xf32>
          %eq3A_2284 = arith.cmpf oeq, %while3A_2232, %rev3A_2277 : vector<16xf32>
          %lt3A_2285 = arith.cmpi slt, %while3A_2233, %rev3A_2282 : vector<16xi32>
          %and3A_2286 = arith.andi %eq3A_2284, %lt3A_2285 : vector<16xi1>
          %or3A_2287 = arith.ori %lt3A_2283, %and3A_2286 : vector<16xi1>
          %select_n3A_2288 = arith.select %or3A_2287, %while3A_2232, %rev3A_2277 : vector<16xi1>, vector<16xf32>
          %select_n3A_2289 = arith.select %or3A_2287, %while3A_2233, %rev3A_2282 : vector<16xi1>, vector<16xi32>
          %select_n3A_2290 = arith.select %or3A_2287, %rev3A_2277, %while3A_2232 : vector<16xi1>, vector<16xf32>
          %select_n3A_2291 = arith.select %or3A_2287, %rev3A_2282, %while3A_2233 : vector<16xi1>, vector<16xi32>
          %masked_sort3A_2292 = arith.constant dense<true> : vector<16xi1>
          %masked_sort3A_2293, %masked_sort3A_2294, %masked_sort3A_2295 = tpu.sort %select_n3A_2288, %select_n3A_2289 masked %masked_sort3A_2292 : (vector<16xf32>, vector<16xi32>, vector<16xi1>) -> (vector<16xi1>, vector<16xf32>, vector<16xi32>)
          scf.yield %masked_sort3A_2267, %masked_sort3A_2268, %masked_sort3A_2294, %masked_sort3A_2295 : vector<16xf32>, vector<16xi32>, vector<16xf32>, vector<16xi32>
        }
        %lt3A_2176 = vector.broadcast %min3A_2071 : i32 to vector<16xi32>
        %lt3A_2177 = arith.cmpi slt, %iota3A, %lt3A_2176 : vector<16xi32>
        %jit3A_2178 = arith.constant -1 : i32
        %broadcast_in_dim3A_2179 = vector.broadcast %jit3A_2178 : i32 to vector<16xi32>
        %select_n3A_2180 = arith.select %lt3A_2177, %while3A_2175#1, %broadcast_in_dim3A_2179 : vector<16xi1>, vector<16xi32>
        %mul3A_2181 = arith.constant 32 : i32
        %mul3A_2182 = arith.muli %scan3A_1998, %mul3A_2181 : i32
        %swap3A_2183 = arith.index_cast %mul3A_2182 : i32 to index
        %swap3A_2184 = tpu.vector_load %arg17[%swap3A_2183] {strides = array<i32>} : memref<10240xi32, #tpu.memory_space<vmem>>, vector<16xi32>,
        tpu.vector_store %arg17[%swap3A_2183], %select_n3A_2180 {strides = array<i32>} : memref<10240xi32, #tpu.memory_space<vmem>>, vector<16xi32>,
        %add3A_2185 = arith.constant 16 : i32
        %add3A_2186 = vector.broadcast %add3A_2185 : i32 to vector<16xi32>
        %add3A_2187 = arith.addi %iota3A, %add3A_2186 : vector<16xi32>
        %lt3A_2188 = vector.broadcast %min3A_2071 : i32 to vector<16xi32>
        %lt3A_2189 = arith.cmpi slt, %add3A_2187, %lt3A_2188 : vector<16xi32>
        %jit3A_2190 = arith.constant -1 : i32
        %broadcast_in_dim3A_2191 = vector.broadcast %jit3A_2190 : i32 to vector<16xi32>
        %select_n3A_2192 = arith.select %lt3A_2189, %while3A_2175#3, %broadcast_in_dim3A_2191 : vector<16xi1>, vector<16xi32>
        %mul3A_2193 = arith.constant 32 : i32
        %mul3A_2194 = arith.muli %scan3A_1998, %mul3A_2193 : i32
        %add3A_2195 = arith.constant 16 : i32
        %add3A_2196 = arith.addi %mul3A_2194, %add3A_2195 : i32
        %swap3A_2197 = arith.index_cast %add3A_2196 : i32 to index
        %swap3A_2198 = tpu.vector_load %arg17[%swap3A_2197] {strides = array<i32>} : memref<10240xi32, #tpu.memory_space<vmem>>, vector<16xi32>,
        tpu.vector_store %arg17[%swap3A_2197], %select_n3A_2192 {strides = array<i32>} : memref<10240xi32, #tpu.memory_space<vmem>>, vector<16xi32>,
        %lt3A_2199 = vector.broadcast %min3A_2071 : i32 to vector<16xi32>
        %lt3A_2200 = arith.cmpi slt, %iota3A, %lt3A_2199 : vector<16xi32>
        %jit3A_2201 = arith.constant -1 : i32
        %broadcast_in_dim3A_2202 = vector.broadcast %add3A_2000 : i32 to vector<16xi32>
        %broadcast_in_dim3A_2203 = vector.broadcast %jit3A_2201 : i32 to vector<16xi32>
        %select_n3A_2204 = arith.select %lt3A_2200, %broadcast_in_dim3A_2202, %broadcast_in_dim3A_2203 : vector<16xi1>, vector<16xi32>
        %mul3A_2205 = arith.constant 32 : i32
        %mul3A_2206 = arith.muli %scan3A_1998, %mul3A_2205 : i32
        %swap3A_2207 = arith.index_cast %mul3A_2206 : i32 to index
        %swap3A_2208 = tpu.vector_load %arg18[%swap3A_2207] {strides = array<i32>} : memref<10240xi32, #tpu.memory_space<vmem>>, vector<16xi32>,
        tpu.vector_store %arg18[%swap3A_2207], %select_n3A_2204 {strides = array<i32>} : memref<10240xi32, #tpu.memory_space<vmem>>, vector<16xi32>,
        %add3A_2209 = arith.constant 16 : i32
        %add3A_2210 = vector.broadcast %add3A_2209 : i32 to vector<16xi32>
        %add3A_2211 = arith.addi %iota3A, %add3A_2210 : vector<16xi32>
        %lt3A_2212 = vector.broadcast %min3A_2071 : i32 to vector<16xi32>
        %lt3A_2213 = arith.cmpi slt, %add3A_2211, %lt3A_2212 : vector<16xi32>
        %jit3A_2214 = arith.constant -1 : i32
        %broadcast_in_dim3A_2215 = vector.broadcast %add3A_2000 : i32 to vector<16xi32>
        %broadcast_in_dim3A_2216 = vector.broadcast %jit3A_2214 : i32 to vector<16xi32>
        %select_n3A_2217 = arith.select %lt3A_2213, %broadcast_in_dim3A_2215, %broadcast_in_dim3A_2216 : vector<16xi1>, vector<16xi32>
        %mul3A_2218 = arith.constant 32 : i32
        %mul3A_2219 = arith.muli %scan3A_1998, %mul3A_2218 : i32
        %add3A_2220 = arith.constant 16 : i32
        %add3A_2221 = arith.addi %mul3A_2219, %add3A_2220 : i32
        %swap3A_2222 = arith.index_cast %add3A_2221 : i32 to index
        %swap3A_2223 = tpu.vector_load %arg18[%swap3A_2222] {strides = array<i32>} : memref<10240xi32, #tpu.memory_space<vmem>>, vector<16xi32>,
        tpu.vector_store %arg18[%swap3A_2222], %select_n3A_2217 {strides = array<i32>} : memref<10240xi32, #tpu.memory_space<vmem>>, vector<16xi32>,
        %broadcast_in_dim3A_2224 = vector.broadcast %scan3A_1998 : i32 to vector<16xi32>
        %broadcast_in_dim3A_2225 = vector.broadcast %min3A_2071 : i32 to vector<16xi32>
        %eq3A_2226 = arith.constant 0 : i32
        %eq3A_2227 = vector.broadcast %eq3A_2226 : i32 to vector<16xi32>
        %eq3A_2228 = arith.cmpi eq, %iota3A, %eq3A_2227 : vector<16xi32>
        tpu.vector_store_idx %arg19[%broadcast_in_dim3A_2224], %broadcast_in_dim3A_2225 masked %eq3A_2228 : memref<320xi32, #tpu.memory_space<vmem>>[vector<16xi32>], vector<16xi32>, vector<16xi1>
      } else {
      }
    }
    %scan3A_1993 = arith.constant 320 : i32
    %mul3A_1994 = arith.constant 32 : i32
    %mul3A_1995 = arith.muli %mul3A_2, %mul3A_1994 : i32
    "tpu.region"() ({
      %run_scoped3A = tpu.sem_alloc : memref<!tpu.dma_semaphore, #tpu.memory_space<semaphore_mem>>
      %dma_start3A = tpu.memref_slice %arg6[%mul3A_1995] : memref<327680xi32, #tpu.memory_space<hbm>> -> memref<10240xi32, #tpu.memory_space<hbm>>
      %dma_start3A_1998 = tpu.memref_slice %arg6[%mul3A_1995] : memref<327680xi32, #tpu.memory_space<hbm>> -> memref<10240xi32, #tpu.memory_space<hbm>>
      tpu.enqueue_dma source(%arg17 : memref<10240xi32, #tpu.memory_space<vmem>>) target(%dma_start3A_1998 : memref<10240xi32, #tpu.memory_space<hbm>>) target_semaphore(%run_scoped3A : memref<!tpu.dma_semaphore, #tpu.memory_space<semaphore_mem>>)
      %dma_wait3A = tpu.memref_slice %arg6[%mul3A_1995] : memref<327680xi32, #tpu.memory_space<hbm>> -> memref<10240xi32, #tpu.memory_space<hbm>>
      %dma_wait3A_1999 = tpu.memref_slice %arg6[%mul3A_1995] : memref<327680xi32, #tpu.memory_space<hbm>> -> memref<10240xi32, #tpu.memory_space<hbm>>
      tpu.wait_dma2 semaphore(%run_scoped3A : memref<!tpu.dma_semaphore, #tpu.memory_space<semaphore_mem>>) src(%arg17 : memref<10240xi32, #tpu.memory_space<vmem>>) dst(%dma_wait3A_1999 : memref<10240xi32, #tpu.memory_space<hbm>>)
      tpu.yield
    }) : () -> ()
    %mul3A_1996 = arith.constant 32 : i32
    %mul3A_1997 = arith.muli %mul3A_2, %mul3A_1996 : i32
    "tpu.region"() ({
      %run_scoped3A = tpu.sem_alloc : memref<!tpu.dma_semaphore, #tpu.memory_space<semaphore_mem>>
      %dma_start3A = tpu.memref_slice %arg7[%mul3A_1997] : memref<327680xi32, #tpu.memory_space<hbm>> -> memref<10240xi32, #tpu.memory_space<hbm>>
      %dma_start3A_1998 = tpu.memref_slice %arg7[%mul3A_1997] : memref<327680xi32, #tpu.memory_space<hbm>> -> memref<10240xi32, #tpu.memory_space<hbm>>
      tpu.enqueue_dma source(%arg18 : memref<10240xi32, #tpu.memory_space<vmem>>) target(%dma_start3A_1998 : memref<10240xi32, #tpu.memory_space<hbm>>) target_semaphore(%run_scoped3A : memref<!tpu.dma_semaphore, #tpu.memory_space<semaphore_mem>>)
      %dma_wait3A = tpu.memref_slice %arg7[%mul3A_1997] : memref<327680xi32, #tpu.memory_space<hbm>> -> memref<10240xi32, #tpu.memory_space<hbm>>
      %dma_wait3A_1999 = tpu.memref_slice %arg7[%mul3A_1997] : memref<327680xi32, #tpu.memory_space<hbm>> -> memref<10240xi32, #tpu.memory_space<hbm>>
      tpu.wait_dma2 semaphore(%run_scoped3A : memref<!tpu.dma_semaphore, #tpu.memory_space<semaphore_mem>>) src(%arg18 : memref<10240xi32, #tpu.memory_space<vmem>>) dst(%dma_wait3A_1999 : memref<10240xi32, #tpu.memory_space<hbm>>)
      tpu.yield
    }) : () -> ()
    "tpu.region"() ({
      %run_scoped3A = tpu.sem_alloc : memref<!tpu.dma_semaphore, #tpu.memory_space<semaphore_mem>>
      %dma_start3A = tpu.memref_slice %arg8[%mul3A_2] : memref<10240xi32, #tpu.memory_space<hbm>> -> memref<320xi32, #tpu.memory_space<hbm>>
      %dma_start3A_1998 = tpu.memref_slice %arg8[%mul3A_2] : memref<10240xi32, #tpu.memory_space<hbm>> -> memref<320xi32, #tpu.memory_space<hbm>>
      tpu.enqueue_dma source(%arg19 : memref<320xi32, #tpu.memory_space<vmem>>) target(%dma_start3A_1998 : memref<320xi32, #tpu.memory_space<hbm>>) target_semaphore(%run_scoped3A : memref<!tpu.dma_semaphore, #tpu.memory_space<semaphore_mem>>)
      %dma_wait3A = tpu.memref_slice %arg8[%mul3A_2] : memref<10240xi32, #tpu.memory_space<hbm>> -> memref<320xi32, #tpu.memory_space<hbm>>
      %dma_wait3A_1999 = tpu.memref_slice %arg8[%mul3A_2] : memref<10240xi32, #tpu.memory_space<hbm>> -> memref<320xi32, #tpu.memory_space<hbm>>
      tpu.wait_dma2 semaphore(%run_scoped3A : memref<!tpu.dma_semaphore, #tpu.memory_space<semaphore_mem>>) src(%arg19 : memref<320xi32, #tpu.memory_space<vmem>>) dst(%dma_wait3A_1999 : memref<320xi32, #tpu.memory_space<hbm>>)
      tpu.yield
    }) : () -> ()
    return
  }
}

</mosaic_0001>

<sc_bundles>
// kernel: kernel.3.cloned.1.call-start
scs
__scs_entry_jumppad:
0x0: {  	(pc) =	sbr.rel $0x88, $3  }
0x1: {  	(tag) =	ssettag $0x0;
	lr =	simm.s32 $0x1  }
0x2: {  	[smem:$0x3F9E] =	sst lr;
	_ =	strace $0xD0000000  }
0x3: {  	_ = 	snop  }
0x4: {  	_ = 	snop  }
0x5: {  	_ = 	snop  }
0x6: {  	_ = 	snop  }
0x7: {  	_ = 	snop  }
__scs_overlays_trampoline_lowered:
0x8: {  	[smem:$0x3FAD] =	sst s0  }
0x9: {  	[smem:$0x3FAE] =	sst s1  }
0xa: {  	[smem:$0x3FAF] =	sst s2  }
0xb: {  	[smem:$0x3FB0] =	sst s3  }
0xc: {  	[smem:$0x3FB1] =	sst s4  }
0xd: {  	[smem:$0x3FB2] =	sst s5  }
0xe: {  	[smem:$0x3FB3] =	sst s6  }
0xf: {  	[smem:$0x3FB4] =	sst s7  }
0x10: {  	[smem:$0x3FB5] =	sst s8  }
0x11: {  	[smem:$0x3FB6] =	sst s9;
	s0 =	simm.s32 @!p0 $0x0  }
0x12: {  	s1 =	sld [smem:$0x3F9C];
	s0 =	simm.s32 @p0 $0x1  }
0x13: {  	[smem:$0x3FB7] =	sst s0;
	s0 =	simm.s32 @!p1 $0x0  }
0x14: {  	s2 =	sld [smem:$0x3F9B];
	s0 =	simm.s32 @p1 $0x1  }
0x15: {  	[smem:$0x3FB8] =	sst s0;
	s0 =	simm.s32 @!p2 $0x0  }
0x16: {  	s3 =	sld [smem:$0x3FDB];
	s0 =	simm.s32 @p2 $0x1  }
0x17: {  	s4 =	simm.s32 $0x1BF5;
	[smem:$0x3FBA] =	sst s0  }
0x18: {  	s0 =	sld [smem:$0x3F9D];
	_ =	swait.ge [sflag:s4], $0x0  }
0x19: {  	s7 =	sld [smem:$0x3F9E]  }
0x1a: {  	s8 =	sadd.s32 $0xFFFFE003, lr  }
0x1b: {  	s9 =	sadd.s32 $0xFFFFFEF7, lr;
	s5 =	simm.s32 $0xFFFFFFFF;
	p2 =	slt.u32 s8, $0xFFFFF086  }
0x1c: {  	p1 =	slt.u32 s9, $0xF7A;
	s5 =	simm.s32 @!p2 $0x0  }
0x1d: {  	s5 =	simm.s32 @p1 $0x1;
	p0 =	seq.s32 s7, s2  }
0x1e: {  	s7 =	smul.u32 @!p0 $0xF7A, s2;
	p2 =	seq.s32 @!p0 s5, $0x0  }
0x1f: {  	s9 =	smul.u32 $0xF7A, s1;
	s8 =	simm.s32 @!p0 $0x1BF5;
	p2 =	por !p2, p0  }
0x20: {  	[sflag:s8] =	ssyncset.s32 @!p0 $0xFFFFF086;
	s6 =	sadd.s32 @!p0 s3, s7;
	s7 =	simm.s32 @!p0 $0x108  }
0x21: {  	s3 =	sadd.s32 s3, s9;
	s6 =	sadd.s32 @!p0 $0x88, s6;
	s7 =	simm.s32 @p2 $0x1082  }
0x22: {  	[simem:s7], [sflag:s8] =	dma.local @!p0 [hbm:s6], $0xF7A  }
0x23: {  	s9 =	sor.u32 $0xD0000000, s2;
	s6 =	simm.s32 $0x108;
	_ =	swait.ge @!p0 [sflag:s8], $0x0  }
0x24: {  	s3 =	sadd.s32 $0x88, s3;
	s6 =	simm.s32 @!p1 $0x1082;
	[sflag:s4] =	ssyncset.s32 $0xFFFFF086  }
0x25: {  	[simem:s6], [sflag:s4] =	dma.local [hbm:s3], $0xF7A  }
0x26: {  	[smem:$0x3F9E] =	sst s1;
	(tag) =	ssettag s2;
	_ =	strace s9  }
0x27: {  	s1 =	sld [smem:$0x3FAE]  }
0x28: {  	s2 =	sld [smem:$0x3FAF]  }
0x29: {  	s4 =	sld [smem:$0x3FB1]  }
0x2a: {  	p0 =	seq.s32 s5, $0x0;
	s5 =	sld [smem:$0x3FB2]  }
0x2b: {  	s6 =	sld [smem:$0x3FB3]  }
0x2c: {  	s7 =	sld [smem:$0x3FB4]  }
0x2d: {  	s3 =	simm.s32 $0x108;
	s8 =	sld [smem:$0x3FB5]  }
0x2e: {  	s3 =	simm.s32 @!p0 $0x1082;
	s9 =	sld [smem:$0x3FB6]  }
0x2f: {  	lr =	sadd.s32 s0, s3;
	s0 =	sld [smem:$0x3FAD]  }
0x30: {  	s3 =	sld [smem:$0x3FB0]  }
0x31: {  	[smem:$0x3FB9] =	sst s10  }
0x32: {  	s10 =	sld [smem:$0x3FB7];
	_ =	sdelay $0x3  }
0x33: {  	p0 =	seq.s32 s10, $0x1;
	s10 =	sld [smem:$0x3FB9];
	_ =	sdelay $0x3  }
0x34: {  	[smem:$0x3FB9] =	sst s10  }
0x35: {  	s10 =	sld [smem:$0x3FB8];
	_ =	sdelay $0x3  }
0x36: {  	p1 =	seq.s32 s10, $0x1;
	s10 =	sld [smem:$0x3FB9];
	_ =	sdelay $0x3  }
0x37: {  	[smem:$0x3FB9] =	sst s10  }
0x38: {  	s10 =	sld [smem:$0x3FBA]  }
0x39: {  	_ = 	snop;
	(pc) =	sbr.ind lr, $3  }
0x3a: {  	_ = 	snop  }
0x3b: {  	_ = 	snop  }
0x3c: {  	p2 =	seq.s32 s10, $0x1;
	s10 =	sld [smem:$0x3FB9]  }
0x3d: {  	_ =	shalt  }
0x3e: {  	_ =	shalt  }
0x3f: {  	_ =	shalt  }
0x40: {  	_ =	shalt  }
0x41: {  	_ =	shalt  }
0x42: {  	_ =	shalt  }
0x43: {  	_ =	shalt  }
0x44: {  	_ =	shalt  }
0x45: {  	_ =	shalt  }
0x46: {  	_ =	shalt  }
0x47: {  	_ =	shalt  }
0x48: {  	_ =	shalt  }
0x49: {  	_ =	shalt  }
0x4a: {  	_ =	shalt  }
0x4b: {  	_ =	shalt  }
0x4c: {  	_ =	shalt  }
0x4d: {  	_ =	shalt  }
0x4e: {  	_ =	shalt  }
0x4f: {  	_ =	shalt  }
0x50: {  	_ =	shalt  }
0x51: {  	_ =	shalt  }
0x52: {  	_ =	shalt  }
0x53: {  	_ =	shalt  }
0x54: {  	_ =	shalt  }
0x55: {  	_ =	shalt  }
0x56: {  	_ =	shalt  }
0x57: {  	_ =	shalt  }
0x58: {  	_ =	shalt  }
0x59: {  	_ =	shalt  }
0x5a: {  	_ =	shalt  }
0x5b: {  	_ =	shalt  }
0x5c: {  	_ =	shalt  }
0x5d: {  	_ =	shalt  }
0x5e: {  	_ =	shalt  }
0x5f: {  	_ =	shalt  }
0x60: {  	_ =	shalt  }
0x61: {  	_ =	shalt  }
0x62: {  	_ =	shalt  }
0x63: {  	_ =	shalt  }
0x64: {  	_ =	shalt  }
0x65: {  	_ =	shalt  }
0x66: {  	_ =	shalt  }
0x67: {  	_ =	shalt  }
0x68: {  	_ =	shalt  }
0x69: {  	_ =	shalt  }
0x6a: {  	_ =	shalt  }
0x6b: {  	_ =	shalt  }
0x6c: {  	_ =	shalt  }
0x6d: {  	_ =	shalt  }
0x6e: {  	_ =	shalt  }
0x6f: {  	_ =	shalt  }
0x70: {  	_ =	shalt  }
0x71: {  	_ =	shalt  }
0x72: {  	_ =	shalt  }
0x73: {  	_ =	shalt  }
0x74: {  	_ =	shalt  }
0x75: {  	_ =	shalt  }
0x76: {  	_ =	shalt  }
0x77: {  	_ =	shalt  }
0x78: {  	_ =	shalt  }
0x79: {  	_ =	shalt  }
0x7a: {  	_ =	shalt  }
0x7b: {  	_ =	shalt  }
0x7c: {  	_ =	shalt  }
0x7d: {  	_ =	shalt  }
0x7e: {  	_ =	shalt  }
0x7f: {  	_ =	shalt  }
0x80: {  	_ =	shalt  }
0x81: {  	_ =	shalt  }
0x82: {  	_ =	shalt  }
0x83: {  	_ =	shalt  }
0x84: {  	_ =	shalt  }
0x85: {  	_ =	shalt  }
0x86: {  	_ =	shalt  }
0x87: {  	_ =	shalt  }
.Lfunc_end0:
.L_simem_size_0:
called_computation_lowered:
.L_overlay_start_0:
0x88: {  	s2 =	sld [smem:$0x3FD9]  }
0x89: {  	s3 =	sld [smem:$0x3FFE];
	_ =	sdelay $0x1  }
0x8a: {  	s1 =	srdreg.scid  }
0x8b: {  	s0 =	sand.u32 $0x1, s1  }
0x8c: {  	s14 =	sshll.u32 s0, $0xA;
	s2 =	sadd.s32 s3, s2  }
0x8d: {  	s2 =	sadd.s32 s2, s14  }
0x8e: {  	[smem:$0x3FC5] =	sst s2  }
0x8f: {  	_ = 	snop  }
0x90: {  	s2 =	sld [smem:$0x3FD0];
	_ =	sdelay $0x2  }
0x91: {  	s4 =	simm.s32 $0xA;
	s5 =	simm.s32 $0x10;
	s15 =	sld [smem:$0x3FC7]  }
0x92: {  	[smem:s5], [sflag:s4] =	dma.local [hbm:s2], $0x1  }
0x93: {  	_ =	swait.eq [sflag:s4], $0x1  }
0x94: {  	s16 =	sld [smem:$0x10]  }
0x95: {  	s17 =	sld [smem:$0x11]  }
0x96: {  	s6 =	sld [smem:$0x13];
	[sflag:s4] =	ssyncset.done $0x0  }
0x97: {  	s7 =	sld [smem:$0x14];
	[sflag:s4] =	ssyncadd.s32 $0xFFFFFFFF  }
0x98: {  	s18 =	sld [smem:$0x15];
	(tm) =	ssettm $0x1  }
0x99: {  	s8 =	sld [smem:$0x3FFB];
	_ =	sdelay $0x3  }
0x9a: {  	_ =	strace s8  }
0x9b: {  	s8 =	sld [smem:$0x3FFC];
	_ =	sdelay $0x3  }
0x9c: {  	_ =	strace s8  }
0x9d: {  	s8 =	sld [smem:$0x3FFD];
	_ =	sdelay $0x3  }
0x9e: {  	_ =	strace s8  }
0x9f: {  	_ =	strace $0x8FFFFFFF  }
0xa0: {  	s19 =	sld [smem:$0x3FDB];
	_ =	sdelay $0x1  }
0xa1: {  	s9 =	simm.s32 $_scs_section_size  }
0xa2: {  	s10 =	simm.s32 $_size__tile_overlayer_lowered;
	s11 =	simm.s32 $_tile_overlayer_lowered  }
0xa3: {  	s22 =	simm.s32 $0x1BFF;
	s21 =	sshll.u32 s11, $0x1;
	s8 =	sadd.s32 s9, s19  }
0xa4: {  	s12 =	simm.s32 $0x0;
	s20 =	sshll.u32 s10, $0x1;
	s10 =	sadd.s32 s21, s8  }
0xa5: {  	[timem:s12], [sflag:s22] =	dma.local [hbm:s10], s20  }
0xa6: {  	_ =	swait.ge [sflag:s22], s20  }
0xa7: {  	s9 =	ssub.s32 $0x0, s20;
	[sflag:s22] =	ssyncset.done $0x0  }
0xa8: {  	[sflag:s22] =	ssyncadd.s32 s9;
	_ =	sdelay $0x1  }
0xa9: {  	s23 =	simm.s32 $0x1B8B  }
0xaa: {  	_ =	swait.ge [sflag:s23], $0x1  }
0xab: {  	[sflag:s23] =	ssyncset.done $0x0  }
0xac: {  	s25 =	simm.s32 $0x1B8E;
	s24 =	sld [smem:$0x3FFE];
	[sflag:s23] =	ssyncadd.s32 $0xFFFFFFFF  }
0xad: {  	s26 =	simm.s32 $execute0_lowered;
	[smem:$0x3FD2] =	sst s25  }
0xae: {  	s10 =	sshll.u32 s26, $0x1;
	_ =	strace $0x80000046;
	[dreg:$0x1] =	wrdreg $0xFFFFFFFF  }
0xaf: {  	s28 =	simm.s32 $_size_execute0_lowered;
	s8 =	sadd.s32 s8, s10;
	[dreg:$0x0] =	wrdreg $0x0  }
0xb0: {  	s10 =	sshll.u32 s28, $0x1;
	[dreg:$0x2] =	wrdreg s8  }
0xb1: {  	[dreg:$0x3] =	wrdreg s10  }
0xb2: {  	[dreg:$0x4] =	wrdreg $0xC0  }
0xb3: {  	_ =	task [dreg:s12], $0x5FFFF  }
0xb4: {  	[dreg:$0x1] =	wrdreg $0xFFFFFFFF  }
0xb5: {  	[dreg:$0x0] =	wrdreg $0x60  }
0xb6: {  	[dreg:$0x2] =	wrdreg s6  }
0xb7: {  	[dreg:$0x3] =	wrdreg s17  }
0xb8: {  	[dreg:$0x4] =	wrdreg s18  }
0xb9: {  	[dreg:$0x5] =	wrdreg s15  }
0xba: {  	[dreg:$0x6] =	wrdreg s16  }
0xbb: {  	[dreg:$0x7] =	wrdreg s24  }
0xbc: {  	[dreg:$0x8] =	wrdreg s7  }
0xbd: {  	[dreg:$0x9] =	wrdreg $0x9  }
0xbe: {  	_ =	task.clear_ibuf [dreg:s12], $0xAFFFF;
	_ =	strace $0x90000046  }
0xbf: {  	s29 =	simm.s32 $0x9;
	_ =	strace $0x80000048  }
0xc0: {  	_ =	swait.ge [sflag:s29], $0x1  }
0xc1: {  	[sflag:s29] =	ssyncadd.s32 $0xFFFFFFFF  }
0xc2: {  	_ =	strace $0x90000048  }
0xc3: {  	_ =	sfence  }
0xc4: {  	s30 =	sld [smem:$0x0];
	_ =	sdelay $0x2  }
0xc5: {  	s31 =	sshll.u32 s1, $0xD;
	s1 =	sshrl.u32 s1, $0x2  }
0xc6: {  	s3 =	sand.u32 $0x4000, s31;
	s1 =	sadd.s32 s1, s30  }
0xc7: {  	s0 =	sor.u32 s3, s0;
	s1 =	sshll.u32 s1, $0x11  }
0xc8: {  	s0 =	sor.u32 s1, s0  }
0xc9: {  	s0 =	sadd.s32 $0x8F2B, s0  }
0xca: {  	[sflag:s0] =	ssyncadd.remote.s32 $0x1  }
0xcb: {  	_ =	sfence.sel $0xFFFF  }
0xcc: {  	[dreg:$0x0] =	wrdreg $0xFFFFFFFF;
	(pc) =	sbr.abs _section_cstart, $3  }
0xcd: {  	[dreg:$0x1] =	wrdreg $0xFFFFFFFF  }
0xce: {  	_ =	task.clear_ibuf [dreg:s12], $0x2FFFF;
	_ =	strace $0x9FFFFFFF  }
0xcf: {  	(tm) =	ssettm $0x7FFFFFFF  }
tec
execute0_lowered:
.L_overlay_start_1:
0x0: {  	(tag) =	ssettag $0x1  }
0x1: {  	s2 =	rddreg [dreg:$0x2]  }
0x2: {  	s4 =	rddreg [dreg:$0x3]  }
0x3: {  	s0 =	rddreg [dreg:$0x4]  }
0x4: {  	s3 =	rddreg [dreg:$0x5];
	s5 =	srdreg.scid  }
0x5: {  	s1 =	stileid.u32;
	s11 =	rddreg [dreg:$0x6];
	s13 =	simm.s32 $0x1  }
0x6: {  	s14 =	simm.s32 $0x2780;
	s15 =	simm.s32 $0x4F00;
	s16 =	simm.s32 $0x7680  }
0x7: {  	s17 =	simm.s32 $0xA180;
	s5 =	sand.u32 $0x1, s5;
	s6 =	sshll.u32 s1, $0x1  }
0x8: {  	s18 =	simm.s32 $0xC900;
	s19 =	simm.s32 $0x14080;
	s8 =	sor.u32 s5, s6  }
0x9: {  	s20 =	simm.s32 $0xF080;
	s21 =	simm.s32 $0x11880;
	s7 =	smul.u32 $0x140, s8  }
.Ltmp0:
0xa: {  	s6 =	simm.s32 $0x0;
	s5 =	ssub.s32 $0x2, s5;
	(pc) =	sbr.rel .LBB2_1-.Ltmp0, $4  }
0xb: {  	[smem:$0x7FF] =	sst s6;
	s9 =	sshrl.u32 s5, $0x1;
	s10 =	smul.u32 $0x500, s8  }
0xc: {  	v0 =	vimm.f32 $0.0e+00;
	s22 =	simm.s32 $0x0;
	_ =	strace $0x80000047;
	s5 =	ssub.s32 s5, s9  }
0xd: {  	v1 =	vimm.s32 $0x8;
	v2 =	vlaneseq.u32;
	v3 =	vimm.s32 $0x0;
	s8 =	ssub.s32 $0x2710, s7;
	s9 =	sadd.s32 s0, s10;
	s31 =	sshrl.u32 s7, $0x3  }
0xe: {  	v4 =	vimm.f32 $+Inf;
	v5 =	vimm.s32 $0x7FFFFFFF;
	s10 =	sadd.s32 s3, s10;
	s12 =	smax.u32 s5, $0x1;
	v6 =	vmov s7;
	s11 =	sadd.s32 s11, s31  }
.LBB2_42:
0xf: {  	[hbm4b:s9+s6] =	stream.linear.scatter [tilespmem:s20], [sflag:$0x1], $0x2800, $0x38;
	[tilespmem:$0x14200] =	vst v63  }
0x10: {  	_ =	swait.ge [sflag:s13], $0x2800  }
0x11: {  	[sflag:s13] =	ssyncset.done $0x0  }
0x12: {  	[sflag:s13] =	ssyncadd.s32 $0xFFFFD800  }
0x13: {  	[hbm4b:s10+s6] =	stream.linear.scatter [tilespmem:s21], [sflag:$0x1], $0x2800, $0x38;
	[tilespmem:$0x14200] =	vst v63  }
0x14: {  	s22 =	sadd.s32 $0x1, s22;
	_ =	swait.ge [sflag:s13], $0x2800  }
0x15: {  	p0 =	sne.s32 s22, s12;
	[sflag:s13] =	ssyncset.done $0x0  }
.Ltmp1:
0x16: {  	[sflag:s13] =	ssyncadd.s32 $0xFFFFD800;
	(pc) =	sbr.rel @!p0 .LBB2_43-.Ltmp1, $4  }
0x17: {  	[hbm4b:s11+s6] =	stream.linear.scatter [tilespmem:s19], [sflag:$0x1], $0x140, $0x38;
	[tilespmem:$0x14200] =	vst v63  }
0x18: {  	_ =	swait.ge [sflag:s13], $0x140  }
0x19: {  	[sflag:s13] =	ssyncset.done $0x0  }
0x1a: {  	[sflag:s13] =	ssyncadd.s32 $0xFFFFFEC0  }
.LBB2_1:
0x1b: {  	s0 =	rddreg [dreg:$0x0]  }
0x1c: {  	[tilespmem:s6], [sflag:$0x1] =	stream.linear.gather [hbm4b:s0+s6], $0x2710, $0x38;
	[tilespmem:$0x14200] =	vst v63  }
0x1d: {  	_ =	swait.ge [sflag:s13], $0x2710  }
0x1e: {  	[sflag:s13] =	ssyncset.done $0x0  }
0x1f: {  	[sflag:s13] =	ssyncadd.s32 $0xFFFFD8F0  }
0x20: {  	s31 =	rddreg [dreg:$0x1]  }
0x21: {  	[tilespmem:s14], [sflag:$0x1] =	stream.linear.gather [hbm4b:s31+s6], $0x2710, $0x38;
	[tilespmem:$0x14200] =	vst v63  }
0x22: {  	_ =	swait.ge [sflag:s13], $0x2710  }
0x23: {  	[sflag:s13] =	ssyncset.done $0x0  }
0x24: {  	[sflag:s13] =	ssyncadd.s32 $0xFFFFD8F0  }
0x25: {  	[tilespmem:s15], [sflag:$0x1] =	stream.linear.gather [hbm4b:s2+s6], $0x2710, $0x38;
	[tilespmem:$0x14200] =	vst v63  }
0x26: {  	_ =	swait.ge [sflag:s13], $0x2710  }
0x27: {  	[sflag:s13] =	ssyncset.done $0x0  }
0x28: {  	[sflag:s13] =	ssyncadd.s32 $0xFFFFD8F0  }
0x29: {  	[tilespmem:s16], [sflag:$0x1] =	stream.linear.gather [hbm4b:s4+s6], $0x2710, $0x38;
	[tilespmem:$0x14200] =	vst v63  }
0x2a: {  	_ =	swait.ge [sflag:s13], $0x2710  }
0x2b: {  	[sflag:s13] =	ssyncset.done $0x0  }
0x2c: {  	[sflag:s13] =	ssyncadd.s32 $0xFFFFD8F0  }
0x2d: {  	[tilespmem:$0x2710] =	vst v0  }
0x2e: {  	[tilespmem:$0x4E90] =	vst v0  }
0x2f: {  	[tilespmem:$0x7610] =	vst v0  }
0x30: {  	[tilespmem:$0x2720] =	vst v0  }
0x31: {  	[tilespmem:$0x4EA0] =	vst v0  }
0x32: {  	[tilespmem:$0x7620] =	vst v0  }
0x33: {  	[tilespmem:$0x2730] =	vst v0  }
0x34: {  	[tilespmem:$0x4EB0] =	vst v0  }
0x35: {  	[tilespmem:$0x7630] =	vst v0  }
0x36: {  	[tilespmem:$0x2740] =	vst v0  }
0x37: {  	[tilespmem:$0x4EC0] =	vst v0  }
0x38: {  	[tilespmem:$0x7640] =	vst v0  }
0x39: {  	[tilespmem:$0x9D90] =	vst v1  }
0x3a: {  	[tilespmem:$0x9DA0] =	vst v1  }
0x3b: {  	[tilespmem:$0x9DB0] =	vst v1  }
0x3c: {  	[tilespmem:$0x9DC0] =	vst v1  }
0x3d: {  	[tilespmem:$0x9DD0] =	vst v1  }
0x3e: {  	[tilespmem:$0x9DE0] =	vst v1  }
0x3f: {  	[tilespmem:$0x9DF0] =	vst v1  }
0x40: {  	[tilespmem:$0x9E00] =	vst v1  }
0x41: {  	[tilespmem:$0x9E10] =	vst v1  }
0x42: {  	[tilespmem:$0x9E20] =	vst v1  }
0x43: {  	[tilespmem:$0x9E30] =	vst v1  }
0x44: {  	[tilespmem:$0x9E40] =	vst v1  }
0x45: {  	[tilespmem:$0x9E50] =	vst v1  }
0x46: {  	s23 =	simm.s32 $0x2710;
	s3 =	simm.s32 $0xD;
	[tilespmem:$0x9E60] =	vst v1  }
0x47: {  	s30 =	simm.s32 $0x0;
	s5 =	simm.s32 $0x2710;
	s0 =	simm.s32 $0x2710;
	[tilespmem:$0x9E70] =	vst v1  }
.LBB2_2:
0x48: {  	s24 =	smov.u32 s5  }
0x49: {  	p0 =	sne.s32 s3, $0x1;
	s5 =	sand.u32 $0x1, s23  }
0x4a: {  	p1 =	slt.s32 s23, $0x1;
	p2 =	seq.s32 s5, $0x1  }
0x4b: {  	s5 =	sshrl.u32 s23, $0x1F;
	p1 =	por !p1, !p2  }
0x4c: {  	s5 =	sadd.s32 s5, s23;
	s23 =	simm.s32 $0x1;
	p1 =	por !p1, !p1  }
0x4d: {  	s5 =	sshra.s32 s5, $0x1;
	s23 =	simm.s32 @!p1 $0x0  }
0x4e: {  	s5 =	ssub.s32 s5, s23  }
0x4f: {  	v7 =	vld [tilespmem:s5+$0x7680];
	_ =	sdelay $0x4  }
0x50: {  	(v2sf) =	vpush v7, $0x0;
	_ =	sdelay $0xd  }
.Ltmp2:
0x51: {  	(pc) =	sbr.rel @p0 .LBB2_2-.Ltmp2, $4  }
0x52: {  	s23 =	spop (v2sf)  }
0x53: {  	p1 =	slt.s32 s23, $0x1;
	s23 =	sadd.s32 $0x1, s5  }
0x54: {  	s30 =	smov.u32 @p1 s23;
	s5 =	smov.u32 @p1 s24  }
0x55: {  	s3 =	sadd.s32 $0xFFFFFFFF, s3;
	s23 =	sadd.s32 s30, s5  }
0x56: {  	s3 =	sand.u32 $0x1, s23  }
0x57: {  	p0 =	slt.s32 s23, $0x1;
	p1 =	seq.s32 s3, $0x1  }
0x58: {  	s29 =	sshrl.u32 s23, $0x1F;
	p0 =	por !p0, !p1  }
0x59: {  	s5 =	simm.s32 $0x1;
	s3 =	sadd.s32 s29, s23;
	p0 =	por !p0, !p0  }
0x5a: {  	s3 =	sshra.s32 s3, $0x1;
	s5 =	simm.s32 @!p0 $0x0  }
0x5b: {  	s3 =	ssub.s32 s3, s5  }
0x5c: {  	v7 =	vld [tilespmem:s3+$0x7680];
	_ =	sdelay $0x4  }
0x5d: {  	(v2sf) =	vpush v7, $0x0;
	_ =	sdelay $0xe  }
0x5e: {  	s24 =	simm.s32 $0x0;
	s31 =	spop (v2sf)  }
0x5f: {  	s23 =	simm.s32 $0x0;
	s3 =	sadd.s32 $0x1, s3;
	p0 =	slt.s32 s31, $0x1  }
0x60: {  	s5 =	simm.s32 $0x2710;
	s30 =	smov.u32 @p0 s3;
	s3 =	simm.s32 $0xD  }
.LBB2_4:
0x61: {  	s25 =	smov.u32 s0  }
0x62: {  	p0 =	sne.s32 s3, $0x1;
	s0 =	sand.u32 $0x1, s5  }
0x63: {  	p1 =	slt.s32 s5, $0x1;
	p2 =	seq.s32 s0, $0x1  }
0x64: {  	s0 =	sshrl.u32 s5, $0x1F;
	p1 =	por !p1, !p2  }
0x65: {  	s0 =	sadd.s32 s0, s5;
	s5 =	simm.s32 $0x1;
	p1 =	por !p1, !p1  }
0x66: {  	s0 =	sshra.s32 s0, $0x1;
	s5 =	simm.s32 @!p1 $0x0  }
0x67: {  	s0 =	ssub.s32 s0, s5  }
0x68: {  	v7 =	vld [tilespmem:s0+$0x7680];
	_ =	sdelay $0x4  }
0x69: {  	(v2sf) =	vpush v7, $0x0;
	_ =	sdelay $0xd  }
.Ltmp3:
0x6a: {  	(pc) =	sbr.rel @p0 .LBB2_4-.Ltmp3, $4  }
0x6b: {  	s5 =	spop (v2sf)  }
0x6c: {  	p1 =	slt.s32 s5, $0x2;
	s5 =	sadd.s32 $0x1, s0  }
0x6d: {  	s24 =	smov.u32 @p1 s5;
	s0 =	smov.u32 @p1 s25  }
0x6e: {  	s3 =	sadd.s32 $0xFFFFFFFF, s3;
	s5 =	sadd.s32 s24, s0  }
0x6f: {  	s0 =	sand.u32 $0x1, s5  }
0x70: {  	p0 =	slt.s32 s5, $0x1;
	p1 =	seq.s32 s0, $0x1  }
0x71: {  	s29 =	sshrl.u32 s5, $0x1F;
	p0 =	por !p0, !p1  }
0x72: {  	s3 =	simm.s32 $0x1;
	s0 =	sadd.s32 s29, s5;
	p0 =	por !p0, !p0  }
0x73: {  	s0 =	sshra.s32 s0, $0x1;
	s3 =	simm.s32 @!p0 $0x0  }
0x74: {  	s0 =	ssub.s32 s0, s3  }
0x75: {  	v7 =	vld [tilespmem:s0+$0x7680];
	_ =	sdelay $0x4  }
0x76: {  	(v2sf) =	vpush v7, $0x0;
	_ =	sdelay $0xe  }
0x77: {  	s25 =	simm.s32 $0x2710;
	s31 =	spop (v2sf)  }
0x78: {  	s5 =	simm.s32 $0x2710;
	s0 =	sadd.s32 $0x1, s0;
	p0 =	slt.s32 s31, $0x2  }
0x79: {  	s3 =	simm.s32 $0xD;
	s24 =	smov.u32 @p0 s0;
	s0 =	simm.s32 $0x2710  }
.LBB2_6:
0x7a: {  	s26 =	smov.u32 s5  }
0x7b: {  	p0 =	sne.s32 s3, $0x1;
	s5 =	sand.u32 $0x1, s25  }
0x7c: {  	p1 =	slt.s32 s25, $0x1;
	p2 =	seq.s32 s5, $0x1  }
0x7d: {  	s5 =	sshrl.u32 s25, $0x1F;
	p1 =	por !p1, !p2  }
0x7e: {  	s5 =	sadd.s32 s5, s25;
	s25 =	simm.s32 $0x1;
	p1 =	por !p1, !p1  }
0x7f: {  	s5 =	sshra.s32 s5, $0x1;
	s25 =	simm.s32 @!p1 $0x0  }
0x80: {  	s5 =	ssub.s32 s5, s25  }
0x81: {  	v7 =	vld [tilespmem:s5+$0x7680];
	_ =	sdelay $0x4  }
0x82: {  	(v2sf) =	vpush v7, $0x0;
	_ =	sdelay $0xd  }
.Ltmp4:
0x83: {  	(pc) =	sbr.rel @p0 .LBB2_6-.Ltmp4, $4  }
0x84: {  	s25 =	spop (v2sf)  }
0x85: {  	p1 =	slt.s32 s25, $0x3;
	s25 =	sadd.s32 $0x1, s5  }
0x86: {  	s23 =	smov.u32 @p1 s25;
	s5 =	smov.u32 @p1 s26  }
0x87: {  	s3 =	sadd.s32 $0xFFFFFFFF, s3;
	s25 =	sadd.s32 s23, s5  }
0x88: {  	s3 =	sand.u32 $0x1, s25  }
0x89: {  	p0 =	slt.s32 s25, $0x1;
	p1 =	seq.s32 s3, $0x1  }
0x8a: {  	s29 =	sshrl.u32 s25, $0x1F;
	p0 =	por !p0, !p1  }
0x8b: {  	s5 =	simm.s32 $0x1;
	s3 =	sadd.s32 s29, s25;
	p0 =	por !p0, !p0  }
0x8c: {  	s3 =	sshra.s32 s3, $0x1;
	s5 =	simm.s32 @!p0 $0x0  }
0x8d: {  	s3 =	ssub.s32 s3, s5  }
0x8e: {  	v7 =	vld [tilespmem:s3+$0x7680];
	_ =	sdelay $0x4  }
0x8f: {  	(v2sf) =	vpush v7, $0x0;
	_ =	sdelay $0xe  }
0x90: {  	s26 =	simm.s32 $0x0;
	s31 =	spop (v2sf)  }
0x91: {  	s25 =	simm.s32 $0x0;
	s3 =	sadd.s32 $0x1, s3;
	p0 =	slt.s32 s31, $0x3  }
0x92: {  	s5 =	simm.s32 $0x2710;
	s23 =	smov.u32 @p0 s3;
	s3 =	simm.s32 $0xD  }
.LBB2_8:
0x93: {  	s28 =	smov.u32 s0  }
0x94: {  	p0 =	sne.s32 s3, $0x1;
	s0 =	sand.u32 $0x1, s5  }
0x95: {  	p1 =	slt.s32 s5, $0x1;
	p2 =	seq.s32 s0, $0x1  }
0x96: {  	s0 =	sshrl.u32 s5, $0x1F;
	p1 =	por !p1, !p2  }
0x97: {  	s0 =	sadd.s32 s0, s5;
	s5 =	simm.s32 $0x1;
	p1 =	por !p1, !p1  }
0x98: {  	s0 =	sshra.s32 s0, $0x1;
	s5 =	simm.s32 @!p1 $0x0  }
0x99: {  	s0 =	ssub.s32 s0, s5  }
0x9a: {  	v7 =	vld [tilespmem:s0+$0x7680];
	_ =	sdelay $0x4  }
0x9b: {  	(v2sf) =	vpush v7, $0x0;
	_ =	sdelay $0xd  }
.Ltmp5:
0x9c: {  	(pc) =	sbr.rel @p0 .LBB2_8-.Ltmp5, $4  }
0x9d: {  	s5 =	spop (v2sf)  }
0x9e: {  	p1 =	slt.s32 s5, $0x4;
	s5 =	sadd.s32 $0x1, s0  }
0x9f: {  	s26 =	smov.u32 @p1 s5;
	s0 =	smov.u32 @p1 s28  }
0xa0: {  	s3 =	sadd.s32 $0xFFFFFFFF, s3;
	s5 =	sadd.s32 s26, s0  }
0xa1: {  	s0 =	sand.u32 $0x1, s5  }
0xa2: {  	p0 =	slt.s32 s5, $0x1;
	p1 =	seq.s32 s0, $0x1  }
0xa3: {  	s29 =	sshrl.u32 s5, $0x1F;
	p0 =	por !p0, !p1  }
0xa4: {  	s3 =	simm.s32 $0x1;
	s0 =	sadd.s32 s29, s5;
	p0 =	por !p0, !p0  }
0xa5: {  	s0 =	sshra.s32 s0, $0x1;
	s3 =	simm.s32 @!p0 $0x0  }
0xa6: {  	s0 =	ssub.s32 s0, s3  }
0xa7: {  	v7 =	vld [tilespmem:s0+$0x7680];
	_ =	sdelay $0x4  }
0xa8: {  	(v2sf) =	vpush v7, $0x0;
	_ =	sdelay $0xe  }
0xa9: {  	s28 =	simm.s32 $0x2710;
	s31 =	spop (v2sf)  }
0xaa: {  	s5 =	simm.s32 $0x2710;
	s0 =	sadd.s32 $0x1, s0;
	p0 =	slt.s32 s31, $0x4  }
0xab: {  	s3 =	simm.s32 $0xD;
	s26 =	smov.u32 @p0 s0;
	s0 =	simm.s32 $0x2710  }
.LBB2_10:
0xac: {  	s29 =	smov.u32 s5  }
0xad: {  	p0 =	sne.s32 s3, $0x1;
	s5 =	sand.u32 $0x1, s28  }
0xae: {  	p1 =	slt.s32 s28, $0x1;
	p2 =	seq.s32 s5, $0x1  }
0xaf: {  	s5 =	sshrl.u32 s28, $0x1F;
	p1 =	por !p1, !p2  }
0xb0: {  	s5 =	sadd.s32 s5, s28;
	s28 =	simm.s32 $0x1;
	p1 =	por !p1, !p1  }
0xb1: {  	s5 =	sshra.s32 s5, $0x1;
	s28 =	simm.s32 @!p1 $0x0  }
0xb2: {  	s5 =	ssub.s32 s5, s28  }
0xb3: {  	v7 =	vld [tilespmem:s5+$0x7680];
	_ =	sdelay $0x4  }
0xb4: {  	(v2sf) =	vpush v7, $0x0;
	_ =	sdelay $0xd  }
.Ltmp6:
0xb5: {  	(pc) =	sbr.rel @p0 .LBB2_10-.Ltmp6, $4  }
0xb6: {  	s28 =	spop (v2sf)  }
0xb7: {  	p1 =	slt.s32 s28, $0x5;
	s28 =	sadd.s32 $0x1, s5  }
0xb8: {  	s25 =	smov.u32 @p1 s28;
	s5 =	smov.u32 @p1 s29  }
0xb9: {  	s3 =	sadd.s32 $0xFFFFFFFF, s3;
	s28 =	sadd.s32 s25, s5  }
0xba: {  	s3 =	sand.u32 $0x1, s28  }
0xbb: {  	p0 =	slt.s32 s28, $0x1;
	p1 =	seq.s32 s3, $0x1  }
0xbc: {  	s5 =	sshrl.u32 s28, $0x1F;
	p0 =	por !p0, !p1  }
0xbd: {  	s3 =	sadd.s32 s5, s28;
	s5 =	simm.s32 $0x1;
	p0 =	por !p0, !p0  }
0xbe: {  	s3 =	sshra.s32 s3, $0x1;
	s5 =	simm.s32 @!p0 $0x0  }
0xbf: {  	s3 =	ssub.s32 s3, s5  }
0xc0: {  	v7 =	vld [tilespmem:s3+$0x7680];
	_ =	sdelay $0x4  }
0xc1: {  	(v2sf) =	vpush v7, $0x0;
	_ =	sdelay $0xe  }
0xc2: {  	s29 =	simm.s32 $0x0;
	s31 =	spop (v2sf)  }
0xc3: {  	s28 =	simm.s32 $0x0;
	s3 =	sadd.s32 $0x1, s3;
	p0 =	slt.s32 s31, $0x5  }
0xc4: {  	s5 =	simm.s32 $0x2710;
	s25 =	smov.u32 @p0 s3;
	s3 =	simm.s32 $0xD  }
.LBB2_12:
0xc5: {  	s31 =	smov.u32 s0  }
0xc6: {  	p0 =	sne.s32 s3, $0x1;
	s0 =	sand.u32 $0x1, s5  }
0xc7: {  	p1 =	slt.s32 s5, $0x1;
	p2 =	seq.s32 s0, $0x1  }
0xc8: {  	s0 =	sshrl.u32 s5, $0x1F;
	p1 =	por !p1, !p2  }
0xc9: {  	s0 =	sadd.s32 s0, s5;
	s5 =	simm.s32 $0x1;
	p1 =	por !p1, !p1  }
0xca: {  	s0 =	sshra.s32 s0, $0x1;
	s5 =	simm.s32 @!p1 $0x0  }
0xcb: {  	s0 =	ssub.s32 s0, s5  }
0xcc: {  	v7 =	vld [tilespmem:s0+$0x7680];
	_ =	sdelay $0x4  }
0xcd: {  	(v2sf) =	vpush v7, $0x0;
	_ =	sdelay $0xd  }
.Ltmp7:
0xce: {  	(pc) =	sbr.rel @p0 .LBB2_12-.Ltmp7, $4  }
0xcf: {  	s5 =	spop (v2sf)  }
0xd0: {  	p1 =	slt.s32 s5, $0x6;
	s5 =	sadd.s32 $0x1, s0  }
0xd1: {  	s29 =	smov.u32 @p1 s5;
	s0 =	smov.u32 @p1 s31  }
0xd2: {  	s3 =	sadd.s32 $0xFFFFFFFF, s3;
	s5 =	sadd.s32 s29, s0  }
0xd3: {  	s0 =	sand.u32 $0x1, s5  }
0xd4: {  	p0 =	slt.s32 s5, $0x1;
	p1 =	seq.s32 s0, $0x1  }
0xd5: {  	s3 =	sshrl.u32 s5, $0x1F;
	p0 =	por !p0, !p1  }
0xd6: {  	s0 =	sadd.s32 s3, s5;
	s3 =	simm.s32 $0x1;
	p0 =	por !p0, !p0  }
0xd7: {  	s0 =	sshra.s32 s0, $0x1;
	s3 =	simm.s32 @!p0 $0x0  }
0xd8: {  	s0 =	ssub.s32 s0, s3  }
0xd9: {  	v7 =	vld [tilespmem:s0+$0x7680];
	_ =	sdelay $0x4  }
0xda: {  	(v2sf) =	vpush v7, $0x0;
	_ =	sdelay $0xe  }
0xdb: {  	s31 =	simm.s32 $0x2710;
	s5 =	spop (v2sf)  }
0xdc: {  	s3 =	simm.s32 $0xD;
	s0 =	sadd.s32 $0x1, s0;
	p0 =	slt.s32 s5, $0x6  }
0xdd: {  	s5 =	simm.s32 $0x2710;
	s29 =	smov.u32 @p0 s0;
	s0 =	simm.s32 $0x2710  }
.LBB2_14:
0xde: {  	s1 =	smov.u32 s5  }
0xdf: {  	p0 =	sne.s32 s3, $0x1;
	s5 =	sand.u32 $0x1, s31  }
0xe0: {  	p1 =	slt.s32 s31, $0x1;
	p2 =	seq.s32 s5, $0x1  }
0xe1: {  	s5 =	sshrl.u32 s31, $0x1F;
	p1 =	por !p1, !p2  }
0xe2: {  	s5 =	sadd.s32 s5, s31;
	s31 =	simm.s32 $0x1;
	p1 =	por !p1, !p1  }
0xe3: {  	s5 =	sshra.s32 s5, $0x1;
	s31 =	simm.s32 @!p1 $0x0  }
0xe4: {  	s5 =	ssub.s32 s5, s31  }
0xe5: {  	v7 =	vld [tilespmem:s5+$0x7680];
	_ =	sdelay $0x4  }
0xe6: {  	(v2sf) =	vpush v7, $0x0;
	_ =	sdelay $0xd  }
.Ltmp8:
0xe7: {  	(pc) =	sbr.rel @p0 .LBB2_14-.Ltmp8, $4  }
0xe8: {  	s31 =	spop (v2sf)  }
0xe9: {  	p1 =	slt.s32 s31, $0x7;
	s31 =	sadd.s32 $0x1, s5  }
0xea: {  	s28 =	smov.u32 @p1 s31;
	s5 =	smov.u32 @p1 s1  }
0xeb: {  	s3 =	sadd.s32 $0xFFFFFFFF, s3;
	s31 =	sadd.s32 s28, s5  }
0xec: {  	s1 =	sand.u32 $0x1, s31  }
0xed: {  	p0 =	slt.s32 s31, $0x1;
	p1 =	seq.s32 s1, $0x1  }
0xee: {  	s3 =	sshrl.u32 s31, $0x1F;
	p0 =	por !p0, !p1  }
0xef: {  	s1 =	sadd.s32 s3, s31;
	s3 =	simm.s32 $0x1;
	p0 =	por !p0, !p0  }
0xf0: {  	s1 =	sshra.s32 s1, $0x1;
	s3 =	simm.s32 @!p0 $0x0  }
0xf1: {  	s1 =	ssub.s32 s1, s3  }
0xf2: {  	v7 =	vld [tilespmem:s1+$0x7680];
	_ =	sdelay $0x4  }
0xf3: {  	(v2sf) =	vpush v7, $0x0;
	_ =	sdelay $0xe  }
0xf4: {  	s5 =	spop (v2sf)  }
0xf5: {  	s31 =	simm.s32 $0x0;
	s1 =	sadd.s32 $0x1, s1;
	p0 =	slt.s32 s5, $0x7  }
0xf6: {  	s3 =	simm.s32 $0xD;
	s5 =	simm.s32 $0x2710;
	s28 =	smov.u32 @p0 s1  }
.LBB2_16:
0xf7: {  	s1 =	smov.u32 s0  }
0xf8: {  	p0 =	sne.s32 s3, $0x1;
	s0 =	sand.u32 $0x1, s5  }
0xf9: {  	p1 =	slt.s32 s5, $0x1;
	p2 =	seq.s32 s0, $0x1  }
0xfa: {  	s0 =	sshrl.u32 s5, $0x1F;
	p1 =	por !p1, !p2  }
0xfb: {  	s0 =	sadd.s32 s0, s5;
	s5 =	simm.s32 $0x1;
	p1 =	por !p1, !p1  }
0xfc: {  	s0 =	sshra.s32 s0, $0x1;
	s5 =	simm.s32 @!p1 $0x0  }
0xfd: {  	s0 =	ssub.s32 s0, s5  }
0xfe: {  	v7 =	vld [tilespmem:s0+$0x7680];
	_ =	sdelay $0x4  }
0xff: {  	(v2sf) =	vpush v7, $0x0;
	_ =	sdelay $0xd  }
.Ltmp9:
0x100: {  	(pc) =	sbr.rel @p0 .LBB2_16-.Ltmp9, $4  }
0x101: {  	s5 =	spop (v2sf)  }
0x102: {  	p1 =	slt.s32 s5, $0x8;
	s5 =	sadd.s32 $0x1, s0  }
0x103: {  	s31 =	smov.u32 @p1 s5;
	s0 =	smov.u32 @p1 s1  }
0x104: {  	s3 =	sadd.s32 $0xFFFFFFFF, s3;
	s5 =	sadd.s32 s31, s0  }
0x105: {  	s0 =	sand.u32 $0x1, s5  }
0x106: {  	p0 =	slt.s32 s5, $0x1;
	p1 =	seq.s32 s0, $0x1  }
0x107: {  	s3 =	sshrl.u32 s5, $0x1F;
	p0 =	por !p0, !p1  }
0x108: {  	s1 =	simm.s32 $0x1;
	s0 =	sadd.s32 s3, s5;
	p0 =	por !p0, !p0  }
0x109: {  	s0 =	sshra.s32 s0, $0x1;
	s1 =	simm.s32 @!p0 $0x0  }
0x10a: {  	s0 =	ssub.s32 s0, s1  }
0x10b: {  	v7 =	vld [tilespmem:s0+$0x7680];
	_ =	sdelay $0x4  }
0x10c: {  	(v2sf) =	vpush v7, $0x0;
	_ =	sdelay $0x4  }
0x10d: {  	v8 =	vld [tilespmem:s7+$0x7680];
	_ =	sdelay $0x4  }
0x10e: {  	vm0 =	veq.s32 v8, $0x0;
	vm1 =	veq.s32 v8, $0x1;
	v7 =	vmov s30  }
0x10f: {  	vm14 =	veq.s32 v8, $0x2;
	v9 =	vnsel vm0, $0x0, v7;
	v10 =	vnsel vm1, $0x0, v7  }
0x110: {  	vm15 =	veq.s32 v8, $0x3;
	v9 =	vsel vm1, s24, v9;
	v10 =	vsel vm14, s24, v10  }
0x111: {  	vm4 =	veq.s32 v8, $0x4;
	v9 =	vsel vm14, s23, v9;
	v10 =	vsel vm15, s23, v10  }
0x112: {  	vm5 =	veq.s32 v8, $0x5;
	v9 =	vsel vm15, s26, v9;
	v10 =	vsel vm4, s26, v10  }
0x113: {  	vm6 =	veq.s32 v8, $0x6;
	v9 =	vsel vm4, s25, v9;
	v10 =	vsel vm5, s25, v10;
	s30 =	spop (v2sf)  }
0x114: {  	vm7 =	veq.s32 v8, $0x7;
	s0 =	sadd.s32 $0x1, s0;
	v9 =	vsel vm5, s29, v9;
	v10 =	vsel vm6, s29, v10;
	p0 =	slt.s32 s30, $0x8  }
0x115: {  	v8 =	vsel vm6, s28, v9;
	v60 =	vsel vm7, s28, v10;
	s31 =	smov.u32 @p0 s0  }
0x116: {  	[tilespmem:$0x9E80] =	vst v60;
	v8 =	vsel vm7, s31, v8  }
0x117: {  	[tilespmem:$0xA000] =	vst v8  }
0x118: {  	v8 =	vld [tilespmem:s7+$0x7690];
	_ =	sdelay $0x4  }
0x119: {  	vm8 =	veq.s32 v8, $0x0;
	vm9 =	veq.s32 v8, $0x1  }
0x11a: {  	vm10 =	veq.s32 v8, $0x2;
	v61 =	vnsel vm8, $0x0, v7;
	v62 =	vnsel vm9, $0x0, v7  }
0x11b: {  	vm11 =	veq.s32 v8, $0x3;
	v9 =	vsel vm9, s24, v61;
	v10 =	vsel vm10, s24, v62  }
0x11c: {  	vm12 =	veq.s32 v8, $0x4;
	v9 =	vsel vm10, s23, v9;
	v10 =	vsel vm11, s23, v10  }
0x11d: {  	vm13 =	veq.s32 v8, $0x5;
	v9 =	vsel vm11, s26, v9;
	v10 =	vsel vm12, s26, v10  }
0x11e: {  	vm14 =	veq.s32 v8, $0x6;
	v9 =	vsel vm12, s25, v9;
	v10 =	vsel vm13, s25, v10  }
0x11f: {  	vm15 =	veq.s32 v8, $0x7;
	v9 =	vsel vm13, s29, v9;
	v10 =	vsel vm14, s29, v10  }
0x120: {  	v8 =	vsel vm14, s28, v9;
	v63 =	vsel vm15, s28, v10  }
0x121: {  	v8 =	vsel vm15, s31, v8;
	[tilespmem:$0x9E90] =	vst v63  }
0x122: {  	[tilespmem:$0xA010] =	vst v8  }
0x123: {  	v8 =	vld [tilespmem:s7+$0x76A0];
	_ =	sdelay $0x4  }
0x124: {  	vm4 =	veq.s32 v8, $0x0;
	vm5 =	veq.s32 v8, $0x1  }
0x125: {  	vm6 =	veq.s32 v8, $0x2;
	v12 =	vnsel vm4, $0x0, v7;
	v13 =	vnsel vm5, $0x0, v7  }
0x126: {  	vm7 =	veq.s32 v8, $0x3;
	v9 =	vsel vm5, s24, v12;
	v10 =	vsel vm6, s24, v13  }
0x127: {  	vm8 =	veq.s32 v8, $0x4;
	v9 =	vsel vm6, s23, v9;
	v10 =	vsel vm7, s23, v10  }
0x128: {  	vm9 =	veq.s32 v8, $0x5;
	v9 =	vsel vm7, s26, v9;
	v10 =	vsel vm8, s26, v10  }
0x129: {  	vm10 =	veq.s32 v8, $0x6;
	v9 =	vsel vm8, s25, v9;
	v10 =	vsel vm9, s25, v10  }
0x12a: {  	vm11 =	veq.s32 v8, $0x7;
	v9 =	vsel vm9, s29, v9;
	v10 =	vsel vm10, s29, v10  }
0x12b: {  	v8 =	vsel vm10, s28, v9;
	v14 =	vsel vm11, s28, v10  }
0x12c: {  	v8 =	vsel vm11, s31, v8;
	[tilespmem:$0x9EA0] =	vst v14  }
0x12d: {  	[tilespmem:$0xA020] =	vst v8  }
0x12e: {  	v8 =	vld [tilespmem:s7+$0x76B0];
	_ =	sdelay $0x4  }
0x12f: {  	vm12 =	veq.s32 v8, $0x0;
	vm13 =	veq.s32 v8, $0x1  }
0x130: {  	vm14 =	veq.s32 v8, $0x2;
	v15 =	vnsel vm12, $0x0, v7;
	v16 =	vnsel vm13, $0x0, v7  }
0x131: {  	vm15 =	veq.s32 v8, $0x3;
	v9 =	vsel vm13, s24, v15;
	v10 =	vsel vm14, s24, v16  }
0x132: {  	vm4 =	veq.s32 v8, $0x4;
	v9 =	vsel vm14, s23, v9;
	v10 =	vsel vm15, s23, v10  }
0x133: {  	vm5 =	veq.s32 v8, $0x5;
	v9 =	vsel vm15, s26, v9;
	v10 =	vsel vm4, s26, v10  }
0x134: {  	vm6 =	veq.s32 v8, $0x6;
	v9 =	vsel vm4, s25, v9;
	v10 =	vsel vm5, s25, v10  }
0x135: {  	vm7 =	veq.s32 v8, $0x7;
	v9 =	vsel vm5, s29, v9;
	v10 =	vsel vm6, s29, v10  }
0x136: {  	v8 =	vsel vm6, s28, v9;
	v17 =	vsel vm7, s28, v10  }
0x137: {  	v8 =	vsel vm7, s31, v8;
	[tilespmem:$0x9EB0] =	vst v17  }
0x138: {  	[tilespmem:$0xA030] =	vst v8  }
0x139: {  	v8 =	vld [tilespmem:s7+$0x76C0];
	_ =	sdelay $0x4  }
0x13a: {  	vm8 =	veq.s32 v8, $0x0;
	vm9 =	veq.s32 v8, $0x1  }
0x13b: {  	vm10 =	veq.s32 v8, $0x2;
	v18 =	vnsel vm8, $0x0, v7;
	v19 =	vnsel vm9, $0x0, v7  }
0x13c: {  	vm11 =	veq.s32 v8, $0x3;
	v9 =	vsel vm9, s24, v18;
	v10 =	vsel vm10, s24, v19  }
0x13d: {  	vm12 =	veq.s32 v8, $0x4;
	v9 =	vsel vm10, s23, v9;
	v10 =	vsel vm11, s23, v10  }
0x13e: {  	vm13 =	veq.s32 v8, $0x5;
	v9 =	vsel vm11, s26, v9;
	v10 =	vsel vm12, s26, v10  }
0x13f: {  	vm14 =	veq.s32 v8, $0x6;
	v9 =	vsel vm12, s25, v9;
	v10 =	vsel vm13, s25, v10  }
0x140: {  	vm15 =	veq.s32 v8, $0x7;
	v9 =	vsel vm13, s29, v9;
	v10 =	vsel vm14, s29, v10  }
0x141: {  	v8 =	vsel vm14, s28, v9;
	v20 =	vsel vm15, s28, v10  }
0x142: {  	v8 =	vsel vm15, s31, v8;
	[tilespmem:$0x9EC0] =	vst v20  }
0x143: {  	[tilespmem:$0xA040] =	vst v8  }
0x144: {  	v8 =	vld [tilespmem:s7+$0x76D0];
	_ =	sdelay $0x4  }
0x145: {  	vm4 =	veq.s32 v8, $0x0;
	vm5 =	veq.s32 v8, $0x1  }
0x146: {  	vm6 =	veq.s32 v8, $0x2;
	v21 =	vnsel vm4, $0x0, v7;
	v22 =	vnsel vm5, $0x0, v7  }
0x147: {  	vm7 =	veq.s32 v8, $0x3;
	v9 =	vsel vm5, s24, v21;
	v10 =	vsel vm6, s24, v22  }
0x148: {  	vm8 =	veq.s32 v8, $0x4;
	v9 =	vsel vm6, s23, v9;
	v10 =	vsel vm7, s23, v10  }
0x149: {  	vm9 =	veq.s32 v8, $0x5;
	v9 =	vsel vm7, s26, v9;
	v10 =	vsel vm8, s26, v10  }
0x14a: {  	vm10 =	veq.s32 v8, $0x6;
	v9 =	vsel vm8, s25, v9;
	v10 =	vsel vm9, s25, v10  }
0x14b: {  	vm11 =	veq.s32 v8, $0x7;
	v9 =	vsel vm9, s29, v9;
	v10 =	vsel vm10, s29, v10  }
0x14c: {  	v8 =	vsel vm10, s28, v9;
	v23 =	vsel vm11, s28, v10  }
0x14d: {  	v8 =	vsel vm11, s31, v8;
	[tilespmem:$0x9ED0] =	vst v23  }
0x14e: {  	[tilespmem:$0xA050] =	vst v8  }
0x14f: {  	v8 =	vld [tilespmem:s7+$0x76E0];
	_ =	sdelay $0x4  }
0x150: {  	vm12 =	veq.s32 v8, $0x0;
	vm13 =	veq.s32 v8, $0x1  }
0x151: {  	vm14 =	veq.s32 v8, $0x2;
	v24 =	vnsel vm12, $0x0, v7;
	v25 =	vnsel vm13, $0x0, v7  }
0x152: {  	vm15 =	veq.s32 v8, $0x3;
	v9 =	vsel vm13, s24, v24;
	v10 =	vsel vm14, s24, v25  }
0x153: {  	vm4 =	veq.s32 v8, $0x4;
	v9 =	vsel vm14, s23, v9;
	v10 =	vsel vm15, s23, v10  }
0x154: {  	vm5 =	veq.s32 v8, $0x5;
	v9 =	vsel vm15, s26, v9;
	v10 =	vsel vm4, s26, v10  }
0x155: {  	vm6 =	veq.s32 v8, $0x6;
	v9 =	vsel vm4, s25, v9;
	v10 =	vsel vm5, s25, v10  }
0x156: {  	vm7 =	veq.s32 v8, $0x7;
	v9 =	vsel vm5, s29, v9;
	v10 =	vsel vm6, s29, v10  }
0x157: {  	v8 =	vsel vm6, s28, v9;
	v26 =	vsel vm7, s28, v10  }
0x158: {  	v8 =	vsel vm7, s31, v8;
	[tilespmem:$0x9EE0] =	vst v26  }
0x159: {  	[tilespmem:$0xA060] =	vst v8  }
0x15a: {  	v8 =	vld [tilespmem:s7+$0x76F0];
	_ =	sdelay $0x4  }
0x15b: {  	vm8 =	veq.s32 v8, $0x0;
	vm9 =	veq.s32 v8, $0x1  }
0x15c: {  	vm10 =	veq.s32 v8, $0x2;
	v27 =	vnsel vm8, $0x0, v7;
	v28 =	vnsel vm9, $0x0, v7  }
0x15d: {  	vm11 =	veq.s32 v8, $0x3;
	v9 =	vsel vm9, s24, v27;
	v10 =	vsel vm10, s24, v28  }
0x15e: {  	vm12 =	veq.s32 v8, $0x4;
	v9 =	vsel vm10, s23, v9;
	v10 =	vsel vm11, s23, v10  }
0x15f: {  	vm13 =	veq.s32 v8, $0x5;
	v9 =	vsel vm11, s26, v9;
	v10 =	vsel vm12, s26, v10  }
0x160: {  	vm14 =	veq.s32 v8, $0x6;
	v9 =	vsel vm12, s25, v9;
	v10 =	vsel vm13, s25, v10  }
0x161: {  	vm15 =	veq.s32 v8, $0x7;
	v9 =	vsel vm13, s29, v9;
	v10 =	vsel vm14, s29, v10  }
0x162: {  	v8 =	vsel vm14, s28, v9;
	v29 =	vsel vm15, s28, v10  }
0x163: {  	v8 =	vsel vm15, s31, v8;
	[tilespmem:$0x9EF0] =	vst v29  }
0x164: {  	[tilespmem:$0xA070] =	vst v8  }
0x165: {  	v8 =	vld [tilespmem:s7+$0x7700];
	_ =	sdelay $0x4  }
0x166: {  	vm4 =	veq.s32 v8, $0x0;
	vm5 =	veq.s32 v8, $0x1  }
0x167: {  	vm6 =	veq.s32 v8, $0x2;
	v30 =	vnsel vm4, $0x0, v7;
	v31 =	vnsel vm5, $0x0, v7  }
0x168: {  	vm7 =	veq.s32 v8, $0x3;
	v9 =	vsel vm5, s24, v30;
	v10 =	vsel vm6, s24, v31  }
0x169: {  	vm8 =	veq.s32 v8, $0x4;
	v9 =	vsel vm6, s23, v9;
	v10 =	vsel vm7, s23, v10  }
0x16a: {  	vm9 =	veq.s32 v8, $0x5;
	v9 =	vsel vm7, s26, v9;
	v10 =	vsel vm8, s26, v10  }
0x16b: {  	vm10 =	veq.s32 v8, $0x6;
	v9 =	vsel vm8, s25, v9;
	v10 =	vsel vm9, s25, v10  }
0x16c: {  	vm11 =	veq.s32 v8, $0x7;
	v9 =	vsel vm9, s29, v9;
	v10 =	vsel vm10, s29, v10  }
0x16d: {  	v8 =	vsel vm10, s28, v9;
	v32 =	vsel vm11, s28, v10  }
0x16e: {  	v8 =	vsel vm11, s31, v8;
	[tilespmem:$0x9F00] =	vst v32  }
0x16f: {  	[tilespmem:$0xA080] =	vst v8  }
0x170: {  	v8 =	vld [tilespmem:s7+$0x7710];
	_ =	sdelay $0x4  }
0x171: {  	vm12 =	veq.s32 v8, $0x0;
	vm13 =	veq.s32 v8, $0x1  }
0x172: {  	vm14 =	veq.s32 v8, $0x2;
	v33 =	vnsel vm12, $0x0, v7;
	v34 =	vnsel vm13, $0x0, v7  }
0x173: {  	vm15 =	veq.s32 v8, $0x3;
	v9 =	vsel vm13, s24, v33;
	v10 =	vsel vm14, s24, v34  }
0x174: {  	vm4 =	veq.s32 v8, $0x4;
	v9 =	vsel vm14, s23, v9;
	v10 =	vsel vm15, s23, v10  }
0x175: {  	vm5 =	veq.s32 v8, $0x5;
	v9 =	vsel vm15, s26, v9;
	v10 =	vsel vm4, s26, v10  }
0x176: {  	vm6 =	veq.s32 v8, $0x6;
	v9 =	vsel vm4, s25, v9;
	v10 =	vsel vm5, s25, v10  }
0x177: {  	vm7 =	veq.s32 v8, $0x7;
	v9 =	vsel vm5, s29, v9;
	v10 =	vsel vm6, s29, v10  }
0x178: {  	v8 =	vsel vm6, s28, v9;
	v35 =	vsel vm7, s28, v10  }
0x179: {  	v8 =	vsel vm7, s31, v8;
	[tilespmem:$0x9F10] =	vst v35  }
0x17a: {  	[tilespmem:$0xA090] =	vst v8  }
0x17b: {  	v8 =	vld [tilespmem:s7+$0x7720];
	_ =	sdelay $0x4  }
0x17c: {  	vm8 =	veq.s32 v8, $0x0;
	vm9 =	veq.s32 v8, $0x1  }
0x17d: {  	vm10 =	veq.s32 v8, $0x2;
	v36 =	vnsel vm8, $0x0, v7;
	v37 =	vnsel vm9, $0x0, v7  }
0x17e: {  	vm11 =	veq.s32 v8, $0x3;
	v9 =	vsel vm9, s24, v36;
	v10 =	vsel vm10, s24, v37  }
0x17f: {  	vm12 =	veq.s32 v8, $0x4;
	v9 =	vsel vm10, s23, v9;
	v10 =	vsel vm11, s23, v10  }
0x180: {  	vm13 =	veq.s32 v8, $0x5;
	v9 =	vsel vm11, s26, v9;
	v10 =	vsel vm12, s26, v10  }
0x181: {  	vm14 =	veq.s32 v8, $0x6;
	v9 =	vsel vm12, s25, v9;
	v10 =	vsel vm13, s25, v10  }
0x182: {  	vm15 =	veq.s32 v8, $0x7;
	v9 =	vsel vm13, s29, v9;
	v10 =	vsel vm14, s29, v10  }
0x183: {  	v8 =	vsel vm14, s28, v9;
	v38 =	vsel vm15, s28, v10  }
0x184: {  	v8 =	vsel vm15, s31, v8;
	[tilespmem:$0x9F20] =	vst v38  }
0x185: {  	[tilespmem:$0xA0A0] =	vst v8  }
0x186: {  	v8 =	vld [tilespmem:s7+$0x7730];
	_ =	sdelay $0x4  }
0x187: {  	vm4 =	veq.s32 v8, $0x0;
	vm5 =	veq.s32 v8, $0x1  }
0x188: {  	vm6 =	veq.s32 v8, $0x2;
	v39 =	vnsel vm4, $0x0, v7;
	v40 =	vnsel vm5, $0x0, v7  }
0x189: {  	vm7 =	veq.s32 v8, $0x3;
	v9 =	vsel vm5, s24, v39;
	v10 =	vsel vm6, s24, v40  }
0x18a: {  	vm8 =	veq.s32 v8, $0x4;
	v9 =	vsel vm6, s23, v9;
	v10 =	vsel vm7, s23, v10  }
0x18b: {  	vm9 =	veq.s32 v8, $0x5;
	v9 =	vsel vm7, s26, v9;
	v10 =	vsel vm8, s26, v10  }
0x18c: {  	vm10 =	veq.s32 v8, $0x6;
	v9 =	vsel vm8, s25, v9;
	v10 =	vsel vm9, s25, v10  }
0x18d: {  	vm11 =	veq.s32 v8, $0x7;
	v9 =	vsel vm9, s29, v9;
	v10 =	vsel vm10, s29, v10  }
0x18e: {  	v8 =	vsel vm10, s28, v9;
	v41 =	vsel vm11, s28, v10  }
0x18f: {  	v8 =	vsel vm11, s31, v8;
	[tilespmem:$0x9F30] =	vst v41  }
0x190: {  	[tilespmem:$0xA0B0] =	vst v8  }
0x191: {  	v8 =	vld [tilespmem:s7+$0x7740];
	_ =	sdelay $0x4  }
0x192: {  	vm12 =	veq.s32 v8, $0x0;
	vm13 =	veq.s32 v8, $0x1  }
0x193: {  	vm14 =	veq.s32 v8, $0x2;
	v42 =	vnsel vm12, $0x0, v7;
	v43 =	vnsel vm13, $0x0, v7  }
0x194: {  	vm15 =	veq.s32 v8, $0x3;
	v9 =	vsel vm13, s24, v42;
	v10 =	vsel vm14, s24, v43  }
0x195: {  	vm4 =	veq.s32 v8, $0x4;
	v9 =	vsel vm14, s23, v9;
	v10 =	vsel vm15, s23, v10  }
0x196: {  	vm5 =	veq.s32 v8, $0x5;
	v9 =	vsel vm15, s26, v9;
	v10 =	vsel vm4, s26, v10  }
0x197: {  	vm6 =	veq.s32 v8, $0x6;
	v9 =	vsel vm4, s25, v9;
	v10 =	vsel vm5, s25, v10  }
0x198: {  	vm7 =	veq.s32 v8, $0x7;
	v9 =	vsel vm5, s29, v9;
	v10 =	vsel vm6, s29, v10  }
0x199: {  	v8 =	vsel vm6, s28, v9;
	v44 =	vsel vm7, s28, v10  }
0x19a: {  	v8 =	vsel vm7, s31, v8;
	[tilespmem:$0x9F40] =	vst v44  }
0x19b: {  	[tilespmem:$0xA0C0] =	vst v8  }
0x19c: {  	v8 =	vld [tilespmem:s7+$0x7750];
	_ =	sdelay $0x4  }
0x19d: {  	vm8 =	veq.s32 v8, $0x0;
	vm9 =	veq.s32 v8, $0x1  }
0x19e: {  	vm10 =	veq.s32 v8, $0x2;
	v45 =	vnsel vm8, $0x0, v7;
	v46 =	vnsel vm9, $0x0, v7  }
0x19f: {  	vm11 =	veq.s32 v8, $0x3;
	v9 =	vsel vm9, s24, v45;
	v10 =	vsel vm10, s24, v46  }
0x1a0: {  	vm12 =	veq.s32 v8, $0x4;
	v9 =	vsel vm10, s23, v9;
	v10 =	vsel vm11, s23, v10  }
0x1a1: {  	vm13 =	veq.s32 v8, $0x5;
	v9 =	vsel vm11, s26, v9;
	v10 =	vsel vm12, s26, v10  }
0x1a2: {  	vm14 =	veq.s32 v8, $0x6;
	v9 =	vsel vm12, s25, v9;
	v10 =	vsel vm13, s25, v10  }
0x1a3: {  	vm15 =	veq.s32 v8, $0x7;
	v9 =	vsel vm13, s29, v9;
	v10 =	vsel vm14, s29, v10  }
0x1a4: {  	v8 =	vsel vm14, s28, v9;
	v47 =	vsel vm15, s28, v10  }
0x1a5: {  	v8 =	vsel vm15, s31, v8;
	[tilespmem:$0x9F50] =	vst v47  }
0x1a6: {  	[tilespmem:$0xA0D0] =	vst v8  }
0x1a7: {  	v8 =	vld [tilespmem:s7+$0x7760];
	_ =	sdelay $0x4  }
0x1a8: {  	vm4 =	veq.s32 v8, $0x0;
	vm5 =	veq.s32 v8, $0x1  }
0x1a9: {  	vm6 =	veq.s32 v8, $0x2;
	v48 =	vnsel vm4, $0x0, v7;
	v49 =	vnsel vm5, $0x0, v7  }
0x1aa: {  	vm7 =	veq.s32 v8, $0x3;
	v9 =	vsel vm5, s24, v48;
	v10 =	vsel vm6, s24, v49  }
0x1ab: {  	vm8 =	veq.s32 v8, $0x4;
	v9 =	vsel vm6, s23, v9;
	v10 =	vsel vm7, s23, v10  }
0x1ac: {  	vm9 =	veq.s32 v8, $0x5;
	v9 =	vsel vm7, s26, v9;
	v10 =	vsel vm8, s26, v10  }
0x1ad: {  	vm10 =	veq.s32 v8, $0x6;
	v9 =	vsel vm8, s25, v9;
	v10 =	vsel vm9, s25, v10  }
0x1ae: {  	vm11 =	veq.s32 v8, $0x7;
	v9 =	vsel vm9, s29, v9;
	v10 =	vsel vm10, s29, v10  }
0x1af: {  	v8 =	vsel vm10, s28, v9;
	v50 =	vsel vm11, s28, v10  }
0x1b0: {  	v8 =	vsel vm11, s31, v8;
	[tilespmem:$0x9F60] =	vst v50  }
0x1b1: {  	[tilespmem:$0xA0E0] =	vst v8  }
0x1b2: {  	v8 =	vld [tilespmem:s7+$0x7770];
	_ =	sdelay $0x4  }
0x1b3: {  	vm12 =	veq.s32 v8, $0x0;
	vm13 =	veq.s32 v8, $0x1  }
0x1b4: {  	vm14 =	veq.s32 v8, $0x2;
	v51 =	vnsel vm12, $0x0, v7;
	v52 =	vnsel vm13, $0x0, v7  }
0x1b5: {  	vm15 =	veq.s32 v8, $0x3;
	v9 =	vsel vm13, s24, v51;
	v10 =	vsel vm14, s24, v52  }
0x1b6: {  	vm4 =	veq.s32 v8, $0x4;
	v9 =	vsel vm14, s23, v9;
	v10 =	vsel vm15, s23, v10  }
0x1b7: {  	vm5 =	veq.s32 v8, $0x5;
	v9 =	vsel vm15, s26, v9;
	v10 =	vsel vm4, s26, v10  }
0x1b8: {  	vm6 =	veq.s32 v8, $0x6;
	v9 =	vsel vm4, s25, v9;
	v10 =	vsel vm5, s25, v10  }
0x1b9: {  	vm7 =	veq.s32 v8, $0x7;
	v9 =	vsel vm5, s29, v9;
	v10 =	vsel vm6, s29, v10  }
0x1ba: {  	v8 =	vsel vm6, s28, v9;
	v53 =	vsel vm7, s28, v10  }
0x1bb: {  	v8 =	vsel vm7, s31, v8;
	[tilespmem:$0x9F70] =	vst v53  }
0x1bc: {  	[tilespmem:$0xA0F0] =	vst v8  }
0x1bd: {  	v8 =	vld [tilespmem:s7+$0x7780];
	_ =	sdelay $0x4  }
0x1be: {  	vm8 =	veq.s32 v8, $0x0;
	vm9 =	veq.s32 v8, $0x1  }
0x1bf: {  	vm10 =	veq.s32 v8, $0x2;
	v54 =	vnsel vm8, $0x0, v7;
	v55 =	vnsel vm9, $0x0, v7  }
0x1c0: {  	vm11 =	veq.s32 v8, $0x3;
	v9 =	vsel vm9, s24, v54;
	v10 =	vsel vm10, s24, v55  }
0x1c1: {  	vm12 =	veq.s32 v8, $0x4;
	v9 =	vsel vm10, s23, v9;
	v10 =	vsel vm11, s23, v10  }
0x1c2: {  	vm13 =	veq.s32 v8, $0x5;
	v9 =	vsel vm11, s26, v9;
	v10 =	vsel vm12, s26, v10  }
0x1c3: {  	vm14 =	veq.s32 v8, $0x6;
	v9 =	vsel vm12, s25, v9;
	v10 =	vsel vm13, s25, v10  }
0x1c4: {  	vm15 =	veq.s32 v8, $0x7;
	v9 =	vsel vm13, s29, v9;
	v10 =	vsel vm14, s29, v10  }
0x1c5: {  	v8 =	vsel vm14, s28, v9;
	v56 =	vsel vm15, s28, v10  }
0x1c6: {  	v8 =	vsel vm15, s31, v8;
	[tilespmem:$0x9F80] =	vst v56  }
0x1c7: {  	[tilespmem:$0xA100] =	vst v8  }
0x1c8: {  	v8 =	vld [tilespmem:s7+$0x7790];
	_ =	sdelay $0x4  }
0x1c9: {  	vm4 =	veq.s32 v8, $0x0;
	vm5 =	veq.s32 v8, $0x1  }
0x1ca: {  	vm6 =	veq.s32 v8, $0x2;
	v57 =	vnsel vm4, $0x0, v7;
	v58 =	vnsel vm5, $0x0, v7  }
0x1cb: {  	vm7 =	veq.s32 v8, $0x3;
	v9 =	vsel vm5, s24, v57;
	v10 =	vsel vm6, s24, v58  }
0x1cc: {  	vm8 =	veq.s32 v8, $0x4;
	v9 =	vsel vm6, s23, v9;
	v10 =	vsel vm7, s23, v10  }
0x1cd: {  	vm9 =	veq.s32 v8, $0x5;
	v9 =	vsel vm7, s26, v9;
	v10 =	vsel vm8, s26, v10  }
0x1ce: {  	vm10 =	veq.s32 v8, $0x6;
	v9 =	vsel vm8, s25, v9;
	v10 =	vsel vm9, s25, v10  }
0x1cf: {  	vm11 =	veq.s32 v8, $0x7;
	v9 =	vsel vm9, s29, v9;
	v10 =	vsel vm10, s29, v10  }
0x1d0: {  	v8 =	vsel vm10, s28, v9;
	v59 =	vsel vm11, s28, v10  }
0x1d1: {  	v8 =	vsel vm11, s31, v8;
	[tilespmem:$0x9F90] =	vst v59  }
0x1d2: {  	[tilespmem:$0xA110] =	vst v8  }
0x1d3: {  	v8 =	vld [tilespmem:s7+$0x77A0];
	_ =	sdelay $0x4  }
0x1d4: {  	vm12 =	veq.s32 v8, $0x0;
	vm13 =	veq.s32 v8, $0x1  }
0x1d5: {  	vm14 =	veq.s32 v8, $0x2;
	v60 =	vnsel vm12, $0x0, v7;
	v61 =	vnsel vm13, $0x0, v7  }
0x1d6: {  	vm15 =	veq.s32 v8, $0x3;
	v9 =	vsel vm13, s24, v60;
	v10 =	vsel vm14, s24, v61  }
0x1d7: {  	vm4 =	veq.s32 v8, $0x4;
	v9 =	vsel vm14, s23, v9;
	v10 =	vsel vm15, s23, v10  }
0x1d8: {  	vm5 =	veq.s32 v8, $0x5;
	v9 =	vsel vm15, s26, v9;
	v10 =	vsel vm4, s26, v10  }
0x1d9: {  	vm6 =	veq.s32 v8, $0x6;
	v9 =	vsel vm4, s25, v9;
	v10 =	vsel vm5, s25, v10  }
0x1da: {  	vm7 =	veq.s32 v8, $0x7;
	v9 =	vsel vm5, s29, v9;
	v10 =	vsel vm6, s29, v10  }
0x1db: {  	v8 =	vsel vm6, s28, v9;
	v62 =	vsel vm7, s28, v10  }
0x1dc: {  	v8 =	vsel vm7, s31, v8;
	[tilespmem:$0x9FA0] =	vst v62  }
0x1dd: {  	[tilespmem:$0xA120] =	vst v8  }
0x1de: {  	v8 =	vld [tilespmem:s7+$0x77B0];
	_ =	sdelay $0x4  }
0x1df: {  	vm8 =	veq.s32 v8, $0x0;
	vm9 =	veq.s32 v8, $0x1  }
0x1e0: {  	vm10 =	veq.s32 v8, $0x2;
	v63 =	vnsel vm8, $0x0, v7;
	v7 =	vnsel vm9, $0x0, v7  }
0x1e1: {  	vm11 =	veq.s32 v8, $0x3;
	v9 =	vsel vm9, s24, v63;
	v7 =	vsel vm10, s24, v7  }
0x1e2: {  	vm12 =	veq.s32 v8, $0x4;
	v9 =	vsel vm10, s23, v9;
	v7 =	vsel vm11, s23, v7  }
0x1e3: {  	vm13 =	veq.s32 v8, $0x5;
	v9 =	vsel vm11, s26, v9;
	v7 =	vsel vm12, s26, v7  }
.Ltmp10:
0x1e4: {  	vm14 =	veq.s32 v8, $0x6;
	v9 =	vsel vm12, s25, v9;
	v7 =	vsel vm13, s25, v7;
	(pc) =	sbr.rel .LBB2_18-.Ltmp10, $4  }
0x1e5: {  	vm15 =	veq.s32 v8, $0x7;
	v9 =	vsel vm13, s29, v9;
	v7 =	vsel vm14, s29, v7  }
0x1e6: {  	v8 =	vsel vm14, s28, v9;
	v7 =	vsel vm15, s28, v7  }
0x1e7: {  	v8 =	vsel vm15, s31, v8;
	[tilespmem:$0x9FB0] =	vst v7  }
0x1e8: {  	s23 =	simm.s32 $0x0;
	[tilespmem:$0xA130] =	vst v8  }
.LBB2_26:
0x1e9: {  	v17 =	vmov v10;
	v18 =	vmov v9  }
.LBB2_39:
0x1ea: {  	vm0 =	veq.f32 @p1 v17, v13;
	vm1 =	vlt.s32 @p1 v18, v14  }
0x1eb: {  	vm2 =	vlt.f32 @p1 v17, v13;
	(xrf1) =	vsort.ascd.msk.f32 @p0 $0xffff, v15, v16;
	vm0 =	vmand @p1 vm0, vm1  }
0x1ec: {  	vm0 =	vmor @p1 vm2, vm0  }
0x1ed: {  	v13 =	vsel @p1 vm0, v17, v13;
	v14 =	vsel @p1 vm0, v18, v14  }
0x1ee: {  	(xrf1) =	vsort.ascd.msk.f32 @p1 $0xffff, v13, v14;
	_ =	sdelay $0x8  }
0x1ef: {  	v13, v14, _ =	vpop (xrf1)  }
0x1f0: {  	v13 =	vperm.xlane v13, v8;
	v14 =	vperm.xlane v14, v8;
	v15, v16, _ =	vpop @p0 (xrf1)  }
0x1f1: {  	v12 =	vpsel p0, v15, v12;
	v11 =	vpsel p0, v16, v11;
	v15, v16, _ =	vpop @p0 (xrf1)  }
0x1f2: {  	vm11 =	veq.f32 v12, v13;
	vm12 =	vlt.s32 v11, v14;
	v15 =	vperm.xlane @p0 v15, v8  }
0x1f3: {  	vm10 =	vlt.f32 v12, v13;
	vm1 =	vmand vm11, vm12;
	v16 =	vperm.xlane @p0 v16, v8  }
0x1f4: {  	vm0 =	vmor vm10, vm1;
	v15 =	vpsel p0, v15, v0;
	v17, v18, _ =	vpop @p1 (xrf1)  }
0x1f5: {  	v16 =	vpsel p0, v16, v0;
	v17 =	vpsel p1, v17, v10;
	v18 =	vpsel p1, v18, v9  }
0x1f6: {  	v19 =	vsel vm0, v12, v13;
	vm1 =	veq.f32 @p0 v17, v15;
	vm2 =	vlt.s32 @p0 v18, v16  }
0x1f7: {  	v20 =	vsel vm0, v11, v14;
	vm1 =	vmand @p0 vm1, vm2;
	vm2 =	vlt.f32 @p0 v17, v15  }
0x1f8: {  	v12 =	vsel vm0, v13, v12;
	v11 =	vsel vm0, v14, v11;
	(xrf1) =	vsort.ascd.msk.f32 $0xffff, v19, v20;
	vm0 =	vmor @p0 vm2, vm1  }
0x1f9: {  	(xrf1) =	vsort.ascd.msk.f32 $0xffff, v12, v11;
	v11 =	vsel @p0 vm0, v17, v15;
	v12 =	vsel @p0 vm0, v18, v16  }
0x1fa: {  	(xrf1) =	vsort.ascd.msk.f32 @p0 $0xffff, v11, v12;
	_ =	sdelay $0xb  }
0x1fb: {  	v12, v11, _ =	vpop (xrf1)  }
0x1fc: {  	v12, v63, _ =	vpop (xrf1)  }
0x1fd: {  	v12 =	vperm.xlane v12, v8;
	v8 =	vperm.xlane v63, v8;
	v13, v14, _ =	vpop @p0 (xrf1)  }
0x1fe: {  	v10 =	vpsel p0, v13, v10;
	v9 =	vpsel p0, v14, v9  }
0x1ff: {  	vm13 =	veq.f32 v10, v12;
	vm14 =	vlt.s32 v9, v8  }
0x200: {  	vm15 =	vlt.f32 v10, v12;
	vm0 =	vmand vm13, vm14  }
0x201: {  	vm0 =	vmor vm15, vm0  }
0x202: {  	v10 =	vsel vm0, v10, v12;
	v8 =	vsel vm0, v9, v8  }
0x203: {  	(xrf1) =	vsort.ascd.msk.f32 $0xffff, v10, v8;
	_ =	sdelay $0xd  }
0x204: {  	v8, v9, _ =	vpop (xrf1)  }
.LBB2_40:
0x205: {  	p0 =	slt.s32 s24, $0x20  }
0x206: {  	s24 =	simm.s32 @!p0 $0x20  }
0x207: {  	v8 =	vmov s24  }
0x208: {  	v10 =	vor.u32 $0x10, v2;
	vm0 =	vgt.s32 v8, v2  }
0x209: {  	s0 =	sshll.u32 s23, $0x5;
	v62 =	vmov s23;
	vm1 =	vgt.s32 v8, v10;
	v11 =	vnsel vm0, $0xFFFFFFFF, v11  }
0x20a: {  	v9 =	vnsel vm1, $0xFFFFFFFF, v9;
	[tilespmem:s0+$0xF080] =	vst v11  }
0x20b: {  	v63 =	vnsel vm0, $0xFFFFFFFF, v7;
	[tilespmem:s0+$0xF090] =	vst v9  }
0x20c: {  	v7 =	vnsel vm1, $0xFFFFFFFF, v7;
	[tilespmem:s0+$0x11880] =	vst v63  }
0x20d: {  	[tilespmem:s0+$0x11890] =	vst v7  }
0x20e: {  	[tilespmem:v62+s19+$0x0] =	vst.idx.msk $0x1, v8  }
.LBB2_41:
0x20f: {  	s23 =	sadd.s32 $0x1, s23  }
0x210: {  	p0 =	sne.s32 s23, $0x140  }
.Ltmp11:
0x211: {  	_ = 	snop;
	(pc) =	sbr.rel @!p0 .LBB2_42-.Ltmp11, $1  }
0x212: {  	_ =	sdelay $0x3  }
.LBB2_18:
0x213: {  	p0 =	sle.u32 s8, s23  }
.Ltmp12:
0x214: {  	_ = 	snop;
	(pc) =	sbr.rel @p0 .LBB2_41-.Ltmp12, $1  }
0x215: {  	_ =	sdelay $0x3  }
0x216: {  	v7 =	vld [tilespmem:s23+$0x9E80]  }
0x217: {  	v8 =	vld [tilespmem:s23+$0xA000];
	_ =	sdelay $0x3  }
0x218: {  	(v2sf) =	vpush v7, $0x0  }
0x219: {  	(v2sf) =	vpush v8, $0x0;
	_ =	sdelay $0xd  }
0x21a: {  	s1 =	spop (v2sf)  }
0x21b: {  	s25 =	simm.s32 $0x1;
	s0 =	sshra.s32 s1, $0x1F;
	s3 =	spop (v2sf)  }
0x21c: {  	s5 =	sand.u32 $0xF, s1;
	p0 =	slt.s32 s1, $0x1;
	s0 =	sshrl.u32 s0, $0x1C  }
0x21d: {  	s24 =	sadd.s32 $0xF, s3;
	p1 =	sne.s32 s5, $0x0;
	s0 =	sadd.s32 s0, s1  }
0x21e: {  	s26 =	sand.u32 $0xF, s24;
	p0 =	por !p0, !p1;
	p6 =	slt.s32 s24, $0x1  }
0x21f: {  	s29 =	sshra.s32 s24, $0x1F;
	p2 =	sne.s32 s26, $0x0;
	s0 =	sshra.s32 s0, $0x4  }
0x220: {  	p0 =	por !p0, !p0;
	s5 =	sshrl.u32 s29, $0x1C;
	p1 =	por !p6, !p2  }
0x221: {  	s5 =	sadd.s32 s5, s24;
	s24 =	simm.s32 $0x1;
	p1 =	por !p1, !p1  }
0x222: {  	s25 =	simm.s32 @!p0 $0x0;
	s5 =	sshra.s32 s5, $0x4;
	s24 =	simm.s32 @!p1 $0x0  }
0x223: {  	s0 =	ssub.s32 s0, s25;
	s25 =	ssub.s32 s5, s24  }
0x224: {  	s24 =	ssub.s32 s25, s0  }
0x225: {  	s30 =	sshrl.u32 s24, $0x1E  }
0x226: {  	v9 =	vld.idx.msk [tilespmem:v6+s23+$0x2780 ss:$0x1], $0xffff;
	s5 =	sadd.s32 s30, s24  }
0x227: {  	v10 =	vld.idx.msk [tilespmem:v6+s23+$0x4F00 ss:$0x1], $0xffff;
	s26 =	sand.u32 $0xFFFFFFFC, s5  }
0x228: {  	v8 =	vld.idx.msk [tilespmem:v6+s23+$0x0 ss:$0x1], $0xffff;
	p0 =	slt.s32 s26, $0x1  }
.Ltmp13:
0x229: {  	_ = 	snop;
	(pc) =	sbr.rel @p0 .LBB2_20-.Ltmp13, $4  }
0x22a: {  	_ = 	snop  }
0x22b: {  	v9 =	vbroadcast v9, $0x0  }
0x22c: {  	s31 =	sadd.s32 s7, s23;
	v10 =	vbroadcast v10, $0x0;
	v11 =	vbroadcast v7, $0x0;
	s1 =	ssub.s32 s3, s1  }
0x22d: {  	v7 =	vmov s31;
	v8 =	vbroadcast v8, $0x0;
	v12 =	vmov s1;
	s28 =	sadd.s32 s0, s26  }
0x22e: {  	s1 =	sshll.u32 s0, $0x4;
	s5 =	sshll.u32 s0, $0x6  }
0x22f: {  	s3 =	sadd.s32 $0x30, s1;
	s1 =	sshra.s32 s5, $0x2  }
0x230: {  	s5 =	sadd.s32 $0x20, s1  }
0x231: {  	s29 =	sadd.s32 $0x4F20, s1;
	v14 =	vld [tilespmem:s5+$0xFFFFFFE0]  }
0x232: {  	s31 =	sadd.s32 $0x27A0, s1;
	v15 =	vld [tilespmem:s29+$0xFFFFFFF0]  }
0x233: {  	v17 =	vld [tilespmem:s31+$0xFFFFFFE0]  }
0x234: {  	v16 =	vimm.s32 $0x0;
	s1 =	sadd.s32 $0xFFFFFFE0, s3;
	v13 =	vor.u32 s3, v2;
	s30 =	sadd.s32 $0xFFFFFFD0, s3;
	v19 =	vld [tilespmem:s29+$0xFFFFFFE0]  }
0x235: {  	v24 =	vor.u32 s1, v2;
	s1 =	sadd.s32 $0xFFFFFFF0, s3;
	vm1 =	vne.s32 v13, v7;
	v21 =	vld [tilespmem:s29+$0x0];
	v26 =	vor.u32 s30, v2  }
0x236: {  	v22 =	vsub.s32 v13, v11;
	v25 =	vld [tilespmem:s31+$0x10];
	v23 =	vor.u32 s1, v2;
	v27 =	vsub.s32 v26, v11  }
0x237: {  	vm0 =	vne.s32 v26, v7;
	vm3 =	vlt.u32 v22, v12;
	v22 =	vld [tilespmem:s31+$0xFFFFFFF0];
	vm2 =	vlt.u32 v27, v12  }
0x238: {  	v20 =	vsub.s32 v24, v11;
	v29 =	vsub.s32 v23, v11;
	v27 =	vld [tilespmem:s5+$0xFFFFFFF0];
	vm0 =	vmand vm0, vm2  }
0x239: {  	v28 =	vld [tilespmem:s5+$0x10];
	vm4 =	vlt.u32 v29, v12;
	vm2 =	vmand vm1, vm3;
	v14 =	vsub.f32 v14, v8  }
0x23a: {  	v29 =	vld [tilespmem:s31+$0x0];
	vm1 =	vne.s32 v23, v7;
	v17 =	vsub.f32 v17, v9;
	v21 =	vsub.f32 v21, v10  }
0x23b: {  	v30 =	vld [tilespmem:s5+$0x0];
	vm3 =	vmand vm1, vm4;
	v25 =	vsub.f32 v25, v9;
	v15 =	vsub.f32 v15, v10  }
0x23c: {  	v18 =	vld [tilespmem:s29+$0x10];
	v22 =	vsub.f32 v22, v9;
	v14 =	vmul.f32 v14, v14;
	v17 =	vmul.f32 v17, v17  }
0x23d: {  	v25 =	vmul.f32 v25, v25;
	v27 =	vsub.f32 v27, v8;
	v15 =	vmul.f32 v15, v15  }
0x23e: {  	v22 =	vmul.f32 v22, v22;
	v14 =	vadd.f32 v17, v14;
	v17 =	vsub.f32 v19, v10  }
0x23f: {  	v19 =	vmul.f32 v21, v21;
	v21 =	vsub.f32 v28, v8;
	v28 =	vsub.f32 v29, v9  }
0x240: {  	v29 =	vsub.f32 v30, v8;
	v27 =	vmul.f32 v27, v27;
	v17 =	vmul.f32 v17, v17  }
0x241: {  	v18 =	vsub.f32 v18, v10;
	v21 =	vmul.f32 v21, v21;
	v28 =	vmul.f32 v28, v28  }
0x242: {  	v22 =	vadd.f32 v22, v27;
	v14 =	vadd.f32 v17, v14;
	v17 =	vmul.f32 v29, v29  }
0x243: {  	vm1 =	vlt.u32 v20, v12;
	v18 =	vmul.f32 v18, v18;
	v21 =	vadd.f32 v25, v21  }
0x244: {  	vm4 =	vne.s32 v24, v7;
	v30 =	vadd.f32 v15, v22;
	v17 =	vadd.f32 v28, v17  }
0x245: {  	s30 =	sadd.s32 $0x4, s0;
	vm1 =	vmand vm4, vm1;
	vm5 =	vlt.f32 v14, $2.250000090e-02;
	v15 =	vadd.f32 v18, v21  }
0x246: {  	p1 =	slt.s32 s30, s28;
	vm4 =	vlt.f32 v30, $2.250000090e-02;
	vm0 =	vmand vm0, vm5;
	v29 =	vadd.f32 v19, v17  }
.Ltmp14:
0x247: {  	vm1 =	vmand vm1, vm4;
	v25 =	vsel vm0, $0xFFFFFFFF, v3;
	v18 =	vsel vm0, $0x1, v3;
	(pc) =	sbr.rel @!p1 .LBB2_28-.Ltmp14, $4  }
0x248: {  	vm5 =	vlt.f32 v15, $2.250000090e-02;
	v19 =	vmpcnt.ones.xlane vm0;
	vm6 =	vlt.f32 v29, $2.250000090e-02  }
0x249: {  	v35 =	vsel vm1, $0xFFFFFFFF, v3;
	vm4 =	vmand vm2, vm5;
	vm5 =	vmand vm3, vm6  }
0x24a: {  	p0 =	por $0x0, $0x0;
	v34 =	vmpcnt.ones.xlane vm1;
	(xrf0) =	vadd.scan.msk.s32 $0xffff, v18;
	v17 =	vsel vm4, $0xFFFFFFFF, v3;
	v18 =	vsel vm5, $0x1, v3  }
0x24b: {  	s3 =	sadd.s32 $0x40, s3;
	s0 =	sadd.s32 $0x40, s31;
	s5 =	sadd.s32 $0x40, s5;
	v22 =	vmpcnt.ones.xlane vm4;
	v33 =	vadd.s32 v16, v19;
	v31 =	vsel vm5, $0xFFFFFFFF, v3;
	(xrf0) =	vadd.scan.msk.s32 $0xffff, v18  }
0x24c: {  	v18 =	vor.u32 s3, v2;
	v27 =	vld [tilespmem:s5+$0xFFFFFFE0]  }
0x24d: {  	v20 =	vsel vm1, $0x1, v3;
	v28 =	vadd.s32 v35, v33;
	vm2 =	vmmov vm4;
	v41 =	vld [tilespmem:s0+$0xFFFFFFE0]  }
0x24e: {  	s1 =	sadd.s32 $0xFFFFFFE0, s3;
	vm3 =	vmmov vm5;
	v50 =	vadd.s32 v33, v34;
	v16 =	vadd.s32 v25, v16;
	v54 =	vld [tilespmem:s5+$0x10]  }
0x24f: {  	s31 =	sadd.s32 $0xFFFFFFD0, s3;
	v43 =	vld [tilespmem:s5+$0xFFFFFFF0];
	v19 =	vor.u32 s1, v2;
	vm4 =	vne.s32 v18, v7;
	v37 =	vsub.s32 v18, v11  }
0x250: {  	v44 =	vld [tilespmem:s0+$0xFFFFFFF0];
	s1 =	sadd.s32 $0xFFFFFFF0, s3;
	v21 =	vor.u32 s31, v2;
	v31 =	vadd.s32 v31, v50;
	v58 =	vmpcnt.ones.xlane vm3  }
0x251: {  	s29 =	sadd.s32 $0x40, s29;
	v56 =	vld [tilespmem:s5+$0x0];
	(xrf0) =	vadd.scan.msk.s32 $0xffff, v20;
	v63 =	vsel vm2, $0x1, v3;
	v49 =	vsub.s32 v19, v11;
	v20 =	vor.u32 s1, v2  }
0x252: {  	v32 =	vld [tilespmem:s29+$0xFFFFFFF0];
	v38 =	vsub.s32 v21, v11;
	vm5 =	vne.s32 v21, v7;
	vm7 =	vlt.u32 v37, v12  }
0x253: {  	v51 =	vld [tilespmem:s29+$0xFFFFFFE0];
	vm14 =	vne.s32 v19, v7;
	v40 =	vsub.s32 v20, v11;
	vm6 =	vlt.u32 v38, v12  }
0x254: {  	v39 =	vld [tilespmem:s29+$0x0];
	vm8 =	vne.s32 v20, v7;
	vm4 =	vmand vm4, vm7;
	v33 =	vadd.s32 v50, v58  }
0x255: {  	v36 =	vld [tilespmem:s29+$0x10];
	v53, _, _ =	vpop (xrf0);
	vm6 =	vmand vm5, vm6;
	vm5 =	vlt.u32 v40, v12;
	v27 =	vsub.f32 v27, v8  }
0x256: {  	v55 =	vadd.s32 v53, v16;
	v16 =	vsub.f32 v41, v9;
	v40 =	vsub.f32 v54, v8  }
0x257: {  	v52 =	vld [tilespmem:s0+$0x10];
	vm7 =	vlt.u32 v49, v12;
	v25, _, _ =	vpop (xrf0);
	v59 =	vsub.f32 v43, v8;
	v61 =	vsub.f32 v44, v9  }
0x258: {  	v37 =	vsub.f32 v56, v8;
	v34 =	vsub.f32 v51, v10;
	v45 =	vadd.s32 v25, v31;
	v25 =	vld [tilespmem:s0+$0x0]  }
0x259: {  	vm7 =	vmand vm14, vm7;
	v32 =	vsub.f32 v32, v10;
	v39 =	vsub.f32 v39, v10  }
0x25a: {  	v31 =	vsub.f32 v36, v10;
	v27 =	vmul.f32 v27, v27;
	v60 =	vmul.f32 v16, v16  }
0x25b: {  	v42, _, _ =	vpop (xrf0);
	v40 =	vmul.f32 v40, v40;
	v16 =	vadd.s32 v33, v22;
	v62 =	vmul.f32 v59, v59  }
0x25c: {  	v42 =	vadd.s32 v42, v28;
	v28 =	vsub.f32 v52, v9;
	v31 =	vmul.f32 v31, v31  }
0x25d: {  	v34 =	vmul.f32 v34, v34;
	v22 =	vadd.f32 v60, v27;
	v25 =	vsub.f32 v25, v9  }
0x25e: {  	vm5 =	vmand vm8, vm5;
	v27 =	vmul.f32 v61, v61;
	v28 =	vmul.f32 v28, v28;
	[tilespmem:v55+s17+$0x0] =	vst.idx.msk vm0, v14  }
0x25f: {  	v14 =	vadd.f32 v34, v22;
	v22 =	vmul.f32 v37, v37;
	v25 =	vmul.f32 v25, v25  }
0x260: {  	v32 =	vmul.f32 v32, v32;
	v27 =	vadd.f32 v27, v62;
	v40 =	vadd.f32 v28, v40  }
0x261: {  	(xrf0) =	vadd.scan.msk.s32 $0xffff, v63;
	v57 =	vmul.f32 v39, v39;
	vm9 =	vlt.f32 v14, $2.250000090e-02;
	v22 =	vadd.f32 v25, v22  }
0x262: {  	s30 =	sadd.s32 $0x4, s30;
	[tilespmem:v55+s18+$0x0] =	vst.idx.msk vm0, v26;
	v28 =	vadd.f32 v32, v27;
	vm0 =	vmand vm6, vm9;
	v26 =	vadd.f32 v31, v40  }
0x263: {  	p1 =	slt.s32 s30, s28;
	[tilespmem:v42+s17+$0x0] =	vst.idx.msk vm1, v30;
	v32 =	vadd.s32 v17, v33;
	v25 =	vsel vm0, $0xFFFFFFFF, v3;
	v27 =	vadd.f32 v57, v22  }
.Ltmp15:
0x264: {  	[tilespmem:v42+s18+$0x0] =	vst.idx.msk vm1, v24;
	vm6 =	vlt.f32 v28, $2.250000090e-02;
	v24 =	vmpcnt.ones.xlane vm0;
	vm15 =	vlt.f32 v26, $2.250000090e-02;
	(pc) =	sbr.rel @!p1 .LBB2_30-.Ltmp15, $4  }
0x265: {  	[tilespmem:v45+s17+$0x0] =	vst.idx.msk vm3, v29;
	vm1 =	vmand vm7, vm6;
	v22 =	vsel vm0, $0x1, v3;
	vm6 =	vlt.f32 v27, $2.250000090e-02  }
0x266: {  	[tilespmem:v45+s18+$0x0] =	vst.idx.msk vm3, v23;
	vm4 =	vmand vm4, vm15;
	v33 =	vadd.s32 v16, v24;
	vm5 =	vmand vm5, vm6  }
0x267: {  	s5 =	sadd.s32 $0x40, s5;
	v35 =	vsel vm1, $0xFFFFFFFF, v3;
	v34 =	vmpcnt.ones.xlane vm1;
	(xrf0) =	vadd.scan.msk.s32 $0xffff, v22;
	v29 =	vsel vm5, $0x1, v3  }
0x268: {  	p0 =	por $0x1, $0x1;
	s31 =	sadd.s32 $0x40, s3;
	s3 =	sadd.s32 $0x40, s0;
	v36, _, _ =	vpop (xrf0);
	v17 =	vsel vm4, $0xFFFFFFFF, v3;
	v22 =	vmpcnt.ones.xlane vm4;
	v31 =	vsel vm5, $0xFFFFFFFF, v3;
	(xrf0) =	vadd.scan.msk.s32 $0xffff, v29  }
.LBB2_31:
0x269: {  	v24 =	vor.u32 s31, v2;
	v29 =	vsel vm1, $0x1, v3;
	v30 =	vadd.s32 v35, v33  }
0x26a: {  	v23 =	vld [tilespmem:s5+$0xFFFFFFE0];
	s0 =	sadd.s32 $0xFFFFFFE0, s31;
	s1 =	sadd.s32 $0xFFFFFFF0, s31;
	s29 =	sadd.s32 $0x40, s29;
	vm7 =	vmmov vm2;
	vm2 =	vmmov vm4;
	vm3 =	vmmov vm5  }
0x26b: {  	s30 =	sadd.s32 $0x4, s30;
	v35 =	vor.u32 s0, v2;
	v37 =	vld [tilespmem:s29+$0xFFFFFFF0];
	vm4 =	vne.s32 v24, v7;
	(xrf0) =	vadd.scan.msk.s32 $0xffff, v29;
	v29 =	vadd.s32 v36, v32  }
0x26c: {  	s0 =	sadd.s32 $0xFFFFFFD0, s31;
	v38 =	vsub.s32 v24, v11;
	p1 =	slt.s32 s30, s28;
	v33 =	vadd.s32 v33, v34;
	v32 =	vsub.s32 v35, v11;
	v36 =	vld [tilespmem:s29+$0x10]  }
0x26d: {  	v40 =	vor.u32 s1, v2;
	v34 =	vor.u32 s0, v2;
	v31 =	vadd.s32 v31, v33;
	v39 =	vld [tilespmem:s29+$0xFFFFFFE0];
	v41, _, _ =	vpop (xrf0)  }
0x26e: {  	v44 =	vsub.s32 v40, v11;
	v42 =	vsub.s32 v34, v11;
	vm5 =	vne.s32 v34, v7;
	v43 =	vld [tilespmem:s29+$0x0]  }
0x26f: {  	vm8 =	vlt.u32 v38, v12;
	vm6 =	vlt.u32 v42, v12;
	v23 =	vsub.f32 v23, v8;
	v42 =	vld [tilespmem:s3+$0x10];
	v38, _, _ =	vpop (xrf0)  }
0x270: {  	v16 =	vadd.s32 v25, v16;
	vm6 =	vmand vm5, vm6;
	vm5 =	vlt.u32 v44, v12;
	v45 =	vld [tilespmem:s3+$0xFFFFFFE0];
	[tilespmem:v29+s17+$0x0] =	vst.idx.msk vm7, v15  }
0x271: {  	vm9 =	vne.s32 v40, v7;
	vm4 =	vmand vm4, vm8;
	v23 =	vmul.f32 v23, v23;
	v25 =	vld [tilespmem:s5+$0x10];
	v15, _, _ =	vpop (xrf0);
	[tilespmem:v29+s18+$0x0] =	vst.idx.msk vm7, v13  }
0x272: {  	v37 =	vsub.f32 v37, v10;
	vm5 =	vmand vm9, vm5;
	v13 =	vmovc v18;
	v18 =	vmovc v24;
	v29 =	vsub.f32 v39, v10;
	v39 =	vld [tilespmem:s5+$0xFFFFFFF0]  }
0x273: {  	v38 =	vadd.s32 v38, v31;
	v30 =	vadd.s32 v15, v30;
	v15 =	vmovc v26;
	v24 =	vld [tilespmem:s3+$0xFFFFFFF0];
	v43 =	vsub.f32 v43, v10  }
0x274: {  	v41 =	vadd.s32 v41, v16;
	v36 =	vsub.f32 v36, v10;
	v26 =	vld [tilespmem:s3+$0x0];
	v31 =	vsub.f32 v42, v9  }
0x275: {  	v44 =	vmpcnt.ones.xlane vm3;
	v16 =	vsub.f32 v45, v9;
	v42 =	vld [tilespmem:s5+$0x0];
	v43 =	vmul.f32 v43, v43  }
0x276: {  	v36 =	vmul.f32 v36, v36;
	v25 =	vsub.f32 v25, v8;
	v31 =	vmul.f32 v31, v31  }
0x277: {  	v33 =	vadd.s32 v33, v44;
	v29 =	vmul.f32 v29, v29;
	v39 =	vsub.f32 v39, v8  }
0x278: {  	v44 =	vmul.f32 v16, v16;
	v24 =	vsub.f32 v24, v9;
	v25 =	vmul.f32 v25, v25  }
0x279: {  	v37 =	vmul.f32 v37, v37;
	v16 =	vadd.s32 v33, v22;
	v26 =	vsub.f32 v26, v9  }
0x27a: {  	v22 =	vadd.f32 v44, v23;
	v23 =	vmul.f32 v24, v24;
	v24 =	vsub.f32 v42, v8  }
0x27b: {  	v39 =	vmul.f32 v39, v39;
	v25 =	vadd.f32 v31, v25;
	v31 =	vsel vm2, $0x1, v3;
	[tilespmem:v41+s17+$0x0] =	vst.idx.msk vm0, v14  }
0x27c: {  	v14 =	vadd.f32 v29, v22;
	v22 =	vmul.f32 v24, v24;
	v24 =	vmul.f32 v26, v26  }
0x27d: {  	vm8 =	vne.s32 v35, v7;
	vm7 =	vlt.u32 v32, v12;
	v23 =	vadd.f32 v23, v39  }
0x27e: {  	vm7 =	vmand vm8, vm7;
	vm9 =	vlt.f32 v14, $2.250000090e-02;
	v22 =	vadd.f32 v24, v22;
	[tilespmem:v41+s18+$0x0] =	vst.idx.msk vm0, v21;
	v21 =	vmovc v34  }
0x27f: {  	v26 =	vadd.f32 v36, v25;
	vm0 =	vmand vm6, vm9;
	v23 =	vadd.f32 v37, v23;
	(xrf0) =	vadd.scan.msk.s32 $0xffff, v31  }
0x280: {  	v32 =	vadd.s32 v17, v33;
	v25 =	vsel vm0, $0xFFFFFFFF, v3;
	v22 =	vadd.f32 v43, v22;
	[tilespmem:v30+s17+$0x0] =	vst.idx.msk vm1, v28  }
.Ltmp16:
0x281: {  	vm8 =	vlt.f32 v26, $2.250000090e-02;
	v24 =	vsel vm0, $0x1, v3;
	vm6 =	vlt.f32 v23, $2.250000090e-02;
	v28 =	vmovc v23;
	[tilespmem:v30+s18+$0x0] =	vst.idx.msk vm1, v19;
	v19 =	vmovc v35;
	(pc) =	sbr.rel @p1 .LBB2_31-.Ltmp16, $4  }
0x282: {  	vm4 =	vmand vm4, vm8;
	vm1 =	vmand vm7, vm6;
	vm6 =	vlt.f32 v22, $2.250000090e-02;
	[tilespmem:v38+s17+$0x0] =	vst.idx.msk vm3, v27;
	v27 =	vmovc v22  }
0x283: {  	v23 =	vmpcnt.ones.xlane vm0;
	v17 =	vsel vm4, $0xFFFFFFFF, v3;
	vm5 =	vmand vm5, vm6;
	(xrf0) =	vadd.scan.msk.s32 $0xffff, v24  }
0x284: {  	v22 =	vmpcnt.ones.xlane vm4;
	v31 =	vsel vm5, $0xFFFFFFFF, v3;
	v24 =	vsel vm5, $0x1, v3;
	[tilespmem:v38+s18+$0x0] =	vst.idx.msk vm3, v20;
	v20 =	vmovc v40  }
0x285: {  	s31 =	sadd.s32 $0x40, s31;
	s3 =	sadd.s32 $0x40, s3;
	s5 =	sadd.s32 $0x40, s5;
	v33 =	vadd.s32 v16, v23;
	v35 =	vsel vm1, $0xFFFFFFFF, v3;
	v34 =	vmpcnt.ones.xlane vm1;
	(xrf0) =	vadd.scan.msk.s32 $0xffff, v24;
	v36, _, _ =	vpop (xrf0)  }
0x286: {  	v37 =	vmovc v15;
	v38 =	vmov v13;
	v13 =	vmov v18;
	v15 =	vmov v26  }
0x287: {  	v26 =	vmovc v21;
	v30 =	vmovc v28;
	v24 =	vmov v19;
	v29 =	vmov v27;
	v23 =	vmov v20  }
.LBB2_33:
0x288: {  	v18 =	vsel vm1, $0x1, v3  }
0x289: {  	vm2 =	vmmov @p0 vm2;
	vm3 =	vmmov vm4;
	(xrf0) =	vadd.scan.msk.s32 $0xffff, v18  }
0x28a: {  	v18 =	vadd.s32 @p0 v36, v32;
	v19 =	vsel vm3, $0x1, v3  }
0x28b: {  	v16 =	vadd.s32 v25, v16;
	v20, _, _ =	vpop (xrf0);
	(xrf0) =	vadd.scan.msk.s32 $0xffff, v19  }
0x28c: {  	v58 =	vadd.s32 v33, v34;
	v16 =	vadd.s32 v20, v16  }
0x28d: {  	vm14 =	vmmov vm5;
	v27 =	vadd.s32 v31, v58;
	v56, _, _ =	vpop (xrf0)  }
0x28e: {  	v59 =	vmpcnt.ones.xlane vm14;
	v60 =	vadd.s32 v56, v27  }
0x28f: {  	v57 =	vadd.s32 v35, v33;
	[tilespmem:v18+s17+$0x0] =	vst.idx.msk @p0 vm2, v37;
	v21, _, _ =	vpop (xrf0)  }
0x290: {  	v61 =	vadd.s32 v58, v59;
	[tilespmem:v18+s18+$0x0] =	vst.idx.msk @p0 vm2, v38;
	v20 =	vadd.s32 v21, v57  }
0x291: {  	[tilespmem:v16+s17+$0x0] =	vst.idx.msk vm0, v14;
	v14 =	vadd.s32 v17, v61;
	v62, _, _ =	vpop (xrf0)  }
0x292: {  	[tilespmem:v16+s18+$0x0] =	vst.idx.msk vm0, v26;
	v63 =	vadd.s32 v62, v14  }
0x293: {  	[tilespmem:v60+s17+$0x0] =	vst.idx.msk vm5, v29  }
.Ltmp17:
0x294: {  	[tilespmem:v60+s18+$0x0] =	vst.idx.msk vm5, v23;
	(pc) =	sbr.rel .LBB2_21-.Ltmp17, $4  }
0x295: {  	[tilespmem:v20+s17+$0x0] =	vst.idx.msk vm1, v30  }
0x296: {  	[tilespmem:v20+s18+$0x0] =	vst.idx.msk vm1, v24  }
0x297: {  	[tilespmem:v63+s17+$0x0] =	vst.idx.msk vm3, v15  }
0x298: {  	vm15 =	vmmov vm3;
	v14 =	vadd.s32 v61, v22;
	[tilespmem:v63+s18+$0x0] =	vst.idx.msk vm3, v13  }
.LBB2_20:
0x299: {  	v14 =	vimm.s32 $0x0  }
.LBB2_21:
0x29a: {  	p0 =	sge.s32 s28, s25  }
.Ltmp18:
0x29b: {  	_ = 	snop;
	(pc) =	sbr.rel @p0 .LBB2_24-.Ltmp18, $1  }
0x29c: {  	_ =	sdelay $0x3  }
0x29d: {  	s1 =	sshll.u32 s28, $0x6  }
0x29e: {  	s0 =	ssub.s32 s24, s26;
	s3 =	sshra.s32 s1, $0x2  }
0x29f: {  	s25 =	sshll.u32 s28, $0x4;
	s5 =	sadd.s32 $0x2780, s3;
	s24 =	sadd.s32 $0x4F00, s3  }
.LBB2_23:
0x2a0: {  	v13 =	vld [tilespmem:s3+$0x0]  }
0x2a1: {  	v15 =	vld [tilespmem:s5+$0x0];
	_ =	sdelay $0x1  }
0x2a2: {  	v16 =	vld [tilespmem:s24+$0x0];
	_ =	sdelay $0x2  }
0x2a3: {  	v13 =	vsub.f32 v13, v8;
	v15 =	vsub.f32 v15, v9;
	_ =	sdelay $0x1  }
0x2a4: {  	v16 =	vsub.f32 v16, v10;
	v13 =	vmul.f32 v13, v13;
	v15 =	vmul.f32 v15, v15;
	_ =	sdelay $0x1  }
0x2a5: {  	v13 =	vadd.f32 v15, v13;
	v15 =	vmul.f32 v16, v16  }
0x2a6: {  	v62 =	vor.u32 s25, v2  }
0x2a7: {  	v13 =	vadd.f32 v15, v13;
	v15 =	vsub.s32 v62, v11  }
0x2a8: {  	vm1 =	vne.s32 v62, v7;
	vm0 =	vlt.u32 v15, v12  }
0x2a9: {  	vm0 =	vmand vm1, vm0;
	vm15 =	vlt.f32 v13, $2.250000090e-02  }
0x2aa: {  	vm0 =	vmand vm0, vm15  }
0x2ab: {  	v15 =	vsel vm0, $0x1, v3  }
0x2ac: {  	(xrf0) =	vadd.scan.msk.s32 $0xffff, v15;
	_ =	sdelay $0x4  }
0x2ad: {  	v15 =	vsel vm0, $0xFFFFFFFF, v3  }
0x2ae: {  	v15 =	vadd.s32 v15, v14;
	v17, _, _ =	vpop (xrf0)  }
0x2af: {  	v15 =	vadd.s32 v17, v15  }
0x2b0: {  	p0 =	sne.s32 s0, $0x1  }
.Ltmp19:
0x2b1: {  	_ = 	snop;
	(pc) =	sbr.rel @p0 .LBB2_23-.Ltmp19, $4  }
0x2b2: {  	_ = 	snop  }
0x2b3: {  	v63 =	vmpcnt.ones.xlane vm0  }
0x2b4: {  	s3 =	sadd.s32 $0x10, s3;
	s5 =	sadd.s32 $0x10, s5;
	[tilespmem:v15+s17+$0x0] =	vst.idx.msk vm0, v13  }
0x2b5: {  	s24 =	sadd.s32 $0x10, s24;
	s25 =	sadd.s32 $0x10, s25;
	s0 =	sadd.s32 $0xFFFFFFFF, s0;
	v14 =	vadd.s32 v14, v63;
	[tilespmem:v15+s18+$0x0] =	vst.idx.msk vm0, v62  }
.LBB2_24:
0x2b6: {  	(v2sf) =	vpush v14, $0x0;
	_ =	sdelay $0xe  }
0x2b7: {  	s24 =	spop (v2sf)  }
0x2b8: {  	[tilespmem:s24+$0xA180] =	vst v4  }
0x2b9: {  	[tilespmem:s24+$0xC900] =	vst v5  }
0x2ba: {  	[tilespmem:s24+$0xA190] =	vst v4  }
0x2bb: {  	[tilespmem:s24+$0xC910] =	vst v5  }
0x2bc: {  	[tilespmem:s24+$0xA1A0] =	vst v4  }
0x2bd: {  	[tilespmem:s24+$0xC920] =	vst v5  }
0x2be: {  	v8 =	vld [tilespmem:$0xA180]  }
0x2bf: {  	v9 =	vld [tilespmem:$0xC900]  }
0x2c0: {  	v10 =	vld [tilespmem:$0xA190]  }
0x2c1: {  	v11 =	vld [tilespmem:$0xC910];
	_ =	sdelay $0x3  }
0x2c2: {  	(xrf1) =	vsort.ascd.msk.f32 $0xffff, v8, v9  }
0x2c3: {  	(xrf1) =	vsort.ascd.msk.f32 $0xffff, v10, v11;
	_ =	sdelay $0xb  }
0x2c4: {  	v8 =	vmul.u32 $0xFFFFFFFF, v2  }
0x2c5: {  	v9, v10, _ =	vpop (xrf1)  }
0x2c6: {  	v8 =	vadd.s32 $0xF, v8;
	v11, v12, _ =	vpop (xrf1)  }
0x2c7: {  	v11 =	vperm.xlane v11, v8;
	v12 =	vperm.xlane v12, v8;
	_ =	sdelay $0x1  }
0x2c8: {  	vm0 =	veq.f32 v9, v11;
	vm1 =	vlt.s32 v10, v12  }
0x2c9: {  	vm2 =	vlt.f32 v9, v11;
	vm0 =	vmand vm0, vm1  }
0x2ca: {  	vm0 =	vmor vm2, vm0  }
0x2cb: {  	v13 =	vsel vm0, v9, v11;
	v14 =	vsel vm0, v10, v12  }
0x2cc: {  	v9 =	vsel vm0, v11, v9;
	v10 =	vsel vm0, v12, v10;
	(xrf1) =	vsort.ascd.msk.f32 $0xffff, v13, v14  }
0x2cd: {  	(xrf1) =	vsort.ascd.msk.f32 $0xffff, v9, v10;
	_ =	sdelay $0x1  }
0x2ce: {  	s0 =	sadd.s32 $0xF, s24  }
0x2cf: {  	s1 =	sand.u32 $0xF, s0  }
0x2d0: {  	s31 =	sshra.s32 s0, $0x1F;
	p1 =	slt.s32 s0, $0x1;
	p0 =	sne.s32 s1, $0x0  }
0x2d1: {  	s1 =	sshrl.u32 s31, $0x1C;
	p0 =	por !p1, !p0  }
0x2d2: {  	s0 =	sadd.s32 s1, s0;
	s1 =	simm.s32 $0x1;
	p0 =	por !p0, !p0  }
0x2d3: {  	s0 =	sshra.s32 s0, $0x4;
	s1 =	simm.s32 @!p0 $0x0  }
0x2d4: {  	s1 =	ssub.s32 s0, s1  }
0x2d5: {  	p1 =	slt.s32 s1, $0x3  }
.Ltmp20:
0x2d6: {  	_ = 	snop;
	(pc) =	sbr.rel @p1 .LBB2_40-.Ltmp20, $3  }
0x2d7: {  	_ =	sdelay $0x1  }
0x2d8: {  	v12, v11, _ =	vpop (xrf1)  }
0x2d9: {  	v10, v9, _ =	vpop (xrf1)  }
0x2da: {  	s1 =	simm.s32 $0xA1A0  }
0x2db: {  	v13 =	vld [tilespmem:s1+$0x0];
	s1 =	simm.s32 $0xFFFFFFFF  }
0x2dc: {  	s1 =	simm.s32 @!p0 $0x0  }
0x2dd: {  	s0 =	sadd.s32 s1, s0  }
0x2de: {  	s3 =	simm.s32 $0xC920;
	s0 =	sadd.s32 $0xFFFFFFFE, s0  }
0x2df: {  	v14 =	vld [tilespmem:s3+$0x0];
	p2 =	sne.s32 s0, $0x1  }
.Ltmp21:
0x2e0: {  	_ = 	snop;
	(pc) =	sbr.rel @!p2 .LBB2_26-.Ltmp21, $2  }
0x2e1: {  	_ =	sdelay $0x2  }
0x2e2: {  	p1 =	por $0x0, $0x0;
	p0 =	por $0x0, $0x0;
	s0 =	sadd.s32 $0xFFFFFFFF, s0;
	(xrf1) =	vsort.ascd.msk.f32 $0xffff, v13, v14  }
0x2e3: {  	_ =	sdelay $0xb  }
0x2e4: {  	s1 =	simm.s32 $0xA1B0  }
0x2e5: {  	s31 =	simm.s32 $0xC930;
	v13 =	vld [tilespmem:s1+$0x0];
	v14, v15, _ =	vpop (xrf1)  }
0x2e6: {  	v16 =	vld [tilespmem:s31+$0x0];
	v14 =	vperm.xlane v14, v8;
	v17 =	vperm.xlane v15, v8  }
0x2e7: {  	p2 =	sne.s32 s0, $0x1  }
.Ltmp22:
0x2e8: {  	vm0 =	veq.f32 v12, v14;
	vm1 =	vlt.s32 v11, v17;
	(pc) =	sbr.rel @!p2 .LBB2_35-.Ltmp22, $4  }
0x2e9: {  	vm2 =	vlt.f32 v12, v14;
	vm0 =	vmand vm0, vm1  }
0x2ea: {  	vm0 =	vmor vm2, vm0  }
0x2eb: {  	(xrf1) =	vsort.ascd.msk.f32 $0xffff, v13, v16;
	v13 =	vsel vm0, v12, v14;
	v18 =	vsel vm0, v11, v17  }
0x2ec: {  	s5 =	sadd.s32 $0xFFFFFFFF, s0;
	p0 =	por $0x1, $0x1;
	v15 =	vsel vm0, v14, v12;
	v16 =	vsel vm0, v17, v11;
	(xrf1) =	vsort.ascd.msk.f32 $0xffff, v13, v18  }
0x2ed: {  	_ =	sdelay $0x1  }
0x2ee: {  	(xrf1) =	vsort.ascd.msk.f32 $0xffff, v15, v16;
	_ =	sdelay $0x6  }
0x2ef: {  	s0 =	simm.s32 $0xA1C0  }
0x2f0: {  	s3 =	simm.s32 $0xC940;
	v13 =	vld [tilespmem:s0+$0x0]  }
0x2f1: {  	v14 =	vld [tilespmem:s3+$0x0]  }
0x2f2: {  	v15, v16, _ =	vpop (xrf1)  }
0x2f3: {  	v15 =	vperm.xlane v15, v8;
	v16 =	vperm.xlane v16, v8  }
0x2f4: {  	p2 =	sne.s32 s5, $0x1;
	v17, v18, _ =	vpop (xrf1)  }
.Ltmp23:
0x2f5: {  	vm0 =	veq.f32 v17, v15;
	vm1 =	vlt.s32 v18, v16;
	(pc) =	sbr.rel @!p2 .LBB2_37-.Ltmp23, $4  }
0x2f6: {  	(xrf1) =	vsort.ascd.msk.f32 $0xffff, v13, v14;
	v19, v20, _ =	vpop (xrf1);
	vm2 =	vlt.f32 v17, v15;
	vm0 =	vmand vm0, vm1  }
0x2f7: {  	v13 =	vperm.xlane v19, v8;
	v14 =	vperm.xlane v20, v8;
	vm0 =	vmor vm2, vm0  }
0x2f8: {  	v19 =	vsel vm0, v17, v15;
	v20 =	vsel vm0, v18, v16;
	v15 =	vsel vm0, v15, v17  }
0x2f9: {  	s5 =	sadd.s32 $0xFFFFFFFF, s5;
	p1 =	por $0x1, $0x1;
	v16 =	vsel vm0, v16, v18;
	v17 =	vmovc v10;
	v18 =	vmov v9;
	(xrf1) =	vsort.ascd.msk.f32 $0xffff, v19, v20  }
.LBB2_38:
0x2fa: {  	p2 =	sne.s32 s5, $0x1;
	s5 =	sadd.s32 $0xFFFFFFFF, s5;
	(xrf1) =	vsort.ascd.msk.f32 $0xffff, v15, v16;
	vm0 =	veq.f32 v17, v13;
	vm1 =	vlt.s32 v18, v14  }
0x2fb: {  	vm2 =	vlt.f32 v17, v13;
	vm0 =	vmand vm0, vm1  }
0x2fc: {  	vm0 =	vmor vm2, vm0  }
0x2fd: {  	v13 =	vsel vm0, v17, v13;
	v14 =	vsel vm0, v18, v14  }
0x2fe: {  	(xrf1) =	vsort.ascd.msk.f32 $0xffff, v13, v14;
	_ =	sdelay $0x3  }
0x2ff: {  	s0 =	sadd.s32 $0x10, s0  }
0x300: {  	s3 =	sadd.s32 $0x10, s3;
	v13 =	vld [tilespmem:s0+$0x0]  }
0x301: {  	v14 =	vld [tilespmem:s3+$0x0];
	v15, v16, _ =	vpop (xrf1)  }
0x302: {  	v15 =	vperm.xlane v15, v8;
	v16 =	vperm.xlane v16, v8;
	_ =	sdelay $0x1  }
0x303: {  	v17, v18, _ =	vpop (xrf1)  }
.Ltmp24:
0x304: {  	vm0 =	vlt.f32 v17, v15;
	vm1 =	veq.f32 v17, v15;
	vm2 =	vlt.s32 v18, v16;
	v19, v20, _ =	vpop (xrf1);
	(pc) =	sbr.rel @p2 .LBB2_38-.Ltmp24, $4  }
0x305: {  	(xrf1) =	vsort.ascd.msk.f32 $0xffff, v13, v14;
	vm1 =	vmand vm1, vm2;
	v13 =	vperm.xlane v19, v8;
	v14 =	vperm.xlane v20, v8  }
0x306: {  	vm0 =	vmor vm0, vm1  }
0x307: {  	v19 =	vsel vm0, v17, v15;
	v20 =	vsel vm0, v18, v16;
	v15 =	vsel vm0, v15, v17  }
0x308: {  	v16 =	vsel vm0, v16, v18;
	(xrf1) =	vsort.ascd.msk.f32 $0xffff, v19, v20;
	v17, v18, _ =	vpop (xrf1)  }
.Ltmp25:
0x309: {  	_ = 	snop;
	(pc) =	sbr.rel .LBB2_39-.Ltmp25, $1  }
0x30a: {  	_ =	sdelay $0x3  }
.LBB2_28:
.Ltmp26:
0x30b: {  	(pc) =	sbr.rel .LBB2_33-.Ltmp26, $2  }
0x30c: {  	_ =	sdelay $0x2  }
0x30d: {  	_ = 	snop  }
.LBB2_30:
.Ltmp27:
0x30e: {  	(pc) =	sbr.rel .LBB2_33-.Ltmp27, $3  }
0x30f: {  	_ =	sdelay $0x1  }
0x310: {  	v37 =	vmovc v15;
	v38 =	vmov v13;
	v13 =	vmov v18;
	v15 =	vmov v26  }
0x311: {  	v26 =	vmovc v21;
	v30 =	vmovc v28;
	v24 =	vmov v19;
	v29 =	vmov v27;
	v23 =	vmov v20  }
.LBB2_35:
.Ltmp28:
0x312: {  	(pc) =	sbr.rel .LBB2_39-.Ltmp28, $2  }
0x313: {  	_ =	sdelay $0x2  }
0x314: {  	v17 =	vmov v10;
	v18 =	vmov v9  }
.LBB2_37:
.Ltmp29:
0x315: {  	(pc) =	sbr.rel .LBB2_39-.Ltmp29, $2  }
0x316: {  	_ =	sdelay $0x2  }
0x317: {  	v17 =	vmov v10;
	v18 =	vmov v9  }
.LBB2_43:
0x318: {  	_ =	sfence.sel $0x180000  }
0x319: {  	[bflag:$0x0] =	sbarrier.arrive $0xFFFF  }
0x31a: {  	_ =	strace $0x90000047  }
0x31b: {  	s0 =	stileid.u32;
	[bflag:$0x2] =	sbarrier.arrive $0xFFFF  }
0x31c: {  	p0 =	sne.s32 s0, $0x0;
	s0 =	rddreg [dreg:$0x7]  }
0x31d: {  	s0 =	sadd.s32 @!p0 $0x100000, s0  }
0x31e: {  	[sflag:s0] =	ssyncadd.tile.s32 @!p0 $0x1;
	_ =	shalt  }
.Lfunc_end2:
_tile_overlayer_lowered:
.L_overlay_start_2:
0x31f: {  	(tag) =	ssettag $0x2  }
0x320: {  	s0 =	rddreg [dreg:$0x0];
	s2 =	stileid.u32  }
0x321: {  	s1 =	rddreg [dreg:$0x1];
	p0 =	sne.s32 s2, $0x0  }
0x322: {  	s3 =	rddreg [dreg:$0x2];
	[bflag:$0x3] =	sbarrier.arrive $0xFFFF;
	s2 =	simm.s32 @!p0 $0x1C01  }
0x323: {  	[timem:s3], [sflag:s2] =	dma.local @!p0 [hbm:s0], s1  }
0x324: {  	s0 =	simm.s32 @!p0 $0x1  }
0x325: {  	_ =	swait.ge @!p0 [sflag:s0], s1  }
0x326: {  	s1 =	ssub.s32 @!p0 $0x0, s1;
	[sflag:s0] =	ssyncset.done @!p0 $0x0  }
0x327: {  	[sflag:s0] =	ssyncadd.s32 @!p0 s1  }
0x328: {  	[bflag:$0x3] =	sbarrier.arrive $0xFFFF  }
0x329: {  	_ =	shalt  }

</sc_bundles>
